<compile_context>
chip_gen: v7x
topology: tpu7x:2x2x1
jax: 0.10.2.dev20260603
libtpu: 0.0.44.dev20260713+nightly
codegen_flags: <defaults>
</compile_context>

<pallas_src>
import jax
import jax.numpy as jnp
from jax import lax
from jax.experimental import pallas as pl
from jax.experimental.pallas import tpu as pltpu
from jax.experimental.pallas import tpu_sc as plsc

N = 10000
E = 320000
NC = 2
NS = 16
NW = NC * NS
CHUNK = 128
NCHK = E // CHUNK
BASE_CHK = NCHK // NW
EXTRA_W = NCHK - BASE_CHK * NW
N_PAD = 10240
ROWS_PER_TILE = N_PAD // NS
ZROWS = 64
CW = 16


def _seg_sum_sc(p, ei3, d, mul, with_counts, nbuf):
  mesh = plsc.VectorSubcoreMesh(
      core_axis_name="c", subcore_axis_name="s", num_cores=NC,
      num_subcores=NS)

  out_type = [jax.ShapeDtypeStruct((NC, N_PAD, 128), jnp.float32)]

  scratch = [
      pltpu.VMEM((BASE_CHK + 1, 2, CHUNK), jnp.int32),
      [pltpu.VMEM((CHUNK, d), jnp.float32) for _ in range(nbuf)],
      [pltpu.SemaphoreType.DMA for _ in range(nbuf)],
      pltpu.VMEM((ZROWS, d), jnp.float32),
      pltpu.VMEM_SHARED((N_PAD, d), jnp.float32),
      pltpu.SemaphoreType.DMA,
  ]
  if with_counts:
    scratch += [
        pltpu.VMEM((CHUNK, CW), jnp.float32),
        pltpu.VMEM((ZROWS, CW), jnp.float32),
        pltpu.VMEM_SHARED((N_PAD, CW), jnp.float32),
    ]

  def body(p_hbm, ei_hbm, *rest):
    if with_counts:
      (out_hbm, ei_v, bufs, gsems, zer_v, acc_sh, isem,
       ones_v, zerc_v, cnt_sh) = rest
    else:
      (out_hbm, ei_v, bufs, gsems, zer_v, acc_sh, isem) = rest
    sid = lax.axis_index("s")
    cid = lax.axis_index("c")
    wid = sid * NC + cid
    start_w = wid * BASE_CHK + jnp.minimum(wid, EXTRA_W)
    has_extra = wid < EXTRA_W
    my_chunks = jnp.where(has_extra, BASE_CHK + 1, BASE_CHK)

    pltpu.async_copy(ei_hbm.at[pl.ds(start_w, BASE_CHK)],
                     ei_v.at[pl.ds(0, BASE_CHK)], isem)

    @pl.when(has_extra)
    def _extra_row():
      pltpu.async_copy(ei_hbm.at[pl.ds(start_w + BASE_CHK, 1)],
                       ei_v.at[pl.ds(BASE_CHK, 1)], isem)

    def init_row(i, _):
      for j in range(d // 16):
        zer_v[i, pl.ds(j * 16, 16)] = jnp.zeros((16,), jnp.float32)
      if with_counts:
        zerc_v[i, pl.ds(0, 16)] = jnp.zeros((16,), jnp.float32)
      return _
    lax.fori_loop(0, ZROWS, init_row, 0)
    if with_counts:
      def init_ones(i, _):
        ones_v[i, pl.ds(0, 16)] = jnp.ones((16,), jnp.float32)
        return _
      lax.fori_loop(0, CHUNK, init_ones, 0)

    base = sid * ROWS_PER_TILE
    for k in range(ROWS_PER_TILE // ZROWS):
      pltpu.sync_copy(zer_v, acc_sh.at[pl.ds(base + k * ZROWS, ZROWS)])
      if with_counts:
        pltpu.sync_copy(zerc_v, cnt_sh.at[pl.ds(base + k * ZROWS, ZROWS)])

    pltpu.make_async_copy(ei_hbm.at[pl.ds(start_w, BASE_CHK)],
                          ei_v.at[pl.ds(0, BASE_CHK)], isem).wait()

    @pl.when(has_extra)
    def _extra_wait():
      pltpu.make_async_copy(ei_hbm.at[pl.ds(start_w + BASE_CHK, 1)],
                            ei_v.at[pl.ds(BASE_CHK, 1)], isem).wait()

    def scale_row(j, _):
      for t in range(CHUNK // 16):
        ei_v[j, 0, pl.ds(t * 16, 16)] = (
            ei_v[j, 0, pl.ds(t * 16, 16)] * mul)
      return _
    lax.fori_loop(0, my_chunks, scale_row, 0)

    plsc.subcore_barrier()

    def _start_gather(j, b):
      pltpu.async_copy(p_hbm.at[ei_v.at[j, 0]], bufs[b], gsems[b])

    for b in range(nbuf):
      _start_gather(b, b)

    def _drain(i, b):
      pltpu.make_async_copy(p_hbm.at[ei_v.at[0, 0]], bufs[b],
                            gsems[b]).wait()
      pltpu.sync_copy(bufs[b], acc_sh.at[ei_v.at[i, 1]], add=True)
      if with_counts:
        pltpu.sync_copy(ones_v, cnt_sh.at[ei_v.at[i, 1]], add=True)

    n_outer = BASE_CHK // nbuf
    n_tail = BASE_CHK - n_outer * nbuf

    def outer(g, _):
      for b in range(nbuf):
        i = g * nbuf + b
        _drain(i, b)

        @pl.when(i + nbuf < my_chunks)
        def _start():
          _start_gather(i + nbuf, b)
      return _
    lax.fori_loop(0, n_outer, outer, 0)
    for b in range(n_tail):
      _drain(n_outer * nbuf + b, (n_outer * nbuf + b) % nbuf)

    @pl.when(has_extra)
    def _extra_chunk():
      _drain(BASE_CHK, BASE_CHK % nbuf)

    plsc.subcore_barrier()
    pltpu.sync_copy(acc_sh.at[pl.ds(base, ROWS_PER_TILE)],
                    out_hbm.at[cid, pl.ds(base, ROWS_PER_TILE),
                               pl.ds(0, d)])
    if with_counts:
      pltpu.sync_copy(cnt_sh.at[pl.ds(base, ROWS_PER_TILE)],
                      out_hbm.at[cid, pl.ds(base, ROWS_PER_TILE),
                                 pl.ds(64, CW)])

  fn = pl.kernel(
      body, out_type=out_type, mesh=mesh, scratch_types=scratch,
      compiler_params=pltpu.CompilerParams(use_tc_tiling_on_sc=False))
  return fn(p, ei3)


_BN = 2000


def _dot_t(a, w):
  return lax.dot_general(a, w, (((1,), (1,)), ((), ())),
                         preferred_element_type=jnp.float32)


def _tc_proj(x, w1l, w1r):

  def body(x_ref, wl_ref, wr_ref, pp_ref):
    xb = x_ref[...]
    pp_ref[...] = jnp.concatenate(
        [_dot_t(xb, wl_ref[...]), _dot_t(xb, wr_ref[...])], axis=1)

  return pl.pallas_call(
      body,
      grid=(N // _BN,),
      in_specs=[
          pl.BlockSpec((_BN, 128), lambda i: (i, 0)),
          pl.BlockSpec((64, 128), lambda i: (0, 0)),
          pl.BlockSpec((64, 128), lambda i: (0, 0)),
      ],
      out_specs=pl.BlockSpec((_BN, 128), lambda i: (i, 0)),
      out_shape=jax.ShapeDtypeStruct((N, 128), jnp.float32),
  )(x, w1l, w1r)


def _tc_mid(s1fat, pfat1, b1, w2l, w2r):

  def body(s_ref, p_ref, b_ref, wl_ref, wr_ref, o_ref):
    sf = s_ref[...]
    s = sf[0, :N, 0:64] + sf[1, :N, 0:64]
    cnt = sf[0, :N, 64:65] + sf[1, :N, 64:65]
    pf = p_ref[...]
    r1 = pf[:, 64:128]
    mean = s / jnp.maximum(cnt, 1.0)
    h1 = jnp.maximum(mean + b_ref[...] + r1, 0.0)
    p2 = _dot_t(h1, wl_ref[...])
    r2 = _dot_t(h1, wr_ref[...])
    cnt32 = jnp.broadcast_to(cnt, (N, 32))
    o_ref[...] = jnp.concatenate([p2, r2, cnt32, p2], axis=1)

  return pl.pallas_call(
      body,
      out_shape=jax.ShapeDtypeStruct((N, 128), jnp.float32),
  )(s1fat, pfat1, b1, w2l, w2r)


def _tc_final(s2fat, fat2, b2, wc, bc):

  def body(s_ref, f_ref, b_ref, wc_ref, bc_ref, h_ref, z_ref):
    sf = s_ref[...]
    s = sf[0, :N, 0:32] + sf[1, :N, 0:32]
    f2 = f_ref[...]
    r2 = f2[:, 32:64]
    cnt = f2[:, 64:65]
    mean = s / jnp.maximum(cnt, 1.0)
    h2t = jnp.transpose(jnp.maximum(mean + b_ref[...] + r2, 0.0))
    h_ref[...] = h2t
    z_ref[...] = (jnp.dot(wc_ref[...], h2t,
                          preferred_element_type=jnp.float32)
                  + bc_ref[...])

  return pl.pallas_call(
      body,
      out_shape=[
          jax.ShapeDtypeStruct((32, N), jnp.float32),
          jax.ShapeDtypeStruct((4, N), jnp.float32),
      ],
  )(s2fat, fat2, b2, wc, bc)


def kernel(x, edge_index, W1_l, b1_l, W1_r, W2_l, b2_l, W2_r, Wc, bc):
  ei3 = edge_index.reshape(2, NCHK, CHUNK).transpose(1, 0, 2)

  pfat1 = _tc_proj(x, W1_l, W1_r)
  s1fat = _seg_sum_sc(pfat1.reshape(2 * N, 64), ei3, 64, mul=2,
                      with_counts=True, nbuf=5)[0]
  fat2 = _tc_mid(s1fat, pfat1, b1_l.reshape(1, -1), W2_l, W2_r)
  s2fat = _seg_sum_sc(fat2.reshape(4 * N, 32), ei3, 32, mul=4,
                      with_counts=False, nbuf=12)[0]
  h2t, zt = _tc_final(s2fat, fat2, b2_l.reshape(1, -1), Wc,
                      bc.reshape(-1, 1))
  return (h2t.T, zt.T)

# --- scband reference (transcript-rebuilt; emitter-appended) ---
"""Pipeline reference for scband-graph-sage-63728724738762 (READ-ONLY COPY).

The authoritative reference and input builder live on the scoring server;
editing this copy changes nothing except your own understanding.
"""

import jax, jax.numpy as jnp
import numpy as np

N = 10000
E = 320000
D_IN = 128
H1 = 64
H2 = 32
C = 4


def setup_inputs(seed: int = 0) -> dict:
    key = jax.random.key(seed)
    ks = jax.random.split(key, 12)
    x = jax.random.normal(ks[0], (N, D_IN), dtype=jnp.float32)
    edge_index = jax.random.randint(ks[1], (2, E), 0, N, dtype=jnp.int32)
    # SAGEConv params: lin_l acts on aggregated neighbor features (with bias),
    # lin_r acts on the root/self features (no bias) -- PyG convention.
    W1_l = jax.random.normal(ks[2], (H1, D_IN), dtype=jnp.float32) * 0.05
    b1_l = jnp.zeros((H1,), dtype=jnp.float32)
    W1_r = jax.random.normal(ks[3], (H1, D_IN), dtype=jnp.float32) * 0.05
    W2_l = jax.random.normal(ks[4], (H2, H1), dtype=jnp.float32) * 0.05
    b2_l = jnp.zeros((H2,), dtype=jnp.float32)
    W2_r = jax.random.normal(ks[5], (H2, H1), dtype=jnp.float32) * 0.05
    Wc = jax.random.normal(ks[6], (C, H2), dtype=jnp.float32) * 0.05
    bc = jnp.zeros((C,), dtype=jnp.float32)
    return {"x": x, "edge_index": edge_index, "W1_l": W1_l, "b1_l": b1_l,
            "W1_r": W1_r, "W2_l": W2_l, "b2_l": b2_l, "W2_r": W2_r,
            "Wc": Wc, "bc": bc}


def _sage_conv(x, edge_index, W_l, b_l, W_r):
    src = edge_index[0]
    dst = edge_index[1]
    msgs = jnp.take(x, src, axis=0)                       # gather (SparseCore)
    summed = jax.ops.segment_sum(msgs, dst, num_segments=N)  # scatter-add
    cnt = jax.ops.segment_sum(jnp.ones((edge_index.shape[1],), x.dtype), dst,
                              num_segments=N)
    mean = summed / jnp.clip(cnt, 1.0)[:, None]           # mean aggregation
    return mean @ W_l.T + b_l + x @ W_r.T


def reference(x, edge_index, W1_l, b1_l, W1_r, W2_l, b2_l, W2_r, Wc, bc):
    h1 = jax.nn.relu(_sage_conv(x, edge_index, W1_l, b1_l, W1_r))
    h2 = jax.nn.relu(_sage_conv(h1, edge_index, W2_l, b2_l, W2_r))
    z = h2 @ Wc.T + bc
    return (h2, z)

if __name__ == "__main__":
    import jax
    _d = setup_inputs()
    print(jax.jit(kernel)(*tuple(_d.values())))

</pallas_src>

<mosaic_0001>
#map = affine_map<(d0, d1) -> (0, 0)>
#map1 = affine_map<(d0, d1) -> (0, 0, 0)>
module attributes {stable_mosaic.version = 14 : i64} {
  func.func @body(%arg0: i32, %arg1: i32, %arg2: memref<20000x64xf32, #tpu.memory_space<hbm>>, %arg3: memref<2500x2x128xi32, #tpu.memory_space<hbm>>, %arg4: memref<2x10240x128xf32, #tpu.memory_space<hbm>>, %arg5: memref<79x2x128xi32, #tpu.memory_space<vmem>>, %arg6: memref<128x64xf32, #tpu.memory_space<vmem>>, %arg7: memref<128x64xf32, #tpu.memory_space<vmem>>, %arg8: memref<128x64xf32, #tpu.memory_space<vmem>>, %arg9: memref<128x64xf32, #tpu.memory_space<vmem>>, %arg10: memref<128x64xf32, #tpu.memory_space<vmem>>, %arg11: memref<!tpu.dma_semaphore, #tpu.memory_space<semaphore_mem>>, %arg12: memref<!tpu.dma_semaphore, #tpu.memory_space<semaphore_mem>>, %arg13: memref<!tpu.dma_semaphore, #tpu.memory_space<semaphore_mem>>, %arg14: memref<!tpu.dma_semaphore, #tpu.memory_space<semaphore_mem>>, %arg15: memref<!tpu.dma_semaphore, #tpu.memory_space<semaphore_mem>>, %arg16: memref<64x64xf32, #tpu.memory_space<vmem>>, %arg17: memref<10240x64xf32, #tpu.memory_space<vmem_shared>>, %arg18: memref<!tpu.dma_semaphore, #tpu.memory_space<semaphore_mem>>, %arg19: memref<128x16xf32, #tpu.memory_space<vmem>>, %arg20: memref<64x16xf32, #tpu.memory_space<vmem>>, %arg21: memref<10240x16xf32, #tpu.memory_space<vmem_shared>>) attributes {dimension_semantics = [#tpu.dimension_semantics<core_parallel>, #tpu.dimension_semantics<subcore_parallel>], iteration_bounds = array<i64: 2, 16>, scalar_prefetch = 0 : i64, scratch_operands = 17 : i64, tpu.core_type = #tpu.core_type<sc_vector_subcore>, window_params = [{transform_indices = #map}, {transform_indices = #map1}, {transform_indices = #map1}]} {
    %mul3A = arith.constant 2 : i32
    %mul3A_0 = arith.muli %arg1, %mul3A : i32
    %add3A = arith.addi %mul3A_0, %arg0 : i32
    %mul3A_1 = arith.constant 78 : i32
    %mul3A_2 = arith.muli %add3A, %mul3A_1 : i32
    %min3A = arith.constant 4 : i32
    %min3A_3 = arith.minsi %add3A, %min3A : i32
    %add3A_4 = arith.addi %mul3A_2, %min3A_3 : i32
    %lt3A = arith.constant 4 : i32
    %lt3A_5 = arith.cmpi slt, %add3A, %lt3A : i32
    %jit3A = arith.constant 79 : i32
    %jit3A_6 = arith.constant 78 : i32
    %select_n3A = arith.select %lt3A_5, %jit3A, %jit3A_6 : i32
    %dma_start3A = arith.constant 0 : i32
    %dma_start3A_7 = arith.constant 0 : i32
    %dma_start3A_8 = arith.constant 0 : i32
    %dma_start3A_9 = tpu.memref_slice %arg5[%dma_start3A, %dma_start3A_7, %dma_start3A_8] : memref<79x2x128xi32, #tpu.memory_space<vmem>> -> memref<78x2x128xi32, #tpu.memory_space<vmem>>
    %dma_start3A_10 = arith.constant 0 : i32
    %dma_start3A_11 = arith.constant 0 : i32
    %dma_start3A_12 = tpu.memref_slice %arg3[%add3A_4, %dma_start3A_10, %dma_start3A_11] : memref<2500x2x128xi32, #tpu.memory_space<hbm>> -> memref<78x2x128xi32, #tpu.memory_space<hbm>>
    %dma_start3A_13 = arith.constant 0 : i32
    %dma_start3A_14 = arith.constant 0 : i32
    %dma_start3A_15 = arith.constant 0 : i32
    %dma_start3A_16 = tpu.memref_slice %arg5[%dma_start3A_13, %dma_start3A_14, %dma_start3A_15] : memref<79x2x128xi32, #tpu.memory_space<vmem>> -> memref<78x2x128xi32, #tpu.memory_space<vmem>>
    %dma_start3A_17 = arith.constant 0 : i32
    %dma_start3A_18 = arith.constant 0 : i32
    %dma_start3A_19 = tpu.memref_slice %arg3[%add3A_4, %dma_start3A_17, %dma_start3A_18] : memref<2500x2x128xi32, #tpu.memory_space<hbm>> -> memref<78x2x128xi32, #tpu.memory_space<hbm>>
    tpu.enqueue_dma source(%dma_start3A_19 : memref<78x2x128xi32, #tpu.memory_space<hbm>>) target(%dma_start3A_16 : memref<78x2x128xi32, #tpu.memory_space<vmem>>) target_semaphore(%arg18 : memref<!tpu.dma_semaphore, #tpu.memory_space<semaphore_mem>>)
    %convert_element_type3A = arith.extui %lt3A_5 : i1 to i32
    %cond3A = arith.constant 0 : i32
    %cond3A_20 = arith.cmpi ne, %convert_element_type3A, %cond3A : i32
    scf.if %cond3A_20 {
      %add3A_184 = arith.constant 78 : i32
      %add3A_185 = arith.addi %add3A_4, %add3A_184 : i32
      %dma_start3A_186 = arith.constant 78 : i32
      %dma_start3A_187 = arith.constant 0 : i32
      %dma_start3A_188 = arith.constant 0 : i32
      %dma_start3A_189 = tpu.memref_slice %arg5[%dma_start3A_186, %dma_start3A_187, %dma_start3A_188] : memref<79x2x128xi32, #tpu.memory_space<vmem>> -> memref<1x2x128xi32, #tpu.memory_space<vmem>>
      %dma_start3A_190 = arith.constant 0 : i32
      %dma_start3A_191 = arith.constant 0 : i32
      %dma_start3A_192 = tpu.memref_slice %arg3[%add3A_185, %dma_start3A_190, %dma_start3A_191] : memref<2500x2x128xi32, #tpu.memory_space<hbm>> -> memref<1x2x128xi32, #tpu.memory_space<hbm>>
      %dma_start3A_193 = arith.constant 78 : i32
      %dma_start3A_194 = arith.constant 0 : i32
      %dma_start3A_195 = arith.constant 0 : i32
      %dma_start3A_196 = tpu.memref_slice %arg5[%dma_start3A_193, %dma_start3A_194, %dma_start3A_195] : memref<79x2x128xi32, #tpu.memory_space<vmem>> -> memref<1x2x128xi32, #tpu.memory_space<vmem>>
      %dma_start3A_197 = arith.constant 0 : i32
      %dma_start3A_198 = arith.constant 0 : i32
      %dma_start3A_199 = tpu.memref_slice %arg3[%add3A_185, %dma_start3A_197, %dma_start3A_198] : memref<2500x2x128xi32, #tpu.memory_space<hbm>> -> memref<1x2x128xi32, #tpu.memory_space<hbm>>
      tpu.enqueue_dma source(%dma_start3A_199 : memref<1x2x128xi32, #tpu.memory_space<hbm>>) target(%dma_start3A_196 : memref<1x2x128xi32, #tpu.memory_space<vmem>>) target_semaphore(%arg18 : memref<!tpu.dma_semaphore, #tpu.memory_space<semaphore_mem>>)
    } else {
    }
    %scan3A = arith.constant 0 : i32
    %scan3A_21 = arith.constant 0 : i32
    %scan3A_22 = arith.constant 64 : i32
    %scan3A_23 = arith.addi %scan3A_21, %scan3A_22 : i32
    %scan3A_24 = arith.constant 1 : i32
    scf.for %scan3A_184 = %scan3A_21 to %scan3A_23 step %scan3A_24  : i32 {
      %broadcast_in_dim3A = arith.constant 0.000000e+00 : f32
      %broadcast_in_dim3A_185 = vector.broadcast %broadcast_in_dim3A : f32 to vector<16xf32>
      %swap3A = arith.index_cast %scan3A_184 : i32 to index
      %swap3A_186 = arith.constant 0 : index
      %swap3A_187 = tpu.vector_load %arg16[%swap3A, %swap3A_186] {strides = array<i32>} : memref<64x64xf32, #tpu.memory_space<vmem>>, vector<1x16xf32>,
      %swap3A_188 = vector.shape_cast %swap3A_187 : vector<1x16xf32> to vector<16xf32>
      %swap3A_189 = vector.shape_cast %broadcast_in_dim3A_185 : vector<16xf32> to vector<1x16xf32>
      tpu.vector_store %arg16[%swap3A, %swap3A_186], %swap3A_189 {strides = array<i32>} : memref<64x64xf32, #tpu.memory_space<vmem>>, vector<1x16xf32>,
      %broadcast_in_dim3A_190 = arith.constant 0.000000e+00 : f32
      %broadcast_in_dim3A_191 = vector.broadcast %broadcast_in_dim3A_190 : f32 to vector<16xf32>
      %swap3A_192 = arith.index_cast %scan3A_184 : i32 to index
      %swap3A_193 = arith.constant 16 : index
      %swap3A_194 = tpu.vector_load %arg16[%swap3A_192, %swap3A_193] {strides = array<i32>} : memref<64x64xf32, #tpu.memory_space<vmem>>, vector<1x16xf32>,
      %swap3A_195 = vector.shape_cast %swap3A_194 : vector<1x16xf32> to vector<16xf32>
      %swap3A_196 = vector.shape_cast %broadcast_in_dim3A_191 : vector<16xf32> to vector<1x16xf32>
      tpu.vector_store %arg16[%swap3A_192, %swap3A_193], %swap3A_196 {strides = array<i32>} : memref<64x64xf32, #tpu.memory_space<vmem>>, vector<1x16xf32>,
      %broadcast_in_dim3A_197 = arith.constant 0.000000e+00 : f32
      %broadcast_in_dim3A_198 = vector.broadcast %broadcast_in_dim3A_197 : f32 to vector<16xf32>
      %swap3A_199 = arith.index_cast %scan3A_184 : i32 to index
      %swap3A_200 = arith.constant 32 : index
      %swap3A_201 = tpu.vector_load %arg16[%swap3A_199, %swap3A_200] {strides = array<i32>} : memref<64x64xf32, #tpu.memory_space<vmem>>, vector<1x16xf32>,
      %swap3A_202 = vector.shape_cast %swap3A_201 : vector<1x16xf32> to vector<16xf32>
      %swap3A_203 = vector.shape_cast %broadcast_in_dim3A_198 : vector<16xf32> to vector<1x16xf32>
      tpu.vector_store %arg16[%swap3A_199, %swap3A_200], %swap3A_203 {strides = array<i32>} : memref<64x64xf32, #tpu.memory_space<vmem>>, vector<1x16xf32>,
      %broadcast_in_dim3A_204 = arith.constant 0.000000e+00 : f32
      %broadcast_in_dim3A_205 = vector.broadcast %broadcast_in_dim3A_204 : f32 to vector<16xf32>
      %swap3A_206 = arith.index_cast %scan3A_184 : i32 to index
      %swap3A_207 = arith.constant 48 : index
      %swap3A_208 = tpu.vector_load %arg16[%swap3A_206, %swap3A_207] {strides = array<i32>} : memref<64x64xf32, #tpu.memory_space<vmem>>, vector<1x16xf32>,
      %swap3A_209 = vector.shape_cast %swap3A_208 : vector<1x16xf32> to vector<16xf32>
      %swap3A_210 = vector.shape_cast %broadcast_in_dim3A_205 : vector<16xf32> to vector<1x16xf32>
      tpu.vector_store %arg16[%swap3A_206, %swap3A_207], %swap3A_210 {strides = array<i32>} : memref<64x64xf32, #tpu.memory_space<vmem>>, vector<1x16xf32>,
      %broadcast_in_dim3A_211 = arith.constant 0.000000e+00 : f32
      %broadcast_in_dim3A_212 = vector.broadcast %broadcast_in_dim3A_211 : f32 to vector<16xf32>
      %swap3A_213 = arith.index_cast %scan3A_184 : i32 to index
      %swap3A_214 = arith.constant 0 : index
      %swap3A_215 = tpu.vector_load %arg20[%swap3A_213, %swap3A_214] {strides = array<i32>} : memref<64x16xf32, #tpu.memory_space<vmem>>, vector<1x16xf32>,
      %swap3A_216 = vector.shape_cast %swap3A_215 : vector<1x16xf32> to vector<16xf32>
      %swap3A_217 = vector.shape_cast %broadcast_in_dim3A_212 : vector<16xf32> to vector<1x16xf32>
      tpu.vector_store %arg20[%swap3A_213, %swap3A_214], %swap3A_217 {strides = array<i32>} : memref<64x16xf32, #tpu.memory_space<vmem>>, vector<1x16xf32>,
    }
    %scan3A_25 = arith.constant 64 : i32
    %scan3A_26 = arith.constant 0 : i32
    %scan3A_27 = arith.constant 0 : i32
    %scan3A_28 = arith.constant 128 : i32
    %scan3A_29 = arith.addi %scan3A_27, %scan3A_28 : i32
    %scan3A_30 = arith.constant 1 : i32
    scf.for %scan3A_184 = %scan3A_27 to %scan3A_29 step %scan3A_30  : i32 {
      %broadcast_in_dim3A = arith.constant 1.000000e+00 : f32
      %broadcast_in_dim3A_185 = vector.broadcast %broadcast_in_dim3A : f32 to vector<16xf32>
      %swap3A = arith.index_cast %scan3A_184 : i32 to index
      %swap3A_186 = arith.constant 0 : index
      %swap3A_187 = tpu.vector_load %arg19[%swap3A, %swap3A_186] {strides = array<i32>} : memref<128x16xf32, #tpu.memory_space<vmem>>, vector<1x16xf32>,
      %swap3A_188 = vector.shape_cast %swap3A_187 : vector<1x16xf32> to vector<16xf32>
      %swap3A_189 = vector.shape_cast %broadcast_in_dim3A_185 : vector<16xf32> to vector<1x16xf32>
      tpu.vector_store %arg19[%swap3A, %swap3A_186], %swap3A_189 {strides = array<i32>} : memref<128x16xf32, #tpu.memory_space<vmem>>, vector<1x16xf32>,
    }
    %scan3A_31 = arith.constant 128 : i32
    %mul3A_32 = arith.constant 640 : i32
    %mul3A_33 = arith.muli %arg1, %mul3A_32 : i32
    %add3A_34 = arith.constant 0 : i32
    %add3A_35 = arith.addi %mul3A_33, %add3A_34 : i32
    "tpu.region"() ({
      %run_scoped3A_184 = tpu.sem_alloc : memref<!tpu.dma_semaphore, #tpu.memory_space<semaphore_mem>>
      %dma_start3A_185 = arith.constant 0 : i32
      %dma_start3A_186 = tpu.memref_slice %arg17[%add3A_35, %dma_start3A_185] : memref<10240x64xf32, #tpu.memory_space<vmem_shared>> -> memref<64x64xf32, #tpu.memory_space<vmem_shared>>
      %dma_start3A_187 = arith.constant 0 : i32
      %dma_start3A_188 = tpu.memref_slice %arg17[%add3A_35, %dma_start3A_187] : memref<10240x64xf32, #tpu.memory_space<vmem_shared>> -> memref<64x64xf32, #tpu.memory_space<vmem_shared>>
      tpu.enqueue_dma source(%arg16 : memref<64x64xf32, #tpu.memory_space<vmem>>) target(%dma_start3A_188 : memref<64x64xf32, #tpu.memory_space<vmem_shared>>) target_semaphore(%run_scoped3A_184 : memref<!tpu.dma_semaphore, #tpu.memory_space<semaphore_mem>>)
      %dma_wait3A_189 = arith.constant 0 : i32
      %dma_wait3A_190 = tpu.memref_slice %arg17[%add3A_35, %dma_wait3A_189] : memref<10240x64xf32, #tpu.memory_space<vmem_shared>> -> memref<64x64xf32, #tpu.memory_space<vmem_shared>>
      %dma_wait3A_191 = arith.constant 0 : i32
      %dma_wait3A_192 = tpu.memref_slice %arg17[%add3A_35, %dma_wait3A_191] : memref<10240x64xf32, #tpu.memory_space<vmem_shared>> -> memref<64x64xf32, #tpu.memory_space<vmem_shared>>
      tpu.wait_dma2 semaphore(%run_scoped3A_184 : memref<!tpu.dma_semaphore, #tpu.memory_space<semaphore_mem>>) src(%arg16 : memref<64x64xf32, #tpu.memory_space<vmem>>) dst(%dma_wait3A_192 : memref<64x64xf32, #tpu.memory_space<vmem_shared>>)
      tpu.yield
    }) : () -> ()
    %add3A_36 = arith.constant 0 : i32
    %add3A_37 = arith.addi %mul3A_33, %add3A_36 : i32
    "tpu.region"() ({
      %run_scoped3A_184 = tpu.sem_alloc : memref<!tpu.dma_semaphore, #tpu.memory_space<semaphore_mem>>
      %dma_start3A_185 = arith.constant 0 : i32
      %dma_start3A_186 = tpu.memref_slice %arg21[%add3A_37, %dma_start3A_185] : memref<10240x16xf32, #tpu.memory_space<vmem_shared>> -> memref<64x16xf32, #tpu.memory_space<vmem_shared>>
      %dma_start3A_187 = arith.constant 0 : i32
      %dma_start3A_188 = tpu.memref_slice %arg21[%add3A_37, %dma_start3A_187] : memref<10240x16xf32, #tpu.memory_space<vmem_shared>> -> memref<64x16xf32, #tpu.memory_space<vmem_shared>>
      tpu.enqueue_dma source(%arg20 : memref<64x16xf32, #tpu.memory_space<vmem>>) target(%dma_start3A_188 : memref<64x16xf32, #tpu.memory_space<vmem_shared>>) target_semaphore(%run_scoped3A_184 : memref<!tpu.dma_semaphore, #tpu.memory_space<semaphore_mem>>)
      %dma_wait3A_189 = arith.constant 0 : i32
      %dma_wait3A_190 = tpu.memref_slice %arg21[%add3A_37, %dma_wait3A_189] : memref<10240x16xf32, #tpu.memory_space<vmem_shared>> -> memref<64x16xf32, #tpu.memory_space<vmem_shared>>
      %dma_wait3A_191 = arith.constant 0 : i32
      %dma_wait3A_192 = tpu.memref_slice %arg21[%add3A_37, %dma_wait3A_191] : memref<10240x16xf32, #tpu.memory_space<vmem_shared>> -> memref<64x16xf32, #tpu.memory_space<vmem_shared>>
      tpu.wait_dma2 semaphore(%run_scoped3A_184 : memref<!tpu.dma_semaphore, #tpu.memory_space<semaphore_mem>>) src(%arg20 : memref<64x16xf32, #tpu.memory_space<vmem>>) dst(%dma_wait3A_192 : memref<64x16xf32, #tpu.memory_space<vmem_shared>>)
      tpu.yield
    }) : () -> ()
    %add3A_38 = arith.constant 64 : i32
    %add3A_39 = arith.addi %mul3A_33, %add3A_38 : i32
    "tpu.region"() ({
      %run_scoped3A_184 = tpu.sem_alloc : memref<!tpu.dma_semaphore, #tpu.memory_space<semaphore_mem>>
      %dma_start3A_185 = arith.constant 0 : i32
      %dma_start3A_186 = tpu.memref_slice %arg17[%add3A_39, %dma_start3A_185] : memref<10240x64xf32, #tpu.memory_space<vmem_shared>> -> memref<64x64xf32, #tpu.memory_space<vmem_shared>>
      %dma_start3A_187 = arith.constant 0 : i32
      %dma_start3A_188 = tpu.memref_slice %arg17[%add3A_39, %dma_start3A_187] : memref<10240x64xf32, #tpu.memory_space<vmem_shared>> -> memref<64x64xf32, #tpu.memory_space<vmem_shared>>
      tpu.enqueue_dma source(%arg16 : memref<64x64xf32, #tpu.memory_space<vmem>>) target(%dma_start3A_188 : memref<64x64xf32, #tpu.memory_space<vmem_shared>>) target_semaphore(%run_scoped3A_184 : memref<!tpu.dma_semaphore, #tpu.memory_space<semaphore_mem>>)
      %dma_wait3A_189 = arith.constant 0 : i32
      %dma_wait3A_190 = tpu.memref_slice %arg17[%add3A_39, %dma_wait3A_189] : memref<10240x64xf32, #tpu.memory_space<vmem_shared>> -> memref<64x64xf32, #tpu.memory_space<vmem_shared>>
      %dma_wait3A_191 = arith.constant 0 : i32
      %dma_wait3A_192 = tpu.memref_slice %arg17[%add3A_39, %dma_wait3A_191] : memref<10240x64xf32, #tpu.memory_space<vmem_shared>> -> memref<64x64xf32, #tpu.memory_space<vmem_shared>>
      tpu.wait_dma2 semaphore(%run_scoped3A_184 : memref<!tpu.dma_semaphore, #tpu.memory_space<semaphore_mem>>) src(%arg16 : memref<64x64xf32, #tpu.memory_space<vmem>>) dst(%dma_wait3A_192 : memref<64x64xf32, #tpu.memory_space<vmem_shared>>)
      tpu.yield
    }) : () -> ()
    %add3A_40 = arith.constant 64 : i32
    %add3A_41 = arith.addi %mul3A_33, %add3A_40 : i32
    "tpu.region"() ({
      %run_scoped3A_184 = tpu.sem_alloc : memref<!tpu.dma_semaphore, #tpu.memory_space<semaphore_mem>>
      %dma_start3A_185 = arith.constant 0 : i32
      %dma_start3A_186 = tpu.memref_slice %arg21[%add3A_41, %dma_start3A_185] : memref<10240x16xf32, #tpu.memory_space<vmem_shared>> -> memref<64x16xf32, #tpu.memory_space<vmem_shared>>
      %dma_start3A_187 = arith.constant 0 : i32
      %dma_start3A_188 = tpu.memref_slice %arg21[%add3A_41, %dma_start3A_187] : memref<10240x16xf32, #tpu.memory_space<vmem_shared>> -> memref<64x16xf32, #tpu.memory_space<vmem_shared>>
      tpu.enqueue_dma source(%arg20 : memref<64x16xf32, #tpu.memory_space<vmem>>) target(%dma_start3A_188 : memref<64x16xf32, #tpu.memory_space<vmem_shared>>) target_semaphore(%run_scoped3A_184 : memref<!tpu.dma_semaphore, #tpu.memory_space<semaphore_mem>>)
      %dma_wait3A_189 = arith.constant 0 : i32
      %dma_wait3A_190 = tpu.memref_slice %arg21[%add3A_41, %dma_wait3A_189] : memref<10240x16xf32, #tpu.memory_space<vmem_shared>> -> memref<64x16xf32, #tpu.memory_space<vmem_shared>>
      %dma_wait3A_191 = arith.constant 0 : i32
      %dma_wait3A_192 = tpu.memref_slice %arg21[%add3A_41, %dma_wait3A_191] : memref<10240x16xf32, #tpu.memory_space<vmem_shared>> -> memref<64x16xf32, #tpu.memory_space<vmem_shared>>
      tpu.wait_dma2 semaphore(%run_scoped3A_184 : memref<!tpu.dma_semaphore, #tpu.memory_space<semaphore_mem>>) src(%arg20 : memref<64x16xf32, #tpu.memory_space<vmem>>) dst(%dma_wait3A_192 : memref<64x16xf32, #tpu.memory_space<vmem_shared>>)
      tpu.yield
    }) : () -> ()
    %add3A_42 = arith.constant 128 : i32
    %add3A_43 = arith.addi %mul3A_33, %add3A_42 : i32
    "tpu.region"() ({
      %run_scoped3A_184 = tpu.sem_alloc : memref<!tpu.dma_semaphore, #tpu.memory_space<semaphore_mem>>
      %dma_start3A_185 = arith.constant 0 : i32
      %dma_start3A_186 = tpu.memref_slice %arg17[%add3A_43, %dma_start3A_185] : memref<10240x64xf32, #tpu.memory_space<vmem_shared>> -> memref<64x64xf32, #tpu.memory_space<vmem_shared>>
      %dma_start3A_187 = arith.constant 0 : i32
      %dma_start3A_188 = tpu.memref_slice %arg17[%add3A_43, %dma_start3A_187] : memref<10240x64xf32, #tpu.memory_space<vmem_shared>> -> memref<64x64xf32, #tpu.memory_space<vmem_shared>>
      tpu.enqueue_dma source(%arg16 : memref<64x64xf32, #tpu.memory_space<vmem>>) target(%dma_start3A_188 : memref<64x64xf32, #tpu.memory_space<vmem_shared>>) target_semaphore(%run_scoped3A_184 : memref<!tpu.dma_semaphore, #tpu.memory_space<semaphore_mem>>)
      %dma_wait3A_189 = arith.constant 0 : i32
      %dma_wait3A_190 = tpu.memref_slice %arg17[%add3A_43, %dma_wait3A_189] : memref<10240x64xf32, #tpu.memory_space<vmem_shared>> -> memref<64x64xf32, #tpu.memory_space<vmem_shared>>
      %dma_wait3A_191 = arith.constant 0 : i32
      %dma_wait3A_192 = tpu.memref_slice %arg17[%add3A_43, %dma_wait3A_191] : memref<10240x64xf32, #tpu.memory_space<vmem_shared>> -> memref<64x64xf32, #tpu.memory_space<vmem_shared>>
      tpu.wait_dma2 semaphore(%run_scoped3A_184 : memref<!tpu.dma_semaphore, #tpu.memory_space<semaphore_mem>>) src(%arg16 : memref<64x64xf32, #tpu.memory_space<vmem>>) dst(%dma_wait3A_192 : memref<64x64xf32, #tpu.memory_space<vmem_shared>>)
      tpu.yield
    }) : () -> ()
    %add3A_44 = arith.constant 128 : i32
    %add3A_45 = arith.addi %mul3A_33, %add3A_44 : i32
    "tpu.region"() ({
      %run_scoped3A_184 = tpu.sem_alloc : memref<!tpu.dma_semaphore, #tpu.memory_space<semaphore_mem>>
      %dma_start3A_185 = arith.constant 0 : i32
      %dma_start3A_186 = tpu.memref_slice %arg21[%add3A_45, %dma_start3A_185] : memref<10240x16xf32, #tpu.memory_space<vmem_shared>> -> memref<64x16xf32, #tpu.memory_space<vmem_shared>>
      %dma_start3A_187 = arith.constant 0 : i32
      %dma_start3A_188 = tpu.memref_slice %arg21[%add3A_45, %dma_start3A_187] : memref<10240x16xf32, #tpu.memory_space<vmem_shared>> -> memref<64x16xf32, #tpu.memory_space<vmem_shared>>
      tpu.enqueue_dma source(%arg20 : memref<64x16xf32, #tpu.memory_space<vmem>>) target(%dma_start3A_188 : memref<64x16xf32, #tpu.memory_space<vmem_shared>>) target_semaphore(%run_scoped3A_184 : memref<!tpu.dma_semaphore, #tpu.memory_space<semaphore_mem>>)
      %dma_wait3A_189 = arith.constant 0 : i32
      %dma_wait3A_190 = tpu.memref_slice %arg21[%add3A_45, %dma_wait3A_189] : memref<10240x16xf32, #tpu.memory_space<vmem_shared>> -> memref<64x16xf32, #tpu.memory_space<vmem_shared>>
      %dma_wait3A_191 = arith.constant 0 : i32
      %dma_wait3A_192 = tpu.memref_slice %arg21[%add3A_45, %dma_wait3A_191] : memref<10240x16xf32, #tpu.memory_space<vmem_shared>> -> memref<64x16xf32, #tpu.memory_space<vmem_shared>>
      tpu.wait_dma2 semaphore(%run_scoped3A_184 : memref<!tpu.dma_semaphore, #tpu.memory_space<semaphore_mem>>) src(%arg20 : memref<64x16xf32, #tpu.memory_space<vmem>>) dst(%dma_wait3A_192 : memref<64x16xf32, #tpu.memory_space<vmem_shared>>)
      tpu.yield
    }) : () -> ()
    %add3A_46 = arith.constant 192 : i32
    %add3A_47 = arith.addi %mul3A_33, %add3A_46 : i32
    "tpu.region"() ({
      %run_scoped3A_184 = tpu.sem_alloc : memref<!tpu.dma_semaphore, #tpu.memory_space<semaphore_mem>>
      %dma_start3A_185 = arith.constant 0 : i32
      %dma_start3A_186 = tpu.memref_slice %arg17[%add3A_47, %dma_start3A_185] : memref<10240x64xf32, #tpu.memory_space<vmem_shared>> -> memref<64x64xf32, #tpu.memory_space<vmem_shared>>
      %dma_start3A_187 = arith.constant 0 : i32
      %dma_start3A_188 = tpu.memref_slice %arg17[%add3A_47, %dma_start3A_187] : memref<10240x64xf32, #tpu.memory_space<vmem_shared>> -> memref<64x64xf32, #tpu.memory_space<vmem_shared>>
      tpu.enqueue_dma source(%arg16 : memref<64x64xf32, #tpu.memory_space<vmem>>) target(%dma_start3A_188 : memref<64x64xf32, #tpu.memory_space<vmem_shared>>) target_semaphore(%run_scoped3A_184 : memref<!tpu.dma_semaphore, #tpu.memory_space<semaphore_mem>>)
      %dma_wait3A_189 = arith.constant 0 : i32
      %dma_wait3A_190 = tpu.memref_slice %arg17[%add3A_47, %dma_wait3A_189] : memref<10240x64xf32, #tpu.memory_space<vmem_shared>> -> memref<64x64xf32, #tpu.memory_space<vmem_shared>>
      %dma_wait3A_191 = arith.constant 0 : i32
      %dma_wait3A_192 = tpu.memref_slice %arg17[%add3A_47, %dma_wait3A_191] : memref<10240x64xf32, #tpu.memory_space<vmem_shared>> -> memref<64x64xf32, #tpu.memory_space<vmem_shared>>
      tpu.wait_dma2 semaphore(%run_scoped3A_184 : memref<!tpu.dma_semaphore, #tpu.memory_space<semaphore_mem>>) src(%arg16 : memref<64x64xf32, #tpu.memory_space<vmem>>) dst(%dma_wait3A_192 : memref<64x64xf32, #tpu.memory_space<vmem_shared>>)
      tpu.yield
    }) : () -> ()
    %add3A_48 = arith.constant 192 : i32
    %add3A_49 = arith.addi %mul3A_33, %add3A_48 : i32
    "tpu.region"() ({
      %run_scoped3A_184 = tpu.sem_alloc : memref<!tpu.dma_semaphore, #tpu.memory_space<semaphore_mem>>
      %dma_start3A_185 = arith.constant 0 : i32
      %dma_start3A_186 = tpu.memref_slice %arg21[%add3A_49, %dma_start3A_185] : memref<10240x16xf32, #tpu.memory_space<vmem_shared>> -> memref<64x16xf32, #tpu.memory_space<vmem_shared>>
      %dma_start3A_187 = arith.constant 0 : i32
      %dma_start3A_188 = tpu.memref_slice %arg21[%add3A_49, %dma_start3A_187] : memref<10240x16xf32, #tpu.memory_space<vmem_shared>> -> memref<64x16xf32, #tpu.memory_space<vmem_shared>>
      tpu.enqueue_dma source(%arg20 : memref<64x16xf32, #tpu.memory_space<vmem>>) target(%dma_start3A_188 : memref<64x16xf32, #tpu.memory_space<vmem_shared>>) target_semaphore(%run_scoped3A_184 : memref<!tpu.dma_semaphore, #tpu.memory_space<semaphore_mem>>)
      %dma_wait3A_189 = arith.constant 0 : i32
      %dma_wait3A_190 = tpu.memref_slice %arg21[%add3A_49, %dma_wait3A_189] : memref<10240x16xf32, #tpu.memory_space<vmem_shared>> -> memref<64x16xf32, #tpu.memory_space<vmem_shared>>
      %dma_wait3A_191 = arith.constant 0 : i32
      %dma_wait3A_192 = tpu.memref_slice %arg21[%add3A_49, %dma_wait3A_191] : memref<10240x16xf32, #tpu.memory_space<vmem_shared>> -> memref<64x16xf32, #tpu.memory_space<vmem_shared>>
      tpu.wait_dma2 semaphore(%run_scoped3A_184 : memref<!tpu.dma_semaphore, #tpu.memory_space<semaphore_mem>>) src(%arg20 : memref<64x16xf32, #tpu.memory_space<vmem>>) dst(%dma_wait3A_192 : memref<64x16xf32, #tpu.memory_space<vmem_shared>>)
      tpu.yield
    }) : () -> ()
    %add3A_50 = arith.constant 256 : i32
    %add3A_51 = arith.addi %mul3A_33, %add3A_50 : i32
    "tpu.region"() ({
      %run_scoped3A_184 = tpu.sem_alloc : memref<!tpu.dma_semaphore, #tpu.memory_space<semaphore_mem>>
      %dma_start3A_185 = arith.constant 0 : i32
      %dma_start3A_186 = tpu.memref_slice %arg17[%add3A_51, %dma_start3A_185] : memref<10240x64xf32, #tpu.memory_space<vmem_shared>> -> memref<64x64xf32, #tpu.memory_space<vmem_shared>>
      %dma_start3A_187 = arith.constant 0 : i32
      %dma_start3A_188 = tpu.memref_slice %arg17[%add3A_51, %dma_start3A_187] : memref<10240x64xf32, #tpu.memory_space<vmem_shared>> -> memref<64x64xf32, #tpu.memory_space<vmem_shared>>
      tpu.enqueue_dma source(%arg16 : memref<64x64xf32, #tpu.memory_space<vmem>>) target(%dma_start3A_188 : memref<64x64xf32, #tpu.memory_space<vmem_shared>>) target_semaphore(%run_scoped3A_184 : memref<!tpu.dma_semaphore, #tpu.memory_space<semaphore_mem>>)
      %dma_wait3A_189 = arith.constant 0 : i32
      %dma_wait3A_190 = tpu.memref_slice %arg17[%add3A_51, %dma_wait3A_189] : memref<10240x64xf32, #tpu.memory_space<vmem_shared>> -> memref<64x64xf32, #tpu.memory_space<vmem_shared>>
      %dma_wait3A_191 = arith.constant 0 : i32
      %dma_wait3A_192 = tpu.memref_slice %arg17[%add3A_51, %dma_wait3A_191] : memref<10240x64xf32, #tpu.memory_space<vmem_shared>> -> memref<64x64xf32, #tpu.memory_space<vmem_shared>>
      tpu.wait_dma2 semaphore(%run_scoped3A_184 : memref<!tpu.dma_semaphore, #tpu.memory_space<semaphore_mem>>) src(%arg16 : memref<64x64xf32, #tpu.memory_space<vmem>>) dst(%dma_wait3A_192 : memref<64x64xf32, #tpu.memory_space<vmem_shared>>)
      tpu.yield
    }) : () -> ()
    %add3A_52 = arith.constant 256 : i32
    %add3A_53 = arith.addi %mul3A_33, %add3A_52 : i32
    "tpu.region"() ({
      %run_scoped3A_184 = tpu.sem_alloc : memref<!tpu.dma_semaphore, #tpu.memory_space<semaphore_mem>>
      %dma_start3A_185 = arith.constant 0 : i32
      %dma_start3A_186 = tpu.memref_slice %arg21[%add3A_53, %dma_start3A_185] : memref<10240x16xf32, #tpu.memory_space<vmem_shared>> -> memref<64x16xf32, #tpu.memory_space<vmem_shared>>
      %dma_start3A_187 = arith.constant 0 : i32
      %dma_start3A_188 = tpu.memref_slice %arg21[%add3A_53, %dma_start3A_187] : memref<10240x16xf32, #tpu.memory_space<vmem_shared>> -> memref<64x16xf32, #tpu.memory_space<vmem_shared>>
      tpu.enqueue_dma source(%arg20 : memref<64x16xf32, #tpu.memory_space<vmem>>) target(%dma_start3A_188 : memref<64x16xf32, #tpu.memory_space<vmem_shared>>) target_semaphore(%run_scoped3A_184 : memref<!tpu.dma_semaphore, #tpu.memory_space<semaphore_mem>>)
      %dma_wait3A_189 = arith.constant 0 : i32
      %dma_wait3A_190 = tpu.memref_slice %arg21[%add3A_53, %dma_wait3A_189] : memref<10240x16xf32, #tpu.memory_space<vmem_shared>> -> memref<64x16xf32, #tpu.memory_space<vmem_shared>>
      %dma_wait3A_191 = arith.constant 0 : i32
      %dma_wait3A_192 = tpu.memref_slice %arg21[%add3A_53, %dma_wait3A_191] : memref<10240x16xf32, #tpu.memory_space<vmem_shared>> -> memref<64x16xf32, #tpu.memory_space<vmem_shared>>
      tpu.wait_dma2 semaphore(%run_scoped3A_184 : memref<!tpu.dma_semaphore, #tpu.memory_space<semaphore_mem>>) src(%arg20 : memref<64x16xf32, #tpu.memory_space<vmem>>) dst(%dma_wait3A_192 : memref<64x16xf32, #tpu.memory_space<vmem_shared>>)
      tpu.yield
    }) : () -> ()
    %add3A_54 = arith.constant 320 : i32
    %add3A_55 = arith.addi %mul3A_33, %add3A_54 : i32
    "tpu.region"() ({
      %run_scoped3A_184 = tpu.sem_alloc : memref<!tpu.dma_semaphore, #tpu.memory_space<semaphore_mem>>
      %dma_start3A_185 = arith.constant 0 : i32
      %dma_start3A_186 = tpu.memref_slice %arg17[%add3A_55, %dma_start3A_185] : memref<10240x64xf32, #tpu.memory_space<vmem_shared>> -> memref<64x64xf32, #tpu.memory_space<vmem_shared>>
      %dma_start3A_187 = arith.constant 0 : i32
      %dma_start3A_188 = tpu.memref_slice %arg17[%add3A_55, %dma_start3A_187] : memref<10240x64xf32, #tpu.memory_space<vmem_shared>> -> memref<64x64xf32, #tpu.memory_space<vmem_shared>>
      tpu.enqueue_dma source(%arg16 : memref<64x64xf32, #tpu.memory_space<vmem>>) target(%dma_start3A_188 : memref<64x64xf32, #tpu.memory_space<vmem_shared>>) target_semaphore(%run_scoped3A_184 : memref<!tpu.dma_semaphore, #tpu.memory_space<semaphore_mem>>)
      %dma_wait3A_189 = arith.constant 0 : i32
      %dma_wait3A_190 = tpu.memref_slice %arg17[%add3A_55, %dma_wait3A_189] : memref<10240x64xf32, #tpu.memory_space<vmem_shared>> -> memref<64x64xf32, #tpu.memory_space<vmem_shared>>
      %dma_wait3A_191 = arith.constant 0 : i32
      %dma_wait3A_192 = tpu.memref_slice %arg17[%add3A_55, %dma_wait3A_191] : memref<10240x64xf32, #tpu.memory_space<vmem_shared>> -> memref<64x64xf32, #tpu.memory_space<vmem_shared>>
      tpu.wait_dma2 semaphore(%run_scoped3A_184 : memref<!tpu.dma_semaphore, #tpu.memory_space<semaphore_mem>>) src(%arg16 : memref<64x64xf32, #tpu.memory_space<vmem>>) dst(%dma_wait3A_192 : memref<64x64xf32, #tpu.memory_space<vmem_shared>>)
      tpu.yield
    }) : () -> ()
    %add3A_56 = arith.constant 320 : i32
    %add3A_57 = arith.addi %mul3A_33, %add3A_56 : i32
    "tpu.region"() ({
      %run_scoped3A_184 = tpu.sem_alloc : memref<!tpu.dma_semaphore, #tpu.memory_space<semaphore_mem>>
      %dma_start3A_185 = arith.constant 0 : i32
      %dma_start3A_186 = tpu.memref_slice %arg21[%add3A_57, %dma_start3A_185] : memref<10240x16xf32, #tpu.memory_space<vmem_shared>> -> memref<64x16xf32, #tpu.memory_space<vmem_shared>>
      %dma_start3A_187 = arith.constant 0 : i32
      %dma_start3A_188 = tpu.memref_slice %arg21[%add3A_57, %dma_start3A_187] : memref<10240x16xf32, #tpu.memory_space<vmem_shared>> -> memref<64x16xf32, #tpu.memory_space<vmem_shared>>
      tpu.enqueue_dma source(%arg20 : memref<64x16xf32, #tpu.memory_space<vmem>>) target(%dma_start3A_188 : memref<64x16xf32, #tpu.memory_space<vmem_shared>>) target_semaphore(%run_scoped3A_184 : memref<!tpu.dma_semaphore, #tpu.memory_space<semaphore_mem>>)
      %dma_wait3A_189 = arith.constant 0 : i32
      %dma_wait3A_190 = tpu.memref_slice %arg21[%add3A_57, %dma_wait3A_189] : memref<10240x16xf32, #tpu.memory_space<vmem_shared>> -> memref<64x16xf32, #tpu.memory_space<vmem_shared>>
      %dma_wait3A_191 = arith.constant 0 : i32
      %dma_wait3A_192 = tpu.memref_slice %arg21[%add3A_57, %dma_wait3A_191] : memref<10240x16xf32, #tpu.memory_space<vmem_shared>> -> memref<64x16xf32, #tpu.memory_space<vmem_shared>>
      tpu.wait_dma2 semaphore(%run_scoped3A_184 : memref<!tpu.dma_semaphore, #tpu.memory_space<semaphore_mem>>) src(%arg20 : memref<64x16xf32, #tpu.memory_space<vmem>>) dst(%dma_wait3A_192 : memref<64x16xf32, #tpu.memory_space<vmem_shared>>)
      tpu.yield
    }) : () -> ()
    %add3A_58 = arith.constant 384 : i32
    %add3A_59 = arith.addi %mul3A_33, %add3A_58 : i32
    "tpu.region"() ({
      %run_scoped3A_184 = tpu.sem_alloc : memref<!tpu.dma_semaphore, #tpu.memory_space<semaphore_mem>>
      %dma_start3A_185 = arith.constant 0 : i32
      %dma_start3A_186 = tpu.memref_slice %arg17[%add3A_59, %dma_start3A_185] : memref<10240x64xf32, #tpu.memory_space<vmem_shared>> -> memref<64x64xf32, #tpu.memory_space<vmem_shared>>
      %dma_start3A_187 = arith.constant 0 : i32
      %dma_start3A_188 = tpu.memref_slice %arg17[%add3A_59, %dma_start3A_187] : memref<10240x64xf32, #tpu.memory_space<vmem_shared>> -> memref<64x64xf32, #tpu.memory_space<vmem_shared>>
      tpu.enqueue_dma source(%arg16 : memref<64x64xf32, #tpu.memory_space<vmem>>) target(%dma_start3A_188 : memref<64x64xf32, #tpu.memory_space<vmem_shared>>) target_semaphore(%run_scoped3A_184 : memref<!tpu.dma_semaphore, #tpu.memory_space<semaphore_mem>>)
      %dma_wait3A_189 = arith.constant 0 : i32
      %dma_wait3A_190 = tpu.memref_slice %arg17[%add3A_59, %dma_wait3A_189] : memref<10240x64xf32, #tpu.memory_space<vmem_shared>> -> memref<64x64xf32, #tpu.memory_space<vmem_shared>>
      %dma_wait3A_191 = arith.constant 0 : i32
      %dma_wait3A_192 = tpu.memref_slice %arg17[%add3A_59, %dma_wait3A_191] : memref<10240x64xf32, #tpu.memory_space<vmem_shared>> -> memref<64x64xf32, #tpu.memory_space<vmem_shared>>
      tpu.wait_dma2 semaphore(%run_scoped3A_184 : memref<!tpu.dma_semaphore, #tpu.memory_space<semaphore_mem>>) src(%arg16 : memref<64x64xf32, #tpu.memory_space<vmem>>) dst(%dma_wait3A_192 : memref<64x64xf32, #tpu.memory_space<vmem_shared>>)
      tpu.yield
    }) : () -> ()
    %add3A_60 = arith.constant 384 : i32
    %add3A_61 = arith.addi %mul3A_33, %add3A_60 : i32
    "tpu.region"() ({
      %run_scoped3A_184 = tpu.sem_alloc : memref<!tpu.dma_semaphore, #tpu.memory_space<semaphore_mem>>
      %dma_start3A_185 = arith.constant 0 : i32
      %dma_start3A_186 = tpu.memref_slice %arg21[%add3A_61, %dma_start3A_185] : memref<10240x16xf32, #tpu.memory_space<vmem_shared>> -> memref<64x16xf32, #tpu.memory_space<vmem_shared>>
      %dma_start3A_187 = arith.constant 0 : i32
      %dma_start3A_188 = tpu.memref_slice %arg21[%add3A_61, %dma_start3A_187] : memref<10240x16xf32, #tpu.memory_space<vmem_shared>> -> memref<64x16xf32, #tpu.memory_space<vmem_shared>>
      tpu.enqueue_dma source(%arg20 : memref<64x16xf32, #tpu.memory_space<vmem>>) target(%dma_start3A_188 : memref<64x16xf32, #tpu.memory_space<vmem_shared>>) target_semaphore(%run_scoped3A_184 : memref<!tpu.dma_semaphore, #tpu.memory_space<semaphore_mem>>)
      %dma_wait3A_189 = arith.constant 0 : i32
      %dma_wait3A_190 = tpu.memref_slice %arg21[%add3A_61, %dma_wait3A_189] : memref<10240x16xf32, #tpu.memory_space<vmem_shared>> -> memref<64x16xf32, #tpu.memory_space<vmem_shared>>
      %dma_wait3A_191 = arith.constant 0 : i32
      %dma_wait3A_192 = tpu.memref_slice %arg21[%add3A_61, %dma_wait3A_191] : memref<10240x16xf32, #tpu.memory_space<vmem_shared>> -> memref<64x16xf32, #tpu.memory_space<vmem_shared>>
      tpu.wait_dma2 semaphore(%run_scoped3A_184 : memref<!tpu.dma_semaphore, #tpu.memory_space<semaphore_mem>>) src(%arg20 : memref<64x16xf32, #tpu.memory_space<vmem>>) dst(%dma_wait3A_192 : memref<64x16xf32, #tpu.memory_space<vmem_shared>>)
      tpu.yield
    }) : () -> ()
    %add3A_62 = arith.constant 448 : i32
    %add3A_63 = arith.addi %mul3A_33, %add3A_62 : i32
    "tpu.region"() ({
      %run_scoped3A_184 = tpu.sem_alloc : memref<!tpu.dma_semaphore, #tpu.memory_space<semaphore_mem>>
      %dma_start3A_185 = arith.constant 0 : i32
      %dma_start3A_186 = tpu.memref_slice %arg17[%add3A_63, %dma_start3A_185] : memref<10240x64xf32, #tpu.memory_space<vmem_shared>> -> memref<64x64xf32, #tpu.memory_space<vmem_shared>>
      %dma_start3A_187 = arith.constant 0 : i32
      %dma_start3A_188 = tpu.memref_slice %arg17[%add3A_63, %dma_start3A_187] : memref<10240x64xf32, #tpu.memory_space<vmem_shared>> -> memref<64x64xf32, #tpu.memory_space<vmem_shared>>
      tpu.enqueue_dma source(%arg16 : memref<64x64xf32, #tpu.memory_space<vmem>>) target(%dma_start3A_188 : memref<64x64xf32, #tpu.memory_space<vmem_shared>>) target_semaphore(%run_scoped3A_184 : memref<!tpu.dma_semaphore, #tpu.memory_space<semaphore_mem>>)
      %dma_wait3A_189 = arith.constant 0 : i32
      %dma_wait3A_190 = tpu.memref_slice %arg17[%add3A_63, %dma_wait3A_189] : memref<10240x64xf32, #tpu.memory_space<vmem_shared>> -> memref<64x64xf32, #tpu.memory_space<vmem_shared>>
      %dma_wait3A_191 = arith.constant 0 : i32
      %dma_wait3A_192 = tpu.memref_slice %arg17[%add3A_63, %dma_wait3A_191] : memref<10240x64xf32, #tpu.memory_space<vmem_shared>> -> memref<64x64xf32, #tpu.memory_space<vmem_shared>>
      tpu.wait_dma2 semaphore(%run_scoped3A_184 : memref<!tpu.dma_semaphore, #tpu.memory_space<semaphore_mem>>) src(%arg16 : memref<64x64xf32, #tpu.memory_space<vmem>>) dst(%dma_wait3A_192 : memref<64x64xf32, #tpu.memory_space<vmem_shared>>)
      tpu.yield
    }) : () -> ()
    %add3A_64 = arith.constant 448 : i32
    %add3A_65 = arith.addi %mul3A_33, %add3A_64 : i32
    "tpu.region"() ({
      %run_scoped3A_184 = tpu.sem_alloc : memref<!tpu.dma_semaphore, #tpu.memory_space<semaphore_mem>>
      %dma_start3A_185 = arith.constant 0 : i32
      %dma_start3A_186 = tpu.memref_slice %arg21[%add3A_65, %dma_start3A_185] : memref<10240x16xf32, #tpu.memory_space<vmem_shared>> -> memref<64x16xf32, #tpu.memory_space<vmem_shared>>
      %dma_start3A_187 = arith.constant 0 : i32
      %dma_start3A_188 = tpu.memref_slice %arg21[%add3A_65, %dma_start3A_187] : memref<10240x16xf32, #tpu.memory_space<vmem_shared>> -> memref<64x16xf32, #tpu.memory_space<vmem_shared>>
      tpu.enqueue_dma source(%arg20 : memref<64x16xf32, #tpu.memory_space<vmem>>) target(%dma_start3A_188 : memref<64x16xf32, #tpu.memory_space<vmem_shared>>) target_semaphore(%run_scoped3A_184 : memref<!tpu.dma_semaphore, #tpu.memory_space<semaphore_mem>>)
      %dma_wait3A_189 = arith.constant 0 : i32
      %dma_wait3A_190 = tpu.memref_slice %arg21[%add3A_65, %dma_wait3A_189] : memref<10240x16xf32, #tpu.memory_space<vmem_shared>> -> memref<64x16xf32, #tpu.memory_space<vmem_shared>>
      %dma_wait3A_191 = arith.constant 0 : i32
      %dma_wait3A_192 = tpu.memref_slice %arg21[%add3A_65, %dma_wait3A_191] : memref<10240x16xf32, #tpu.memory_space<vmem_shared>> -> memref<64x16xf32, #tpu.memory_space<vmem_shared>>
      tpu.wait_dma2 semaphore(%run_scoped3A_184 : memref<!tpu.dma_semaphore, #tpu.memory_space<semaphore_mem>>) src(%arg20 : memref<64x16xf32, #tpu.memory_space<vmem>>) dst(%dma_wait3A_192 : memref<64x16xf32, #tpu.memory_space<vmem_shared>>)
      tpu.yield
    }) : () -> ()
    %add3A_66 = arith.constant 512 : i32
    %add3A_67 = arith.addi %mul3A_33, %add3A_66 : i32
    "tpu.region"() ({
      %run_scoped3A_184 = tpu.sem_alloc : memref<!tpu.dma_semaphore, #tpu.memory_space<semaphore_mem>>
      %dma_start3A_185 = arith.constant 0 : i32
      %dma_start3A_186 = tpu.memref_slice %arg17[%add3A_67, %dma_start3A_185] : memref<10240x64xf32, #tpu.memory_space<vmem_shared>> -> memref<64x64xf32, #tpu.memory_space<vmem_shared>>
      %dma_start3A_187 = arith.constant 0 : i32
      %dma_start3A_188 = tpu.memref_slice %arg17[%add3A_67, %dma_start3A_187] : memref<10240x64xf32, #tpu.memory_space<vmem_shared>> -> memref<64x64xf32, #tpu.memory_space<vmem_shared>>
      tpu.enqueue_dma source(%arg16 : memref<64x64xf32, #tpu.memory_space<vmem>>) target(%dma_start3A_188 : memref<64x64xf32, #tpu.memory_space<vmem_shared>>) target_semaphore(%run_scoped3A_184 : memref<!tpu.dma_semaphore, #tpu.memory_space<semaphore_mem>>)
      %dma_wait3A_189 = arith.constant 0 : i32
      %dma_wait3A_190 = tpu.memref_slice %arg17[%add3A_67, %dma_wait3A_189] : memref<10240x64xf32, #tpu.memory_space<vmem_shared>> -> memref<64x64xf32, #tpu.memory_space<vmem_shared>>
      %dma_wait3A_191 = arith.constant 0 : i32
      %dma_wait3A_192 = tpu.memref_slice %arg17[%add3A_67, %dma_wait3A_191] : memref<10240x64xf32, #tpu.memory_space<vmem_shared>> -> memref<64x64xf32, #tpu.memory_space<vmem_shared>>
      tpu.wait_dma2 semaphore(%run_scoped3A_184 : memref<!tpu.dma_semaphore, #tpu.memory_space<semaphore_mem>>) src(%arg16 : memref<64x64xf32, #tpu.memory_space<vmem>>) dst(%dma_wait3A_192 : memref<64x64xf32, #tpu.memory_space<vmem_shared>>)
      tpu.yield
    }) : () -> ()
    %add3A_68 = arith.constant 512 : i32
    %add3A_69 = arith.addi %mul3A_33, %add3A_68 : i32
    "tpu.region"() ({
      %run_scoped3A_184 = tpu.sem_alloc : memref<!tpu.dma_semaphore, #tpu.memory_space<semaphore_mem>>
      %dma_start3A_185 = arith.constant 0 : i32
      %dma_start3A_186 = tpu.memref_slice %arg21[%add3A_69, %dma_start3A_185] : memref<10240x16xf32, #tpu.memory_space<vmem_shared>> -> memref<64x16xf32, #tpu.memory_space<vmem_shared>>
      %dma_start3A_187 = arith.constant 0 : i32
      %dma_start3A_188 = tpu.memref_slice %arg21[%add3A_69, %dma_start3A_187] : memref<10240x16xf32, #tpu.memory_space<vmem_shared>> -> memref<64x16xf32, #tpu.memory_space<vmem_shared>>
      tpu.enqueue_dma source(%arg20 : memref<64x16xf32, #tpu.memory_space<vmem>>) target(%dma_start3A_188 : memref<64x16xf32, #tpu.memory_space<vmem_shared>>) target_semaphore(%run_scoped3A_184 : memref<!tpu.dma_semaphore, #tpu.memory_space<semaphore_mem>>)
      %dma_wait3A_189 = arith.constant 0 : i32
      %dma_wait3A_190 = tpu.memref_slice %arg21[%add3A_69, %dma_wait3A_189] : memref<10240x16xf32, #tpu.memory_space<vmem_shared>> -> memref<64x16xf32, #tpu.memory_space<vmem_shared>>
      %dma_wait3A_191 = arith.constant 0 : i32
      %dma_wait3A_192 = tpu.memref_slice %arg21[%add3A_69, %dma_wait3A_191] : memref<10240x16xf32, #tpu.memory_space<vmem_shared>> -> memref<64x16xf32, #tpu.memory_space<vmem_shared>>
      tpu.wait_dma2 semaphore(%run_scoped3A_184 : memref<!tpu.dma_semaphore, #tpu.memory_space<semaphore_mem>>) src(%arg20 : memref<64x16xf32, #tpu.memory_space<vmem>>) dst(%dma_wait3A_192 : memref<64x16xf32, #tpu.memory_space<vmem_shared>>)
      tpu.yield
    }) : () -> ()
    %add3A_70 = arith.constant 576 : i32
    %add3A_71 = arith.addi %mul3A_33, %add3A_70 : i32
    "tpu.region"() ({
      %run_scoped3A_184 = tpu.sem_alloc : memref<!tpu.dma_semaphore, #tpu.memory_space<semaphore_mem>>
      %dma_start3A_185 = arith.constant 0 : i32
      %dma_start3A_186 = tpu.memref_slice %arg17[%add3A_71, %dma_start3A_185] : memref<10240x64xf32, #tpu.memory_space<vmem_shared>> -> memref<64x64xf32, #tpu.memory_space<vmem_shared>>
      %dma_start3A_187 = arith.constant 0 : i32
      %dma_start3A_188 = tpu.memref_slice %arg17[%add3A_71, %dma_start3A_187] : memref<10240x64xf32, #tpu.memory_space<vmem_shared>> -> memref<64x64xf32, #tpu.memory_space<vmem_shared>>
      tpu.enqueue_dma source(%arg16 : memref<64x64xf32, #tpu.memory_space<vmem>>) target(%dma_start3A_188 : memref<64x64xf32, #tpu.memory_space<vmem_shared>>) target_semaphore(%run_scoped3A_184 : memref<!tpu.dma_semaphore, #tpu.memory_space<semaphore_mem>>)
      %dma_wait3A_189 = arith.constant 0 : i32
      %dma_wait3A_190 = tpu.memref_slice %arg17[%add3A_71, %dma_wait3A_189] : memref<10240x64xf32, #tpu.memory_space<vmem_shared>> -> memref<64x64xf32, #tpu.memory_space<vmem_shared>>
      %dma_wait3A_191 = arith.constant 0 : i32
      %dma_wait3A_192 = tpu.memref_slice %arg17[%add3A_71, %dma_wait3A_191] : memref<10240x64xf32, #tpu.memory_space<vmem_shared>> -> memref<64x64xf32, #tpu.memory_space<vmem_shared>>
      tpu.wait_dma2 semaphore(%run_scoped3A_184 : memref<!tpu.dma_semaphore, #tpu.memory_space<semaphore_mem>>) src(%arg16 : memref<64x64xf32, #tpu.memory_space<vmem>>) dst(%dma_wait3A_192 : memref<64x64xf32, #tpu.memory_space<vmem_shared>>)
      tpu.yield
    }) : () -> ()
    %add3A_72 = arith.constant 576 : i32
    %add3A_73 = arith.addi %mul3A_33, %add3A_72 : i32
    "tpu.region"() ({
      %run_scoped3A_184 = tpu.sem_alloc : memref<!tpu.dma_semaphore, #tpu.memory_space<semaphore_mem>>
      %dma_start3A_185 = arith.constant 0 : i32
      %dma_start3A_186 = tpu.memref_slice %arg21[%add3A_73, %dma_start3A_185] : memref<10240x16xf32, #tpu.memory_space<vmem_shared>> -> memref<64x16xf32, #tpu.memory_space<vmem_shared>>
      %dma_start3A_187 = arith.constant 0 : i32
      %dma_start3A_188 = tpu.memref_slice %arg21[%add3A_73, %dma_start3A_187] : memref<10240x16xf32, #tpu.memory_space<vmem_shared>> -> memref<64x16xf32, #tpu.memory_space<vmem_shared>>
      tpu.enqueue_dma source(%arg20 : memref<64x16xf32, #tpu.memory_space<vmem>>) target(%dma_start3A_188 : memref<64x16xf32, #tpu.memory_space<vmem_shared>>) target_semaphore(%run_scoped3A_184 : memref<!tpu.dma_semaphore, #tpu.memory_space<semaphore_mem>>)
      %dma_wait3A_189 = arith.constant 0 : i32
      %dma_wait3A_190 = tpu.memref_slice %arg21[%add3A_73, %dma_wait3A_189] : memref<10240x16xf32, #tpu.memory_space<vmem_shared>> -> memref<64x16xf32, #tpu.memory_space<vmem_shared>>
      %dma_wait3A_191 = arith.constant 0 : i32
      %dma_wait3A_192 = tpu.memref_slice %arg21[%add3A_73, %dma_wait3A_191] : memref<10240x16xf32, #tpu.memory_space<vmem_shared>> -> memref<64x16xf32, #tpu.memory_space<vmem_shared>>
      tpu.wait_dma2 semaphore(%run_scoped3A_184 : memref<!tpu.dma_semaphore, #tpu.memory_space<semaphore_mem>>) src(%arg20 : memref<64x16xf32, #tpu.memory_space<vmem>>) dst(%dma_wait3A_192 : memref<64x16xf32, #tpu.memory_space<vmem_shared>>)
      tpu.yield
    }) : () -> ()
    %dma_wait3A = arith.constant 0 : i32
    %dma_wait3A_74 = arith.constant 0 : i32
    %dma_wait3A_75 = arith.constant 0 : i32
    %dma_wait3A_76 = tpu.memref_slice %arg5[%dma_wait3A, %dma_wait3A_74, %dma_wait3A_75] : memref<79x2x128xi32, #tpu.memory_space<vmem>> -> memref<78x2x128xi32, #tpu.memory_space<vmem>>
    %dma_wait3A_77 = arith.constant 0 : i32
    %dma_wait3A_78 = arith.constant 0 : i32
    %dma_wait3A_79 = tpu.memref_slice %arg3[%add3A_4, %dma_wait3A_77, %dma_wait3A_78] : memref<2500x2x128xi32, #tpu.memory_space<hbm>> -> memref<78x2x128xi32, #tpu.memory_space<hbm>>
    %dma_wait3A_80 = arith.constant 0 : i32
    %dma_wait3A_81 = arith.constant 0 : i32
    %dma_wait3A_82 = arith.constant 0 : i32
    %dma_wait3A_83 = tpu.memref_slice %arg5[%dma_wait3A_80, %dma_wait3A_81, %dma_wait3A_82] : memref<79x2x128xi32, #tpu.memory_space<vmem>> -> memref<78x2x128xi32, #tpu.memory_space<vmem>>
    %dma_wait3A_84 = arith.constant 0 : i32
    %dma_wait3A_85 = arith.constant 0 : i32
    %dma_wait3A_86 = tpu.memref_slice %arg3[%add3A_4, %dma_wait3A_84, %dma_wait3A_85] : memref<2500x2x128xi32, #tpu.memory_space<hbm>> -> memref<78x2x128xi32, #tpu.memory_space<hbm>>
    tpu.wait_dma2 semaphore(%arg18 : memref<!tpu.dma_semaphore, #tpu.memory_space<semaphore_mem>>) src(%dma_wait3A_86 : memref<78x2x128xi32, #tpu.memory_space<hbm>>) dst(%dma_wait3A_83 : memref<78x2x128xi32, #tpu.memory_space<vmem>>)
    %convert_element_type3A_87 = arith.extui %lt3A_5 : i1 to i32
    %cond3A_88 = arith.constant 0 : i32
    %cond3A_89 = arith.cmpi ne, %convert_element_type3A_87, %cond3A_88 : i32
    scf.if %cond3A_89 {
      %add3A_184 = arith.constant 78 : i32
      %add3A_185 = arith.addi %add3A_4, %add3A_184 : i32
      %dma_wait3A_186 = arith.constant 78 : i32
      %dma_wait3A_187 = arith.constant 0 : i32
      %dma_wait3A_188 = arith.constant 0 : i32
      %dma_wait3A_189 = tpu.memref_slice %arg5[%dma_wait3A_186, %dma_wait3A_187, %dma_wait3A_188] : memref<79x2x128xi32, #tpu.memory_space<vmem>> -> memref<1x2x128xi32, #tpu.memory_space<vmem>>
      %dma_wait3A_190 = arith.constant 0 : i32
      %dma_wait3A_191 = arith.constant 0 : i32
      %dma_wait3A_192 = tpu.memref_slice %arg3[%add3A_185, %dma_wait3A_190, %dma_wait3A_191] : memref<2500x2x128xi32, #tpu.memory_space<hbm>> -> memref<1x2x128xi32, #tpu.memory_space<hbm>>
      %dma_wait3A_193 = arith.constant 78 : i32
      %dma_wait3A_194 = arith.constant 0 : i32
      %dma_wait3A_195 = arith.constant 0 : i32
      %dma_wait3A_196 = tpu.memref_slice %arg5[%dma_wait3A_193, %dma_wait3A_194, %dma_wait3A_195] : memref<79x2x128xi32, #tpu.memory_space<vmem>> -> memref<1x2x128xi32, #tpu.memory_space<vmem>>
      %dma_wait3A_197 = arith.constant 0 : i32
      %dma_wait3A_198 = arith.constant 0 : i32
      %dma_wait3A_199 = tpu.memref_slice %arg3[%add3A_185, %dma_wait3A_197, %dma_wait3A_198] : memref<2500x2x128xi32, #tpu.memory_space<hbm>> -> memref<1x2x128xi32, #tpu.memory_space<hbm>>
      tpu.wait_dma2 semaphore(%arg18 : memref<!tpu.dma_semaphore, #tpu.memory_space<semaphore_mem>>) src(%dma_wait3A_199 : memref<1x2x128xi32, #tpu.memory_space<hbm>>) dst(%dma_wait3A_196 : memref<1x2x128xi32, #tpu.memory_space<vmem>>)
    } else {
    }
    %while3A = arith.constant 0 : i32
    %while3A_90 = arith.constant 0 : i32
    %while3A_91 = arith.subi %select_n3A, %while3A_90 : i32
    %while3A_92 = arith.addi %while3A_90, %while3A_91 : i32
    %while3A_93 = arith.constant 1 : i32
    %while3A_94 = arith.divsi %while3A_91, %while3A_93 : i32
    %while3A_95 = arith.muli %while3A_94, %while3A_93 : i32
    %while3A_96 = arith.addi %while3A_90, %while3A_95 : i32
    %while3A_97 = arith.constant 1 : i32
    scf.for %while3A_184 = %while3A_90 to %while3A_96 step %while3A_97  : i32 {
      %get3A = arith.constant 0 : i32
      %get3A_185 = arith.index_cast %while3A_184 : i32 to index
      %get3A_186 = arith.index_cast %get3A : i32 to index
      %get3A_187 = arith.constant 0 : index
      %get3A_188 = tpu.vector_load %arg5[%get3A_185, %get3A_186, %get3A_187] {strides = array<i32>} : memref<79x2x128xi32, #tpu.memory_space<vmem>>, vector<1x1x16xi32>,
      %get3A_189 = vector.shape_cast %get3A_188 : vector<1x1x16xi32> to vector<16xi32>
      %mul3A_190 = arith.constant 2 : i32
      %mul3A_191 = vector.broadcast %mul3A_190 : i32 to vector<16xi32>
      %mul3A_192 = arith.muli %get3A_189, %mul3A_191 : vector<16xi32>
      %swap3A = arith.constant 0 : i32
      %swap3A_193 = arith.index_cast %while3A_184 : i32 to index
      %swap3A_194 = arith.index_cast %swap3A : i32 to index
      %swap3A_195 = arith.constant 0 : index
      %swap3A_196 = tpu.vector_load %arg5[%swap3A_193, %swap3A_194, %swap3A_195] {strides = array<i32>} : memref<79x2x128xi32, #tpu.memory_space<vmem>>, vector<1x1x16xi32>,
      %swap3A_197 = vector.shape_cast %swap3A_196 : vector<1x1x16xi32> to vector<16xi32>
      %swap3A_198 = vector.shape_cast %mul3A_192 : vector<16xi32> to vector<1x1x16xi32>
      tpu.vector_store %arg5[%swap3A_193, %swap3A_194, %swap3A_195], %swap3A_198 {strides = array<i32>} : memref<79x2x128xi32, #tpu.memory_space<vmem>>, vector<1x1x16xi32>,
      %get3A_199 = arith.constant 0 : i32
      %get3A_200 = arith.index_cast %while3A_184 : i32 to index
      %get3A_201 = arith.index_cast %get3A_199 : i32 to index
      %get3A_202 = arith.constant 16 : index
      %get3A_203 = tpu.vector_load %arg5[%get3A_200, %get3A_201, %get3A_202] {strides = array<i32>} : memref<79x2x128xi32, #tpu.memory_space<vmem>>, vector<1x1x16xi32>,
      %get3A_204 = vector.shape_cast %get3A_203 : vector<1x1x16xi32> to vector<16xi32>
      %mul3A_205 = arith.constant 2 : i32
      %mul3A_206 = vector.broadcast %mul3A_205 : i32 to vector<16xi32>
      %mul3A_207 = arith.muli %get3A_204, %mul3A_206 : vector<16xi32>
      %swap3A_208 = arith.constant 0 : i32
      %swap3A_209 = arith.index_cast %while3A_184 : i32 to index
      %swap3A_210 = arith.index_cast %swap3A_208 : i32 to index
      %swap3A_211 = arith.constant 16 : index
      %swap3A_212 = tpu.vector_load %arg5[%swap3A_209, %swap3A_210, %swap3A_211] {strides = array<i32>} : memref<79x2x128xi32, #tpu.memory_space<vmem>>, vector<1x1x16xi32>,
      %swap3A_213 = vector.shape_cast %swap3A_212 : vector<1x1x16xi32> to vector<16xi32>
      %swap3A_214 = vector.shape_cast %mul3A_207 : vector<16xi32> to vector<1x1x16xi32>
      tpu.vector_store %arg5[%swap3A_209, %swap3A_210, %swap3A_211], %swap3A_214 {strides = array<i32>} : memref<79x2x128xi32, #tpu.memory_space<vmem>>, vector<1x1x16xi32>,
      %get3A_215 = arith.constant 0 : i32
      %get3A_216 = arith.index_cast %while3A_184 : i32 to index
      %get3A_217 = arith.index_cast %get3A_215 : i32 to index
      %get3A_218 = arith.constant 32 : index
      %get3A_219 = tpu.vector_load %arg5[%get3A_216, %get3A_217, %get3A_218] {strides = array<i32>} : memref<79x2x128xi32, #tpu.memory_space<vmem>>, vector<1x1x16xi32>,
      %get3A_220 = vector.shape_cast %get3A_219 : vector<1x1x16xi32> to vector<16xi32>
      %mul3A_221 = arith.constant 2 : i32
      %mul3A_222 = vector.broadcast %mul3A_221 : i32 to vector<16xi32>
      %mul3A_223 = arith.muli %get3A_220, %mul3A_222 : vector<16xi32>
      %swap3A_224 = arith.constant 0 : i32
      %swap3A_225 = arith.index_cast %while3A_184 : i32 to index
      %swap3A_226 = arith.index_cast %swap3A_224 : i32 to index
      %swap3A_227 = arith.constant 32 : index
      %swap3A_228 = tpu.vector_load %arg5[%swap3A_225, %swap3A_226, %swap3A_227] {strides = array<i32>} : memref<79x2x128xi32, #tpu.memory_space<vmem>>, vector<1x1x16xi32>,
      %swap3A_229 = vector.shape_cast %swap3A_228 : vector<1x1x16xi32> to vector<16xi32>
      %swap3A_230 = vector.shape_cast %mul3A_223 : vector<16xi32> to vector<1x1x16xi32>
      tpu.vector_store %arg5[%swap3A_225, %swap3A_226, %swap3A_227], %swap3A_230 {strides = array<i32>} : memref<79x2x128xi32, #tpu.memory_space<vmem>>, vector<1x1x16xi32>,
      %get3A_231 = arith.constant 0 : i32
      %get3A_232 = arith.index_cast %while3A_184 : i32 to index
      %get3A_233 = arith.index_cast %get3A_231 : i32 to index
      %get3A_234 = arith.constant 48 : index
      %get3A_235 = tpu.vector_load %arg5[%get3A_232, %get3A_233, %get3A_234] {strides = array<i32>} : memref<79x2x128xi32, #tpu.memory_space<vmem>>, vector<1x1x16xi32>,
      %get3A_236 = vector.shape_cast %get3A_235 : vector<1x1x16xi32> to vector<16xi32>
      %mul3A_237 = arith.constant 2 : i32
      %mul3A_238 = vector.broadcast %mul3A_237 : i32 to vector<16xi32>
      %mul3A_239 = arith.muli %get3A_236, %mul3A_238 : vector<16xi32>
      %swap3A_240 = arith.constant 0 : i32
      %swap3A_241 = arith.index_cast %while3A_184 : i32 to index
      %swap3A_242 = arith.index_cast %swap3A_240 : i32 to index
      %swap3A_243 = arith.constant 48 : index
      %swap3A_244 = tpu.vector_load %arg5[%swap3A_241, %swap3A_242, %swap3A_243] {strides = array<i32>} : memref<79x2x128xi32, #tpu.memory_space<vmem>>, vector<1x1x16xi32>,
      %swap3A_245 = vector.shape_cast %swap3A_244 : vector<1x1x16xi32> to vector<16xi32>
      %swap3A_246 = vector.shape_cast %mul3A_239 : vector<16xi32> to vector<1x1x16xi32>
      tpu.vector_store %arg5[%swap3A_241, %swap3A_242, %swap3A_243], %swap3A_246 {strides = array<i32>} : memref<79x2x128xi32, #tpu.memory_space<vmem>>, vector<1x1x16xi32>,
      %get3A_247 = arith.constant 0 : i32
      %get3A_248 = arith.index_cast %while3A_184 : i32 to index
      %get3A_249 = arith.index_cast %get3A_247 : i32 to index
      %get3A_250 = arith.constant 64 : index
      %get3A_251 = tpu.vector_load %arg5[%get3A_248, %get3A_249, %get3A_250] {strides = array<i32>} : memref<79x2x128xi32, #tpu.memory_space<vmem>>, vector<1x1x16xi32>,
      %get3A_252 = vector.shape_cast %get3A_251 : vector<1x1x16xi32> to vector<16xi32>
      %mul3A_253 = arith.constant 2 : i32
      %mul3A_254 = vector.broadcast %mul3A_253 : i32 to vector<16xi32>
      %mul3A_255 = arith.muli %get3A_252, %mul3A_254 : vector<16xi32>
      %swap3A_256 = arith.constant 0 : i32
      %swap3A_257 = arith.index_cast %while3A_184 : i32 to index
      %swap3A_258 = arith.index_cast %swap3A_256 : i32 to index
      %swap3A_259 = arith.constant 64 : index
      %swap3A_260 = tpu.vector_load %arg5[%swap3A_257, %swap3A_258, %swap3A_259] {strides = array<i32>} : memref<79x2x128xi32, #tpu.memory_space<vmem>>, vector<1x1x16xi32>,
      %swap3A_261 = vector.shape_cast %swap3A_260 : vector<1x1x16xi32> to vector<16xi32>
      %swap3A_262 = vector.shape_cast %mul3A_255 : vector<16xi32> to vector<1x1x16xi32>
      tpu.vector_store %arg5[%swap3A_257, %swap3A_258, %swap3A_259], %swap3A_262 {strides = array<i32>} : memref<79x2x128xi32, #tpu.memory_space<vmem>>, vector<1x1x16xi32>,
      %get3A_263 = arith.constant 0 : i32
      %get3A_264 = arith.index_cast %while3A_184 : i32 to index
      %get3A_265 = arith.index_cast %get3A_263 : i32 to index
      %get3A_266 = arith.constant 80 : index
      %get3A_267 = tpu.vector_load %arg5[%get3A_264, %get3A_265, %get3A_266] {strides = array<i32>} : memref<79x2x128xi32, #tpu.memory_space<vmem>>, vector<1x1x16xi32>,
      %get3A_268 = vector.shape_cast %get3A_267 : vector<1x1x16xi32> to vector<16xi32>
      %mul3A_269 = arith.constant 2 : i32
      %mul3A_270 = vector.broadcast %mul3A_269 : i32 to vector<16xi32>
      %mul3A_271 = arith.muli %get3A_268, %mul3A_270 : vector<16xi32>
      %swap3A_272 = arith.constant 0 : i32
      %swap3A_273 = arith.index_cast %while3A_184 : i32 to index
      %swap3A_274 = arith.index_cast %swap3A_272 : i32 to index
      %swap3A_275 = arith.constant 80 : index
      %swap3A_276 = tpu.vector_load %arg5[%swap3A_273, %swap3A_274, %swap3A_275] {strides = array<i32>} : memref<79x2x128xi32, #tpu.memory_space<vmem>>, vector<1x1x16xi32>,
      %swap3A_277 = vector.shape_cast %swap3A_276 : vector<1x1x16xi32> to vector<16xi32>
      %swap3A_278 = vector.shape_cast %mul3A_271 : vector<16xi32> to vector<1x1x16xi32>
      tpu.vector_store %arg5[%swap3A_273, %swap3A_274, %swap3A_275], %swap3A_278 {strides = array<i32>} : memref<79x2x128xi32, #tpu.memory_space<vmem>>, vector<1x1x16xi32>,
      %get3A_279 = arith.constant 0 : i32
      %get3A_280 = arith.index_cast %while3A_184 : i32 to index
      %get3A_281 = arith.index_cast %get3A_279 : i32 to index
      %get3A_282 = arith.constant 96 : index
      %get3A_283 = tpu.vector_load %arg5[%get3A_280, %get3A_281, %get3A_282] {strides = array<i32>} : memref<79x2x128xi32, #tpu.memory_space<vmem>>, vector<1x1x16xi32>,
      %get3A_284 = vector.shape_cast %get3A_283 : vector<1x1x16xi32> to vector<16xi32>
      %mul3A_285 = arith.constant 2 : i32
      %mul3A_286 = vector.broadcast %mul3A_285 : i32 to vector<16xi32>
      %mul3A_287 = arith.muli %get3A_284, %mul3A_286 : vector<16xi32>
      %swap3A_288 = arith.constant 0 : i32
      %swap3A_289 = arith.index_cast %while3A_184 : i32 to index
      %swap3A_290 = arith.index_cast %swap3A_288 : i32 to index
      %swap3A_291 = arith.constant 96 : index
      %swap3A_292 = tpu.vector_load %arg5[%swap3A_289, %swap3A_290, %swap3A_291] {strides = array<i32>} : memref<79x2x128xi32, #tpu.memory_space<vmem>>, vector<1x1x16xi32>,
      %swap3A_293 = vector.shape_cast %swap3A_292 : vector<1x1x16xi32> to vector<16xi32>
      %swap3A_294 = vector.shape_cast %mul3A_287 : vector<16xi32> to vector<1x1x16xi32>
      tpu.vector_store %arg5[%swap3A_289, %swap3A_290, %swap3A_291], %swap3A_294 {strides = array<i32>} : memref<79x2x128xi32, #tpu.memory_space<vmem>>, vector<1x1x16xi32>,
      %get3A_295 = arith.constant 0 : i32
      %get3A_296 = arith.index_cast %while3A_184 : i32 to index
      %get3A_297 = arith.index_cast %get3A_295 : i32 to index
      %get3A_298 = arith.constant 112 : index
      %get3A_299 = tpu.vector_load %arg5[%get3A_296, %get3A_297, %get3A_298] {strides = array<i32>} : memref<79x2x128xi32, #tpu.memory_space<vmem>>, vector<1x1x16xi32>,
      %get3A_300 = vector.shape_cast %get3A_299 : vector<1x1x16xi32> to vector<16xi32>
      %mul3A_301 = arith.constant 2 : i32
      %mul3A_302 = vector.broadcast %mul3A_301 : i32 to vector<16xi32>
      %mul3A_303 = arith.muli %get3A_300, %mul3A_302 : vector<16xi32>
      %swap3A_304 = arith.constant 0 : i32
      %swap3A_305 = arith.index_cast %while3A_184 : i32 to index
      %swap3A_306 = arith.index_cast %swap3A_304 : i32 to index
      %swap3A_307 = arith.constant 112 : index
      %swap3A_308 = tpu.vector_load %arg5[%swap3A_305, %swap3A_306, %swap3A_307] {strides = array<i32>} : memref<79x2x128xi32, #tpu.memory_space<vmem>>, vector<1x1x16xi32>,
      %swap3A_309 = vector.shape_cast %swap3A_308 : vector<1x1x16xi32> to vector<16xi32>
      %swap3A_310 = vector.shape_cast %mul3A_303 : vector<16xi32> to vector<1x1x16xi32>
      tpu.vector_store %arg5[%swap3A_305, %swap3A_306, %swap3A_307], %swap3A_310 {strides = array<i32>} : memref<79x2x128xi32, #tpu.memory_space<vmem>>, vector<1x1x16xi32>,
    }
    %while3A_98 = arith.constant 1 : i32
    scf.for %while3A_184 = %while3A_96 to %while3A_92 step %while3A_98  : i32 {
      %get3A = arith.constant 0 : i32
      %get3A_185 = arith.index_cast %while3A_184 : i32 to index
      %get3A_186 = arith.index_cast %get3A : i32 to index
      %get3A_187 = arith.constant 0 : index
      %get3A_188 = tpu.vector_load %arg5[%get3A_185, %get3A_186, %get3A_187] {strides = array<i32>} : memref<79x2x128xi32, #tpu.memory_space<vmem>>, vector<1x1x16xi32>,
      %get3A_189 = vector.shape_cast %get3A_188 : vector<1x1x16xi32> to vector<16xi32>
      %mul3A_190 = arith.constant 2 : i32
      %mul3A_191 = vector.broadcast %mul3A_190 : i32 to vector<16xi32>
      %mul3A_192 = arith.muli %get3A_189, %mul3A_191 : vector<16xi32>
      %swap3A = arith.constant 0 : i32
      %swap3A_193 = arith.index_cast %while3A_184 : i32 to index
      %swap3A_194 = arith.index_cast %swap3A : i32 to index
      %swap3A_195 = arith.constant 0 : index
      %swap3A_196 = tpu.vector_load %arg5[%swap3A_193, %swap3A_194, %swap3A_195] {strides = array<i32>} : memref<79x2x128xi32, #tpu.memory_space<vmem>>, vector<1x1x16xi32>,
      %swap3A_197 = vector.shape_cast %swap3A_196 : vector<1x1x16xi32> to vector<16xi32>
      %swap3A_198 = vector.shape_cast %mul3A_192 : vector<16xi32> to vector<1x1x16xi32>
      tpu.vector_store %arg5[%swap3A_193, %swap3A_194, %swap3A_195], %swap3A_198 {strides = array<i32>} : memref<79x2x128xi32, #tpu.memory_space<vmem>>, vector<1x1x16xi32>,
      %get3A_199 = arith.constant 0 : i32
      %get3A_200 = arith.index_cast %while3A_184 : i32 to index
      %get3A_201 = arith.index_cast %get3A_199 : i32 to index
      %get3A_202 = arith.constant 16 : index
      %get3A_203 = tpu.vector_load %arg5[%get3A_200, %get3A_201, %get3A_202] {strides = array<i32>} : memref<79x2x128xi32, #tpu.memory_space<vmem>>, vector<1x1x16xi32>,
      %get3A_204 = vector.shape_cast %get3A_203 : vector<1x1x16xi32> to vector<16xi32>
      %mul3A_205 = arith.constant 2 : i32
      %mul3A_206 = vector.broadcast %mul3A_205 : i32 to vector<16xi32>
      %mul3A_207 = arith.muli %get3A_204, %mul3A_206 : vector<16xi32>
      %swap3A_208 = arith.constant 0 : i32
      %swap3A_209 = arith.index_cast %while3A_184 : i32 to index
      %swap3A_210 = arith.index_cast %swap3A_208 : i32 to index
      %swap3A_211 = arith.constant 16 : index
      %swap3A_212 = tpu.vector_load %arg5[%swap3A_209, %swap3A_210, %swap3A_211] {strides = array<i32>} : memref<79x2x128xi32, #tpu.memory_space<vmem>>, vector<1x1x16xi32>,
      %swap3A_213 = vector.shape_cast %swap3A_212 : vector<1x1x16xi32> to vector<16xi32>
      %swap3A_214 = vector.shape_cast %mul3A_207 : vector<16xi32> to vector<1x1x16xi32>
      tpu.vector_store %arg5[%swap3A_209, %swap3A_210, %swap3A_211], %swap3A_214 {strides = array<i32>} : memref<79x2x128xi32, #tpu.memory_space<vmem>>, vector<1x1x16xi32>,
      %get3A_215 = arith.constant 0 : i32
      %get3A_216 = arith.index_cast %while3A_184 : i32 to index
      %get3A_217 = arith.index_cast %get3A_215 : i32 to index
      %get3A_218 = arith.constant 32 : index
      %get3A_219 = tpu.vector_load %arg5[%get3A_216, %get3A_217, %get3A_218] {strides = array<i32>} : memref<79x2x128xi32, #tpu.memory_space<vmem>>, vector<1x1x16xi32>,
      %get3A_220 = vector.shape_cast %get3A_219 : vector<1x1x16xi32> to vector<16xi32>
      %mul3A_221 = arith.constant 2 : i32
      %mul3A_222 = vector.broadcast %mul3A_221 : i32 to vector<16xi32>
      %mul3A_223 = arith.muli %get3A_220, %mul3A_222 : vector<16xi32>
      %swap3A_224 = arith.constant 0 : i32
      %swap3A_225 = arith.index_cast %while3A_184 : i32 to index
      %swap3A_226 = arith.index_cast %swap3A_224 : i32 to index
      %swap3A_227 = arith.constant 32 : index
      %swap3A_228 = tpu.vector_load %arg5[%swap3A_225, %swap3A_226, %swap3A_227] {strides = array<i32>} : memref<79x2x128xi32, #tpu.memory_space<vmem>>, vector<1x1x16xi32>,
      %swap3A_229 = vector.shape_cast %swap3A_228 : vector<1x1x16xi32> to vector<16xi32>
      %swap3A_230 = vector.shape_cast %mul3A_223 : vector<16xi32> to vector<1x1x16xi32>
      tpu.vector_store %arg5[%swap3A_225, %swap3A_226, %swap3A_227], %swap3A_230 {strides = array<i32>} : memref<79x2x128xi32, #tpu.memory_space<vmem>>, vector<1x1x16xi32>,
      %get3A_231 = arith.constant 0 : i32
      %get3A_232 = arith.index_cast %while3A_184 : i32 to index
      %get3A_233 = arith.index_cast %get3A_231 : i32 to index
      %get3A_234 = arith.constant 48 : index
      %get3A_235 = tpu.vector_load %arg5[%get3A_232, %get3A_233, %get3A_234] {strides = array<i32>} : memref<79x2x128xi32, #tpu.memory_space<vmem>>, vector<1x1x16xi32>,
      %get3A_236 = vector.shape_cast %get3A_235 : vector<1x1x16xi32> to vector<16xi32>
      %mul3A_237 = arith.constant 2 : i32
      %mul3A_238 = vector.broadcast %mul3A_237 : i32 to vector<16xi32>
      %mul3A_239 = arith.muli %get3A_236, %mul3A_238 : vector<16xi32>
      %swap3A_240 = arith.constant 0 : i32
      %swap3A_241 = arith.index_cast %while3A_184 : i32 to index
      %swap3A_242 = arith.index_cast %swap3A_240 : i32 to index
      %swap3A_243 = arith.constant 48 : index
      %swap3A_244 = tpu.vector_load %arg5[%swap3A_241, %swap3A_242, %swap3A_243] {strides = array<i32>} : memref<79x2x128xi32, #tpu.memory_space<vmem>>, vector<1x1x16xi32>,
      %swap3A_245 = vector.shape_cast %swap3A_244 : vector<1x1x16xi32> to vector<16xi32>
      %swap3A_246 = vector.shape_cast %mul3A_239 : vector<16xi32> to vector<1x1x16xi32>
      tpu.vector_store %arg5[%swap3A_241, %swap3A_242, %swap3A_243], %swap3A_246 {strides = array<i32>} : memref<79x2x128xi32, #tpu.memory_space<vmem>>, vector<1x1x16xi32>,
      %get3A_247 = arith.constant 0 : i32
      %get3A_248 = arith.index_cast %while3A_184 : i32 to index
      %get3A_249 = arith.index_cast %get3A_247 : i32 to index
      %get3A_250 = arith.constant 64 : index
      %get3A_251 = tpu.vector_load %arg5[%get3A_248, %get3A_249, %get3A_250] {strides = array<i32>} : memref<79x2x128xi32, #tpu.memory_space<vmem>>, vector<1x1x16xi32>,
      %get3A_252 = vector.shape_cast %get3A_251 : vector<1x1x16xi32> to vector<16xi32>
      %mul3A_253 = arith.constant 2 : i32
      %mul3A_254 = vector.broadcast %mul3A_253 : i32 to vector<16xi32>
      %mul3A_255 = arith.muli %get3A_252, %mul3A_254 : vector<16xi32>
      %swap3A_256 = arith.constant 0 : i32
      %swap3A_257 = arith.index_cast %while3A_184 : i32 to index
      %swap3A_258 = arith.index_cast %swap3A_256 : i32 to index
      %swap3A_259 = arith.constant 64 : index
      %swap3A_260 = tpu.vector_load %arg5[%swap3A_257, %swap3A_258, %swap3A_259] {strides = array<i32>} : memref<79x2x128xi32, #tpu.memory_space<vmem>>, vector<1x1x16xi32>,
      %swap3A_261 = vector.shape_cast %swap3A_260 : vector<1x1x16xi32> to vector<16xi32>
      %swap3A_262 = vector.shape_cast %mul3A_255 : vector<16xi32> to vector<1x1x16xi32>
      tpu.vector_store %arg5[%swap3A_257, %swap3A_258, %swap3A_259], %swap3A_262 {strides = array<i32>} : memref<79x2x128xi32, #tpu.memory_space<vmem>>, vector<1x1x16xi32>,
      %get3A_263 = arith.constant 0 : i32
      %get3A_264 = arith.index_cast %while3A_184 : i32 to index
      %get3A_265 = arith.index_cast %get3A_263 : i32 to index
      %get3A_266 = arith.constant 80 : index
      %get3A_267 = tpu.vector_load %arg5[%get3A_264, %get3A_265, %get3A_266] {strides = array<i32>} : memref<79x2x128xi32, #tpu.memory_space<vmem>>, vector<1x1x16xi32>,
      %get3A_268 = vector.shape_cast %get3A_267 : vector<1x1x16xi32> to vector<16xi32>
      %mul3A_269 = arith.constant 2 : i32
      %mul3A_270 = vector.broadcast %mul3A_269 : i32 to vector<16xi32>
      %mul3A_271 = arith.muli %get3A_268, %mul3A_270 : vector<16xi32>
      %swap3A_272 = arith.constant 0 : i32
      %swap3A_273 = arith.index_cast %while3A_184 : i32 to index
      %swap3A_274 = arith.index_cast %swap3A_272 : i32 to index
      %swap3A_275 = arith.constant 80 : index
      %swap3A_276 = tpu.vector_load %arg5[%swap3A_273, %swap3A_274, %swap3A_275] {strides = array<i32>} : memref<79x2x128xi32, #tpu.memory_space<vmem>>, vector<1x1x16xi32>,
      %swap3A_277 = vector.shape_cast %swap3A_276 : vector<1x1x16xi32> to vector<16xi32>
      %swap3A_278 = vector.shape_cast %mul3A_271 : vector<16xi32> to vector<1x1x16xi32>
      tpu.vector_store %arg5[%swap3A_273, %swap3A_274, %swap3A_275], %swap3A_278 {strides = array<i32>} : memref<79x2x128xi32, #tpu.memory_space<vmem>>, vector<1x1x16xi32>,
      %get3A_279 = arith.constant 0 : i32
      %get3A_280 = arith.index_cast %while3A_184 : i32 to index
      %get3A_281 = arith.index_cast %get3A_279 : i32 to index
      %get3A_282 = arith.constant 96 : index
      %get3A_283 = tpu.vector_load %arg5[%get3A_280, %get3A_281, %get3A_282] {strides = array<i32>} : memref<79x2x128xi32, #tpu.memory_space<vmem>>, vector<1x1x16xi32>,
      %get3A_284 = vector.shape_cast %get3A_283 : vector<1x1x16xi32> to vector<16xi32>
      %mul3A_285 = arith.constant 2 : i32
      %mul3A_286 = vector.broadcast %mul3A_285 : i32 to vector<16xi32>
      %mul3A_287 = arith.muli %get3A_284, %mul3A_286 : vector<16xi32>
      %swap3A_288 = arith.constant 0 : i32
      %swap3A_289 = arith.index_cast %while3A_184 : i32 to index
      %swap3A_290 = arith.index_cast %swap3A_288 : i32 to index
      %swap3A_291 = arith.constant 96 : index
      %swap3A_292 = tpu.vector_load %arg5[%swap3A_289, %swap3A_290, %swap3A_291] {strides = array<i32>} : memref<79x2x128xi32, #tpu.memory_space<vmem>>, vector<1x1x16xi32>,
      %swap3A_293 = vector.shape_cast %swap3A_292 : vector<1x1x16xi32> to vector<16xi32>
      %swap3A_294 = vector.shape_cast %mul3A_287 : vector<16xi32> to vector<1x1x16xi32>
      tpu.vector_store %arg5[%swap3A_289, %swap3A_290, %swap3A_291], %swap3A_294 {strides = array<i32>} : memref<79x2x128xi32, #tpu.memory_space<vmem>>, vector<1x1x16xi32>,
      %get3A_295 = arith.constant 0 : i32
      %get3A_296 = arith.index_cast %while3A_184 : i32 to index
      %get3A_297 = arith.index_cast %get3A_295 : i32 to index
      %get3A_298 = arith.constant 112 : index
      %get3A_299 = tpu.vector_load %arg5[%get3A_296, %get3A_297, %get3A_298] {strides = array<i32>} : memref<79x2x128xi32, #tpu.memory_space<vmem>>, vector<1x1x16xi32>,
      %get3A_300 = vector.shape_cast %get3A_299 : vector<1x1x16xi32> to vector<16xi32>
      %mul3A_301 = arith.constant 2 : i32
      %mul3A_302 = vector.broadcast %mul3A_301 : i32 to vector<16xi32>
      %mul3A_303 = arith.muli %get3A_300, %mul3A_302 : vector<16xi32>
      %swap3A_304 = arith.constant 0 : i32
      %swap3A_305 = arith.index_cast %while3A_184 : i32 to index
      %swap3A_306 = arith.index_cast %swap3A_304 : i32 to index
      %swap3A_307 = arith.constant 112 : index
      %swap3A_308 = tpu.vector_load %arg5[%swap3A_305, %swap3A_306, %swap3A_307] {strides = array<i32>} : memref<79x2x128xi32, #tpu.memory_space<vmem>>, vector<1x1x16xi32>,
      %swap3A_309 = vector.shape_cast %swap3A_308 : vector<1x1x16xi32> to vector<16xi32>
      %swap3A_310 = vector.shape_cast %mul3A_303 : vector<16xi32> to vector<1x1x16xi32>
      tpu.vector_store %arg5[%swap3A_305, %swap3A_306, %swap3A_307], %swap3A_310 {strides = array<i32>} : memref<79x2x128xi32, #tpu.memory_space<vmem>>, vector<1x1x16xi32>,
    }
    %barrier3A = arith.constant 0 : index
    tpu.barrier barrier_id(%barrier3A)
    %dma_start3A_99 = arith.constant 0 : i32
    %dma_start3A_100 = arith.constant 0 : i32
    %dma_start3A_101 = arith.constant 0 : i32
    %dma_start3A_102 = tpu.memref_slice %arg5[%dma_start3A_99, %dma_start3A_100, %dma_start3A_101] : memref<79x2x128xi32, #tpu.memory_space<vmem>> -> memref<1x1x128xi32, #tpu.memory_space<vmem>>
    %dma_start3A_103 = tpu.memref_squeeze %dma_start3A_102 : memref<1x1x128xi32, #tpu.memory_space<vmem>> -> memref<128xi32, #tpu.memory_space<vmem>>
    %dma_start3A_104 = arith.constant 0 : i32
    %dma_start3A_105 = arith.constant 0 : i32
    %dma_start3A_106 = tpu.memref_slice %arg2[%dma_start3A_104, %dma_start3A_105] : memref<20000x64xf32, #tpu.memory_space<hbm>> -> memref<20000x64xf32, #tpu.memory_space<hbm>>
    tpu.enqueue_indirect_dma source(%dma_start3A_106 : memref<20000x64xf32, #tpu.memory_space<hbm>>) target(%arg6 : memref<128x64xf32, #tpu.memory_space<vmem>>) offsets(%dma_start3A_103 : memref<128xi32, #tpu.memory_space<vmem>>) semaphore(%arg11 : memref<!tpu.dma_semaphore, #tpu.memory_space<semaphore_mem>>)
    %dma_start3A_107 = arith.constant 1 : i32
    %dma_start3A_108 = arith.constant 0 : i32
    %dma_start3A_109 = arith.constant 0 : i32
    %dma_start3A_110 = tpu.memref_slice %arg5[%dma_start3A_107, %dma_start3A_108, %dma_start3A_109] : memref<79x2x128xi32, #tpu.memory_space<vmem>> -> memref<1x1x128xi32, #tpu.memory_space<vmem>>
    %dma_start3A_111 = tpu.memref_squeeze %dma_start3A_110 : memref<1x1x128xi32, #tpu.memory_space<vmem>> -> memref<128xi32, #tpu.memory_space<vmem>>
    %dma_start3A_112 = arith.constant 0 : i32
    %dma_start3A_113 = arith.constant 0 : i32
    %dma_start3A_114 = tpu.memref_slice %arg2[%dma_start3A_112, %dma_start3A_113] : memref<20000x64xf32, #tpu.memory_space<hbm>> -> memref<20000x64xf32, #tpu.memory_space<hbm>>
    tpu.enqueue_indirect_dma source(%dma_start3A_114 : memref<20000x64xf32, #tpu.memory_space<hbm>>) target(%arg7 : memref<128x64xf32, #tpu.memory_space<vmem>>) offsets(%dma_start3A_111 : memref<128xi32, #tpu.memory_space<vmem>>) semaphore(%arg12 : memref<!tpu.dma_semaphore, #tpu.memory_space<semaphore_mem>>)
    %dma_start3A_115 = arith.constant 2 : i32
    %dma_start3A_116 = arith.constant 0 : i32
    %dma_start3A_117 = arith.constant 0 : i32
    %dma_start3A_118 = tpu.memref_slice %arg5[%dma_start3A_115, %dma_start3A_116, %dma_start3A_117] : memref<79x2x128xi32, #tpu.memory_space<vmem>> -> memref<1x1x128xi32, #tpu.memory_space<vmem>>
    %dma_start3A_119 = tpu.memref_squeeze %dma_start3A_118 : memref<1x1x128xi32, #tpu.memory_space<vmem>> -> memref<128xi32, #tpu.memory_space<vmem>>
    %dma_start3A_120 = arith.constant 0 : i32
    %dma_start3A_121 = arith.constant 0 : i32
    %dma_start3A_122 = tpu.memref_slice %arg2[%dma_start3A_120, %dma_start3A_121] : memref<20000x64xf32, #tpu.memory_space<hbm>> -> memref<20000x64xf32, #tpu.memory_space<hbm>>
    tpu.enqueue_indirect_dma source(%dma_start3A_122 : memref<20000x64xf32, #tpu.memory_space<hbm>>) target(%arg8 : memref<128x64xf32, #tpu.memory_space<vmem>>) offsets(%dma_start3A_119 : memref<128xi32, #tpu.memory_space<vmem>>) semaphore(%arg13 : memref<!tpu.dma_semaphore, #tpu.memory_space<semaphore_mem>>)
    %dma_start3A_123 = arith.constant 3 : i32
    %dma_start3A_124 = arith.constant 0 : i32
    %dma_start3A_125 = arith.constant 0 : i32
    %dma_start3A_126 = tpu.memref_slice %arg5[%dma_start3A_123, %dma_start3A_124, %dma_start3A_125] : memref<79x2x128xi32, #tpu.memory_space<vmem>> -> memref<1x1x128xi32, #tpu.memory_space<vmem>>
    %dma_start3A_127 = tpu.memref_squeeze %dma_start3A_126 : memref<1x1x128xi32, #tpu.memory_space<vmem>> -> memref<128xi32, #tpu.memory_space<vmem>>
    %dma_start3A_128 = arith.constant 0 : i32
    %dma_start3A_129 = arith.constant 0 : i32
    %dma_start3A_130 = tpu.memref_slice %arg2[%dma_start3A_128, %dma_start3A_129] : memref<20000x64xf32, #tpu.memory_space<hbm>> -> memref<20000x64xf32, #tpu.memory_space<hbm>>
    tpu.enqueue_indirect_dma source(%dma_start3A_130 : memref<20000x64xf32, #tpu.memory_space<hbm>>) target(%arg9 : memref<128x64xf32, #tpu.memory_space<vmem>>) offsets(%dma_start3A_127 : memref<128xi32, #tpu.memory_space<vmem>>) semaphore(%arg14 : memref<!tpu.dma_semaphore, #tpu.memory_space<semaphore_mem>>)
    %dma_start3A_131 = arith.constant 4 : i32
    %dma_start3A_132 = arith.constant 0 : i32
    %dma_start3A_133 = arith.constant 0 : i32
    %dma_start3A_134 = tpu.memref_slice %arg5[%dma_start3A_131, %dma_start3A_132, %dma_start3A_133] : memref<79x2x128xi32, #tpu.memory_space<vmem>> -> memref<1x1x128xi32, #tpu.memory_space<vmem>>
    %dma_start3A_135 = tpu.memref_squeeze %dma_start3A_134 : memref<1x1x128xi32, #tpu.memory_space<vmem>> -> memref<128xi32, #tpu.memory_space<vmem>>
    %dma_start3A_136 = arith.constant 0 : i32
    %dma_start3A_137 = arith.constant 0 : i32
    %dma_start3A_138 = tpu.memref_slice %arg2[%dma_start3A_136, %dma_start3A_137] : memref<20000x64xf32, #tpu.memory_space<hbm>> -> memref<20000x64xf32, #tpu.memory_space<hbm>>
    tpu.enqueue_indirect_dma source(%dma_start3A_138 : memref<20000x64xf32, #tpu.memory_space<hbm>>) target(%arg10 : memref<128x64xf32, #tpu.memory_space<vmem>>) offsets(%dma_start3A_135 : memref<128xi32, #tpu.memory_space<vmem>>) semaphore(%arg15 : memref<!tpu.dma_semaphore, #tpu.memory_space<semaphore_mem>>)
    %scan3A_139 = arith.constant 0 : i32
    %scan3A_140 = arith.constant 0 : i32
    %scan3A_141 = arith.constant 15 : i32
    %scan3A_142 = arith.addi %scan3A_140, %scan3A_141 : i32
    %scan3A_143 = arith.constant 1 : i32
    scf.for %scan3A_184 = %scan3A_140 to %scan3A_142 step %scan3A_143  : i32 {
      %mul3A_185 = arith.constant 5 : i32
      %mul3A_186 = arith.muli %scan3A_184, %mul3A_185 : i32
      %add3A_187 = arith.constant 0 : i32
      %add3A_188 = arith.addi %mul3A_186, %add3A_187 : i32
      %dma_wait3A_189 = arith.constant 0 : i32
      %dma_wait3A_190 = arith.constant 0 : i32
      %dma_wait3A_191 = arith.constant 0 : i32
      %dma_wait3A_192 = tpu.memref_slice %arg5[%dma_wait3A_189, %dma_wait3A_190, %dma_wait3A_191] : memref<79x2x128xi32, #tpu.memory_space<vmem>> -> memref<1x1x128xi32, #tpu.memory_space<vmem>>
      %dma_wait3A_193 = tpu.memref_squeeze %dma_wait3A_192 : memref<1x1x128xi32, #tpu.memory_space<vmem>> -> memref<128xi32, #tpu.memory_space<vmem>>
      %dma_wait3A_194 = arith.constant 0 : i32
      %dma_wait3A_195 = arith.constant 0 : i32
      %dma_wait3A_196 = tpu.memref_slice %arg2[%dma_wait3A_194, %dma_wait3A_195] : memref<20000x64xf32, #tpu.memory_space<hbm>> -> memref<20000x64xf32, #tpu.memory_space<hbm>>
      tpu.wait_indirect_dma semaphore(%arg11 : memref<!tpu.dma_semaphore, #tpu.memory_space<semaphore_mem>>) src(%dma_wait3A_196 : memref<20000x64xf32, #tpu.memory_space<hbm>>) dst(%arg6 : memref<128x64xf32, #tpu.memory_space<vmem>>)
      %run_scoped3A_197 = arith.constant 1 : i32
      "tpu.region"() ({
        %run_scoped3A_285 = tpu.sem_alloc : memref<!tpu.dma_semaphore, #tpu.memory_space<semaphore_mem>>
        %dma_start3A_286 = arith.constant 0 : i32
        %dma_start3A_287 = tpu.memref_slice %arg5[%add3A_188, %run_scoped3A_197, %dma_start3A_286] : memref<79x2x128xi32, #tpu.memory_space<vmem>> -> memref<1x1x128xi32, #tpu.memory_space<vmem>>
        %dma_start3A_288 = tpu.memref_squeeze %dma_start3A_287 : memref<1x1x128xi32, #tpu.memory_space<vmem>> -> memref<128xi32, #tpu.memory_space<vmem>>
        %dma_start3A_289 = arith.constant 0 : i32
        %dma_start3A_290 = arith.constant 0 : i32
        %dma_start3A_291 = tpu.memref_slice %arg17[%dma_start3A_289, %dma_start3A_290] : memref<10240x64xf32, #tpu.memory_space<vmem_shared>> -> memref<10240x64xf32, #tpu.memory_space<vmem_shared>>
        tpu.enqueue_indirect_dma source(%arg6 : memref<128x64xf32, #tpu.memory_space<vmem>>) target(%dma_start3A_291 : memref<10240x64xf32, #tpu.memory_space<vmem_shared>>) offsets(%dma_start3A_288 : memref<128xi32, #tpu.memory_space<vmem>>) semaphore(%run_scoped3A_285 : memref<!tpu.dma_semaphore, #tpu.memory_space<semaphore_mem>>) {add = true}
        %dma_wait3A_292 = arith.constant 0 : i32
        %dma_wait3A_293 = tpu.memref_slice %arg5[%add3A_188, %run_scoped3A_197, %dma_wait3A_292] : memref<79x2x128xi32, #tpu.memory_space<vmem>> -> memref<1x1x128xi32, #tpu.memory_space<vmem>>
        %dma_wait3A_294 = tpu.memref_squeeze %dma_wait3A_293 : memref<1x1x128xi32, #tpu.memory_space<vmem>> -> memref<128xi32, #tpu.memory_space<vmem>>
        %dma_wait3A_295 = arith.constant 0 : i32
        %dma_wait3A_296 = arith.constant 0 : i32
        %dma_wait3A_297 = tpu.memref_slice %arg17[%dma_wait3A_295, %dma_wait3A_296] : memref<10240x64xf32, #tpu.memory_space<vmem_shared>> -> memref<10240x64xf32, #tpu.memory_space<vmem_shared>>
        tpu.wait_indirect_dma semaphore(%run_scoped3A_285 : memref<!tpu.dma_semaphore, #tpu.memory_space<semaphore_mem>>) src(%arg6 : memref<128x64xf32, #tpu.memory_space<vmem>>) dst(%dma_wait3A_297 : memref<10240x64xf32, #tpu.memory_space<vmem_shared>>)
        tpu.yield
      }) : () -> ()
      %run_scoped3A_198 = arith.constant 1 : i32
      "tpu.region"() ({
        %run_scoped3A_285 = tpu.sem_alloc : memref<!tpu.dma_semaphore, #tpu.memory_space<semaphore_mem>>
        %dma_start3A_286 = arith.constant 0 : i32
        %dma_start3A_287 = tpu.memref_slice %arg5[%add3A_188, %run_scoped3A_198, %dma_start3A_286] : memref<79x2x128xi32, #tpu.memory_space<vmem>> -> memref<1x1x128xi32, #tpu.memory_space<vmem>>
        %dma_start3A_288 = tpu.memref_squeeze %dma_start3A_287 : memref<1x1x128xi32, #tpu.memory_space<vmem>> -> memref<128xi32, #tpu.memory_space<vmem>>
        %dma_start3A_289 = arith.constant 0 : i32
        %dma_start3A_290 = arith.constant 0 : i32
        %dma_start3A_291 = tpu.memref_slice %arg21[%dma_start3A_289, %dma_start3A_290] : memref<10240x16xf32, #tpu.memory_space<vmem_shared>> -> memref<10240x16xf32, #tpu.memory_space<vmem_shared>>
        tpu.enqueue_indirect_dma source(%arg19 : memref<128x16xf32, #tpu.memory_space<vmem>>) target(%dma_start3A_291 : memref<10240x16xf32, #tpu.memory_space<vmem_shared>>) offsets(%dma_start3A_288 : memref<128xi32, #tpu.memory_space<vmem>>) semaphore(%run_scoped3A_285 : memref<!tpu.dma_semaphore, #tpu.memory_space<semaphore_mem>>) {add = true}
        %dma_wait3A_292 = arith.constant 0 : i32
        %dma_wait3A_293 = tpu.memref_slice %arg5[%add3A_188, %run_scoped3A_198, %dma_wait3A_292] : memref<79x2x128xi32, #tpu.memory_space<vmem>> -> memref<1x1x128xi32, #tpu.memory_space<vmem>>
        %dma_wait3A_294 = tpu.memref_squeeze %dma_wait3A_293 : memref<1x1x128xi32, #tpu.memory_space<vmem>> -> memref<128xi32, #tpu.memory_space<vmem>>
        %dma_wait3A_295 = arith.constant 0 : i32
        %dma_wait3A_296 = arith.constant 0 : i32
        %dma_wait3A_297 = tpu.memref_slice %arg21[%dma_wait3A_295, %dma_wait3A_296] : memref<10240x16xf32, #tpu.memory_space<vmem_shared>> -> memref<10240x16xf32, #tpu.memory_space<vmem_shared>>
        tpu.wait_indirect_dma semaphore(%run_scoped3A_285 : memref<!tpu.dma_semaphore, #tpu.memory_space<semaphore_mem>>) src(%arg19 : memref<128x16xf32, #tpu.memory_space<vmem>>) dst(%dma_wait3A_297 : memref<10240x16xf32, #tpu.memory_space<vmem_shared>>)
        tpu.yield
      }) : () -> ()
      %add3A_199 = arith.constant 5 : i32
      %add3A_200 = arith.addi %add3A_188, %add3A_199 : i32
      %lt3A_201 = arith.cmpi slt, %add3A_200, %select_n3A : i32
      %convert_element_type3A_202 = arith.extui %lt3A_201 : i1 to i32
      %cond3A_203 = arith.constant 0 : i32
      %cond3A_204 = arith.cmpi ne, %convert_element_type3A_202, %cond3A_203 : i32
      scf.if %cond3A_204 {
        %add3A_285 = arith.constant 5 : i32
        %add3A_286 = arith.addi %add3A_188, %add3A_285 : i32
        %dma_start3A_287 = arith.constant 0 : i32
        %dma_start3A_288 = arith.constant 0 : i32
        %dma_start3A_289 = tpu.memref_slice %arg5[%add3A_286, %dma_start3A_287, %dma_start3A_288] : memref<79x2x128xi32, #tpu.memory_space<vmem>> -> memref<1x1x128xi32, #tpu.memory_space<vmem>>
        %dma_start3A_290 = tpu.memref_squeeze %dma_start3A_289 : memref<1x1x128xi32, #tpu.memory_space<vmem>> -> memref<128xi32, #tpu.memory_space<vmem>>
        %dma_start3A_291 = arith.constant 0 : i32
        %dma_start3A_292 = arith.constant 0 : i32
        %dma_start3A_293 = tpu.memref_slice %arg2[%dma_start3A_291, %dma_start3A_292] : memref<20000x64xf32, #tpu.memory_space<hbm>> -> memref<20000x64xf32, #tpu.memory_space<hbm>>
        tpu.enqueue_indirect_dma source(%dma_start3A_293 : memref<20000x64xf32, #tpu.memory_space<hbm>>) target(%arg6 : memref<128x64xf32, #tpu.memory_space<vmem>>) offsets(%dma_start3A_290 : memref<128xi32, #tpu.memory_space<vmem>>) semaphore(%arg11 : memref<!tpu.dma_semaphore, #tpu.memory_space<semaphore_mem>>)
      } else {
      }
      %mul3A_205 = arith.constant 5 : i32
      %mul3A_206 = arith.muli %scan3A_184, %mul3A_205 : i32
      %add3A_207 = arith.constant 1 : i32
      %add3A_208 = arith.addi %mul3A_206, %add3A_207 : i32
      %dma_wait3A_209 = arith.constant 0 : i32
      %dma_wait3A_210 = arith.constant 0 : i32
      %dma_wait3A_211 = arith.constant 0 : i32
      %dma_wait3A_212 = tpu.memref_slice %arg5[%dma_wait3A_209, %dma_wait3A_210, %dma_wait3A_211] : memref<79x2x128xi32, #tpu.memory_space<vmem>> -> memref<1x1x128xi32, #tpu.memory_space<vmem>>
      %dma_wait3A_213 = tpu.memref_squeeze %dma_wait3A_212 : memref<1x1x128xi32, #tpu.memory_space<vmem>> -> memref<128xi32, #tpu.memory_space<vmem>>
      %dma_wait3A_214 = arith.constant 0 : i32
      %dma_wait3A_215 = arith.constant 0 : i32
      %dma_wait3A_216 = tpu.memref_slice %arg2[%dma_wait3A_214, %dma_wait3A_215] : memref<20000x64xf32, #tpu.memory_space<hbm>> -> memref<20000x64xf32, #tpu.memory_space<hbm>>
      tpu.wait_indirect_dma semaphore(%arg12 : memref<!tpu.dma_semaphore, #tpu.memory_space<semaphore_mem>>) src(%dma_wait3A_216 : memref<20000x64xf32, #tpu.memory_space<hbm>>) dst(%arg7 : memref<128x64xf32, #tpu.memory_space<vmem>>)
      %run_scoped3A_217 = arith.constant 1 : i32
      "tpu.region"() ({
        %run_scoped3A_285 = tpu.sem_alloc : memref<!tpu.dma_semaphore, #tpu.memory_space<semaphore_mem>>
        %dma_start3A_286 = arith.constant 0 : i32
        %dma_start3A_287 = tpu.memref_slice %arg5[%add3A_208, %run_scoped3A_217, %dma_start3A_286] : memref<79x2x128xi32, #tpu.memory_space<vmem>> -> memref<1x1x128xi32, #tpu.memory_space<vmem>>
        %dma_start3A_288 = tpu.memref_squeeze %dma_start3A_287 : memref<1x1x128xi32, #tpu.memory_space<vmem>> -> memref<128xi32, #tpu.memory_space<vmem>>
        %dma_start3A_289 = arith.constant 0 : i32
        %dma_start3A_290 = arith.constant 0 : i32
        %dma_start3A_291 = tpu.memref_slice %arg17[%dma_start3A_289, %dma_start3A_290] : memref<10240x64xf32, #tpu.memory_space<vmem_shared>> -> memref<10240x64xf32, #tpu.memory_space<vmem_shared>>
        tpu.enqueue_indirect_dma source(%arg7 : memref<128x64xf32, #tpu.memory_space<vmem>>) target(%dma_start3A_291 : memref<10240x64xf32, #tpu.memory_space<vmem_shared>>) offsets(%dma_start3A_288 : memref<128xi32, #tpu.memory_space<vmem>>) semaphore(%run_scoped3A_285 : memref<!tpu.dma_semaphore, #tpu.memory_space<semaphore_mem>>) {add = true}
        %dma_wait3A_292 = arith.constant 0 : i32
        %dma_wait3A_293 = tpu.memref_slice %arg5[%add3A_208, %run_scoped3A_217, %dma_wait3A_292] : memref<79x2x128xi32, #tpu.memory_space<vmem>> -> memref<1x1x128xi32, #tpu.memory_space<vmem>>
        %dma_wait3A_294 = tpu.memref_squeeze %dma_wait3A_293 : memref<1x1x128xi32, #tpu.memory_space<vmem>> -> memref<128xi32, #tpu.memory_space<vmem>>
        %dma_wait3A_295 = arith.constant 0 : i32
        %dma_wait3A_296 = arith.constant 0 : i32
        %dma_wait3A_297 = tpu.memref_slice %arg17[%dma_wait3A_295, %dma_wait3A_296] : memref<10240x64xf32, #tpu.memory_space<vmem_shared>> -> memref<10240x64xf32, #tpu.memory_space<vmem_shared>>
        tpu.wait_indirect_dma semaphore(%run_scoped3A_285 : memref<!tpu.dma_semaphore, #tpu.memory_space<semaphore_mem>>) src(%arg7 : memref<128x64xf32, #tpu.memory_space<vmem>>) dst(%dma_wait3A_297 : memref<10240x64xf32, #tpu.memory_space<vmem_shared>>)
        tpu.yield
      }) : () -> ()
      %run_scoped3A_218 = arith.constant 1 : i32
      "tpu.region"() ({
        %run_scoped3A_285 = tpu.sem_alloc : memref<!tpu.dma_semaphore, #tpu.memory_space<semaphore_mem>>
        %dma_start3A_286 = arith.constant 0 : i32
        %dma_start3A_287 = tpu.memref_slice %arg5[%add3A_208, %run_scoped3A_218, %dma_start3A_286] : memref<79x2x128xi32, #tpu.memory_space<vmem>> -> memref<1x1x128xi32, #tpu.memory_space<vmem>>
        %dma_start3A_288 = tpu.memref_squeeze %dma_start3A_287 : memref<1x1x128xi32, #tpu.memory_space<vmem>> -> memref<128xi32, #tpu.memory_space<vmem>>
        %dma_start3A_289 = arith.constant 0 : i32
        %dma_start3A_290 = arith.constant 0 : i32
        %dma_start3A_291 = tpu.memref_slice %arg21[%dma_start3A_289, %dma_start3A_290] : memref<10240x16xf32, #tpu.memory_space<vmem_shared>> -> memref<10240x16xf32, #tpu.memory_space<vmem_shared>>
        tpu.enqueue_indirect_dma source(%arg19 : memref<128x16xf32, #tpu.memory_space<vmem>>) target(%dma_start3A_291 : memref<10240x16xf32, #tpu.memory_space<vmem_shared>>) offsets(%dma_start3A_288 : memref<128xi32, #tpu.memory_space<vmem>>) semaphore(%run_scoped3A_285 : memref<!tpu.dma_semaphore, #tpu.memory_space<semaphore_mem>>) {add = true}
        %dma_wait3A_292 = arith.constant 0 : i32
        %dma_wait3A_293 = tpu.memref_slice %arg5[%add3A_208, %run_scoped3A_218, %dma_wait3A_292] : memref<79x2x128xi32, #tpu.memory_space<vmem>> -> memref<1x1x128xi32, #tpu.memory_space<vmem>>
        %dma_wait3A_294 = tpu.memref_squeeze %dma_wait3A_293 : memref<1x1x128xi32, #tpu.memory_space<vmem>> -> memref<128xi32, #tpu.memory_space<vmem>>
        %dma_wait3A_295 = arith.constant 0 : i32
        %dma_wait3A_296 = arith.constant 0 : i32
        %dma_wait3A_297 = tpu.memref_slice %arg21[%dma_wait3A_295, %dma_wait3A_296] : memref<10240x16xf32, #tpu.memory_space<vmem_shared>> -> memref<10240x16xf32, #tpu.memory_space<vmem_shared>>
        tpu.wait_indirect_dma semaphore(%run_scoped3A_285 : memref<!tpu.dma_semaphore, #tpu.memory_space<semaphore_mem>>) src(%arg19 : memref<128x16xf32, #tpu.memory_space<vmem>>) dst(%dma_wait3A_297 : memref<10240x16xf32, #tpu.memory_space<vmem_shared>>)
        tpu.yield
      }) : () -> ()
      %add3A_219 = arith.constant 5 : i32
      %add3A_220 = arith.addi %add3A_208, %add3A_219 : i32
      %lt3A_221 = arith.cmpi slt, %add3A_220, %select_n3A : i32
      %convert_element_type3A_222 = arith.extui %lt3A_221 : i1 to i32
      %cond3A_223 = arith.constant 0 : i32
      %cond3A_224 = arith.cmpi ne, %convert_element_type3A_222, %cond3A_223 : i32
      scf.if %cond3A_224 {
        %add3A_285 = arith.constant 5 : i32
        %add3A_286 = arith.addi %add3A_208, %add3A_285 : i32
        %dma_start3A_287 = arith.constant 0 : i32
        %dma_start3A_288 = arith.constant 0 : i32
        %dma_start3A_289 = tpu.memref_slice %arg5[%add3A_286, %dma_start3A_287, %dma_start3A_288] : memref<79x2x128xi32, #tpu.memory_space<vmem>> -> memref<1x1x128xi32, #tpu.memory_space<vmem>>
        %dma_start3A_290 = tpu.memref_squeeze %dma_start3A_289 : memref<1x1x128xi32, #tpu.memory_space<vmem>> -> memref<128xi32, #tpu.memory_space<vmem>>
        %dma_start3A_291 = arith.constant 0 : i32
        %dma_start3A_292 = arith.constant 0 : i32
        %dma_start3A_293 = tpu.memref_slice %arg2[%dma_start3A_291, %dma_start3A_292] : memref<20000x64xf32, #tpu.memory_space<hbm>> -> memref<20000x64xf32, #tpu.memory_space<hbm>>
        tpu.enqueue_indirect_dma source(%dma_start3A_293 : memref<20000x64xf32, #tpu.memory_space<hbm>>) target(%arg7 : memref<128x64xf32, #tpu.memory_space<vmem>>) offsets(%dma_start3A_290 : memref<128xi32, #tpu.memory_space<vmem>>) semaphore(%arg12 : memref<!tpu.dma_semaphore, #tpu.memory_space<semaphore_mem>>)
      } else {
      }
      %mul3A_225 = arith.constant 5 : i32
      %mul3A_226 = arith.muli %scan3A_184, %mul3A_225 : i32
      %add3A_227 = arith.constant 2 : i32
      %add3A_228 = arith.addi %mul3A_226, %add3A_227 : i32
      %dma_wait3A_229 = arith.constant 0 : i32
      %dma_wait3A_230 = arith.constant 0 : i32
      %dma_wait3A_231 = arith.constant 0 : i32
      %dma_wait3A_232 = tpu.memref_slice %arg5[%dma_wait3A_229, %dma_wait3A_230, %dma_wait3A_231] : memref<79x2x128xi32, #tpu.memory_space<vmem>> -> memref<1x1x128xi32, #tpu.memory_space<vmem>>
      %dma_wait3A_233 = tpu.memref_squeeze %dma_wait3A_232 : memref<1x1x128xi32, #tpu.memory_space<vmem>> -> memref<128xi32, #tpu.memory_space<vmem>>
      %dma_wait3A_234 = arith.constant 0 : i32
      %dma_wait3A_235 = arith.constant 0 : i32
      %dma_wait3A_236 = tpu.memref_slice %arg2[%dma_wait3A_234, %dma_wait3A_235] : memref<20000x64xf32, #tpu.memory_space<hbm>> -> memref<20000x64xf32, #tpu.memory_space<hbm>>
      tpu.wait_indirect_dma semaphore(%arg13 : memref<!tpu.dma_semaphore, #tpu.memory_space<semaphore_mem>>) src(%dma_wait3A_236 : memref<20000x64xf32, #tpu.memory_space<hbm>>) dst(%arg8 : memref<128x64xf32, #tpu.memory_space<vmem>>)
      %run_scoped3A_237 = arith.constant 1 : i32
      "tpu.region"() ({
        %run_scoped3A_285 = tpu.sem_alloc : memref<!tpu.dma_semaphore, #tpu.memory_space<semaphore_mem>>
        %dma_start3A_286 = arith.constant 0 : i32
        %dma_start3A_287 = tpu.memref_slice %arg5[%add3A_228, %run_scoped3A_237, %dma_start3A_286] : memref<79x2x128xi32, #tpu.memory_space<vmem>> -> memref<1x1x128xi32, #tpu.memory_space<vmem>>
        %dma_start3A_288 = tpu.memref_squeeze %dma_start3A_287 : memref<1x1x128xi32, #tpu.memory_space<vmem>> -> memref<128xi32, #tpu.memory_space<vmem>>
        %dma_start3A_289 = arith.constant 0 : i32
        %dma_start3A_290 = arith.constant 0 : i32
        %dma_start3A_291 = tpu.memref_slice %arg17[%dma_start3A_289, %dma_start3A_290] : memref<10240x64xf32, #tpu.memory_space<vmem_shared>> -> memref<10240x64xf32, #tpu.memory_space<vmem_shared>>
        tpu.enqueue_indirect_dma source(%arg8 : memref<128x64xf32, #tpu.memory_space<vmem>>) target(%dma_start3A_291 : memref<10240x64xf32, #tpu.memory_space<vmem_shared>>) offsets(%dma_start3A_288 : memref<128xi32, #tpu.memory_space<vmem>>) semaphore(%run_scoped3A_285 : memref<!tpu.dma_semaphore, #tpu.memory_space<semaphore_mem>>) {add = true}
        %dma_wait3A_292 = arith.constant 0 : i32
        %dma_wait3A_293 = tpu.memref_slice %arg5[%add3A_228, %run_scoped3A_237, %dma_wait3A_292] : memref<79x2x128xi32, #tpu.memory_space<vmem>> -> memref<1x1x128xi32, #tpu.memory_space<vmem>>
        %dma_wait3A_294 = tpu.memref_squeeze %dma_wait3A_293 : memref<1x1x128xi32, #tpu.memory_space<vmem>> -> memref<128xi32, #tpu.memory_space<vmem>>
        %dma_wait3A_295 = arith.constant 0 : i32
        %dma_wait3A_296 = arith.constant 0 : i32
        %dma_wait3A_297 = tpu.memref_slice %arg17[%dma_wait3A_295, %dma_wait3A_296] : memref<10240x64xf32, #tpu.memory_space<vmem_shared>> -> memref<10240x64xf32, #tpu.memory_space<vmem_shared>>
        tpu.wait_indirect_dma semaphore(%run_scoped3A_285 : memref<!tpu.dma_semaphore, #tpu.memory_space<semaphore_mem>>) src(%arg8 : memref<128x64xf32, #tpu.memory_space<vmem>>) dst(%dma_wait3A_297 : memref<10240x64xf32, #tpu.memory_space<vmem_shared>>)
        tpu.yield
      }) : () -> ()
      %run_scoped3A_238 = arith.constant 1 : i32
      "tpu.region"() ({
        %run_scoped3A_285 = tpu.sem_alloc : memref<!tpu.dma_semaphore, #tpu.memory_space<semaphore_mem>>
        %dma_start3A_286 = arith.constant 0 : i32
        %dma_start3A_287 = tpu.memref_slice %arg5[%add3A_228, %run_scoped3A_238, %dma_start3A_286] : memref<79x2x128xi32, #tpu.memory_space<vmem>> -> memref<1x1x128xi32, #tpu.memory_space<vmem>>
        %dma_start3A_288 = tpu.memref_squeeze %dma_start3A_287 : memref<1x1x128xi32, #tpu.memory_space<vmem>> -> memref<128xi32, #tpu.memory_space<vmem>>
        %dma_start3A_289 = arith.constant 0 : i32
        %dma_start3A_290 = arith.constant 0 : i32
        %dma_start3A_291 = tpu.memref_slice %arg21[%dma_start3A_289, %dma_start3A_290] : memref<10240x16xf32, #tpu.memory_space<vmem_shared>> -> memref<10240x16xf32, #tpu.memory_space<vmem_shared>>
        tpu.enqueue_indirect_dma source(%arg19 : memref<128x16xf32, #tpu.memory_space<vmem>>) target(%dma_start3A_291 : memref<10240x16xf32, #tpu.memory_space<vmem_shared>>) offsets(%dma_start3A_288 : memref<128xi32, #tpu.memory_space<vmem>>) semaphore(%run_scoped3A_285 : memref<!tpu.dma_semaphore, #tpu.memory_space<semaphore_mem>>) {add = true}
        %dma_wait3A_292 = arith.constant 0 : i32
        %dma_wait3A_293 = tpu.memref_slice %arg5[%add3A_228, %run_scoped3A_238, %dma_wait3A_292] : memref<79x2x128xi32, #tpu.memory_space<vmem>> -> memref<1x1x128xi32, #tpu.memory_space<vmem>>
        %dma_wait3A_294 = tpu.memref_squeeze %dma_wait3A_293 : memref<1x1x128xi32, #tpu.memory_space<vmem>> -> memref<128xi32, #tpu.memory_space<vmem>>
        %dma_wait3A_295 = arith.constant 0 : i32
        %dma_wait3A_296 = arith.constant 0 : i32
        %dma_wait3A_297 = tpu.memref_slice %arg21[%dma_wait3A_295, %dma_wait3A_296] : memref<10240x16xf32, #tpu.memory_space<vmem_shared>> -> memref<10240x16xf32, #tpu.memory_space<vmem_shared>>
        tpu.wait_indirect_dma semaphore(%run_scoped3A_285 : memref<!tpu.dma_semaphore, #tpu.memory_space<semaphore_mem>>) src(%arg19 : memref<128x16xf32, #tpu.memory_space<vmem>>) dst(%dma_wait3A_297 : memref<10240x16xf32, #tpu.memory_space<vmem_shared>>)
        tpu.yield
      }) : () -> ()
      %add3A_239 = arith.constant 5 : i32
      %add3A_240 = arith.addi %add3A_228, %add3A_239 : i32
      %lt3A_241 = arith.cmpi slt, %add3A_240, %select_n3A : i32
      %convert_element_type3A_242 = arith.extui %lt3A_241 : i1 to i32
      %cond3A_243 = arith.constant 0 : i32
      %cond3A_244 = arith.cmpi ne, %convert_element_type3A_242, %cond3A_243 : i32
      scf.if %cond3A_244 {
        %add3A_285 = arith.constant 5 : i32
        %add3A_286 = arith.addi %add3A_228, %add3A_285 : i32
        %dma_start3A_287 = arith.constant 0 : i32
        %dma_start3A_288 = arith.constant 0 : i32
        %dma_start3A_289 = tpu.memref_slice %arg5[%add3A_286, %dma_start3A_287, %dma_start3A_288] : memref<79x2x128xi32, #tpu.memory_space<vmem>> -> memref<1x1x128xi32, #tpu.memory_space<vmem>>
        %dma_start3A_290 = tpu.memref_squeeze %dma_start3A_289 : memref<1x1x128xi32, #tpu.memory_space<vmem>> -> memref<128xi32, #tpu.memory_space<vmem>>
        %dma_start3A_291 = arith.constant 0 : i32
        %dma_start3A_292 = arith.constant 0 : i32
        %dma_start3A_293 = tpu.memref_slice %arg2[%dma_start3A_291, %dma_start3A_292] : memref<20000x64xf32, #tpu.memory_space<hbm>> -> memref<20000x64xf32, #tpu.memory_space<hbm>>
        tpu.enqueue_indirect_dma source(%dma_start3A_293 : memref<20000x64xf32, #tpu.memory_space<hbm>>) target(%arg8 : memref<128x64xf32, #tpu.memory_space<vmem>>) offsets(%dma_start3A_290 : memref<128xi32, #tpu.memory_space<vmem>>) semaphore(%arg13 : memref<!tpu.dma_semaphore, #tpu.memory_space<semaphore_mem>>)
      } else {
      }
      %mul3A_245 = arith.constant 5 : i32
      %mul3A_246 = arith.muli %scan3A_184, %mul3A_245 : i32
      %add3A_247 = arith.constant 3 : i32
      %add3A_248 = arith.addi %mul3A_246, %add3A_247 : i32
      %dma_wait3A_249 = arith.constant 0 : i32
      %dma_wait3A_250 = arith.constant 0 : i32
      %dma_wait3A_251 = arith.constant 0 : i32
      %dma_wait3A_252 = tpu.memref_slice %arg5[%dma_wait3A_249, %dma_wait3A_250, %dma_wait3A_251] : memref<79x2x128xi32, #tpu.memory_space<vmem>> -> memref<1x1x128xi32, #tpu.memory_space<vmem>>
      %dma_wait3A_253 = tpu.memref_squeeze %dma_wait3A_252 : memref<1x1x128xi32, #tpu.memory_space<vmem>> -> memref<128xi32, #tpu.memory_space<vmem>>
      %dma_wait3A_254 = arith.constant 0 : i32
      %dma_wait3A_255 = arith.constant 0 : i32
      %dma_wait3A_256 = tpu.memref_slice %arg2[%dma_wait3A_254, %dma_wait3A_255] : memref<20000x64xf32, #tpu.memory_space<hbm>> -> memref<20000x64xf32, #tpu.memory_space<hbm>>
      tpu.wait_indirect_dma semaphore(%arg14 : memref<!tpu.dma_semaphore, #tpu.memory_space<semaphore_mem>>) src(%dma_wait3A_256 : memref<20000x64xf32, #tpu.memory_space<hbm>>) dst(%arg9 : memref<128x64xf32, #tpu.memory_space<vmem>>)
      %run_scoped3A_257 = arith.constant 1 : i32
      "tpu.region"() ({
        %run_scoped3A_285 = tpu.sem_alloc : memref<!tpu.dma_semaphore, #tpu.memory_space<semaphore_mem>>
        %dma_start3A_286 = arith.constant 0 : i32
        %dma_start3A_287 = tpu.memref_slice %arg5[%add3A_248, %run_scoped3A_257, %dma_start3A_286] : memref<79x2x128xi32, #tpu.memory_space<vmem>> -> memref<1x1x128xi32, #tpu.memory_space<vmem>>
        %dma_start3A_288 = tpu.memref_squeeze %dma_start3A_287 : memref<1x1x128xi32, #tpu.memory_space<vmem>> -> memref<128xi32, #tpu.memory_space<vmem>>
        %dma_start3A_289 = arith.constant 0 : i32
        %dma_start3A_290 = arith.constant 0 : i32
        %dma_start3A_291 = tpu.memref_slice %arg17[%dma_start3A_289, %dma_start3A_290] : memref<10240x64xf32, #tpu.memory_space<vmem_shared>> -> memref<10240x64xf32, #tpu.memory_space<vmem_shared>>
        tpu.enqueue_indirect_dma source(%arg9 : memref<128x64xf32, #tpu.memory_space<vmem>>) target(%dma_start3A_291 : memref<10240x64xf32, #tpu.memory_space<vmem_shared>>) offsets(%dma_start3A_288 : memref<128xi32, #tpu.memory_space<vmem>>) semaphore(%run_scoped3A_285 : memref<!tpu.dma_semaphore, #tpu.memory_space<semaphore_mem>>) {add = true}
        %dma_wait3A_292 = arith.constant 0 : i32
        %dma_wait3A_293 = tpu.memref_slice %arg5[%add3A_248, %run_scoped3A_257, %dma_wait3A_292] : memref<79x2x128xi32, #tpu.memory_space<vmem>> -> memref<1x1x128xi32, #tpu.memory_space<vmem>>
        %dma_wait3A_294 = tpu.memref_squeeze %dma_wait3A_293 : memref<1x1x128xi32, #tpu.memory_space<vmem>> -> memref<128xi32, #tpu.memory_space<vmem>>
        %dma_wait3A_295 = arith.constant 0 : i32
        %dma_wait3A_296 = arith.constant 0 : i32
        %dma_wait3A_297 = tpu.memref_slice %arg17[%dma_wait3A_295, %dma_wait3A_296] : memref<10240x64xf32, #tpu.memory_space<vmem_shared>> -> memref<10240x64xf32, #tpu.memory_space<vmem_shared>>
        tpu.wait_indirect_dma semaphore(%run_scoped3A_285 : memref<!tpu.dma_semaphore, #tpu.memory_space<semaphore_mem>>) src(%arg9 : memref<128x64xf32, #tpu.memory_space<vmem>>) dst(%dma_wait3A_297 : memref<10240x64xf32, #tpu.memory_space<vmem_shared>>)
        tpu.yield
      }) : () -> ()
      %run_scoped3A_258 = arith.constant 1 : i32
      "tpu.region"() ({
        %run_scoped3A_285 = tpu.sem_alloc : memref<!tpu.dma_semaphore, #tpu.memory_space<semaphore_mem>>
        %dma_start3A_286 = arith.constant 0 : i32
        %dma_start3A_287 = tpu.memref_slice %arg5[%add3A_248, %run_scoped3A_258, %dma_start3A_286] : memref<79x2x128xi32, #tpu.memory_space<vmem>> -> memref<1x1x128xi32, #tpu.memory_space<vmem>>
        %dma_start3A_288 = tpu.memref_squeeze %dma_start3A_287 : memref<1x1x128xi32, #tpu.memory_space<vmem>> -> memref<128xi32, #tpu.memory_space<vmem>>
        %dma_start3A_289 = arith.constant 0 : i32
        %dma_start3A_290 = arith.constant 0 : i32
        %dma_start3A_291 = tpu.memref_slice %arg21[%dma_start3A_289, %dma_start3A_290] : memref<10240x16xf32, #tpu.memory_space<vmem_shared>> -> memref<10240x16xf32, #tpu.memory_space<vmem_shared>>
        tpu.enqueue_indirect_dma source(%arg19 : memref<128x16xf32, #tpu.memory_space<vmem>>) target(%dma_start3A_291 : memref<10240x16xf32, #tpu.memory_space<vmem_shared>>) offsets(%dma_start3A_288 : memref<128xi32, #tpu.memory_space<vmem>>) semaphore(%run_scoped3A_285 : memref<!tpu.dma_semaphore, #tpu.memory_space<semaphore_mem>>) {add = true}
        %dma_wait3A_292 = arith.constant 0 : i32
        %dma_wait3A_293 = tpu.memref_slice %arg5[%add3A_248, %run_scoped3A_258, %dma_wait3A_292] : memref<79x2x128xi32, #tpu.memory_space<vmem>> -> memref<1x1x128xi32, #tpu.memory_space<vmem>>
        %dma_wait3A_294 = tpu.memref_squeeze %dma_wait3A_293 : memref<1x1x128xi32, #tpu.memory_space<vmem>> -> memref<128xi32, #tpu.memory_space<vmem>>
        %dma_wait3A_295 = arith.constant 0 : i32
        %dma_wait3A_296 = arith.constant 0 : i32
        %dma_wait3A_297 = tpu.memref_slice %arg21[%dma_wait3A_295, %dma_wait3A_296] : memref<10240x16xf32, #tpu.memory_space<vmem_shared>> -> memref<10240x16xf32, #tpu.memory_space<vmem_shared>>
        tpu.wait_indirect_dma semaphore(%run_scoped3A_285 : memref<!tpu.dma_semaphore, #tpu.memory_space<semaphore_mem>>) src(%arg19 : memref<128x16xf32, #tpu.memory_space<vmem>>) dst(%dma_wait3A_297 : memref<10240x16xf32, #tpu.memory_space<vmem_shared>>)
        tpu.yield
      }) : () -> ()
      %add3A_259 = arith.constant 5 : i32
      %add3A_260 = arith.addi %add3A_248, %add3A_259 : i32
      %lt3A_261 = arith.cmpi slt, %add3A_260, %select_n3A : i32
      %convert_element_type3A_262 = arith.extui %lt3A_261 : i1 to i32
      %cond3A_263 = arith.constant 0 : i32
      %cond3A_264 = arith.cmpi ne, %convert_element_type3A_262, %cond3A_263 : i32
      scf.if %cond3A_264 {
        %add3A_285 = arith.constant 5 : i32
        %add3A_286 = arith.addi %add3A_248, %add3A_285 : i32
        %dma_start3A_287 = arith.constant 0 : i32
        %dma_start3A_288 = arith.constant 0 : i32
        %dma_start3A_289 = tpu.memref_slice %arg5[%add3A_286, %dma_start3A_287, %dma_start3A_288] : memref<79x2x128xi32, #tpu.memory_space<vmem>> -> memref<1x1x128xi32, #tpu.memory_space<vmem>>
        %dma_start3A_290 = tpu.memref_squeeze %dma_start3A_289 : memref<1x1x128xi32, #tpu.memory_space<vmem>> -> memref<128xi32, #tpu.memory_space<vmem>>
        %dma_start3A_291 = arith.constant 0 : i32
        %dma_start3A_292 = arith.constant 0 : i32
        %dma_start3A_293 = tpu.memref_slice %arg2[%dma_start3A_291, %dma_start3A_292] : memref<20000x64xf32, #tpu.memory_space<hbm>> -> memref<20000x64xf32, #tpu.memory_space<hbm>>
        tpu.enqueue_indirect_dma source(%dma_start3A_293 : memref<20000x64xf32, #tpu.memory_space<hbm>>) target(%arg9 : memref<128x64xf32, #tpu.memory_space<vmem>>) offsets(%dma_start3A_290 : memref<128xi32, #tpu.memory_space<vmem>>) semaphore(%arg14 : memref<!tpu.dma_semaphore, #tpu.memory_space<semaphore_mem>>)
      } else {
      }
      %mul3A_265 = arith.constant 5 : i32
      %mul3A_266 = arith.muli %scan3A_184, %mul3A_265 : i32
      %add3A_267 = arith.constant 4 : i32
      %add3A_268 = arith.addi %mul3A_266, %add3A_267 : i32
      %dma_wait3A_269 = arith.constant 0 : i32
      %dma_wait3A_270 = arith.constant 0 : i32
      %dma_wait3A_271 = arith.constant 0 : i32
      %dma_wait3A_272 = tpu.memref_slice %arg5[%dma_wait3A_269, %dma_wait3A_270, %dma_wait3A_271] : memref<79x2x128xi32, #tpu.memory_space<vmem>> -> memref<1x1x128xi32, #tpu.memory_space<vmem>>
      %dma_wait3A_273 = tpu.memref_squeeze %dma_wait3A_272 : memref<1x1x128xi32, #tpu.memory_space<vmem>> -> memref<128xi32, #tpu.memory_space<vmem>>
      %dma_wait3A_274 = arith.constant 0 : i32
      %dma_wait3A_275 = arith.constant 0 : i32
      %dma_wait3A_276 = tpu.memref_slice %arg2[%dma_wait3A_274, %dma_wait3A_275] : memref<20000x64xf32, #tpu.memory_space<hbm>> -> memref<20000x64xf32, #tpu.memory_space<hbm>>
      tpu.wait_indirect_dma semaphore(%arg15 : memref<!tpu.dma_semaphore, #tpu.memory_space<semaphore_mem>>) src(%dma_wait3A_276 : memref<20000x64xf32, #tpu.memory_space<hbm>>) dst(%arg10 : memref<128x64xf32, #tpu.memory_space<vmem>>)
      %run_scoped3A_277 = arith.constant 1 : i32
      "tpu.region"() ({
        %run_scoped3A_285 = tpu.sem_alloc : memref<!tpu.dma_semaphore, #tpu.memory_space<semaphore_mem>>
        %dma_start3A_286 = arith.constant 0 : i32
        %dma_start3A_287 = tpu.memref_slice %arg5[%add3A_268, %run_scoped3A_277, %dma_start3A_286] : memref<79x2x128xi32, #tpu.memory_space<vmem>> -> memref<1x1x128xi32, #tpu.memory_space<vmem>>
        %dma_start3A_288 = tpu.memref_squeeze %dma_start3A_287 : memref<1x1x128xi32, #tpu.memory_space<vmem>> -> memref<128xi32, #tpu.memory_space<vmem>>
        %dma_start3A_289 = arith.constant 0 : i32
        %dma_start3A_290 = arith.constant 0 : i32
        %dma_start3A_291 = tpu.memref_slice %arg17[%dma_start3A_289, %dma_start3A_290] : memref<10240x64xf32, #tpu.memory_space<vmem_shared>> -> memref<10240x64xf32, #tpu.memory_space<vmem_shared>>
        tpu.enqueue_indirect_dma source(%arg10 : memref<128x64xf32, #tpu.memory_space<vmem>>) target(%dma_start3A_291 : memref<10240x64xf32, #tpu.memory_space<vmem_shared>>) offsets(%dma_start3A_288 : memref<128xi32, #tpu.memory_space<vmem>>) semaphore(%run_scoped3A_285 : memref<!tpu.dma_semaphore, #tpu.memory_space<semaphore_mem>>) {add = true}
        %dma_wait3A_292 = arith.constant 0 : i32
        %dma_wait3A_293 = tpu.memref_slice %arg5[%add3A_268, %run_scoped3A_277, %dma_wait3A_292] : memref<79x2x128xi32, #tpu.memory_space<vmem>> -> memref<1x1x128xi32, #tpu.memory_space<vmem>>
        %dma_wait3A_294 = tpu.memref_squeeze %dma_wait3A_293 : memref<1x1x128xi32, #tpu.memory_space<vmem>> -> memref<128xi32, #tpu.memory_space<vmem>>
        %dma_wait3A_295 = arith.constant 0 : i32
        %dma_wait3A_296 = arith.constant 0 : i32
        %dma_wait3A_297 = tpu.memref_slice %arg17[%dma_wait3A_295, %dma_wait3A_296] : memref<10240x64xf32, #tpu.memory_space<vmem_shared>> -> memref<10240x64xf32, #tpu.memory_space<vmem_shared>>
        tpu.wait_indirect_dma semaphore(%run_scoped3A_285 : memref<!tpu.dma_semaphore, #tpu.memory_space<semaphore_mem>>) src(%arg10 : memref<128x64xf32, #tpu.memory_space<vmem>>) dst(%dma_wait3A_297 : memref<10240x64xf32, #tpu.memory_space<vmem_shared>>)
        tpu.yield
      }) : () -> ()
      %run_scoped3A_278 = arith.constant 1 : i32
      "tpu.region"() ({
        %run_scoped3A_285 = tpu.sem_alloc : memref<!tpu.dma_semaphore, #tpu.memory_space<semaphore_mem>>
        %dma_start3A_286 = arith.constant 0 : i32
        %dma_start3A_287 = tpu.memref_slice %arg5[%add3A_268, %run_scoped3A_278, %dma_start3A_286] : memref<79x2x128xi32, #tpu.memory_space<vmem>> -> memref<1x1x128xi32, #tpu.memory_space<vmem>>
        %dma_start3A_288 = tpu.memref_squeeze %dma_start3A_287 : memref<1x1x128xi32, #tpu.memory_space<vmem>> -> memref<128xi32, #tpu.memory_space<vmem>>
        %dma_start3A_289 = arith.constant 0 : i32
        %dma_start3A_290 = arith.constant 0 : i32
        %dma_start3A_291 = tpu.memref_slice %arg21[%dma_start3A_289, %dma_start3A_290] : memref<10240x16xf32, #tpu.memory_space<vmem_shared>> -> memref<10240x16xf32, #tpu.memory_space<vmem_shared>>
        tpu.enqueue_indirect_dma source(%arg19 : memref<128x16xf32, #tpu.memory_space<vmem>>) target(%dma_start3A_291 : memref<10240x16xf32, #tpu.memory_space<vmem_shared>>) offsets(%dma_start3A_288 : memref<128xi32, #tpu.memory_space<vmem>>) semaphore(%run_scoped3A_285 : memref<!tpu.dma_semaphore, #tpu.memory_space<semaphore_mem>>) {add = true}
        %dma_wait3A_292 = arith.constant 0 : i32
        %dma_wait3A_293 = tpu.memref_slice %arg5[%add3A_268, %run_scoped3A_278, %dma_wait3A_292] : memref<79x2x128xi32, #tpu.memory_space<vmem>> -> memref<1x1x128xi32, #tpu.memory_space<vmem>>
        %dma_wait3A_294 = tpu.memref_squeeze %dma_wait3A_293 : memref<1x1x128xi32, #tpu.memory_space<vmem>> -> memref<128xi32, #tpu.memory_space<vmem>>
        %dma_wait3A_295 = arith.constant 0 : i32
        %dma_wait3A_296 = arith.constant 0 : i32
        %dma_wait3A_297 = tpu.memref_slice %arg21[%dma_wait3A_295, %dma_wait3A_296] : memref<10240x16xf32, #tpu.memory_space<vmem_shared>> -> memref<10240x16xf32, #tpu.memory_space<vmem_shared>>
        tpu.wait_indirect_dma semaphore(%run_scoped3A_285 : memref<!tpu.dma_semaphore, #tpu.memory_space<semaphore_mem>>) src(%arg19 : memref<128x16xf32, #tpu.memory_space<vmem>>) dst(%dma_wait3A_297 : memref<10240x16xf32, #tpu.memory_space<vmem_shared>>)
        tpu.yield
      }) : () -> ()
      %add3A_279 = arith.constant 5 : i32
      %add3A_280 = arith.addi %add3A_268, %add3A_279 : i32
      %lt3A_281 = arith.cmpi slt, %add3A_280, %select_n3A : i32
      %convert_element_type3A_282 = arith.extui %lt3A_281 : i1 to i32
      %cond3A_283 = arith.constant 0 : i32
      %cond3A_284 = arith.cmpi ne, %convert_element_type3A_282, %cond3A_283 : i32
      scf.if %cond3A_284 {
        %add3A_285 = arith.constant 5 : i32
        %add3A_286 = arith.addi %add3A_268, %add3A_285 : i32
        %dma_start3A_287 = arith.constant 0 : i32
        %dma_start3A_288 = arith.constant 0 : i32
        %dma_start3A_289 = tpu.memref_slice %arg5[%add3A_286, %dma_start3A_287, %dma_start3A_288] : memref<79x2x128xi32, #tpu.memory_space<vmem>> -> memref<1x1x128xi32, #tpu.memory_space<vmem>>
        %dma_start3A_290 = tpu.memref_squeeze %dma_start3A_289 : memref<1x1x128xi32, #tpu.memory_space<vmem>> -> memref<128xi32, #tpu.memory_space<vmem>>
        %dma_start3A_291 = arith.constant 0 : i32
        %dma_start3A_292 = arith.constant 0 : i32
        %dma_start3A_293 = tpu.memref_slice %arg2[%dma_start3A_291, %dma_start3A_292] : memref<20000x64xf32, #tpu.memory_space<hbm>> -> memref<20000x64xf32, #tpu.memory_space<hbm>>
        tpu.enqueue_indirect_dma source(%dma_start3A_293 : memref<20000x64xf32, #tpu.memory_space<hbm>>) target(%arg10 : memref<128x64xf32, #tpu.memory_space<vmem>>) offsets(%dma_start3A_290 : memref<128xi32, #tpu.memory_space<vmem>>) semaphore(%arg15 : memref<!tpu.dma_semaphore, #tpu.memory_space<semaphore_mem>>)
      } else {
      }
    }
    %scan3A_144 = arith.constant 15 : i32
    %dma_wait3A_145 = arith.constant 0 : i32
    %dma_wait3A_146 = arith.constant 0 : i32
    %dma_wait3A_147 = arith.constant 0 : i32
    %dma_wait3A_148 = tpu.memref_slice %arg5[%dma_wait3A_145, %dma_wait3A_146, %dma_wait3A_147] : memref<79x2x128xi32, #tpu.memory_space<vmem>> -> memref<1x1x128xi32, #tpu.memory_space<vmem>>
    %dma_wait3A_149 = tpu.memref_squeeze %dma_wait3A_148 : memref<1x1x128xi32, #tpu.memory_space<vmem>> -> memref<128xi32, #tpu.memory_space<vmem>>
    %dma_wait3A_150 = arith.constant 0 : i32
    %dma_wait3A_151 = arith.constant 0 : i32
    %dma_wait3A_152 = tpu.memref_slice %arg2[%dma_wait3A_150, %dma_wait3A_151] : memref<20000x64xf32, #tpu.memory_space<hbm>> -> memref<20000x64xf32, #tpu.memory_space<hbm>>
    tpu.wait_indirect_dma semaphore(%arg11 : memref<!tpu.dma_semaphore, #tpu.memory_space<semaphore_mem>>) src(%dma_wait3A_152 : memref<20000x64xf32, #tpu.memory_space<hbm>>) dst(%arg6 : memref<128x64xf32, #tpu.memory_space<vmem>>)
    %run_scoped3A = arith.constant 75 : i32
    %run_scoped3A_153 = arith.constant 1 : i32
    "tpu.region"() ({
      %run_scoped3A_184 = tpu.sem_alloc : memref<!tpu.dma_semaphore, #tpu.memory_space<semaphore_mem>>
      %dma_start3A_185 = arith.constant 0 : i32
      %dma_start3A_186 = tpu.memref_slice %arg5[%run_scoped3A, %run_scoped3A_153, %dma_start3A_185] : memref<79x2x128xi32, #tpu.memory_space<vmem>> -> memref<1x1x128xi32, #tpu.memory_space<vmem>>
      %dma_start3A_187 = tpu.memref_squeeze %dma_start3A_186 : memref<1x1x128xi32, #tpu.memory_space<vmem>> -> memref<128xi32, #tpu.memory_space<vmem>>
      %dma_start3A_188 = arith.constant 0 : i32
      %dma_start3A_189 = arith.constant 0 : i32
      %dma_start3A_190 = tpu.memref_slice %arg17[%dma_start3A_188, %dma_start3A_189] : memref<10240x64xf32, #tpu.memory_space<vmem_shared>> -> memref<10240x64xf32, #tpu.memory_space<vmem_shared>>
      tpu.enqueue_indirect_dma source(%arg6 : memref<128x64xf32, #tpu.memory_space<vmem>>) target(%dma_start3A_190 : memref<10240x64xf32, #tpu.memory_space<vmem_shared>>) offsets(%dma_start3A_187 : memref<128xi32, #tpu.memory_space<vmem>>) semaphore(%run_scoped3A_184 : memref<!tpu.dma_semaphore, #tpu.memory_space<semaphore_mem>>) {add = true}
      %dma_wait3A_191 = arith.constant 0 : i32
      %dma_wait3A_192 = tpu.memref_slice %arg5[%run_scoped3A, %run_scoped3A_153, %dma_wait3A_191] : memref<79x2x128xi32, #tpu.memory_space<vmem>> -> memref<1x1x128xi32, #tpu.memory_space<vmem>>
      %dma_wait3A_193 = tpu.memref_squeeze %dma_wait3A_192 : memref<1x1x128xi32, #tpu.memory_space<vmem>> -> memref<128xi32, #tpu.memory_space<vmem>>
      %dma_wait3A_194 = arith.constant 0 : i32
      %dma_wait3A_195 = arith.constant 0 : i32
      %dma_wait3A_196 = tpu.memref_slice %arg17[%dma_wait3A_194, %dma_wait3A_195] : memref<10240x64xf32, #tpu.memory_space<vmem_shared>> -> memref<10240x64xf32, #tpu.memory_space<vmem_shared>>
      tpu.wait_indirect_dma semaphore(%run_scoped3A_184 : memref<!tpu.dma_semaphore, #tpu.memory_space<semaphore_mem>>) src(%arg6 : memref<128x64xf32, #tpu.memory_space<vmem>>) dst(%dma_wait3A_196 : memref<10240x64xf32, #tpu.memory_space<vmem_shared>>)
      tpu.yield
    }) : () -> ()
    %run_scoped3A_154 = arith.constant 75 : i32
    %run_scoped3A_155 = arith.constant 1 : i32
    "tpu.region"() ({
      %run_scoped3A_184 = tpu.sem_alloc : memref<!tpu.dma_semaphore, #tpu.memory_space<semaphore_mem>>
      %dma_start3A_185 = arith.constant 0 : i32
      %dma_start3A_186 = tpu.memref_slice %arg5[%run_scoped3A_154, %run_scoped3A_155, %dma_start3A_185] : memref<79x2x128xi32, #tpu.memory_space<vmem>> -> memref<1x1x128xi32, #tpu.memory_space<vmem>>
      %dma_start3A_187 = tpu.memref_squeeze %dma_start3A_186 : memref<1x1x128xi32, #tpu.memory_space<vmem>> -> memref<128xi32, #tpu.memory_space<vmem>>
      %dma_start3A_188 = arith.constant 0 : i32
      %dma_start3A_189 = arith.constant 0 : i32
      %dma_start3A_190 = tpu.memref_slice %arg21[%dma_start3A_188, %dma_start3A_189] : memref<10240x16xf32, #tpu.memory_space<vmem_shared>> -> memref<10240x16xf32, #tpu.memory_space<vmem_shared>>
      tpu.enqueue_indirect_dma source(%arg19 : memref<128x16xf32, #tpu.memory_space<vmem>>) target(%dma_start3A_190 : memref<10240x16xf32, #tpu.memory_space<vmem_shared>>) offsets(%dma_start3A_187 : memref<128xi32, #tpu.memory_space<vmem>>) semaphore(%run_scoped3A_184 : memref<!tpu.dma_semaphore, #tpu.memory_space<semaphore_mem>>) {add = true}
      %dma_wait3A_191 = arith.constant 0 : i32
      %dma_wait3A_192 = tpu.memref_slice %arg5[%run_scoped3A_154, %run_scoped3A_155, %dma_wait3A_191] : memref<79x2x128xi32, #tpu.memory_space<vmem>> -> memref<1x1x128xi32, #tpu.memory_space<vmem>>
      %dma_wait3A_193 = tpu.memref_squeeze %dma_wait3A_192 : memref<1x1x128xi32, #tpu.memory_space<vmem>> -> memref<128xi32, #tpu.memory_space<vmem>>
      %dma_wait3A_194 = arith.constant 0 : i32
      %dma_wait3A_195 = arith.constant 0 : i32
      %dma_wait3A_196 = tpu.memref_slice %arg21[%dma_wait3A_194, %dma_wait3A_195] : memref<10240x16xf32, #tpu.memory_space<vmem_shared>> -> memref<10240x16xf32, #tpu.memory_space<vmem_shared>>
      tpu.wait_indirect_dma semaphore(%run_scoped3A_184 : memref<!tpu.dma_semaphore, #tpu.memory_space<semaphore_mem>>) src(%arg19 : memref<128x16xf32, #tpu.memory_space<vmem>>) dst(%dma_wait3A_196 : memref<10240x16xf32, #tpu.memory_space<vmem_shared>>)
      tpu.yield
    }) : () -> ()
    %dma_wait3A_156 = arith.constant 0 : i32
    %dma_wait3A_157 = arith.constant 0 : i32
    %dma_wait3A_158 = arith.constant 0 : i32
    %dma_wait3A_159 = tpu.memref_slice %arg5[%dma_wait3A_156, %dma_wait3A_157, %dma_wait3A_158] : memref<79x2x128xi32, #tpu.memory_space<vmem>> -> memref<1x1x128xi32, #tpu.memory_space<vmem>>
    %dma_wait3A_160 = tpu.memref_squeeze %dma_wait3A_159 : memref<1x1x128xi32, #tpu.memory_space<vmem>> -> memref<128xi32, #tpu.memory_space<vmem>>
    %dma_wait3A_161 = arith.constant 0 : i32
    %dma_wait3A_162 = arith.constant 0 : i32
    %dma_wait3A_163 = tpu.memref_slice %arg2[%dma_wait3A_161, %dma_wait3A_162] : memref<20000x64xf32, #tpu.memory_space<hbm>> -> memref<20000x64xf32, #tpu.memory_space<hbm>>
    tpu.wait_indirect_dma semaphore(%arg12 : memref<!tpu.dma_semaphore, #tpu.memory_space<semaphore_mem>>) src(%dma_wait3A_163 : memref<20000x64xf32, #tpu.memory_space<hbm>>) dst(%arg7 : memref<128x64xf32, #tpu.memory_space<vmem>>)
    %run_scoped3A_164 = arith.constant 76 : i32
    %run_scoped3A_165 = arith.constant 1 : i32
    "tpu.region"() ({
      %run_scoped3A_184 = tpu.sem_alloc : memref<!tpu.dma_semaphore, #tpu.memory_space<semaphore_mem>>
      %dma_start3A_185 = arith.constant 0 : i32
      %dma_start3A_186 = tpu.memref_slice %arg5[%run_scoped3A_164, %run_scoped3A_165, %dma_start3A_185] : memref<79x2x128xi32, #tpu.memory_space<vmem>> -> memref<1x1x128xi32, #tpu.memory_space<vmem>>
      %dma_start3A_187 = tpu.memref_squeeze %dma_start3A_186 : memref<1x1x128xi32, #tpu.memory_space<vmem>> -> memref<128xi32, #tpu.memory_space<vmem>>
      %dma_start3A_188 = arith.constant 0 : i32
      %dma_start3A_189 = arith.constant 0 : i32
      %dma_start3A_190 = tpu.memref_slice %arg17[%dma_start3A_188, %dma_start3A_189] : memref<10240x64xf32, #tpu.memory_space<vmem_shared>> -> memref<10240x64xf32, #tpu.memory_space<vmem_shared>>
      tpu.enqueue_indirect_dma source(%arg7 : memref<128x64xf32, #tpu.memory_space<vmem>>) target(%dma_start3A_190 : memref<10240x64xf32, #tpu.memory_space<vmem_shared>>) offsets(%dma_start3A_187 : memref<128xi32, #tpu.memory_space<vmem>>) semaphore(%run_scoped3A_184 : memref<!tpu.dma_semaphore, #tpu.memory_space<semaphore_mem>>) {add = true}
      %dma_wait3A_191 = arith.constant 0 : i32
      %dma_wait3A_192 = tpu.memref_slice %arg5[%run_scoped3A_164, %run_scoped3A_165, %dma_wait3A_191] : memref<79x2x128xi32, #tpu.memory_space<vmem>> -> memref<1x1x128xi32, #tpu.memory_space<vmem>>
      %dma_wait3A_193 = tpu.memref_squeeze %dma_wait3A_192 : memref<1x1x128xi32, #tpu.memory_space<vmem>> -> memref<128xi32, #tpu.memory_space<vmem>>
      %dma_wait3A_194 = arith.constant 0 : i32
      %dma_wait3A_195 = arith.constant 0 : i32
      %dma_wait3A_196 = tpu.memref_slice %arg17[%dma_wait3A_194, %dma_wait3A_195] : memref<10240x64xf32, #tpu.memory_space<vmem_shared>> -> memref<10240x64xf32, #tpu.memory_space<vmem_shared>>
      tpu.wait_indirect_dma semaphore(%run_scoped3A_184 : memref<!tpu.dma_semaphore, #tpu.memory_space<semaphore_mem>>) src(%arg7 : memref<128x64xf32, #tpu.memory_space<vmem>>) dst(%dma_wait3A_196 : memref<10240x64xf32, #tpu.memory_space<vmem_shared>>)
      tpu.yield
    }) : () -> ()
    %run_scoped3A_166 = arith.constant 76 : i32
    %run_scoped3A_167 = arith.constant 1 : i32
    "tpu.region"() ({
      %run_scoped3A_184 = tpu.sem_alloc : memref<!tpu.dma_semaphore, #tpu.memory_space<semaphore_mem>>
      %dma_start3A_185 = arith.constant 0 : i32
      %dma_start3A_186 = tpu.memref_slice %arg5[%run_scoped3A_166, %run_scoped3A_167, %dma_start3A_185] : memref<79x2x128xi32, #tpu.memory_space<vmem>> -> memref<1x1x128xi32, #tpu.memory_space<vmem>>
      %dma_start3A_187 = tpu.memref_squeeze %dma_start3A_186 : memref<1x1x128xi32, #tpu.memory_space<vmem>> -> memref<128xi32, #tpu.memory_space<vmem>>
      %dma_start3A_188 = arith.constant 0 : i32
      %dma_start3A_189 = arith.constant 0 : i32
      %dma_start3A_190 = tpu.memref_slice %arg21[%dma_start3A_188, %dma_start3A_189] : memref<10240x16xf32, #tpu.memory_space<vmem_shared>> -> memref<10240x16xf32, #tpu.memory_space<vmem_shared>>
      tpu.enqueue_indirect_dma source(%arg19 : memref<128x16xf32, #tpu.memory_space<vmem>>) target(%dma_start3A_190 : memref<10240x16xf32, #tpu.memory_space<vmem_shared>>) offsets(%dma_start3A_187 : memref<128xi32, #tpu.memory_space<vmem>>) semaphore(%run_scoped3A_184 : memref<!tpu.dma_semaphore, #tpu.memory_space<semaphore_mem>>) {add = true}
      %dma_wait3A_191 = arith.constant 0 : i32
      %dma_wait3A_192 = tpu.memref_slice %arg5[%run_scoped3A_166, %run_scoped3A_167, %dma_wait3A_191] : memref<79x2x128xi32, #tpu.memory_space<vmem>> -> memref<1x1x128xi32, #tpu.memory_space<vmem>>
      %dma_wait3A_193 = tpu.memref_squeeze %dma_wait3A_192 : memref<1x1x128xi32, #tpu.memory_space<vmem>> -> memref<128xi32, #tpu.memory_space<vmem>>
      %dma_wait3A_194 = arith.constant 0 : i32
      %dma_wait3A_195 = arith.constant 0 : i32
      %dma_wait3A_196 = tpu.memref_slice %arg21[%dma_wait3A_194, %dma_wait3A_195] : memref<10240x16xf32, #tpu.memory_space<vmem_shared>> -> memref<10240x16xf32, #tpu.memory_space<vmem_shared>>
      tpu.wait_indirect_dma semaphore(%run_scoped3A_184 : memref<!tpu.dma_semaphore, #tpu.memory_space<semaphore_mem>>) src(%arg19 : memref<128x16xf32, #tpu.memory_space<vmem>>) dst(%dma_wait3A_196 : memref<10240x16xf32, #tpu.memory_space<vmem_shared>>)
      tpu.yield
    }) : () -> ()
    %dma_wait3A_168 = arith.constant 0 : i32
    %dma_wait3A_169 = arith.constant 0 : i32
    %dma_wait3A_170 = arith.constant 0 : i32
    %dma_wait3A_171 = tpu.memref_slice %arg5[%dma_wait3A_168, %dma_wait3A_169, %dma_wait3A_170] : memref<79x2x128xi32, #tpu.memory_space<vmem>> -> memref<1x1x128xi32, #tpu.memory_space<vmem>>
    %dma_wait3A_172 = tpu.memref_squeeze %dma_wait3A_171 : memref<1x1x128xi32, #tpu.memory_space<vmem>> -> memref<128xi32, #tpu.memory_space<vmem>>
    %dma_wait3A_173 = arith.constant 0 : i32
    %dma_wait3A_174 = arith.constant 0 : i32
    %dma_wait3A_175 = tpu.memref_slice %arg2[%dma_wait3A_173, %dma_wait3A_174] : memref<20000x64xf32, #tpu.memory_space<hbm>> -> memref<20000x64xf32, #tpu.memory_space<hbm>>
    tpu.wait_indirect_dma semaphore(%arg13 : memref<!tpu.dma_semaphore, #tpu.memory_space<semaphore_mem>>) src(%dma_wait3A_175 : memref<20000x64xf32, #tpu.memory_space<hbm>>) dst(%arg8 : memref<128x64xf32, #tpu.memory_space<vmem>>)
    %run_scoped3A_176 = arith.constant 77 : i32
    %run_scoped3A_177 = arith.constant 1 : i32
    "tpu.region"() ({
      %run_scoped3A_184 = tpu.sem_alloc : memref<!tpu.dma_semaphore, #tpu.memory_space<semaphore_mem>>
      %dma_start3A_185 = arith.constant 0 : i32
      %dma_start3A_186 = tpu.memref_slice %arg5[%run_scoped3A_176, %run_scoped3A_177, %dma_start3A_185] : memref<79x2x128xi32, #tpu.memory_space<vmem>> -> memref<1x1x128xi32, #tpu.memory_space<vmem>>
      %dma_start3A_187 = tpu.memref_squeeze %dma_start3A_186 : memref<1x1x128xi32, #tpu.memory_space<vmem>> -> memref<128xi32, #tpu.memory_space<vmem>>
      %dma_start3A_188 = arith.constant 0 : i32
      %dma_start3A_189 = arith.constant 0 : i32
      %dma_start3A_190 = tpu.memref_slice %arg17[%dma_start3A_188, %dma_start3A_189] : memref<10240x64xf32, #tpu.memory_space<vmem_shared>> -> memref<10240x64xf32, #tpu.memory_space<vmem_shared>>
      tpu.enqueue_indirect_dma source(%arg8 : memref<128x64xf32, #tpu.memory_space<vmem>>) target(%dma_start3A_190 : memref<10240x64xf32, #tpu.memory_space<vmem_shared>>) offsets(%dma_start3A_187 : memref<128xi32, #tpu.memory_space<vmem>>) semaphore(%run_scoped3A_184 : memref<!tpu.dma_semaphore, #tpu.memory_space<semaphore_mem>>) {add = true}
      %dma_wait3A_191 = arith.constant 0 : i32
      %dma_wait3A_192 = tpu.memref_slice %arg5[%run_scoped3A_176, %run_scoped3A_177, %dma_wait3A_191] : memref<79x2x128xi32, #tpu.memory_space<vmem>> -> memref<1x1x128xi32, #tpu.memory_space<vmem>>
      %dma_wait3A_193 = tpu.memref_squeeze %dma_wait3A_192 : memref<1x1x128xi32, #tpu.memory_space<vmem>> -> memref<128xi32, #tpu.memory_space<vmem>>
      %dma_wait3A_194 = arith.constant 0 : i32
      %dma_wait3A_195 = arith.constant 0 : i32
      %dma_wait3A_196 = tpu.memref_slice %arg17[%dma_wait3A_194, %dma_wait3A_195] : memref<10240x64xf32, #tpu.memory_space<vmem_shared>> -> memref<10240x64xf32, #tpu.memory_space<vmem_shared>>
      tpu.wait_indirect_dma semaphore(%run_scoped3A_184 : memref<!tpu.dma_semaphore, #tpu.memory_space<semaphore_mem>>) src(%arg8 : memref<128x64xf32, #tpu.memory_space<vmem>>) dst(%dma_wait3A_196 : memref<10240x64xf32, #tpu.memory_space<vmem_shared>>)
      tpu.yield
    }) : () -> ()
    %run_scoped3A_178 = arith.constant 77 : i32
    %run_scoped3A_179 = arith.constant 1 : i32
    "tpu.region"() ({
      %run_scoped3A_184 = tpu.sem_alloc : memref<!tpu.dma_semaphore, #tpu.memory_space<semaphore_mem>>
      %dma_start3A_185 = arith.constant 0 : i32
      %dma_start3A_186 = tpu.memref_slice %arg5[%run_scoped3A_178, %run_scoped3A_179, %dma_start3A_185] : memref<79x2x128xi32, #tpu.memory_space<vmem>> -> memref<1x1x128xi32, #tpu.memory_space<vmem>>
      %dma_start3A_187 = tpu.memref_squeeze %dma_start3A_186 : memref<1x1x128xi32, #tpu.memory_space<vmem>> -> memref<128xi32, #tpu.memory_space<vmem>>
      %dma_start3A_188 = arith.constant 0 : i32
      %dma_start3A_189 = arith.constant 0 : i32
      %dma_start3A_190 = tpu.memref_slice %arg21[%dma_start3A_188, %dma_start3A_189] : memref<10240x16xf32, #tpu.memory_space<vmem_shared>> -> memref<10240x16xf32, #tpu.memory_space<vmem_shared>>
      tpu.enqueue_indirect_dma source(%arg19 : memref<128x16xf32, #tpu.memory_space<vmem>>) target(%dma_start3A_190 : memref<10240x16xf32, #tpu.memory_space<vmem_shared>>) offsets(%dma_start3A_187 : memref<128xi32, #tpu.memory_space<vmem>>) semaphore(%run_scoped3A_184 : memref<!tpu.dma_semaphore, #tpu.memory_space<semaphore_mem>>) {add = true}
      %dma_wait3A_191 = arith.constant 0 : i32
      %dma_wait3A_192 = tpu.memref_slice %arg5[%run_scoped3A_178, %run_scoped3A_179, %dma_wait3A_191] : memref<79x2x128xi32, #tpu.memory_space<vmem>> -> memref<1x1x128xi32, #tpu.memory_space<vmem>>
      %dma_wait3A_193 = tpu.memref_squeeze %dma_wait3A_192 : memref<1x1x128xi32, #tpu.memory_space<vmem>> -> memref<128xi32, #tpu.memory_space<vmem>>
      %dma_wait3A_194 = arith.constant 0 : i32
      %dma_wait3A_195 = arith.constant 0 : i32
      %dma_wait3A_196 = tpu.memref_slice %arg21[%dma_wait3A_194, %dma_wait3A_195] : memref<10240x16xf32, #tpu.memory_space<vmem_shared>> -> memref<10240x16xf32, #tpu.memory_space<vmem_shared>>
      tpu.wait_indirect_dma semaphore(%run_scoped3A_184 : memref<!tpu.dma_semaphore, #tpu.memory_space<semaphore_mem>>) src(%arg19 : memref<128x16xf32, #tpu.memory_space<vmem>>) dst(%dma_wait3A_196 : memref<10240x16xf32, #tpu.memory_space<vmem_shared>>)
      tpu.yield
    }) : () -> ()
    %convert_element_type3A_180 = arith.extui %lt3A_5 : i1 to i32
    %cond3A_181 = arith.constant 0 : i32
    %cond3A_182 = arith.cmpi ne, %convert_element_type3A_180, %cond3A_181 : i32
    scf.if %cond3A_182 {
      %dma_wait3A_184 = arith.constant 0 : i32
      %dma_wait3A_185 = arith.constant 0 : i32
      %dma_wait3A_186 = arith.constant 0 : i32
      %dma_wait3A_187 = tpu.memref_slice %arg5[%dma_wait3A_184, %dma_wait3A_185, %dma_wait3A_186] : memref<79x2x128xi32, #tpu.memory_space<vmem>> -> memref<1x1x128xi32, #tpu.memory_space<vmem>>
      %dma_wait3A_188 = tpu.memref_squeeze %dma_wait3A_187 : memref<1x1x128xi32, #tpu.memory_space<vmem>> -> memref<128xi32, #tpu.memory_space<vmem>>
      %dma_wait3A_189 = arith.constant 0 : i32
      %dma_wait3A_190 = arith.constant 0 : i32
      %dma_wait3A_191 = tpu.memref_slice %arg2[%dma_wait3A_189, %dma_wait3A_190] : memref<20000x64xf32, #tpu.memory_space<hbm>> -> memref<20000x64xf32, #tpu.memory_space<hbm>>
      tpu.wait_indirect_dma semaphore(%arg14 : memref<!tpu.dma_semaphore, #tpu.memory_space<semaphore_mem>>) src(%dma_wait3A_191 : memref<20000x64xf32, #tpu.memory_space<hbm>>) dst(%arg9 : memref<128x64xf32, #tpu.memory_space<vmem>>)
      %run_scoped3A_192 = arith.constant 78 : i32
      %run_scoped3A_193 = arith.constant 1 : i32
      "tpu.region"() ({
        %run_scoped3A_196 = tpu.sem_alloc : memref<!tpu.dma_semaphore, #tpu.memory_space<semaphore_mem>>
        %dma_start3A_197 = arith.constant 0 : i32
        %dma_start3A_198 = tpu.memref_slice %arg5[%run_scoped3A_192, %run_scoped3A_193, %dma_start3A_197] : memref<79x2x128xi32, #tpu.memory_space<vmem>> -> memref<1x1x128xi32, #tpu.memory_space<vmem>>
        %dma_start3A_199 = tpu.memref_squeeze %dma_start3A_198 : memref<1x1x128xi32, #tpu.memory_space<vmem>> -> memref<128xi32, #tpu.memory_space<vmem>>
        %dma_start3A_200 = arith.constant 0 : i32
        %dma_start3A_201 = arith.constant 0 : i32
        %dma_start3A_202 = tpu.memref_slice %arg17[%dma_start3A_200, %dma_start3A_201] : memref<10240x64xf32, #tpu.memory_space<vmem_shared>> -> memref<10240x64xf32, #tpu.memory_space<vmem_shared>>
        tpu.enqueue_indirect_dma source(%arg9 : memref<128x64xf32, #tpu.memory_space<vmem>>) target(%dma_start3A_202 : memref<10240x64xf32, #tpu.memory_space<vmem_shared>>) offsets(%dma_start3A_199 : memref<128xi32, #tpu.memory_space<vmem>>) semaphore(%run_scoped3A_196 : memref<!tpu.dma_semaphore, #tpu.memory_space<semaphore_mem>>) {add = true}
        %dma_wait3A_203 = arith.constant 0 : i32
        %dma_wait3A_204 = tpu.memref_slice %arg5[%run_scoped3A_192, %run_scoped3A_193, %dma_wait3A_203] : memref<79x2x128xi32, #tpu.memory_space<vmem>> -> memref<1x1x128xi32, #tpu.memory_space<vmem>>
        %dma_wait3A_205 = tpu.memref_squeeze %dma_wait3A_204 : memref<1x1x128xi32, #tpu.memory_space<vmem>> -> memref<128xi32, #tpu.memory_space<vmem>>
        %dma_wait3A_206 = arith.constant 0 : i32
        %dma_wait3A_207 = arith.constant 0 : i32
        %dma_wait3A_208 = tpu.memref_slice %arg17[%dma_wait3A_206, %dma_wait3A_207] : memref<10240x64xf32, #tpu.memory_space<vmem_shared>> -> memref<10240x64xf32, #tpu.memory_space<vmem_shared>>
        tpu.wait_indirect_dma semaphore(%run_scoped3A_196 : memref<!tpu.dma_semaphore, #tpu.memory_space<semaphore_mem>>) src(%arg9 : memref<128x64xf32, #tpu.memory_space<vmem>>) dst(%dma_wait3A_208 : memref<10240x64xf32, #tpu.memory_space<vmem_shared>>)
        tpu.yield
      }) : () -> ()
      %run_scoped3A_194 = arith.constant 78 : i32
      %run_scoped3A_195 = arith.constant 1 : i32
      "tpu.region"() ({
        %run_scoped3A_196 = tpu.sem_alloc : memref<!tpu.dma_semaphore, #tpu.memory_space<semaphore_mem>>
        %dma_start3A_197 = arith.constant 0 : i32
        %dma_start3A_198 = tpu.memref_slice %arg5[%run_scoped3A_194, %run_scoped3A_195, %dma_start3A_197] : memref<79x2x128xi32, #tpu.memory_space<vmem>> -> memref<1x1x128xi32, #tpu.memory_space<vmem>>
        %dma_start3A_199 = tpu.memref_squeeze %dma_start3A_198 : memref<1x1x128xi32, #tpu.memory_space<vmem>> -> memref<128xi32, #tpu.memory_space<vmem>>
        %dma_start3A_200 = arith.constant 0 : i32
        %dma_start3A_201 = arith.constant 0 : i32
        %dma_start3A_202 = tpu.memref_slice %arg21[%dma_start3A_200, %dma_start3A_201] : memref<10240x16xf32, #tpu.memory_space<vmem_shared>> -> memref<10240x16xf32, #tpu.memory_space<vmem_shared>>
        tpu.enqueue_indirect_dma source(%arg19 : memref<128x16xf32, #tpu.memory_space<vmem>>) target(%dma_start3A_202 : memref<10240x16xf32, #tpu.memory_space<vmem_shared>>) offsets(%dma_start3A_199 : memref<128xi32, #tpu.memory_space<vmem>>) semaphore(%run_scoped3A_196 : memref<!tpu.dma_semaphore, #tpu.memory_space<semaphore_mem>>) {add = true}
        %dma_wait3A_203 = arith.constant 0 : i32
        %dma_wait3A_204 = tpu.memref_slice %arg5[%run_scoped3A_194, %run_scoped3A_195, %dma_wait3A_203] : memref<79x2x128xi32, #tpu.memory_space<vmem>> -> memref<1x1x128xi32, #tpu.memory_space<vmem>>
        %dma_wait3A_205 = tpu.memref_squeeze %dma_wait3A_204 : memref<1x1x128xi32, #tpu.memory_space<vmem>> -> memref<128xi32, #tpu.memory_space<vmem>>
        %dma_wait3A_206 = arith.constant 0 : i32
        %dma_wait3A_207 = arith.constant 0 : i32
        %dma_wait3A_208 = tpu.memref_slice %arg21[%dma_wait3A_206, %dma_wait3A_207] : memref<10240x16xf32, #tpu.memory_space<vmem_shared>> -> memref<10240x16xf32, #tpu.memory_space<vmem_shared>>
        tpu.wait_indirect_dma semaphore(%run_scoped3A_196 : memref<!tpu.dma_semaphore, #tpu.memory_space<semaphore_mem>>) src(%arg19 : memref<128x16xf32, #tpu.memory_space<vmem>>) dst(%dma_wait3A_208 : memref<10240x16xf32, #tpu.memory_space<vmem_shared>>)
        tpu.yield
      }) : () -> ()
    } else {
    }
    %barrier3A_183 = arith.constant 0 : index
    tpu.barrier barrier_id(%barrier3A_183)
    "tpu.region"() ({
      %run_scoped3A_184 = tpu.sem_alloc : memref<!tpu.dma_semaphore, #tpu.memory_space<semaphore_mem>>
      %dma_start3A_185 = arith.constant 0 : i32
      %dma_start3A_186 = tpu.memref_slice %arg4[%arg0, %mul3A_33, %dma_start3A_185] : memref<2x10240x128xf32, #tpu.memory_space<hbm>> -> memref<1x640x64xf32, #tpu.memory_space<hbm>>
      %dma_start3A_187 = tpu.memref_squeeze %dma_start3A_186 : memref<1x640x64xf32, #tpu.memory_space<hbm>> -> memref<640x64xf32, #tpu.memory_space<hbm>>
      %dma_start3A_188 = arith.constant 0 : i32
      %dma_start3A_189 = tpu.memref_slice %arg17[%mul3A_33, %dma_start3A_188] : memref<10240x64xf32, #tpu.memory_space<vmem_shared>> -> memref<640x64xf32, #tpu.memory_space<vmem_shared>>
      tpu.enqueue_dma source(%dma_start3A_189 : memref<640x64xf32, #tpu.memory_space<vmem_shared>>) target(%dma_start3A_187 : memref<640x64xf32, #tpu.memory_space<hbm>>) target_semaphore(%run_scoped3A_184 : memref<!tpu.dma_semaphore, #tpu.memory_space<semaphore_mem>>)
      %dma_wait3A_190 = arith.constant 0 : i32
      %dma_wait3A_191 = tpu.memref_slice %arg4[%arg0, %mul3A_33, %dma_wait3A_190] : memref<2x10240x128xf32, #tpu.memory_space<hbm>> -> memref<1x640x64xf32, #tpu.memory_space<hbm>>
      %dma_wait3A_192 = tpu.memref_squeeze %dma_wait3A_191 : memref<1x640x64xf32, #tpu.memory_space<hbm>> -> memref<640x64xf32, #tpu.memory_space<hbm>>
      %dma_wait3A_193 = arith.constant 0 : i32
      %dma_wait3A_194 = tpu.memref_slice %arg17[%mul3A_33, %dma_wait3A_193] : memref<10240x64xf32, #tpu.memory_space<vmem_shared>> -> memref<640x64xf32, #tpu.memory_space<vmem_shared>>
      tpu.wait_dma2 semaphore(%run_scoped3A_184 : memref<!tpu.dma_semaphore, #tpu.memory_space<semaphore_mem>>) src(%dma_wait3A_194 : memref<640x64xf32, #tpu.memory_space<vmem_shared>>) dst(%dma_wait3A_192 : memref<640x64xf32, #tpu.memory_space<hbm>>)
      tpu.yield
    }) : () -> ()
    "tpu.region"() ({
      %run_scoped3A_184 = tpu.sem_alloc : memref<!tpu.dma_semaphore, #tpu.memory_space<semaphore_mem>>
      %dma_start3A_185 = arith.constant 64 : i32
      %dma_start3A_186 = tpu.memref_slice %arg4[%arg0, %mul3A_33, %dma_start3A_185] : memref<2x10240x128xf32, #tpu.memory_space<hbm>> -> memref<1x640x16xf32, #tpu.memory_space<hbm>>
      %dma_start3A_187 = tpu.memref_squeeze %dma_start3A_186 : memref<1x640x16xf32, #tpu.memory_space<hbm>> -> memref<640x16xf32, #tpu.memory_space<hbm>>
      %dma_start3A_188 = arith.constant 0 : i32
      %dma_start3A_189 = tpu.memref_slice %arg21[%mul3A_33, %dma_start3A_188] : memref<10240x16xf32, #tpu.memory_space<vmem_shared>> -> memref<640x16xf32, #tpu.memory_space<vmem_shared>>
      tpu.enqueue_dma source(%dma_start3A_189 : memref<640x16xf32, #tpu.memory_space<vmem_shared>>) target(%dma_start3A_187 : memref<640x16xf32, #tpu.memory_space<hbm>>) target_semaphore(%run_scoped3A_184 : memref<!tpu.dma_semaphore, #tpu.memory_space<semaphore_mem>>)
      %dma_wait3A_190 = arith.constant 64 : i32
      %dma_wait3A_191 = tpu.memref_slice %arg4[%arg0, %mul3A_33, %dma_wait3A_190] : memref<2x10240x128xf32, #tpu.memory_space<hbm>> -> memref<1x640x16xf32, #tpu.memory_space<hbm>>
      %dma_wait3A_192 = tpu.memref_squeeze %dma_wait3A_191 : memref<1x640x16xf32, #tpu.memory_space<hbm>> -> memref<640x16xf32, #tpu.memory_space<hbm>>
      %dma_wait3A_193 = arith.constant 0 : i32
      %dma_wait3A_194 = tpu.memref_slice %arg21[%mul3A_33, %dma_wait3A_193] : memref<10240x16xf32, #tpu.memory_space<vmem_shared>> -> memref<640x16xf32, #tpu.memory_space<vmem_shared>>
      tpu.wait_dma2 semaphore(%run_scoped3A_184 : memref<!tpu.dma_semaphore, #tpu.memory_space<semaphore_mem>>) src(%dma_wait3A_194 : memref<640x16xf32, #tpu.memory_space<vmem_shared>>) dst(%dma_wait3A_192 : memref<640x16xf32, #tpu.memory_space<hbm>>)
      tpu.yield
    }) : () -> ()
    return
  }
}

#map = affine_map<(d0, d1) -> (0, 0)>
#map1 = affine_map<(d0, d1) -> (0, 0, 0)>
module attributes {stable_mosaic.version = 14 : i64} {
  func.func @body(%arg0: i32, %arg1: i32, %arg2: memref<40000x32xf32, #tpu.memory_space<hbm>>, %arg3: memref<2500x2x128xi32, #tpu.memory_space<hbm>>, %arg4: memref<2x10240x128xf32, #tpu.memory_space<hbm>>, %arg5: memref<79x2x128xi32, #tpu.memory_space<vmem>>, %arg6: memref<128x32xf32, #tpu.memory_space<vmem>>, %arg7: memref<128x32xf32, #tpu.memory_space<vmem>>, %arg8: memref<128x32xf32, #tpu.memory_space<vmem>>, %arg9: memref<128x32xf32, #tpu.memory_space<vmem>>, %arg10: memref<128x32xf32, #tpu.memory_space<vmem>>, %arg11: memref<128x32xf32, #tpu.memory_space<vmem>>, %arg12: memref<128x32xf32, #tpu.memory_space<vmem>>, %arg13: memref<128x32xf32, #tpu.memory_space<vmem>>, %arg14: memref<128x32xf32, #tpu.memory_space<vmem>>, %arg15: memref<128x32xf32, #tpu.memory_space<vmem>>, %arg16: memref<128x32xf32, #tpu.memory_space<vmem>>, %arg17: memref<128x32xf32, #tpu.memory_space<vmem>>, %arg18: memref<!tpu.dma_semaphore, #tpu.memory_space<semaphore_mem>>, %arg19: memref<!tpu.dma_semaphore, #tpu.memory_space<semaphore_mem>>, %arg20: memref<!tpu.dma_semaphore, #tpu.memory_space<semaphore_mem>>, %arg21: memref<!tpu.dma_semaphore, #tpu.memory_space<semaphore_mem>>, %arg22: memref<!tpu.dma_semaphore, #tpu.memory_space<semaphore_mem>>, %arg23: memref<!tpu.dma_semaphore, #tpu.memory_space<semaphore_mem>>, %arg24: memref<!tpu.dma_semaphore, #tpu.memory_space<semaphore_mem>>, %arg25: memref<!tpu.dma_semaphore, #tpu.memory_space<semaphore_mem>>, %arg26: memref<!tpu.dma_semaphore, #tpu.memory_space<semaphore_mem>>, %arg27: memref<!tpu.dma_semaphore, #tpu.memory_space<semaphore_mem>>, %arg28: memref<!tpu.dma_semaphore, #tpu.memory_space<semaphore_mem>>, %arg29: memref<!tpu.dma_semaphore, #tpu.memory_space<semaphore_mem>>, %arg30: memref<64x32xf32, #tpu.memory_space<vmem>>, %arg31: memref<10240x32xf32, #tpu.memory_space<vmem_shared>>, %arg32: memref<!tpu.dma_semaphore, #tpu.memory_space<semaphore_mem>>) attributes {dimension_semantics = [#tpu.dimension_semantics<core_parallel>, #tpu.dimension_semantics<subcore_parallel>], iteration_bounds = array<i64: 2, 16>, scalar_prefetch = 0 : i64, scratch_operands = 28 : i64, tpu.core_type = #tpu.core_type<sc_vector_subcore>, window_params = [{transform_indices = #map}, {transform_indices = #map1}, {transform_indices = #map1}]} {
    %mul3A = arith.constant 2 : i32
    %mul3A_0 = arith.muli %arg1, %mul3A : i32
    %add3A = arith.addi %mul3A_0, %arg0 : i32
    %mul3A_1 = arith.constant 78 : i32
    %mul3A_2 = arith.muli %add3A, %mul3A_1 : i32
    %min3A = arith.constant 4 : i32
    %min3A_3 = arith.minsi %add3A, %min3A : i32
    %add3A_4 = arith.addi %mul3A_2, %min3A_3 : i32
    %lt3A = arith.constant 4 : i32
    %lt3A_5 = arith.cmpi slt, %add3A, %lt3A : i32
    %jit3A = arith.constant 79 : i32
    %jit3A_6 = arith.constant 78 : i32
    %select_n3A = arith.select %lt3A_5, %jit3A, %jit3A_6 : i32
    %dma_start3A = arith.constant 0 : i32
    %dma_start3A_7 = arith.constant 0 : i32
    %dma_start3A_8 = arith.constant 0 : i32
    %dma_start3A_9 = tpu.memref_slice %arg5[%dma_start3A, %dma_start3A_7, %dma_start3A_8] : memref<79x2x128xi32, #tpu.memory_space<vmem>> -> memref<78x2x128xi32, #tpu.memory_space<vmem>>
    %dma_start3A_10 = arith.constant 0 : i32
    %dma_start3A_11 = arith.constant 0 : i32
    %dma_start3A_12 = tpu.memref_slice %arg3[%add3A_4, %dma_start3A_10, %dma_start3A_11] : memref<2500x2x128xi32, #tpu.memory_space<hbm>> -> memref<78x2x128xi32, #tpu.memory_space<hbm>>
    %dma_start3A_13 = arith.constant 0 : i32
    %dma_start3A_14 = arith.constant 0 : i32
    %dma_start3A_15 = arith.constant 0 : i32
    %dma_start3A_16 = tpu.memref_slice %arg5[%dma_start3A_13, %dma_start3A_14, %dma_start3A_15] : memref<79x2x128xi32, #tpu.memory_space<vmem>> -> memref<78x2x128xi32, #tpu.memory_space<vmem>>
    %dma_start3A_17 = arith.constant 0 : i32
    %dma_start3A_18 = arith.constant 0 : i32
    %dma_start3A_19 = tpu.memref_slice %arg3[%add3A_4, %dma_start3A_17, %dma_start3A_18] : memref<2500x2x128xi32, #tpu.memory_space<hbm>> -> memref<78x2x128xi32, #tpu.memory_space<hbm>>
    tpu.enqueue_dma source(%dma_start3A_19 : memref<78x2x128xi32, #tpu.memory_space<hbm>>) target(%dma_start3A_16 : memref<78x2x128xi32, #tpu.memory_space<vmem>>) target_semaphore(%arg32 : memref<!tpu.dma_semaphore, #tpu.memory_space<semaphore_mem>>)
    %convert_element_type3A = arith.extui %lt3A_5 : i1 to i32
    %cond3A = arith.constant 0 : i32
    %cond3A_20 = arith.cmpi ne, %convert_element_type3A, %cond3A : i32
    scf.if %cond3A_20 {
      %add3A_238 = arith.constant 78 : i32
      %add3A_239 = arith.addi %add3A_4, %add3A_238 : i32
      %dma_start3A_240 = arith.constant 78 : i32
      %dma_start3A_241 = arith.constant 0 : i32
      %dma_start3A_242 = arith.constant 0 : i32
      %dma_start3A_243 = tpu.memref_slice %arg5[%dma_start3A_240, %dma_start3A_241, %dma_start3A_242] : memref<79x2x128xi32, #tpu.memory_space<vmem>> -> memref<1x2x128xi32, #tpu.memory_space<vmem>>
      %dma_start3A_244 = arith.constant 0 : i32
      %dma_start3A_245 = arith.constant 0 : i32
      %dma_start3A_246 = tpu.memref_slice %arg3[%add3A_239, %dma_start3A_244, %dma_start3A_245] : memref<2500x2x128xi32, #tpu.memory_space<hbm>> -> memref<1x2x128xi32, #tpu.memory_space<hbm>>
      %dma_start3A_247 = arith.constant 78 : i32
      %dma_start3A_248 = arith.constant 0 : i32
      %dma_start3A_249 = arith.constant 0 : i32
      %dma_start3A_250 = tpu.memref_slice %arg5[%dma_start3A_247, %dma_start3A_248, %dma_start3A_249] : memref<79x2x128xi32, #tpu.memory_space<vmem>> -> memref<1x2x128xi32, #tpu.memory_space<vmem>>
      %dma_start3A_251 = arith.constant 0 : i32
      %dma_start3A_252 = arith.constant 0 : i32
      %dma_start3A_253 = tpu.memref_slice %arg3[%add3A_239, %dma_start3A_251, %dma_start3A_252] : memref<2500x2x128xi32, #tpu.memory_space<hbm>> -> memref<1x2x128xi32, #tpu.memory_space<hbm>>
      tpu.enqueue_dma source(%dma_start3A_253 : memref<1x2x128xi32, #tpu.memory_space<hbm>>) target(%dma_start3A_250 : memref<1x2x128xi32, #tpu.memory_space<vmem>>) target_semaphore(%arg32 : memref<!tpu.dma_semaphore, #tpu.memory_space<semaphore_mem>>)
    } else {
    }
    %scan3A = arith.constant 0 : i32
    %scan3A_21 = arith.constant 0 : i32
    %scan3A_22 = arith.constant 64 : i32
    %scan3A_23 = arith.addi %scan3A_21, %scan3A_22 : i32
    %scan3A_24 = arith.constant 1 : i32
    scf.for %scan3A_238 = %scan3A_21 to %scan3A_23 step %scan3A_24  : i32 {
      %broadcast_in_dim3A = arith.constant 0.000000e+00 : f32
      %broadcast_in_dim3A_239 = vector.broadcast %broadcast_in_dim3A : f32 to vector<16xf32>
      %swap3A = arith.index_cast %scan3A_238 : i32 to index
      %swap3A_240 = arith.constant 0 : index
      %swap3A_241 = tpu.vector_load %arg30[%swap3A, %swap3A_240] {strides = array<i32>} : memref<64x32xf32, #tpu.memory_space<vmem>>, vector<1x16xf32>,
      %swap3A_242 = vector.shape_cast %swap3A_241 : vector<1x16xf32> to vector<16xf32>
      %swap3A_243 = vector.shape_cast %broadcast_in_dim3A_239 : vector<16xf32> to vector<1x16xf32>
      tpu.vector_store %arg30[%swap3A, %swap3A_240], %swap3A_243 {strides = array<i32>} : memref<64x32xf32, #tpu.memory_space<vmem>>, vector<1x16xf32>,
      %broadcast_in_dim3A_244 = arith.constant 0.000000e+00 : f32
      %broadcast_in_dim3A_245 = vector.broadcast %broadcast_in_dim3A_244 : f32 to vector<16xf32>
      %swap3A_246 = arith.index_cast %scan3A_238 : i32 to index
      %swap3A_247 = arith.constant 16 : index
      %swap3A_248 = tpu.vector_load %arg30[%swap3A_246, %swap3A_247] {strides = array<i32>} : memref<64x32xf32, #tpu.memory_space<vmem>>, vector<1x16xf32>,
      %swap3A_249 = vector.shape_cast %swap3A_248 : vector<1x16xf32> to vector<16xf32>
      %swap3A_250 = vector.shape_cast %broadcast_in_dim3A_245 : vector<16xf32> to vector<1x16xf32>
      tpu.vector_store %arg30[%swap3A_246, %swap3A_247], %swap3A_250 {strides = array<i32>} : memref<64x32xf32, #tpu.memory_space<vmem>>, vector<1x16xf32>,
    }
    %scan3A_25 = arith.constant 64 : i32
    %mul3A_26 = arith.constant 640 : i32
    %mul3A_27 = arith.muli %arg1, %mul3A_26 : i32
    %add3A_28 = arith.constant 0 : i32
    %add3A_29 = arith.addi %mul3A_27, %add3A_28 : i32
    "tpu.region"() ({
      %run_scoped3A_238 = tpu.sem_alloc : memref<!tpu.dma_semaphore, #tpu.memory_space<semaphore_mem>>
      %dma_start3A_239 = arith.constant 0 : i32
      %dma_start3A_240 = tpu.memref_slice %arg31[%add3A_29, %dma_start3A_239] : memref<10240x32xf32, #tpu.memory_space<vmem_shared>> -> memref<64x32xf32, #tpu.memory_space<vmem_shared>>
      %dma_start3A_241 = arith.constant 0 : i32
      %dma_start3A_242 = tpu.memref_slice %arg31[%add3A_29, %dma_start3A_241] : memref<10240x32xf32, #tpu.memory_space<vmem_shared>> -> memref<64x32xf32, #tpu.memory_space<vmem_shared>>
      tpu.enqueue_dma source(%arg30 : memref<64x32xf32, #tpu.memory_space<vmem>>) target(%dma_start3A_242 : memref<64x32xf32, #tpu.memory_space<vmem_shared>>) target_semaphore(%run_scoped3A_238 : memref<!tpu.dma_semaphore, #tpu.memory_space<semaphore_mem>>)
      %dma_wait3A_243 = arith.constant 0 : i32
      %dma_wait3A_244 = tpu.memref_slice %arg31[%add3A_29, %dma_wait3A_243] : memref<10240x32xf32, #tpu.memory_space<vmem_shared>> -> memref<64x32xf32, #tpu.memory_space<vmem_shared>>
      %dma_wait3A_245 = arith.constant 0 : i32
      %dma_wait3A_246 = tpu.memref_slice %arg31[%add3A_29, %dma_wait3A_245] : memref<10240x32xf32, #tpu.memory_space<vmem_shared>> -> memref<64x32xf32, #tpu.memory_space<vmem_shared>>
      tpu.wait_dma2 semaphore(%run_scoped3A_238 : memref<!tpu.dma_semaphore, #tpu.memory_space<semaphore_mem>>) src(%arg30 : memref<64x32xf32, #tpu.memory_space<vmem>>) dst(%dma_wait3A_246 : memref<64x32xf32, #tpu.memory_space<vmem_shared>>)
      tpu.yield
    }) : () -> ()
    %add3A_30 = arith.constant 64 : i32
    %add3A_31 = arith.addi %mul3A_27, %add3A_30 : i32
    "tpu.region"() ({
      %run_scoped3A_238 = tpu.sem_alloc : memref<!tpu.dma_semaphore, #tpu.memory_space<semaphore_mem>>
      %dma_start3A_239 = arith.constant 0 : i32
      %dma_start3A_240 = tpu.memref_slice %arg31[%add3A_31, %dma_start3A_239] : memref<10240x32xf32, #tpu.memory_space<vmem_shared>> -> memref<64x32xf32, #tpu.memory_space<vmem_shared>>
      %dma_start3A_241 = arith.constant 0 : i32
      %dma_start3A_242 = tpu.memref_slice %arg31[%add3A_31, %dma_start3A_241] : memref<10240x32xf32, #tpu.memory_space<vmem_shared>> -> memref<64x32xf32, #tpu.memory_space<vmem_shared>>
      tpu.enqueue_dma source(%arg30 : memref<64x32xf32, #tpu.memory_space<vmem>>) target(%dma_start3A_242 : memref<64x32xf32, #tpu.memory_space<vmem_shared>>) target_semaphore(%run_scoped3A_238 : memref<!tpu.dma_semaphore, #tpu.memory_space<semaphore_mem>>)
      %dma_wait3A_243 = arith.constant 0 : i32
      %dma_wait3A_244 = tpu.memref_slice %arg31[%add3A_31, %dma_wait3A_243] : memref<10240x32xf32, #tpu.memory_space<vmem_shared>> -> memref<64x32xf32, #tpu.memory_space<vmem_shared>>
      %dma_wait3A_245 = arith.constant 0 : i32
      %dma_wait3A_246 = tpu.memref_slice %arg31[%add3A_31, %dma_wait3A_245] : memref<10240x32xf32, #tpu.memory_space<vmem_shared>> -> memref<64x32xf32, #tpu.memory_space<vmem_shared>>
      tpu.wait_dma2 semaphore(%run_scoped3A_238 : memref<!tpu.dma_semaphore, #tpu.memory_space<semaphore_mem>>) src(%arg30 : memref<64x32xf32, #tpu.memory_space<vmem>>) dst(%dma_wait3A_246 : memref<64x32xf32, #tpu.memory_space<vmem_shared>>)
      tpu.yield
    }) : () -> ()
    %add3A_32 = arith.constant 128 : i32
    %add3A_33 = arith.addi %mul3A_27, %add3A_32 : i32
    "tpu.region"() ({
      %run_scoped3A_238 = tpu.sem_alloc : memref<!tpu.dma_semaphore, #tpu.memory_space<semaphore_mem>>
      %dma_start3A_239 = arith.constant 0 : i32
      %dma_start3A_240 = tpu.memref_slice %arg31[%add3A_33, %dma_start3A_239] : memref<10240x32xf32, #tpu.memory_space<vmem_shared>> -> memref<64x32xf32, #tpu.memory_space<vmem_shared>>
      %dma_start3A_241 = arith.constant 0 : i32
      %dma_start3A_242 = tpu.memref_slice %arg31[%add3A_33, %dma_start3A_241] : memref<10240x32xf32, #tpu.memory_space<vmem_shared>> -> memref<64x32xf32, #tpu.memory_space<vmem_shared>>
      tpu.enqueue_dma source(%arg30 : memref<64x32xf32, #tpu.memory_space<vmem>>) target(%dma_start3A_242 : memref<64x32xf32, #tpu.memory_space<vmem_shared>>) target_semaphore(%run_scoped3A_238 : memref<!tpu.dma_semaphore, #tpu.memory_space<semaphore_mem>>)
      %dma_wait3A_243 = arith.constant 0 : i32
      %dma_wait3A_244 = tpu.memref_slice %arg31[%add3A_33, %dma_wait3A_243] : memref<10240x32xf32, #tpu.memory_space<vmem_shared>> -> memref<64x32xf32, #tpu.memory_space<vmem_shared>>
      %dma_wait3A_245 = arith.constant 0 : i32
      %dma_wait3A_246 = tpu.memref_slice %arg31[%add3A_33, %dma_wait3A_245] : memref<10240x32xf32, #tpu.memory_space<vmem_shared>> -> memref<64x32xf32, #tpu.memory_space<vmem_shared>>
      tpu.wait_dma2 semaphore(%run_scoped3A_238 : memref<!tpu.dma_semaphore, #tpu.memory_space<semaphore_mem>>) src(%arg30 : memref<64x32xf32, #tpu.memory_space<vmem>>) dst(%dma_wait3A_246 : memref<64x32xf32, #tpu.memory_space<vmem_shared>>)
      tpu.yield
    }) : () -> ()
    %add3A_34 = arith.constant 192 : i32
    %add3A_35 = arith.addi %mul3A_27, %add3A_34 : i32
    "tpu.region"() ({
      %run_scoped3A_238 = tpu.sem_alloc : memref<!tpu.dma_semaphore, #tpu.memory_space<semaphore_mem>>
      %dma_start3A_239 = arith.constant 0 : i32
      %dma_start3A_240 = tpu.memref_slice %arg31[%add3A_35, %dma_start3A_239] : memref<10240x32xf32, #tpu.memory_space<vmem_shared>> -> memref<64x32xf32, #tpu.memory_space<vmem_shared>>
      %dma_start3A_241 = arith.constant 0 : i32
      %dma_start3A_242 = tpu.memref_slice %arg31[%add3A_35, %dma_start3A_241] : memref<10240x32xf32, #tpu.memory_space<vmem_shared>> -> memref<64x32xf32, #tpu.memory_space<vmem_shared>>
      tpu.enqueue_dma source(%arg30 : memref<64x32xf32, #tpu.memory_space<vmem>>) target(%dma_start3A_242 : memref<64x32xf32, #tpu.memory_space<vmem_shared>>) target_semaphore(%run_scoped3A_238 : memref<!tpu.dma_semaphore, #tpu.memory_space<semaphore_mem>>)
      %dma_wait3A_243 = arith.constant 0 : i32
      %dma_wait3A_244 = tpu.memref_slice %arg31[%add3A_35, %dma_wait3A_243] : memref<10240x32xf32, #tpu.memory_space<vmem_shared>> -> memref<64x32xf32, #tpu.memory_space<vmem_shared>>
      %dma_wait3A_245 = arith.constant 0 : i32
      %dma_wait3A_246 = tpu.memref_slice %arg31[%add3A_35, %dma_wait3A_245] : memref<10240x32xf32, #tpu.memory_space<vmem_shared>> -> memref<64x32xf32, #tpu.memory_space<vmem_shared>>
      tpu.wait_dma2 semaphore(%run_scoped3A_238 : memref<!tpu.dma_semaphore, #tpu.memory_space<semaphore_mem>>) src(%arg30 : memref<64x32xf32, #tpu.memory_space<vmem>>) dst(%dma_wait3A_246 : memref<64x32xf32, #tpu.memory_space<vmem_shared>>)
      tpu.yield
    }) : () -> ()
    %add3A_36 = arith.constant 256 : i32
    %add3A_37 = arith.addi %mul3A_27, %add3A_36 : i32
    "tpu.region"() ({
      %run_scoped3A_238 = tpu.sem_alloc : memref<!tpu.dma_semaphore, #tpu.memory_space<semaphore_mem>>
      %dma_start3A_239 = arith.constant 0 : i32
      %dma_start3A_240 = tpu.memref_slice %arg31[%add3A_37, %dma_start3A_239] : memref<10240x32xf32, #tpu.memory_space<vmem_shared>> -> memref<64x32xf32, #tpu.memory_space<vmem_shared>>
      %dma_start3A_241 = arith.constant 0 : i32
      %dma_start3A_242 = tpu.memref_slice %arg31[%add3A_37, %dma_start3A_241] : memref<10240x32xf32, #tpu.memory_space<vmem_shared>> -> memref<64x32xf32, #tpu.memory_space<vmem_shared>>
      tpu.enqueue_dma source(%arg30 : memref<64x32xf32, #tpu.memory_space<vmem>>) target(%dma_start3A_242 : memref<64x32xf32, #tpu.memory_space<vmem_shared>>) target_semaphore(%run_scoped3A_238 : memref<!tpu.dma_semaphore, #tpu.memory_space<semaphore_mem>>)
      %dma_wait3A_243 = arith.constant 0 : i32
      %dma_wait3A_244 = tpu.memref_slice %arg31[%add3A_37, %dma_wait3A_243] : memref<10240x32xf32, #tpu.memory_space<vmem_shared>> -> memref<64x32xf32, #tpu.memory_space<vmem_shared>>
      %dma_wait3A_245 = arith.constant 0 : i32
      %dma_wait3A_246 = tpu.memref_slice %arg31[%add3A_37, %dma_wait3A_245] : memref<10240x32xf32, #tpu.memory_space<vmem_shared>> -> memref<64x32xf32, #tpu.memory_space<vmem_shared>>
      tpu.wait_dma2 semaphore(%run_scoped3A_238 : memref<!tpu.dma_semaphore, #tpu.memory_space<semaphore_mem>>) src(%arg30 : memref<64x32xf32, #tpu.memory_space<vmem>>) dst(%dma_wait3A_246 : memref<64x32xf32, #tpu.memory_space<vmem_shared>>)
      tpu.yield
    }) : () -> ()
    %add3A_38 = arith.constant 320 : i32
    %add3A_39 = arith.addi %mul3A_27, %add3A_38 : i32
    "tpu.region"() ({
      %run_scoped3A_238 = tpu.sem_alloc : memref<!tpu.dma_semaphore, #tpu.memory_space<semaphore_mem>>
      %dma_start3A_239 = arith.constant 0 : i32
      %dma_start3A_240 = tpu.memref_slice %arg31[%add3A_39, %dma_start3A_239] : memref<10240x32xf32, #tpu.memory_space<vmem_shared>> -> memref<64x32xf32, #tpu.memory_space<vmem_shared>>
      %dma_start3A_241 = arith.constant 0 : i32
      %dma_start3A_242 = tpu.memref_slice %arg31[%add3A_39, %dma_start3A_241] : memref<10240x32xf32, #tpu.memory_space<vmem_shared>> -> memref<64x32xf32, #tpu.memory_space<vmem_shared>>
      tpu.enqueue_dma source(%arg30 : memref<64x32xf32, #tpu.memory_space<vmem>>) target(%dma_start3A_242 : memref<64x32xf32, #tpu.memory_space<vmem_shared>>) target_semaphore(%run_scoped3A_238 : memref<!tpu.dma_semaphore, #tpu.memory_space<semaphore_mem>>)
      %dma_wait3A_243 = arith.constant 0 : i32
      %dma_wait3A_244 = tpu.memref_slice %arg31[%add3A_39, %dma_wait3A_243] : memref<10240x32xf32, #tpu.memory_space<vmem_shared>> -> memref<64x32xf32, #tpu.memory_space<vmem_shared>>
      %dma_wait3A_245 = arith.constant 0 : i32
      %dma_wait3A_246 = tpu.memref_slice %arg31[%add3A_39, %dma_wait3A_245] : memref<10240x32xf32, #tpu.memory_space<vmem_shared>> -> memref<64x32xf32, #tpu.memory_space<vmem_shared>>
      tpu.wait_dma2 semaphore(%run_scoped3A_238 : memref<!tpu.dma_semaphore, #tpu.memory_space<semaphore_mem>>) src(%arg30 : memref<64x32xf32, #tpu.memory_space<vmem>>) dst(%dma_wait3A_246 : memref<64x32xf32, #tpu.memory_space<vmem_shared>>)
      tpu.yield
    }) : () -> ()
    %add3A_40 = arith.constant 384 : i32
    %add3A_41 = arith.addi %mul3A_27, %add3A_40 : i32
    "tpu.region"() ({
      %run_scoped3A_238 = tpu.sem_alloc : memref<!tpu.dma_semaphore, #tpu.memory_space<semaphore_mem>>
      %dma_start3A_239 = arith.constant 0 : i32
      %dma_start3A_240 = tpu.memref_slice %arg31[%add3A_41, %dma_start3A_239] : memref<10240x32xf32, #tpu.memory_space<vmem_shared>> -> memref<64x32xf32, #tpu.memory_space<vmem_shared>>
      %dma_start3A_241 = arith.constant 0 : i32
      %dma_start3A_242 = tpu.memref_slice %arg31[%add3A_41, %dma_start3A_241] : memref<10240x32xf32, #tpu.memory_space<vmem_shared>> -> memref<64x32xf32, #tpu.memory_space<vmem_shared>>
      tpu.enqueue_dma source(%arg30 : memref<64x32xf32, #tpu.memory_space<vmem>>) target(%dma_start3A_242 : memref<64x32xf32, #tpu.memory_space<vmem_shared>>) target_semaphore(%run_scoped3A_238 : memref<!tpu.dma_semaphore, #tpu.memory_space<semaphore_mem>>)
      %dma_wait3A_243 = arith.constant 0 : i32
      %dma_wait3A_244 = tpu.memref_slice %arg31[%add3A_41, %dma_wait3A_243] : memref<10240x32xf32, #tpu.memory_space<vmem_shared>> -> memref<64x32xf32, #tpu.memory_space<vmem_shared>>
      %dma_wait3A_245 = arith.constant 0 : i32
      %dma_wait3A_246 = tpu.memref_slice %arg31[%add3A_41, %dma_wait3A_245] : memref<10240x32xf32, #tpu.memory_space<vmem_shared>> -> memref<64x32xf32, #tpu.memory_space<vmem_shared>>
      tpu.wait_dma2 semaphore(%run_scoped3A_238 : memref<!tpu.dma_semaphore, #tpu.memory_space<semaphore_mem>>) src(%arg30 : memref<64x32xf32, #tpu.memory_space<vmem>>) dst(%dma_wait3A_246 : memref<64x32xf32, #tpu.memory_space<vmem_shared>>)
      tpu.yield
    }) : () -> ()
    %add3A_42 = arith.constant 448 : i32
    %add3A_43 = arith.addi %mul3A_27, %add3A_42 : i32
    "tpu.region"() ({
      %run_scoped3A_238 = tpu.sem_alloc : memref<!tpu.dma_semaphore, #tpu.memory_space<semaphore_mem>>
      %dma_start3A_239 = arith.constant 0 : i32
      %dma_start3A_240 = tpu.memref_slice %arg31[%add3A_43, %dma_start3A_239] : memref<10240x32xf32, #tpu.memory_space<vmem_shared>> -> memref<64x32xf32, #tpu.memory_space<vmem_shared>>
      %dma_start3A_241 = arith.constant 0 : i32
      %dma_start3A_242 = tpu.memref_slice %arg31[%add3A_43, %dma_start3A_241] : memref<10240x32xf32, #tpu.memory_space<vmem_shared>> -> memref<64x32xf32, #tpu.memory_space<vmem_shared>>
      tpu.enqueue_dma source(%arg30 : memref<64x32xf32, #tpu.memory_space<vmem>>) target(%dma_start3A_242 : memref<64x32xf32, #tpu.memory_space<vmem_shared>>) target_semaphore(%run_scoped3A_238 : memref<!tpu.dma_semaphore, #tpu.memory_space<semaphore_mem>>)
      %dma_wait3A_243 = arith.constant 0 : i32
      %dma_wait3A_244 = tpu.memref_slice %arg31[%add3A_43, %dma_wait3A_243] : memref<10240x32xf32, #tpu.memory_space<vmem_shared>> -> memref<64x32xf32, #tpu.memory_space<vmem_shared>>
      %dma_wait3A_245 = arith.constant 0 : i32
      %dma_wait3A_246 = tpu.memref_slice %arg31[%add3A_43, %dma_wait3A_245] : memref<10240x32xf32, #tpu.memory_space<vmem_shared>> -> memref<64x32xf32, #tpu.memory_space<vmem_shared>>
      tpu.wait_dma2 semaphore(%run_scoped3A_238 : memref<!tpu.dma_semaphore, #tpu.memory_space<semaphore_mem>>) src(%arg30 : memref<64x32xf32, #tpu.memory_space<vmem>>) dst(%dma_wait3A_246 : memref<64x32xf32, #tpu.memory_space<vmem_shared>>)
      tpu.yield
    }) : () -> ()
    %add3A_44 = arith.constant 512 : i32
    %add3A_45 = arith.addi %mul3A_27, %add3A_44 : i32
    "tpu.region"() ({
      %run_scoped3A_238 = tpu.sem_alloc : memref<!tpu.dma_semaphore, #tpu.memory_space<semaphore_mem>>
      %dma_start3A_239 = arith.constant 0 : i32
      %dma_start3A_240 = tpu.memref_slice %arg31[%add3A_45, %dma_start3A_239] : memref<10240x32xf32, #tpu.memory_space<vmem_shared>> -> memref<64x32xf32, #tpu.memory_space<vmem_shared>>
      %dma_start3A_241 = arith.constant 0 : i32
      %dma_start3A_242 = tpu.memref_slice %arg31[%add3A_45, %dma_start3A_241] : memref<10240x32xf32, #tpu.memory_space<vmem_shared>> -> memref<64x32xf32, #tpu.memory_space<vmem_shared>>
      tpu.enqueue_dma source(%arg30 : memref<64x32xf32, #tpu.memory_space<vmem>>) target(%dma_start3A_242 : memref<64x32xf32, #tpu.memory_space<vmem_shared>>) target_semaphore(%run_scoped3A_238 : memref<!tpu.dma_semaphore, #tpu.memory_space<semaphore_mem>>)
      %dma_wait3A_243 = arith.constant 0 : i32
      %dma_wait3A_244 = tpu.memref_slice %arg31[%add3A_45, %dma_wait3A_243] : memref<10240x32xf32, #tpu.memory_space<vmem_shared>> -> memref<64x32xf32, #tpu.memory_space<vmem_shared>>
      %dma_wait3A_245 = arith.constant 0 : i32
      %dma_wait3A_246 = tpu.memref_slice %arg31[%add3A_45, %dma_wait3A_245] : memref<10240x32xf32, #tpu.memory_space<vmem_shared>> -> memref<64x32xf32, #tpu.memory_space<vmem_shared>>
      tpu.wait_dma2 semaphore(%run_scoped3A_238 : memref<!tpu.dma_semaphore, #tpu.memory_space<semaphore_mem>>) src(%arg30 : memref<64x32xf32, #tpu.memory_space<vmem>>) dst(%dma_wait3A_246 : memref<64x32xf32, #tpu.memory_space<vmem_shared>>)
      tpu.yield
    }) : () -> ()
    %add3A_46 = arith.constant 576 : i32
    %add3A_47 = arith.addi %mul3A_27, %add3A_46 : i32
    "tpu.region"() ({
      %run_scoped3A_238 = tpu.sem_alloc : memref<!tpu.dma_semaphore, #tpu.memory_space<semaphore_mem>>
      %dma_start3A_239 = arith.constant 0 : i32
      %dma_start3A_240 = tpu.memref_slice %arg31[%add3A_47, %dma_start3A_239] : memref<10240x32xf32, #tpu.memory_space<vmem_shared>> -> memref<64x32xf32, #tpu.memory_space<vmem_shared>>
      %dma_start3A_241 = arith.constant 0 : i32
      %dma_start3A_242 = tpu.memref_slice %arg31[%add3A_47, %dma_start3A_241] : memref<10240x32xf32, #tpu.memory_space<vmem_shared>> -> memref<64x32xf32, #tpu.memory_space<vmem_shared>>
      tpu.enqueue_dma source(%arg30 : memref<64x32xf32, #tpu.memory_space<vmem>>) target(%dma_start3A_242 : memref<64x32xf32, #tpu.memory_space<vmem_shared>>) target_semaphore(%run_scoped3A_238 : memref<!tpu.dma_semaphore, #tpu.memory_space<semaphore_mem>>)
      %dma_wait3A_243 = arith.constant 0 : i32
      %dma_wait3A_244 = tpu.memref_slice %arg31[%add3A_47, %dma_wait3A_243] : memref<10240x32xf32, #tpu.memory_space<vmem_shared>> -> memref<64x32xf32, #tpu.memory_space<vmem_shared>>
      %dma_wait3A_245 = arith.constant 0 : i32
      %dma_wait3A_246 = tpu.memref_slice %arg31[%add3A_47, %dma_wait3A_245] : memref<10240x32xf32, #tpu.memory_space<vmem_shared>> -> memref<64x32xf32, #tpu.memory_space<vmem_shared>>
      tpu.wait_dma2 semaphore(%run_scoped3A_238 : memref<!tpu.dma_semaphore, #tpu.memory_space<semaphore_mem>>) src(%arg30 : memref<64x32xf32, #tpu.memory_space<vmem>>) dst(%dma_wait3A_246 : memref<64x32xf32, #tpu.memory_space<vmem_shared>>)
      tpu.yield
    }) : () -> ()
    %dma_wait3A = arith.constant 0 : i32
    %dma_wait3A_48 = arith.constant 0 : i32
    %dma_wait3A_49 = arith.constant 0 : i32
    %dma_wait3A_50 = tpu.memref_slice %arg5[%dma_wait3A, %dma_wait3A_48, %dma_wait3A_49] : memref<79x2x128xi32, #tpu.memory_space<vmem>> -> memref<78x2x128xi32, #tpu.memory_space<vmem>>
    %dma_wait3A_51 = arith.constant 0 : i32
    %dma_wait3A_52 = arith.constant 0 : i32
    %dma_wait3A_53 = tpu.memref_slice %arg3[%add3A_4, %dma_wait3A_51, %dma_wait3A_52] : memref<2500x2x128xi32, #tpu.memory_space<hbm>> -> memref<78x2x128xi32, #tpu.memory_space<hbm>>
    %dma_wait3A_54 = arith.constant 0 : i32
    %dma_wait3A_55 = arith.constant 0 : i32
    %dma_wait3A_56 = arith.constant 0 : i32
    %dma_wait3A_57 = tpu.memref_slice %arg5[%dma_wait3A_54, %dma_wait3A_55, %dma_wait3A_56] : memref<79x2x128xi32, #tpu.memory_space<vmem>> -> memref<78x2x128xi32, #tpu.memory_space<vmem>>
    %dma_wait3A_58 = arith.constant 0 : i32
    %dma_wait3A_59 = arith.constant 0 : i32
    %dma_wait3A_60 = tpu.memref_slice %arg3[%add3A_4, %dma_wait3A_58, %dma_wait3A_59] : memref<2500x2x128xi32, #tpu.memory_space<hbm>> -> memref<78x2x128xi32, #tpu.memory_space<hbm>>
    tpu.wait_dma2 semaphore(%arg32 : memref<!tpu.dma_semaphore, #tpu.memory_space<semaphore_mem>>) src(%dma_wait3A_60 : memref<78x2x128xi32, #tpu.memory_space<hbm>>) dst(%dma_wait3A_57 : memref<78x2x128xi32, #tpu.memory_space<vmem>>)
    %convert_element_type3A_61 = arith.extui %lt3A_5 : i1 to i32
    %cond3A_62 = arith.constant 0 : i32
    %cond3A_63 = arith.cmpi ne, %convert_element_type3A_61, %cond3A_62 : i32
    scf.if %cond3A_63 {
      %add3A_238 = arith.constant 78 : i32
      %add3A_239 = arith.addi %add3A_4, %add3A_238 : i32
      %dma_wait3A_240 = arith.constant 78 : i32
      %dma_wait3A_241 = arith.constant 0 : i32
      %dma_wait3A_242 = arith.constant 0 : i32
      %dma_wait3A_243 = tpu.memref_slice %arg5[%dma_wait3A_240, %dma_wait3A_241, %dma_wait3A_242] : memref<79x2x128xi32, #tpu.memory_space<vmem>> -> memref<1x2x128xi32, #tpu.memory_space<vmem>>
      %dma_wait3A_244 = arith.constant 0 : i32
      %dma_wait3A_245 = arith.constant 0 : i32
      %dma_wait3A_246 = tpu.memref_slice %arg3[%add3A_239, %dma_wait3A_244, %dma_wait3A_245] : memref<2500x2x128xi32, #tpu.memory_space<hbm>> -> memref<1x2x128xi32, #tpu.memory_space<hbm>>
      %dma_wait3A_247 = arith.constant 78 : i32
      %dma_wait3A_248 = arith.constant 0 : i32
      %dma_wait3A_249 = arith.constant 0 : i32
      %dma_wait3A_250 = tpu.memref_slice %arg5[%dma_wait3A_247, %dma_wait3A_248, %dma_wait3A_249] : memref<79x2x128xi32, #tpu.memory_space<vmem>> -> memref<1x2x128xi32, #tpu.memory_space<vmem>>
      %dma_wait3A_251 = arith.constant 0 : i32
      %dma_wait3A_252 = arith.constant 0 : i32
      %dma_wait3A_253 = tpu.memref_slice %arg3[%add3A_239, %dma_wait3A_251, %dma_wait3A_252] : memref<2500x2x128xi32, #tpu.memory_space<hbm>> -> memref<1x2x128xi32, #tpu.memory_space<hbm>>
      tpu.wait_dma2 semaphore(%arg32 : memref<!tpu.dma_semaphore, #tpu.memory_space<semaphore_mem>>) src(%dma_wait3A_253 : memref<1x2x128xi32, #tpu.memory_space<hbm>>) dst(%dma_wait3A_250 : memref<1x2x128xi32, #tpu.memory_space<vmem>>)
    } else {
    }
    %while3A = arith.constant 0 : i32
    %while3A_64 = arith.constant 0 : i32
    %while3A_65 = arith.subi %select_n3A, %while3A_64 : i32
    %while3A_66 = arith.addi %while3A_64, %while3A_65 : i32
    %while3A_67 = arith.constant 1 : i32
    %while3A_68 = arith.divsi %while3A_65, %while3A_67 : i32
    %while3A_69 = arith.muli %while3A_68, %while3A_67 : i32
    %while3A_70 = arith.addi %while3A_64, %while3A_69 : i32
    %while3A_71 = arith.constant 1 : i32
    scf.for %while3A_238 = %while3A_64 to %while3A_70 step %while3A_71  : i32 {
      %get3A = arith.constant 0 : i32
      %get3A_239 = arith.index_cast %while3A_238 : i32 to index
      %get3A_240 = arith.index_cast %get3A : i32 to index
      %get3A_241 = arith.constant 0 : index
      %get3A_242 = tpu.vector_load %arg5[%get3A_239, %get3A_240, %get3A_241] {strides = array<i32>} : memref<79x2x128xi32, #tpu.memory_space<vmem>>, vector<1x1x16xi32>,
      %get3A_243 = vector.shape_cast %get3A_242 : vector<1x1x16xi32> to vector<16xi32>
      %mul3A_244 = arith.constant 4 : i32
      %mul3A_245 = vector.broadcast %mul3A_244 : i32 to vector<16xi32>
      %mul3A_246 = arith.muli %get3A_243, %mul3A_245 : vector<16xi32>
      %swap3A = arith.constant 0 : i32
      %swap3A_247 = arith.index_cast %while3A_238 : i32 to index
      %swap3A_248 = arith.index_cast %swap3A : i32 to index
      %swap3A_249 = arith.constant 0 : index
      %swap3A_250 = tpu.vector_load %arg5[%swap3A_247, %swap3A_248, %swap3A_249] {strides = array<i32>} : memref<79x2x128xi32, #tpu.memory_space<vmem>>, vector<1x1x16xi32>,
      %swap3A_251 = vector.shape_cast %swap3A_250 : vector<1x1x16xi32> to vector<16xi32>
      %swap3A_252 = vector.shape_cast %mul3A_246 : vector<16xi32> to vector<1x1x16xi32>
      tpu.vector_store %arg5[%swap3A_247, %swap3A_248, %swap3A_249], %swap3A_252 {strides = array<i32>} : memref<79x2x128xi32, #tpu.memory_space<vmem>>, vector<1x1x16xi32>,
      %get3A_253 = arith.constant 0 : i32
      %get3A_254 = arith.index_cast %while3A_238 : i32 to index
      %get3A_255 = arith.index_cast %get3A_253 : i32 to index
      %get3A_256 = arith.constant 16 : index
      %get3A_257 = tpu.vector_load %arg5[%get3A_254, %get3A_255, %get3A_256] {strides = array<i32>} : memref<79x2x128xi32, #tpu.memory_space<vmem>>, vector<1x1x16xi32>,
      %get3A_258 = vector.shape_cast %get3A_257 : vector<1x1x16xi32> to vector<16xi32>
      %mul3A_259 = arith.constant 4 : i32
      %mul3A_260 = vector.broadcast %mul3A_259 : i32 to vector<16xi32>
      %mul3A_261 = arith.muli %get3A_258, %mul3A_260 : vector<16xi32>
      %swap3A_262 = arith.constant 0 : i32
      %swap3A_263 = arith.index_cast %while3A_238 : i32 to index
      %swap3A_264 = arith.index_cast %swap3A_262 : i32 to index
      %swap3A_265 = arith.constant 16 : index
      %swap3A_266 = tpu.vector_load %arg5[%swap3A_263, %swap3A_264, %swap3A_265] {strides = array<i32>} : memref<79x2x128xi32, #tpu.memory_space<vmem>>, vector<1x1x16xi32>,
      %swap3A_267 = vector.shape_cast %swap3A_266 : vector<1x1x16xi32> to vector<16xi32>
      %swap3A_268 = vector.shape_cast %mul3A_261 : vector<16xi32> to vector<1x1x16xi32>
      tpu.vector_store %arg5[%swap3A_263, %swap3A_264, %swap3A_265], %swap3A_268 {strides = array<i32>} : memref<79x2x128xi32, #tpu.memory_space<vmem>>, vector<1x1x16xi32>,
      %get3A_269 = arith.constant 0 : i32
      %get3A_270 = arith.index_cast %while3A_238 : i32 to index
      %get3A_271 = arith.index_cast %get3A_269 : i32 to index
      %get3A_272 = arith.constant 32 : index
      %get3A_273 = tpu.vector_load %arg5[%get3A_270, %get3A_271, %get3A_272] {strides = array<i32>} : memref<79x2x128xi32, #tpu.memory_space<vmem>>, vector<1x1x16xi32>,
      %get3A_274 = vector.shape_cast %get3A_273 : vector<1x1x16xi32> to vector<16xi32>
      %mul3A_275 = arith.constant 4 : i32
      %mul3A_276 = vector.broadcast %mul3A_275 : i32 to vector<16xi32>
      %mul3A_277 = arith.muli %get3A_274, %mul3A_276 : vector<16xi32>
      %swap3A_278 = arith.constant 0 : i32
      %swap3A_279 = arith.index_cast %while3A_238 : i32 to index
      %swap3A_280 = arith.index_cast %swap3A_278 : i32 to index
      %swap3A_281 = arith.constant 32 : index
      %swap3A_282 = tpu.vector_load %arg5[%swap3A_279, %swap3A_280, %swap3A_281] {strides = array<i32>} : memref<79x2x128xi32, #tpu.memory_space<vmem>>, vector<1x1x16xi32>,
      %swap3A_283 = vector.shape_cast %swap3A_282 : vector<1x1x16xi32> to vector<16xi32>
      %swap3A_284 = vector.shape_cast %mul3A_277 : vector<16xi32> to vector<1x1x16xi32>
      tpu.vector_store %arg5[%swap3A_279, %swap3A_280, %swap3A_281], %swap3A_284 {strides = array<i32>} : memref<79x2x128xi32, #tpu.memory_space<vmem>>, vector<1x1x16xi32>,
      %get3A_285 = arith.constant 0 : i32
      %get3A_286 = arith.index_cast %while3A_238 : i32 to index
      %get3A_287 = arith.index_cast %get3A_285 : i32 to index
      %get3A_288 = arith.constant 48 : index
      %get3A_289 = tpu.vector_load %arg5[%get3A_286, %get3A_287, %get3A_288] {strides = array<i32>} : memref<79x2x128xi32, #tpu.memory_space<vmem>>, vector<1x1x16xi32>,
      %get3A_290 = vector.shape_cast %get3A_289 : vector<1x1x16xi32> to vector<16xi32>
      %mul3A_291 = arith.constant 4 : i32
      %mul3A_292 = vector.broadcast %mul3A_291 : i32 to vector<16xi32>
      %mul3A_293 = arith.muli %get3A_290, %mul3A_292 : vector<16xi32>
      %swap3A_294 = arith.constant 0 : i32
      %swap3A_295 = arith.index_cast %while3A_238 : i32 to index
      %swap3A_296 = arith.index_cast %swap3A_294 : i32 to index
      %swap3A_297 = arith.constant 48 : index
      %swap3A_298 = tpu.vector_load %arg5[%swap3A_295, %swap3A_296, %swap3A_297] {strides = array<i32>} : memref<79x2x128xi32, #tpu.memory_space<vmem>>, vector<1x1x16xi32>,
      %swap3A_299 = vector.shape_cast %swap3A_298 : vector<1x1x16xi32> to vector<16xi32>
      %swap3A_300 = vector.shape_cast %mul3A_293 : vector<16xi32> to vector<1x1x16xi32>
      tpu.vector_store %arg5[%swap3A_295, %swap3A_296, %swap3A_297], %swap3A_300 {strides = array<i32>} : memref<79x2x128xi32, #tpu.memory_space<vmem>>, vector<1x1x16xi32>,
      %get3A_301 = arith.constant 0 : i32
      %get3A_302 = arith.index_cast %while3A_238 : i32 to index
      %get3A_303 = arith.index_cast %get3A_301 : i32 to index
      %get3A_304 = arith.constant 64 : index
      %get3A_305 = tpu.vector_load %arg5[%get3A_302, %get3A_303, %get3A_304] {strides = array<i32>} : memref<79x2x128xi32, #tpu.memory_space<vmem>>, vector<1x1x16xi32>,
      %get3A_306 = vector.shape_cast %get3A_305 : vector<1x1x16xi32> to vector<16xi32>
      %mul3A_307 = arith.constant 4 : i32
      %mul3A_308 = vector.broadcast %mul3A_307 : i32 to vector<16xi32>
      %mul3A_309 = arith.muli %get3A_306, %mul3A_308 : vector<16xi32>
      %swap3A_310 = arith.constant 0 : i32
      %swap3A_311 = arith.index_cast %while3A_238 : i32 to index
      %swap3A_312 = arith.index_cast %swap3A_310 : i32 to index
      %swap3A_313 = arith.constant 64 : index
      %swap3A_314 = tpu.vector_load %arg5[%swap3A_311, %swap3A_312, %swap3A_313] {strides = array<i32>} : memref<79x2x128xi32, #tpu.memory_space<vmem>>, vector<1x1x16xi32>,
      %swap3A_315 = vector.shape_cast %swap3A_314 : vector<1x1x16xi32> to vector<16xi32>
      %swap3A_316 = vector.shape_cast %mul3A_309 : vector<16xi32> to vector<1x1x16xi32>
      tpu.vector_store %arg5[%swap3A_311, %swap3A_312, %swap3A_313], %swap3A_316 {strides = array<i32>} : memref<79x2x128xi32, #tpu.memory_space<vmem>>, vector<1x1x16xi32>,
      %get3A_317 = arith.constant 0 : i32
      %get3A_318 = arith.index_cast %while3A_238 : i32 to index
      %get3A_319 = arith.index_cast %get3A_317 : i32 to index
      %get3A_320 = arith.constant 80 : index
      %get3A_321 = tpu.vector_load %arg5[%get3A_318, %get3A_319, %get3A_320] {strides = array<i32>} : memref<79x2x128xi32, #tpu.memory_space<vmem>>, vector<1x1x16xi32>,
      %get3A_322 = vector.shape_cast %get3A_321 : vector<1x1x16xi32> to vector<16xi32>
      %mul3A_323 = arith.constant 4 : i32
      %mul3A_324 = vector.broadcast %mul3A_323 : i32 to vector<16xi32>
      %mul3A_325 = arith.muli %get3A_322, %mul3A_324 : vector<16xi32>
      %swap3A_326 = arith.constant 0 : i32
      %swap3A_327 = arith.index_cast %while3A_238 : i32 to index
      %swap3A_328 = arith.index_cast %swap3A_326 : i32 to index
      %swap3A_329 = arith.constant 80 : index
      %swap3A_330 = tpu.vector_load %arg5[%swap3A_327, %swap3A_328, %swap3A_329] {strides = array<i32>} : memref<79x2x128xi32, #tpu.memory_space<vmem>>, vector<1x1x16xi32>,
      %swap3A_331 = vector.shape_cast %swap3A_330 : vector<1x1x16xi32> to vector<16xi32>
      %swap3A_332 = vector.shape_cast %mul3A_325 : vector<16xi32> to vector<1x1x16xi32>
      tpu.vector_store %arg5[%swap3A_327, %swap3A_328, %swap3A_329], %swap3A_332 {strides = array<i32>} : memref<79x2x128xi32, #tpu.memory_space<vmem>>, vector<1x1x16xi32>,
      %get3A_333 = arith.constant 0 : i32
      %get3A_334 = arith.index_cast %while3A_238 : i32 to index
      %get3A_335 = arith.index_cast %get3A_333 : i32 to index
      %get3A_336 = arith.constant 96 : index
      %get3A_337 = tpu.vector_load %arg5[%get3A_334, %get3A_335, %get3A_336] {strides = array<i32>} : memref<79x2x128xi32, #tpu.memory_space<vmem>>, vector<1x1x16xi32>,
      %get3A_338 = vector.shape_cast %get3A_337 : vector<1x1x16xi32> to vector<16xi32>
      %mul3A_339 = arith.constant 4 : i32
      %mul3A_340 = vector.broadcast %mul3A_339 : i32 to vector<16xi32>
      %mul3A_341 = arith.muli %get3A_338, %mul3A_340 : vector<16xi32>
      %swap3A_342 = arith.constant 0 : i32
      %swap3A_343 = arith.index_cast %while3A_238 : i32 to index
      %swap3A_344 = arith.index_cast %swap3A_342 : i32 to index
      %swap3A_345 = arith.constant 96 : index
      %swap3A_346 = tpu.vector_load %arg5[%swap3A_343, %swap3A_344, %swap3A_345] {strides = array<i32>} : memref<79x2x128xi32, #tpu.memory_space<vmem>>, vector<1x1x16xi32>,
      %swap3A_347 = vector.shape_cast %swap3A_346 : vector<1x1x16xi32> to vector<16xi32>
      %swap3A_348 = vector.shape_cast %mul3A_341 : vector<16xi32> to vector<1x1x16xi32>
      tpu.vector_store %arg5[%swap3A_343, %swap3A_344, %swap3A_345], %swap3A_348 {strides = array<i32>} : memref<79x2x128xi32, #tpu.memory_space<vmem>>, vector<1x1x16xi32>,
      %get3A_349 = arith.constant 0 : i32
      %get3A_350 = arith.index_cast %while3A_238 : i32 to index
      %get3A_351 = arith.index_cast %get3A_349 : i32 to index
      %get3A_352 = arith.constant 112 : index
      %get3A_353 = tpu.vector_load %arg5[%get3A_350, %get3A_351, %get3A_352] {strides = array<i32>} : memref<79x2x128xi32, #tpu.memory_space<vmem>>, vector<1x1x16xi32>,
      %get3A_354 = vector.shape_cast %get3A_353 : vector<1x1x16xi32> to vector<16xi32>
      %mul3A_355 = arith.constant 4 : i32
      %mul3A_356 = vector.broadcast %mul3A_355 : i32 to vector<16xi32>
      %mul3A_357 = arith.muli %get3A_354, %mul3A_356 : vector<16xi32>
      %swap3A_358 = arith.constant 0 : i32
      %swap3A_359 = arith.index_cast %while3A_238 : i32 to index
      %swap3A_360 = arith.index_cast %swap3A_358 : i32 to index
      %swap3A_361 = arith.constant 112 : index
      %swap3A_362 = tpu.vector_load %arg5[%swap3A_359, %swap3A_360, %swap3A_361] {strides = array<i32>} : memref<79x2x128xi32, #tpu.memory_space<vmem>>, vector<1x1x16xi32>,
      %swap3A_363 = vector.shape_cast %swap3A_362 : vector<1x1x16xi32> to vector<16xi32>
      %swap3A_364 = vector.shape_cast %mul3A_357 : vector<16xi32> to vector<1x1x16xi32>
      tpu.vector_store %arg5[%swap3A_359, %swap3A_360, %swap3A_361], %swap3A_364 {strides = array<i32>} : memref<79x2x128xi32, #tpu.memory_space<vmem>>, vector<1x1x16xi32>,
    }
    %while3A_72 = arith.constant 1 : i32
    scf.for %while3A_238 = %while3A_70 to %while3A_66 step %while3A_72  : i32 {
      %get3A = arith.constant 0 : i32
      %get3A_239 = arith.index_cast %while3A_238 : i32 to index
      %get3A_240 = arith.index_cast %get3A : i32 to index
      %get3A_241 = arith.constant 0 : index
      %get3A_242 = tpu.vector_load %arg5[%get3A_239, %get3A_240, %get3A_241] {strides = array<i32>} : memref<79x2x128xi32, #tpu.memory_space<vmem>>, vector<1x1x16xi32>,
      %get3A_243 = vector.shape_cast %get3A_242 : vector<1x1x16xi32> to vector<16xi32>
      %mul3A_244 = arith.constant 4 : i32
      %mul3A_245 = vector.broadcast %mul3A_244 : i32 to vector<16xi32>
      %mul3A_246 = arith.muli %get3A_243, %mul3A_245 : vector<16xi32>
      %swap3A = arith.constant 0 : i32
      %swap3A_247 = arith.index_cast %while3A_238 : i32 to index
      %swap3A_248 = arith.index_cast %swap3A : i32 to index
      %swap3A_249 = arith.constant 0 : index
      %swap3A_250 = tpu.vector_load %arg5[%swap3A_247, %swap3A_248, %swap3A_249] {strides = array<i32>} : memref<79x2x128xi32, #tpu.memory_space<vmem>>, vector<1x1x16xi32>,
      %swap3A_251 = vector.shape_cast %swap3A_250 : vector<1x1x16xi32> to vector<16xi32>
      %swap3A_252 = vector.shape_cast %mul3A_246 : vector<16xi32> to vector<1x1x16xi32>
      tpu.vector_store %arg5[%swap3A_247, %swap3A_248, %swap3A_249], %swap3A_252 {strides = array<i32>} : memref<79x2x128xi32, #tpu.memory_space<vmem>>, vector<1x1x16xi32>,
      %get3A_253 = arith.constant 0 : i32
      %get3A_254 = arith.index_cast %while3A_238 : i32 to index
      %get3A_255 = arith.index_cast %get3A_253 : i32 to index
      %get3A_256 = arith.constant 16 : index
      %get3A_257 = tpu.vector_load %arg5[%get3A_254, %get3A_255, %get3A_256] {strides = array<i32>} : memref<79x2x128xi32, #tpu.memory_space<vmem>>, vector<1x1x16xi32>,
      %get3A_258 = vector.shape_cast %get3A_257 : vector<1x1x16xi32> to vector<16xi32>
      %mul3A_259 = arith.constant 4 : i32
      %mul3A_260 = vector.broadcast %mul3A_259 : i32 to vector<16xi32>
      %mul3A_261 = arith.muli %get3A_258, %mul3A_260 : vector<16xi32>
      %swap3A_262 = arith.constant 0 : i32
      %swap3A_263 = arith.index_cast %while3A_238 : i32 to index
      %swap3A_264 = arith.index_cast %swap3A_262 : i32 to index
      %swap3A_265 = arith.constant 16 : index
      %swap3A_266 = tpu.vector_load %arg5[%swap3A_263, %swap3A_264, %swap3A_265] {strides = array<i32>} : memref<79x2x128xi32, #tpu.memory_space<vmem>>, vector<1x1x16xi32>,
      %swap3A_267 = vector.shape_cast %swap3A_266 : vector<1x1x16xi32> to vector<16xi32>
      %swap3A_268 = vector.shape_cast %mul3A_261 : vector<16xi32> to vector<1x1x16xi32>
      tpu.vector_store %arg5[%swap3A_263, %swap3A_264, %swap3A_265], %swap3A_268 {strides = array<i32>} : memref<79x2x128xi32, #tpu.memory_space<vmem>>, vector<1x1x16xi32>,
      %get3A_269 = arith.constant 0 : i32
      %get3A_270 = arith.index_cast %while3A_238 : i32 to index
      %get3A_271 = arith.index_cast %get3A_269 : i32 to index
      %get3A_272 = arith.constant 32 : index
      %get3A_273 = tpu.vector_load %arg5[%get3A_270, %get3A_271, %get3A_272] {strides = array<i32>} : memref<79x2x128xi32, #tpu.memory_space<vmem>>, vector<1x1x16xi32>,
      %get3A_274 = vector.shape_cast %get3A_273 : vector<1x1x16xi32> to vector<16xi32>
      %mul3A_275 = arith.constant 4 : i32
      %mul3A_276 = vector.broadcast %mul3A_275 : i32 to vector<16xi32>
      %mul3A_277 = arith.muli %get3A_274, %mul3A_276 : vector<16xi32>
      %swap3A_278 = arith.constant 0 : i32
      %swap3A_279 = arith.index_cast %while3A_238 : i32 to index
      %swap3A_280 = arith.index_cast %swap3A_278 : i32 to index
      %swap3A_281 = arith.constant 32 : index
      %swap3A_282 = tpu.vector_load %arg5[%swap3A_279, %swap3A_280, %swap3A_281] {strides = array<i32>} : memref<79x2x128xi32, #tpu.memory_space<vmem>>, vector<1x1x16xi32>,
      %swap3A_283 = vector.shape_cast %swap3A_282 : vector<1x1x16xi32> to vector<16xi32>
      %swap3A_284 = vector.shape_cast %mul3A_277 : vector<16xi32> to vector<1x1x16xi32>
      tpu.vector_store %arg5[%swap3A_279, %swap3A_280, %swap3A_281], %swap3A_284 {strides = array<i32>} : memref<79x2x128xi32, #tpu.memory_space<vmem>>, vector<1x1x16xi32>,
      %get3A_285 = arith.constant 0 : i32
      %get3A_286 = arith.index_cast %while3A_238 : i32 to index
      %get3A_287 = arith.index_cast %get3A_285 : i32 to index
      %get3A_288 = arith.constant 48 : index
      %get3A_289 = tpu.vector_load %arg5[%get3A_286, %get3A_287, %get3A_288] {strides = array<i32>} : memref<79x2x128xi32, #tpu.memory_space<vmem>>, vector<1x1x16xi32>,
      %get3A_290 = vector.shape_cast %get3A_289 : vector<1x1x16xi32> to vector<16xi32>
      %mul3A_291 = arith.constant 4 : i32
      %mul3A_292 = vector.broadcast %mul3A_291 : i32 to vector<16xi32>
      %mul3A_293 = arith.muli %get3A_290, %mul3A_292 : vector<16xi32>
      %swap3A_294 = arith.constant 0 : i32
      %swap3A_295 = arith.index_cast %while3A_238 : i32 to index
      %swap3A_296 = arith.index_cast %swap3A_294 : i32 to index
      %swap3A_297 = arith.constant 48 : index
      %swap3A_298 = tpu.vector_load %arg5[%swap3A_295, %swap3A_296, %swap3A_297] {strides = array<i32>} : memref<79x2x128xi32, #tpu.memory_space<vmem>>, vector<1x1x16xi32>,
      %swap3A_299 = vector.shape_cast %swap3A_298 : vector<1x1x16xi32> to vector<16xi32>
      %swap3A_300 = vector.shape_cast %mul3A_293 : vector<16xi32> to vector<1x1x16xi32>
      tpu.vector_store %arg5[%swap3A_295, %swap3A_296, %swap3A_297], %swap3A_300 {strides = array<i32>} : memref<79x2x128xi32, #tpu.memory_space<vmem>>, vector<1x1x16xi32>,
      %get3A_301 = arith.constant 0 : i32
      %get3A_302 = arith.index_cast %while3A_238 : i32 to index
      %get3A_303 = arith.index_cast %get3A_301 : i32 to index
      %get3A_304 = arith.constant 64 : index
      %get3A_305 = tpu.vector_load %arg5[%get3A_302, %get3A_303, %get3A_304] {strides = array<i32>} : memref<79x2x128xi32, #tpu.memory_space<vmem>>, vector<1x1x16xi32>,
      %get3A_306 = vector.shape_cast %get3A_305 : vector<1x1x16xi32> to vector<16xi32>
      %mul3A_307 = arith.constant 4 : i32
      %mul3A_308 = vector.broadcast %mul3A_307 : i32 to vector<16xi32>
      %mul3A_309 = arith.muli %get3A_306, %mul3A_308 : vector<16xi32>
      %swap3A_310 = arith.constant 0 : i32
      %swap3A_311 = arith.index_cast %while3A_238 : i32 to index
      %swap3A_312 = arith.index_cast %swap3A_310 : i32 to index
      %swap3A_313 = arith.constant 64 : index
      %swap3A_314 = tpu.vector_load %arg5[%swap3A_311, %swap3A_312, %swap3A_313] {strides = array<i32>} : memref<79x2x128xi32, #tpu.memory_space<vmem>>, vector<1x1x16xi32>,
      %swap3A_315 = vector.shape_cast %swap3A_314 : vector<1x1x16xi32> to vector<16xi32>
      %swap3A_316 = vector.shape_cast %mul3A_309 : vector<16xi32> to vector<1x1x16xi32>
      tpu.vector_store %arg5[%swap3A_311, %swap3A_312, %swap3A_313], %swap3A_316 {strides = array<i32>} : memref<79x2x128xi32, #tpu.memory_space<vmem>>, vector<1x1x16xi32>,
      %get3A_317 = arith.constant 0 : i32
      %get3A_318 = arith.index_cast %while3A_238 : i32 to index
      %get3A_319 = arith.index_cast %get3A_317 : i32 to index
      %get3A_320 = arith.constant 80 : index
      %get3A_321 = tpu.vector_load %arg5[%get3A_318, %get3A_319, %get3A_320] {strides = array<i32>} : memref<79x2x128xi32, #tpu.memory_space<vmem>>, vector<1x1x16xi32>,
      %get3A_322 = vector.shape_cast %get3A_321 : vector<1x1x16xi32> to vector<16xi32>
      %mul3A_323 = arith.constant 4 : i32
      %mul3A_324 = vector.broadcast %mul3A_323 : i32 to vector<16xi32>
      %mul3A_325 = arith.muli %get3A_322, %mul3A_324 : vector<16xi32>
      %swap3A_326 = arith.constant 0 : i32
      %swap3A_327 = arith.index_cast %while3A_238 : i32 to index
      %swap3A_328 = arith.index_cast %swap3A_326 : i32 to index
      %swap3A_329 = arith.constant 80 : index
      %swap3A_330 = tpu.vector_load %arg5[%swap3A_327, %swap3A_328, %swap3A_329] {strides = array<i32>} : memref<79x2x128xi32, #tpu.memory_space<vmem>>, vector<1x1x16xi32>,
      %swap3A_331 = vector.shape_cast %swap3A_330 : vector<1x1x16xi32> to vector<16xi32>
      %swap3A_332 = vector.shape_cast %mul3A_325 : vector<16xi32> to vector<1x1x16xi32>
      tpu.vector_store %arg5[%swap3A_327, %swap3A_328, %swap3A_329], %swap3A_332 {strides = array<i32>} : memref<79x2x128xi32, #tpu.memory_space<vmem>>, vector<1x1x16xi32>,
      %get3A_333 = arith.constant 0 : i32
      %get3A_334 = arith.index_cast %while3A_238 : i32 to index
      %get3A_335 = arith.index_cast %get3A_333 : i32 to index
      %get3A_336 = arith.constant 96 : index
      %get3A_337 = tpu.vector_load %arg5[%get3A_334, %get3A_335, %get3A_336] {strides = array<i32>} : memref<79x2x128xi32, #tpu.memory_space<vmem>>, vector<1x1x16xi32>,
      %get3A_338 = vector.shape_cast %get3A_337 : vector<1x1x16xi32> to vector<16xi32>
      %mul3A_339 = arith.constant 4 : i32
      %mul3A_340 = vector.broadcast %mul3A_339 : i32 to vector<16xi32>
      %mul3A_341 = arith.muli %get3A_338, %mul3A_340 : vector<16xi32>
      %swap3A_342 = arith.constant 0 : i32
      %swap3A_343 = arith.index_cast %while3A_238 : i32 to index
      %swap3A_344 = arith.index_cast %swap3A_342 : i32 to index
      %swap3A_345 = arith.constant 96 : index
      %swap3A_346 = tpu.vector_load %arg5[%swap3A_343, %swap3A_344, %swap3A_345] {strides = array<i32>} : memref<79x2x128xi32, #tpu.memory_space<vmem>>, vector<1x1x16xi32>,
      %swap3A_347 = vector.shape_cast %swap3A_346 : vector<1x1x16xi32> to vector<16xi32>
      %swap3A_348 = vector.shape_cast %mul3A_341 : vector<16xi32> to vector<1x1x16xi32>
      tpu.vector_store %arg5[%swap3A_343, %swap3A_344, %swap3A_345], %swap3A_348 {strides = array<i32>} : memref<79x2x128xi32, #tpu.memory_space<vmem>>, vector<1x1x16xi32>,
      %get3A_349 = arith.constant 0 : i32
      %get3A_350 = arith.index_cast %while3A_238 : i32 to index
      %get3A_351 = arith.index_cast %get3A_349 : i32 to index
      %get3A_352 = arith.constant 112 : index
      %get3A_353 = tpu.vector_load %arg5[%get3A_350, %get3A_351, %get3A_352] {strides = array<i32>} : memref<79x2x128xi32, #tpu.memory_space<vmem>>, vector<1x1x16xi32>,
      %get3A_354 = vector.shape_cast %get3A_353 : vector<1x1x16xi32> to vector<16xi32>
      %mul3A_355 = arith.constant 4 : i32
      %mul3A_356 = vector.broadcast %mul3A_355 : i32 to vector<16xi32>
      %mul3A_357 = arith.muli %get3A_354, %mul3A_356 : vector<16xi32>
      %swap3A_358 = arith.constant 0 : i32
      %swap3A_359 = arith.index_cast %while3A_238 : i32 to index
      %swap3A_360 = arith.index_cast %swap3A_358 : i32 to index
      %swap3A_361 = arith.constant 112 : index
      %swap3A_362 = tpu.vector_load %arg5[%swap3A_359, %swap3A_360, %swap3A_361] {strides = array<i32>} : memref<79x2x128xi32, #tpu.memory_space<vmem>>, vector<1x1x16xi32>,
      %swap3A_363 = vector.shape_cast %swap3A_362 : vector<1x1x16xi32> to vector<16xi32>
      %swap3A_364 = vector.shape_cast %mul3A_357 : vector<16xi32> to vector<1x1x16xi32>
      tpu.vector_store %arg5[%swap3A_359, %swap3A_360, %swap3A_361], %swap3A_364 {strides = array<i32>} : memref<79x2x128xi32, #tpu.memory_space<vmem>>, vector<1x1x16xi32>,
    }
    %barrier3A = arith.constant 0 : index
    tpu.barrier barrier_id(%barrier3A)
    %dma_start3A_73 = arith.constant 0 : i32
    %dma_start3A_74 = arith.constant 0 : i32
    %dma_start3A_75 = arith.constant 0 : i32
    %dma_start3A_76 = tpu.memref_slice %arg5[%dma_start3A_73, %dma_start3A_74, %dma_start3A_75] : memref<79x2x128xi32, #tpu.memory_space<vmem>> -> memref<1x1x128xi32, #tpu.memory_space<vmem>>
    %dma_start3A_77 = tpu.memref_squeeze %dma_start3A_76 : memref<1x1x128xi32, #tpu.memory_space<vmem>> -> memref<128xi32, #tpu.memory_space<vmem>>
    %dma_start3A_78 = arith.constant 0 : i32
    %dma_start3A_79 = arith.constant 0 : i32
    %dma_start3A_80 = tpu.memref_slice %arg2[%dma_start3A_78, %dma_start3A_79] : memref<40000x32xf32, #tpu.memory_space<hbm>> -> memref<40000x32xf32, #tpu.memory_space<hbm>>
    tpu.enqueue_indirect_dma source(%dma_start3A_80 : memref<40000x32xf32, #tpu.memory_space<hbm>>) target(%arg6 : memref<128x32xf32, #tpu.memory_space<vmem>>) offsets(%dma_start3A_77 : memref<128xi32, #tpu.memory_space<vmem>>) semaphore(%arg18 : memref<!tpu.dma_semaphore, #tpu.memory_space<semaphore_mem>>)
    %dma_start3A_81 = arith.constant 1 : i32
    %dma_start3A_82 = arith.constant 0 : i32
    %dma_start3A_83 = arith.constant 0 : i32
    %dma_start3A_84 = tpu.memref_slice %arg5[%dma_start3A_81, %dma_start3A_82, %dma_start3A_83] : memref<79x2x128xi32, #tpu.memory_space<vmem>> -> memref<1x1x128xi32, #tpu.memory_space<vmem>>
    %dma_start3A_85 = tpu.memref_squeeze %dma_start3A_84 : memref<1x1x128xi32, #tpu.memory_space<vmem>> -> memref<128xi32, #tpu.memory_space<vmem>>
    %dma_start3A_86 = arith.constant 0 : i32
    %dma_start3A_87 = arith.constant 0 : i32
    %dma_start3A_88 = tpu.memref_slice %arg2[%dma_start3A_86, %dma_start3A_87] : memref<40000x32xf32, #tpu.memory_space<hbm>> -> memref<40000x32xf32, #tpu.memory_space<hbm>>
    tpu.enqueue_indirect_dma source(%dma_start3A_88 : memref<40000x32xf32, #tpu.memory_space<hbm>>) target(%arg7 : memref<128x32xf32, #tpu.memory_space<vmem>>) offsets(%dma_start3A_85 : memref<128xi32, #tpu.memory_space<vmem>>) semaphore(%arg19 : memref<!tpu.dma_semaphore, #tpu.memory_space<semaphore_mem>>)
    %dma_start3A_89 = arith.constant 2 : i32
    %dma_start3A_90 = arith.constant 0 : i32
    %dma_start3A_91 = arith.constant 0 : i32
    %dma_start3A_92 = tpu.memref_slice %arg5[%dma_start3A_89, %dma_start3A_90, %dma_start3A_91] : memref<79x2x128xi32, #tpu.memory_space<vmem>> -> memref<1x1x128xi32, #tpu.memory_space<vmem>>
    %dma_start3A_93 = tpu.memref_squeeze %dma_start3A_92 : memref<1x1x128xi32, #tpu.memory_space<vmem>> -> memref<128xi32, #tpu.memory_space<vmem>>
    %dma_start3A_94 = arith.constant 0 : i32
    %dma_start3A_95 = arith.constant 0 : i32
    %dma_start3A_96 = tpu.memref_slice %arg2[%dma_start3A_94, %dma_start3A_95] : memref<40000x32xf32, #tpu.memory_space<hbm>> -> memref<40000x32xf32, #tpu.memory_space<hbm>>
    tpu.enqueue_indirect_dma source(%dma_start3A_96 : memref<40000x32xf32, #tpu.memory_space<hbm>>) target(%arg8 : memref<128x32xf32, #tpu.memory_space<vmem>>) offsets(%dma_start3A_93 : memref<128xi32, #tpu.memory_space<vmem>>) semaphore(%arg20 : memref<!tpu.dma_semaphore, #tpu.memory_space<semaphore_mem>>)
    %dma_start3A_97 = arith.constant 3 : i32
    %dma_start3A_98 = arith.constant 0 : i32
    %dma_start3A_99 = arith.constant 0 : i32
    %dma_start3A_100 = tpu.memref_slice %arg5[%dma_start3A_97, %dma_start3A_98, %dma_start3A_99] : memref<79x2x128xi32, #tpu.memory_space<vmem>> -> memref<1x1x128xi32, #tpu.memory_space<vmem>>
    %dma_start3A_101 = tpu.memref_squeeze %dma_start3A_100 : memref<1x1x128xi32, #tpu.memory_space<vmem>> -> memref<128xi32, #tpu.memory_space<vmem>>
    %dma_start3A_102 = arith.constant 0 : i32
    %dma_start3A_103 = arith.constant 0 : i32
    %dma_start3A_104 = tpu.memref_slice %arg2[%dma_start3A_102, %dma_start3A_103] : memref<40000x32xf32, #tpu.memory_space<hbm>> -> memref<40000x32xf32, #tpu.memory_space<hbm>>
    tpu.enqueue_indirect_dma source(%dma_start3A_104 : memref<40000x32xf32, #tpu.memory_space<hbm>>) target(%arg9 : memref<128x32xf32, #tpu.memory_space<vmem>>) offsets(%dma_start3A_101 : memref<128xi32, #tpu.memory_space<vmem>>) semaphore(%arg21 : memref<!tpu.dma_semaphore, #tpu.memory_space<semaphore_mem>>)
    %dma_start3A_105 = arith.constant 4 : i32
    %dma_start3A_106 = arith.constant 0 : i32
    %dma_start3A_107 = arith.constant 0 : i32
    %dma_start3A_108 = tpu.memref_slice %arg5[%dma_start3A_105, %dma_start3A_106, %dma_start3A_107] : memref<79x2x128xi32, #tpu.memory_space<vmem>> -> memref<1x1x128xi32, #tpu.memory_space<vmem>>
    %dma_start3A_109 = tpu.memref_squeeze %dma_start3A_108 : memref<1x1x128xi32, #tpu.memory_space<vmem>> -> memref<128xi32, #tpu.memory_space<vmem>>
    %dma_start3A_110 = arith.constant 0 : i32
    %dma_start3A_111 = arith.constant 0 : i32
    %dma_start3A_112 = tpu.memref_slice %arg2[%dma_start3A_110, %dma_start3A_111] : memref<40000x32xf32, #tpu.memory_space<hbm>> -> memref<40000x32xf32, #tpu.memory_space<hbm>>
    tpu.enqueue_indirect_dma source(%dma_start3A_112 : memref<40000x32xf32, #tpu.memory_space<hbm>>) target(%arg10 : memref<128x32xf32, #tpu.memory_space<vmem>>) offsets(%dma_start3A_109 : memref<128xi32, #tpu.memory_space<vmem>>) semaphore(%arg22 : memref<!tpu.dma_semaphore, #tpu.memory_space<semaphore_mem>>)
    %dma_start3A_113 = arith.constant 5 : i32
    %dma_start3A_114 = arith.constant 0 : i32
    %dma_start3A_115 = arith.constant 0 : i32
    %dma_start3A_116 = tpu.memref_slice %arg5[%dma_start3A_113, %dma_start3A_114, %dma_start3A_115] : memref<79x2x128xi32, #tpu.memory_space<vmem>> -> memref<1x1x128xi32, #tpu.memory_space<vmem>>
    %dma_start3A_117 = tpu.memref_squeeze %dma_start3A_116 : memref<1x1x128xi32, #tpu.memory_space<vmem>> -> memref<128xi32, #tpu.memory_space<vmem>>
    %dma_start3A_118 = arith.constant 0 : i32
    %dma_start3A_119 = arith.constant 0 : i32
    %dma_start3A_120 = tpu.memref_slice %arg2[%dma_start3A_118, %dma_start3A_119] : memref<40000x32xf32, #tpu.memory_space<hbm>> -> memref<40000x32xf32, #tpu.memory_space<hbm>>
    tpu.enqueue_indirect_dma source(%dma_start3A_120 : memref<40000x32xf32, #tpu.memory_space<hbm>>) target(%arg11 : memref<128x32xf32, #tpu.memory_space<vmem>>) offsets(%dma_start3A_117 : memref<128xi32, #tpu.memory_space<vmem>>) semaphore(%arg23 : memref<!tpu.dma_semaphore, #tpu.memory_space<semaphore_mem>>)
    %dma_start3A_121 = arith.constant 6 : i32
    %dma_start3A_122 = arith.constant 0 : i32
    %dma_start3A_123 = arith.constant 0 : i32
    %dma_start3A_124 = tpu.memref_slice %arg5[%dma_start3A_121, %dma_start3A_122, %dma_start3A_123] : memref<79x2x128xi32, #tpu.memory_space<vmem>> -> memref<1x1x128xi32, #tpu.memory_space<vmem>>
    %dma_start3A_125 = tpu.memref_squeeze %dma_start3A_124 : memref<1x1x128xi32, #tpu.memory_space<vmem>> -> memref<128xi32, #tpu.memory_space<vmem>>
    %dma_start3A_126 = arith.constant 0 : i32
    %dma_start3A_127 = arith.constant 0 : i32
    %dma_start3A_128 = tpu.memref_slice %arg2[%dma_start3A_126, %dma_start3A_127] : memref<40000x32xf32, #tpu.memory_space<hbm>> -> memref<40000x32xf32, #tpu.memory_space<hbm>>
    tpu.enqueue_indirect_dma source(%dma_start3A_128 : memref<40000x32xf32, #tpu.memory_space<hbm>>) target(%arg12 : memref<128x32xf32, #tpu.memory_space<vmem>>) offsets(%dma_start3A_125 : memref<128xi32, #tpu.memory_space<vmem>>) semaphore(%arg24 : memref<!tpu.dma_semaphore, #tpu.memory_space<semaphore_mem>>)
    %dma_start3A_129 = arith.constant 7 : i32
    %dma_start3A_130 = arith.constant 0 : i32
    %dma_start3A_131 = arith.constant 0 : i32
    %dma_start3A_132 = tpu.memref_slice %arg5[%dma_start3A_129, %dma_start3A_130, %dma_start3A_131] : memref<79x2x128xi32, #tpu.memory_space<vmem>> -> memref<1x1x128xi32, #tpu.memory_space<vmem>>
    %dma_start3A_133 = tpu.memref_squeeze %dma_start3A_132 : memref<1x1x128xi32, #tpu.memory_space<vmem>> -> memref<128xi32, #tpu.memory_space<vmem>>
    %dma_start3A_134 = arith.constant 0 : i32
    %dma_start3A_135 = arith.constant 0 : i32
    %dma_start3A_136 = tpu.memref_slice %arg2[%dma_start3A_134, %dma_start3A_135] : memref<40000x32xf32, #tpu.memory_space<hbm>> -> memref<40000x32xf32, #tpu.memory_space<hbm>>
    tpu.enqueue_indirect_dma source(%dma_start3A_136 : memref<40000x32xf32, #tpu.memory_space<hbm>>) target(%arg13 : memref<128x32xf32, #tpu.memory_space<vmem>>) offsets(%dma_start3A_133 : memref<128xi32, #tpu.memory_space<vmem>>) semaphore(%arg25 : memref<!tpu.dma_semaphore, #tpu.memory_space<semaphore_mem>>)
    %dma_start3A_137 = arith.constant 8 : i32
    %dma_start3A_138 = arith.constant 0 : i32
    %dma_start3A_139 = arith.constant 0 : i32
    %dma_start3A_140 = tpu.memref_slice %arg5[%dma_start3A_137, %dma_start3A_138, %dma_start3A_139] : memref<79x2x128xi32, #tpu.memory_space<vmem>> -> memref<1x1x128xi32, #tpu.memory_space<vmem>>
    %dma_start3A_141 = tpu.memref_squeeze %dma_start3A_140 : memref<1x1x128xi32, #tpu.memory_space<vmem>> -> memref<128xi32, #tpu.memory_space<vmem>>
    %dma_start3A_142 = arith.constant 0 : i32
    %dma_start3A_143 = arith.constant 0 : i32
    %dma_start3A_144 = tpu.memref_slice %arg2[%dma_start3A_142, %dma_start3A_143] : memref<40000x32xf32, #tpu.memory_space<hbm>> -> memref<40000x32xf32, #tpu.memory_space<hbm>>
    tpu.enqueue_indirect_dma source(%dma_start3A_144 : memref<40000x32xf32, #tpu.memory_space<hbm>>) target(%arg14 : memref<128x32xf32, #tpu.memory_space<vmem>>) offsets(%dma_start3A_141 : memref<128xi32, #tpu.memory_space<vmem>>) semaphore(%arg26 : memref<!tpu.dma_semaphore, #tpu.memory_space<semaphore_mem>>)
    %dma_start3A_145 = arith.constant 9 : i32
    %dma_start3A_146 = arith.constant 0 : i32
    %dma_start3A_147 = arith.constant 0 : i32
    %dma_start3A_148 = tpu.memref_slice %arg5[%dma_start3A_145, %dma_start3A_146, %dma_start3A_147] : memref<79x2x128xi32, #tpu.memory_space<vmem>> -> memref<1x1x128xi32, #tpu.memory_space<vmem>>
    %dma_start3A_149 = tpu.memref_squeeze %dma_start3A_148 : memref<1x1x128xi32, #tpu.memory_space<vmem>> -> memref<128xi32, #tpu.memory_space<vmem>>
    %dma_start3A_150 = arith.constant 0 : i32
    %dma_start3A_151 = arith.constant 0 : i32
    %dma_start3A_152 = tpu.memref_slice %arg2[%dma_start3A_150, %dma_start3A_151] : memref<40000x32xf32, #tpu.memory_space<hbm>> -> memref<40000x32xf32, #tpu.memory_space<hbm>>
    tpu.enqueue_indirect_dma source(%dma_start3A_152 : memref<40000x32xf32, #tpu.memory_space<hbm>>) target(%arg15 : memref<128x32xf32, #tpu.memory_space<vmem>>) offsets(%dma_start3A_149 : memref<128xi32, #tpu.memory_space<vmem>>) semaphore(%arg27 : memref<!tpu.dma_semaphore, #tpu.memory_space<semaphore_mem>>)
    %dma_start3A_153 = arith.constant 10 : i32
    %dma_start3A_154 = arith.constant 0 : i32
    %dma_start3A_155 = arith.constant 0 : i32
    %dma_start3A_156 = tpu.memref_slice %arg5[%dma_start3A_153, %dma_start3A_154, %dma_start3A_155] : memref<79x2x128xi32, #tpu.memory_space<vmem>> -> memref<1x1x128xi32, #tpu.memory_space<vmem>>
    %dma_start3A_157 = tpu.memref_squeeze %dma_start3A_156 : memref<1x1x128xi32, #tpu.memory_space<vmem>> -> memref<128xi32, #tpu.memory_space<vmem>>
    %dma_start3A_158 = arith.constant 0 : i32
    %dma_start3A_159 = arith.constant 0 : i32
    %dma_start3A_160 = tpu.memref_slice %arg2[%dma_start3A_158, %dma_start3A_159] : memref<40000x32xf32, #tpu.memory_space<hbm>> -> memref<40000x32xf32, #tpu.memory_space<hbm>>
    tpu.enqueue_indirect_dma source(%dma_start3A_160 : memref<40000x32xf32, #tpu.memory_space<hbm>>) target(%arg16 : memref<128x32xf32, #tpu.memory_space<vmem>>) offsets(%dma_start3A_157 : memref<128xi32, #tpu.memory_space<vmem>>) semaphore(%arg28 : memref<!tpu.dma_semaphore, #tpu.memory_space<semaphore_mem>>)
    %dma_start3A_161 = arith.constant 11 : i32
    %dma_start3A_162 = arith.constant 0 : i32
    %dma_start3A_163 = arith.constant 0 : i32
    %dma_start3A_164 = tpu.memref_slice %arg5[%dma_start3A_161, %dma_start3A_162, %dma_start3A_163] : memref<79x2x128xi32, #tpu.memory_space<vmem>> -> memref<1x1x128xi32, #tpu.memory_space<vmem>>
    %dma_start3A_165 = tpu.memref_squeeze %dma_start3A_164 : memref<1x1x128xi32, #tpu.memory_space<vmem>> -> memref<128xi32, #tpu.memory_space<vmem>>
    %dma_start3A_166 = arith.constant 0 : i32
    %dma_start3A_167 = arith.constant 0 : i32
    %dma_start3A_168 = tpu.memref_slice %arg2[%dma_start3A_166, %dma_start3A_167] : memref<40000x32xf32, #tpu.memory_space<hbm>> -> memref<40000x32xf32, #tpu.memory_space<hbm>>
    tpu.enqueue_indirect_dma source(%dma_start3A_168 : memref<40000x32xf32, #tpu.memory_space<hbm>>) target(%arg17 : memref<128x32xf32, #tpu.memory_space<vmem>>) offsets(%dma_start3A_165 : memref<128xi32, #tpu.memory_space<vmem>>) semaphore(%arg29 : memref<!tpu.dma_semaphore, #tpu.memory_space<semaphore_mem>>)
    %scan3A_169 = arith.constant 0 : i32
    %scan3A_170 = arith.constant 0 : i32
    %scan3A_171 = arith.constant 6 : i32
    %scan3A_172 = arith.addi %scan3A_170, %scan3A_171 : i32
    %scan3A_173 = arith.constant 1 : i32
    scf.for %scan3A_238 = %scan3A_170 to %scan3A_172 step %scan3A_173  : i32 {
      %mul3A_239 = arith.constant 12 : i32
      %mul3A_240 = arith.muli %scan3A_238, %mul3A_239 : i32
      %add3A_241 = arith.constant 0 : i32
      %add3A_242 = arith.addi %mul3A_240, %add3A_241 : i32
      %dma_wait3A_243 = arith.constant 0 : i32
      %dma_wait3A_244 = arith.constant 0 : i32
      %dma_wait3A_245 = arith.constant 0 : i32
      %dma_wait3A_246 = tpu.memref_slice %arg5[%dma_wait3A_243, %dma_wait3A_244, %dma_wait3A_245] : memref<79x2x128xi32, #tpu.memory_space<vmem>> -> memref<1x1x128xi32, #tpu.memory_space<vmem>>
      %dma_wait3A_247 = tpu.memref_squeeze %dma_wait3A_246 : memref<1x1x128xi32, #tpu.memory_space<vmem>> -> memref<128xi32, #tpu.memory_space<vmem>>
      %dma_wait3A_248 = arith.constant 0 : i32
      %dma_wait3A_249 = arith.constant 0 : i32
      %dma_wait3A_250 = tpu.memref_slice %arg2[%dma_wait3A_248, %dma_wait3A_249] : memref<40000x32xf32, #tpu.memory_space<hbm>> -> memref<40000x32xf32, #tpu.memory_space<hbm>>
      tpu.wait_indirect_dma semaphore(%arg18 : memref<!tpu.dma_semaphore, #tpu.memory_space<semaphore_mem>>) src(%dma_wait3A_250 : memref<40000x32xf32, #tpu.memory_space<hbm>>) dst(%arg6 : memref<128x32xf32, #tpu.memory_space<vmem>>)
      %run_scoped3A_251 = arith.constant 1 : i32
      "tpu.region"() ({
        %run_scoped3A_467 = tpu.sem_alloc : memref<!tpu.dma_semaphore, #tpu.memory_space<semaphore_mem>>
        %dma_start3A_468 = arith.constant 0 : i32
        %dma_start3A_469 = tpu.memref_slice %arg5[%add3A_242, %run_scoped3A_251, %dma_start3A_468] : memref<79x2x128xi32, #tpu.memory_space<vmem>> -> memref<1x1x128xi32, #tpu.memory_space<vmem>>
        %dma_start3A_470 = tpu.memref_squeeze %dma_start3A_469 : memref<1x1x128xi32, #tpu.memory_space<vmem>> -> memref<128xi32, #tpu.memory_space<vmem>>
        %dma_start3A_471 = arith.constant 0 : i32
        %dma_start3A_472 = arith.constant 0 : i32
        %dma_start3A_473 = tpu.memref_slice %arg31[%dma_start3A_471, %dma_start3A_472] : memref<10240x32xf32, #tpu.memory_space<vmem_shared>> -> memref<10240x32xf32, #tpu.memory_space<vmem_shared>>
        tpu.enqueue_indirect_dma source(%arg6 : memref<128x32xf32, #tpu.memory_space<vmem>>) target(%dma_start3A_473 : memref<10240x32xf32, #tpu.memory_space<vmem_shared>>) offsets(%dma_start3A_470 : memref<128xi32, #tpu.memory_space<vmem>>) semaphore(%run_scoped3A_467 : memref<!tpu.dma_semaphore, #tpu.memory_space<semaphore_mem>>) {add = true}
        %dma_wait3A_474 = arith.constant 0 : i32
        %dma_wait3A_475 = tpu.memref_slice %arg5[%add3A_242, %run_scoped3A_251, %dma_wait3A_474] : memref<79x2x128xi32, #tpu.memory_space<vmem>> -> memref<1x1x128xi32, #tpu.memory_space<vmem>>
        %dma_wait3A_476 = tpu.memref_squeeze %dma_wait3A_475 : memref<1x1x128xi32, #tpu.memory_space<vmem>> -> memref<128xi32, #tpu.memory_space<vmem>>
        %dma_wait3A_477 = arith.constant 0 : i32
        %dma_wait3A_478 = arith.constant 0 : i32
        %dma_wait3A_479 = tpu.memref_slice %arg31[%dma_wait3A_477, %dma_wait3A_478] : memref<10240x32xf32, #tpu.memory_space<vmem_shared>> -> memref<10240x32xf32, #tpu.memory_space<vmem_shared>>
        tpu.wait_indirect_dma semaphore(%run_scoped3A_467 : memref<!tpu.dma_semaphore, #tpu.memory_space<semaphore_mem>>) src(%arg6 : memref<128x32xf32, #tpu.memory_space<vmem>>) dst(%dma_wait3A_479 : memref<10240x32xf32, #tpu.memory_space<vmem_shared>>)
        tpu.yield
      }) : () -> ()
      %add3A_252 = arith.constant 12 : i32
      %add3A_253 = arith.addi %add3A_242, %add3A_252 : i32
      %lt3A_254 = arith.cmpi slt, %add3A_253, %select_n3A : i32
      %convert_element_type3A_255 = arith.extui %lt3A_254 : i1 to i32
      %cond3A_256 = arith.constant 0 : i32
      %cond3A_257 = arith.cmpi ne, %convert_element_type3A_255, %cond3A_256 : i32
      scf.if %cond3A_257 {
        %add3A_467 = arith.constant 12 : i32
        %add3A_468 = arith.addi %add3A_242, %add3A_467 : i32
        %dma_start3A_469 = arith.constant 0 : i32
        %dma_start3A_470 = arith.constant 0 : i32
        %dma_start3A_471 = tpu.memref_slice %arg5[%add3A_468, %dma_start3A_469, %dma_start3A_470] : memref<79x2x128xi32, #tpu.memory_space<vmem>> -> memref<1x1x128xi32, #tpu.memory_space<vmem>>
        %dma_start3A_472 = tpu.memref_squeeze %dma_start3A_471 : memref<1x1x128xi32, #tpu.memory_space<vmem>> -> memref<128xi32, #tpu.memory_space<vmem>>
        %dma_start3A_473 = arith.constant 0 : i32
        %dma_start3A_474 = arith.constant 0 : i32
        %dma_start3A_475 = tpu.memref_slice %arg2[%dma_start3A_473, %dma_start3A_474] : memref<40000x32xf32, #tpu.memory_space<hbm>> -> memref<40000x32xf32, #tpu.memory_space<hbm>>
        tpu.enqueue_indirect_dma source(%dma_start3A_475 : memref<40000x32xf32, #tpu.memory_space<hbm>>) target(%arg6 : memref<128x32xf32, #tpu.memory_space<vmem>>) offsets(%dma_start3A_472 : memref<128xi32, #tpu.memory_space<vmem>>) semaphore(%arg18 : memref<!tpu.dma_semaphore, #tpu.memory_space<semaphore_mem>>)
      } else {
      }
      %mul3A_258 = arith.constant 12 : i32
      %mul3A_259 = arith.muli %scan3A_238, %mul3A_258 : i32
      %add3A_260 = arith.constant 1 : i32
      %add3A_261 = arith.addi %mul3A_259, %add3A_260 : i32
      %dma_wait3A_262 = arith.constant 0 : i32
      %dma_wait3A_263 = arith.constant 0 : i32
      %dma_wait3A_264 = arith.constant 0 : i32
      %dma_wait3A_265 = tpu.memref_slice %arg5[%dma_wait3A_262, %dma_wait3A_263, %dma_wait3A_264] : memref<79x2x128xi32, #tpu.memory_space<vmem>> -> memref<1x1x128xi32, #tpu.memory_space<vmem>>
      %dma_wait3A_266 = tpu.memref_squeeze %dma_wait3A_265 : memref<1x1x128xi32, #tpu.memory_space<vmem>> -> memref<128xi32, #tpu.memory_space<vmem>>
      %dma_wait3A_267 = arith.constant 0 : i32
      %dma_wait3A_268 = arith.constant 0 : i32
      %dma_wait3A_269 = tpu.memref_slice %arg2[%dma_wait3A_267, %dma_wait3A_268] : memref<40000x32xf32, #tpu.memory_space<hbm>> -> memref<40000x32xf32, #tpu.memory_space<hbm>>
      tpu.wait_indirect_dma semaphore(%arg19 : memref<!tpu.dma_semaphore, #tpu.memory_space<semaphore_mem>>) src(%dma_wait3A_269 : memref<40000x32xf32, #tpu.memory_space<hbm>>) dst(%arg7 : memref<128x32xf32, #tpu.memory_space<vmem>>)
      %run_scoped3A_270 = arith.constant 1 : i32
      "tpu.region"() ({
        %run_scoped3A_467 = tpu.sem_alloc : memref<!tpu.dma_semaphore, #tpu.memory_space<semaphore_mem>>
        %dma_start3A_468 = arith.constant 0 : i32
        %dma_start3A_469 = tpu.memref_slice %arg5[%add3A_261, %run_scoped3A_270, %dma_start3A_468] : memref<79x2x128xi32, #tpu.memory_space<vmem>> -> memref<1x1x128xi32, #tpu.memory_space<vmem>>
        %dma_start3A_470 = tpu.memref_squeeze %dma_start3A_469 : memref<1x1x128xi32, #tpu.memory_space<vmem>> -> memref<128xi32, #tpu.memory_space<vmem>>
        %dma_start3A_471 = arith.constant 0 : i32
        %dma_start3A_472 = arith.constant 0 : i32
        %dma_start3A_473 = tpu.memref_slice %arg31[%dma_start3A_471, %dma_start3A_472] : memref<10240x32xf32, #tpu.memory_space<vmem_shared>> -> memref<10240x32xf32, #tpu.memory_space<vmem_shared>>
        tpu.enqueue_indirect_dma source(%arg7 : memref<128x32xf32, #tpu.memory_space<vmem>>) target(%dma_start3A_473 : memref<10240x32xf32, #tpu.memory_space<vmem_shared>>) offsets(%dma_start3A_470 : memref<128xi32, #tpu.memory_space<vmem>>) semaphore(%run_scoped3A_467 : memref<!tpu.dma_semaphore, #tpu.memory_space<semaphore_mem>>) {add = true}
        %dma_wait3A_474 = arith.constant 0 : i32
        %dma_wait3A_475 = tpu.memref_slice %arg5[%add3A_261, %run_scoped3A_270, %dma_wait3A_474] : memref<79x2x128xi32, #tpu.memory_space<vmem>> -> memref<1x1x128xi32, #tpu.memory_space<vmem>>
        %dma_wait3A_476 = tpu.memref_squeeze %dma_wait3A_475 : memref<1x1x128xi32, #tpu.memory_space<vmem>> -> memref<128xi32, #tpu.memory_space<vmem>>
        %dma_wait3A_477 = arith.constant 0 : i32
        %dma_wait3A_478 = arith.constant 0 : i32
        %dma_wait3A_479 = tpu.memref_slice %arg31[%dma_wait3A_477, %dma_wait3A_478] : memref<10240x32xf32, #tpu.memory_space<vmem_shared>> -> memref<10240x32xf32, #tpu.memory_space<vmem_shared>>
        tpu.wait_indirect_dma semaphore(%run_scoped3A_467 : memref<!tpu.dma_semaphore, #tpu.memory_space<semaphore_mem>>) src(%arg7 : memref<128x32xf32, #tpu.memory_space<vmem>>) dst(%dma_wait3A_479 : memref<10240x32xf32, #tpu.memory_space<vmem_shared>>)
        tpu.yield
      }) : () -> ()
      %add3A_271 = arith.constant 12 : i32
      %add3A_272 = arith.addi %add3A_261, %add3A_271 : i32
      %lt3A_273 = arith.cmpi slt, %add3A_272, %select_n3A : i32
      %convert_element_type3A_274 = arith.extui %lt3A_273 : i1 to i32
      %cond3A_275 = arith.constant 0 : i32
      %cond3A_276 = arith.cmpi ne, %convert_element_type3A_274, %cond3A_275 : i32
      scf.if %cond3A_276 {
        %add3A_467 = arith.constant 12 : i32
        %add3A_468 = arith.addi %add3A_261, %add3A_467 : i32
        %dma_start3A_469 = arith.constant 0 : i32
        %dma_start3A_470 = arith.constant 0 : i32
        %dma_start3A_471 = tpu.memref_slice %arg5[%add3A_468, %dma_start3A_469, %dma_start3A_470] : memref<79x2x128xi32, #tpu.memory_space<vmem>> -> memref<1x1x128xi32, #tpu.memory_space<vmem>>
        %dma_start3A_472 = tpu.memref_squeeze %dma_start3A_471 : memref<1x1x128xi32, #tpu.memory_space<vmem>> -> memref<128xi32, #tpu.memory_space<vmem>>
        %dma_start3A_473 = arith.constant 0 : i32
        %dma_start3A_474 = arith.constant 0 : i32
        %dma_start3A_475 = tpu.memref_slice %arg2[%dma_start3A_473, %dma_start3A_474] : memref<40000x32xf32, #tpu.memory_space<hbm>> -> memref<40000x32xf32, #tpu.memory_space<hbm>>
        tpu.enqueue_indirect_dma source(%dma_start3A_475 : memref<40000x32xf32, #tpu.memory_space<hbm>>) target(%arg7 : memref<128x32xf32, #tpu.memory_space<vmem>>) offsets(%dma_start3A_472 : memref<128xi32, #tpu.memory_space<vmem>>) semaphore(%arg19 : memref<!tpu.dma_semaphore, #tpu.memory_space<semaphore_mem>>)
      } else {
      }
      %mul3A_277 = arith.constant 12 : i32
      %mul3A_278 = arith.muli %scan3A_238, %mul3A_277 : i32
      %add3A_279 = arith.constant 2 : i32
      %add3A_280 = arith.addi %mul3A_278, %add3A_279 : i32
      %dma_wait3A_281 = arith.constant 0 : i32
      %dma_wait3A_282 = arith.constant 0 : i32
      %dma_wait3A_283 = arith.constant 0 : i32
      %dma_wait3A_284 = tpu.memref_slice %arg5[%dma_wait3A_281, %dma_wait3A_282, %dma_wait3A_283] : memref<79x2x128xi32, #tpu.memory_space<vmem>> -> memref<1x1x128xi32, #tpu.memory_space<vmem>>
      %dma_wait3A_285 = tpu.memref_squeeze %dma_wait3A_284 : memref<1x1x128xi32, #tpu.memory_space<vmem>> -> memref<128xi32, #tpu.memory_space<vmem>>
      %dma_wait3A_286 = arith.constant 0 : i32
      %dma_wait3A_287 = arith.constant 0 : i32
      %dma_wait3A_288 = tpu.memref_slice %arg2[%dma_wait3A_286, %dma_wait3A_287] : memref<40000x32xf32, #tpu.memory_space<hbm>> -> memref<40000x32xf32, #tpu.memory_space<hbm>>
      tpu.wait_indirect_dma semaphore(%arg20 : memref<!tpu.dma_semaphore, #tpu.memory_space<semaphore_mem>>) src(%dma_wait3A_288 : memref<40000x32xf32, #tpu.memory_space<hbm>>) dst(%arg8 : memref<128x32xf32, #tpu.memory_space<vmem>>)
      %run_scoped3A_289 = arith.constant 1 : i32
      "tpu.region"() ({
        %run_scoped3A_467 = tpu.sem_alloc : memref<!tpu.dma_semaphore, #tpu.memory_space<semaphore_mem>>
        %dma_start3A_468 = arith.constant 0 : i32
        %dma_start3A_469 = tpu.memref_slice %arg5[%add3A_280, %run_scoped3A_289, %dma_start3A_468] : memref<79x2x128xi32, #tpu.memory_space<vmem>> -> memref<1x1x128xi32, #tpu.memory_space<vmem>>
        %dma_start3A_470 = tpu.memref_squeeze %dma_start3A_469 : memref<1x1x128xi32, #tpu.memory_space<vmem>> -> memref<128xi32, #tpu.memory_space<vmem>>
        %dma_start3A_471 = arith.constant 0 : i32
        %dma_start3A_472 = arith.constant 0 : i32
        %dma_start3A_473 = tpu.memref_slice %arg31[%dma_start3A_471, %dma_start3A_472] : memref<10240x32xf32, #tpu.memory_space<vmem_shared>> -> memref<10240x32xf32, #tpu.memory_space<vmem_shared>>
        tpu.enqueue_indirect_dma source(%arg8 : memref<128x32xf32, #tpu.memory_space<vmem>>) target(%dma_start3A_473 : memref<10240x32xf32, #tpu.memory_space<vmem_shared>>) offsets(%dma_start3A_470 : memref<128xi32, #tpu.memory_space<vmem>>) semaphore(%run_scoped3A_467 : memref<!tpu.dma_semaphore, #tpu.memory_space<semaphore_mem>>) {add = true}
        %dma_wait3A_474 = arith.constant 0 : i32
        %dma_wait3A_475 = tpu.memref_slice %arg5[%add3A_280, %run_scoped3A_289, %dma_wait3A_474] : memref<79x2x128xi32, #tpu.memory_space<vmem>> -> memref<1x1x128xi32, #tpu.memory_space<vmem>>
        %dma_wait3A_476 = tpu.memref_squeeze %dma_wait3A_475 : memref<1x1x128xi32, #tpu.memory_space<vmem>> -> memref<128xi32, #tpu.memory_space<vmem>>
        %dma_wait3A_477 = arith.constant 0 : i32
        %dma_wait3A_478 = arith.constant 0 : i32
        %dma_wait3A_479 = tpu.memref_slice %arg31[%dma_wait3A_477, %dma_wait3A_478] : memref<10240x32xf32, #tpu.memory_space<vmem_shared>> -> memref<10240x32xf32, #tpu.memory_space<vmem_shared>>
        tpu.wait_indirect_dma semaphore(%run_scoped3A_467 : memref<!tpu.dma_semaphore, #tpu.memory_space<semaphore_mem>>) src(%arg8 : memref<128x32xf32, #tpu.memory_space<vmem>>) dst(%dma_wait3A_479 : memref<10240x32xf32, #tpu.memory_space<vmem_shared>>)
        tpu.yield
      }) : () -> ()
      %add3A_290 = arith.constant 12 : i32
      %add3A_291 = arith.addi %add3A_280, %add3A_290 : i32
      %lt3A_292 = arith.cmpi slt, %add3A_291, %select_n3A : i32
      %convert_element_type3A_293 = arith.extui %lt3A_292 : i1 to i32
      %cond3A_294 = arith.constant 0 : i32
      %cond3A_295 = arith.cmpi ne, %convert_element_type3A_293, %cond3A_294 : i32
      scf.if %cond3A_295 {
        %add3A_467 = arith.constant 12 : i32
        %add3A_468 = arith.addi %add3A_280, %add3A_467 : i32
        %dma_start3A_469 = arith.constant 0 : i32
        %dma_start3A_470 = arith.constant 0 : i32
        %dma_start3A_471 = tpu.memref_slice %arg5[%add3A_468, %dma_start3A_469, %dma_start3A_470] : memref<79x2x128xi32, #tpu.memory_space<vmem>> -> memref<1x1x128xi32, #tpu.memory_space<vmem>>
        %dma_start3A_472 = tpu.memref_squeeze %dma_start3A_471 : memref<1x1x128xi32, #tpu.memory_space<vmem>> -> memref<128xi32, #tpu.memory_space<vmem>>
        %dma_start3A_473 = arith.constant 0 : i32
        %dma_start3A_474 = arith.constant 0 : i32
        %dma_start3A_475 = tpu.memref_slice %arg2[%dma_start3A_473, %dma_start3A_474] : memref<40000x32xf32, #tpu.memory_space<hbm>> -> memref<40000x32xf32, #tpu.memory_space<hbm>>
        tpu.enqueue_indirect_dma source(%dma_start3A_475 : memref<40000x32xf32, #tpu.memory_space<hbm>>) target(%arg8 : memref<128x32xf32, #tpu.memory_space<vmem>>) offsets(%dma_start3A_472 : memref<128xi32, #tpu.memory_space<vmem>>) semaphore(%arg20 : memref<!tpu.dma_semaphore, #tpu.memory_space<semaphore_mem>>)
      } else {
      }
      %mul3A_296 = arith.constant 12 : i32
      %mul3A_297 = arith.muli %scan3A_238, %mul3A_296 : i32
      %add3A_298 = arith.constant 3 : i32
      %add3A_299 = arith.addi %mul3A_297, %add3A_298 : i32
      %dma_wait3A_300 = arith.constant 0 : i32
      %dma_wait3A_301 = arith.constant 0 : i32
      %dma_wait3A_302 = arith.constant 0 : i32
      %dma_wait3A_303 = tpu.memref_slice %arg5[%dma_wait3A_300, %dma_wait3A_301, %dma_wait3A_302] : memref<79x2x128xi32, #tpu.memory_space<vmem>> -> memref<1x1x128xi32, #tpu.memory_space<vmem>>
      %dma_wait3A_304 = tpu.memref_squeeze %dma_wait3A_303 : memref<1x1x128xi32, #tpu.memory_space<vmem>> -> memref<128xi32, #tpu.memory_space<vmem>>
      %dma_wait3A_305 = arith.constant 0 : i32
      %dma_wait3A_306 = arith.constant 0 : i32
      %dma_wait3A_307 = tpu.memref_slice %arg2[%dma_wait3A_305, %dma_wait3A_306] : memref<40000x32xf32, #tpu.memory_space<hbm>> -> memref<40000x32xf32, #tpu.memory_space<hbm>>
      tpu.wait_indirect_dma semaphore(%arg21 : memref<!tpu.dma_semaphore, #tpu.memory_space<semaphore_mem>>) src(%dma_wait3A_307 : memref<40000x32xf32, #tpu.memory_space<hbm>>) dst(%arg9 : memref<128x32xf32, #tpu.memory_space<vmem>>)
      %run_scoped3A_308 = arith.constant 1 : i32
      "tpu.region"() ({
        %run_scoped3A_467 = tpu.sem_alloc : memref<!tpu.dma_semaphore, #tpu.memory_space<semaphore_mem>>
        %dma_start3A_468 = arith.constant 0 : i32
        %dma_start3A_469 = tpu.memref_slice %arg5[%add3A_299, %run_scoped3A_308, %dma_start3A_468] : memref<79x2x128xi32, #tpu.memory_space<vmem>> -> memref<1x1x128xi32, #tpu.memory_space<vmem>>
        %dma_start3A_470 = tpu.memref_squeeze %dma_start3A_469 : memref<1x1x128xi32, #tpu.memory_space<vmem>> -> memref<128xi32, #tpu.memory_space<vmem>>
        %dma_start3A_471 = arith.constant 0 : i32
        %dma_start3A_472 = arith.constant 0 : i32
        %dma_start3A_473 = tpu.memref_slice %arg31[%dma_start3A_471, %dma_start3A_472] : memref<10240x32xf32, #tpu.memory_space<vmem_shared>> -> memref<10240x32xf32, #tpu.memory_space<vmem_shared>>
        tpu.enqueue_indirect_dma source(%arg9 : memref<128x32xf32, #tpu.memory_space<vmem>>) target(%dma_start3A_473 : memref<10240x32xf32, #tpu.memory_space<vmem_shared>>) offsets(%dma_start3A_470 : memref<128xi32, #tpu.memory_space<vmem>>) semaphore(%run_scoped3A_467 : memref<!tpu.dma_semaphore, #tpu.memory_space<semaphore_mem>>) {add = true}
        %dma_wait3A_474 = arith.constant 0 : i32
        %dma_wait3A_475 = tpu.memref_slice %arg5[%add3A_299, %run_scoped3A_308, %dma_wait3A_474] : memref<79x2x128xi32, #tpu.memory_space<vmem>> -> memref<1x1x128xi32, #tpu.memory_space<vmem>>
        %dma_wait3A_476 = tpu.memref_squeeze %dma_wait3A_475 : memref<1x1x128xi32, #tpu.memory_space<vmem>> -> memref<128xi32, #tpu.memory_space<vmem>>
        %dma_wait3A_477 = arith.constant 0 : i32
        %dma_wait3A_478 = arith.constant 0 : i32
        %dma_wait3A_479 = tpu.memref_slice %arg31[%dma_wait3A_477, %dma_wait3A_478] : memref<10240x32xf32, #tpu.memory_space<vmem_shared>> -> memref<10240x32xf32, #tpu.memory_space<vmem_shared>>
        tpu.wait_indirect_dma semaphore(%run_scoped3A_467 : memref<!tpu.dma_semaphore, #tpu.memory_space<semaphore_mem>>) src(%arg9 : memref<128x32xf32, #tpu.memory_space<vmem>>) dst(%dma_wait3A_479 : memref<10240x32xf32, #tpu.memory_space<vmem_shared>>)
        tpu.yield
      }) : () -> ()
      %add3A_309 = arith.constant 12 : i32
      %add3A_310 = arith.addi %add3A_299, %add3A_309 : i32
      %lt3A_311 = arith.cmpi slt, %add3A_310, %select_n3A : i32
      %convert_element_type3A_312 = arith.extui %lt3A_311 : i1 to i32
      %cond3A_313 = arith.constant 0 : i32
      %cond3A_314 = arith.cmpi ne, %convert_element_type3A_312, %cond3A_313 : i32
      scf.if %cond3A_314 {
        %add3A_467 = arith.constant 12 : i32
        %add3A_468 = arith.addi %add3A_299, %add3A_467 : i32
        %dma_start3A_469 = arith.constant 0 : i32
        %dma_start3A_470 = arith.constant 0 : i32
        %dma_start3A_471 = tpu.memref_slice %arg5[%add3A_468, %dma_start3A_469, %dma_start3A_470] : memref<79x2x128xi32, #tpu.memory_space<vmem>> -> memref<1x1x128xi32, #tpu.memory_space<vmem>>
        %dma_start3A_472 = tpu.memref_squeeze %dma_start3A_471 : memref<1x1x128xi32, #tpu.memory_space<vmem>> -> memref<128xi32, #tpu.memory_space<vmem>>
        %dma_start3A_473 = arith.constant 0 : i32
        %dma_start3A_474 = arith.constant 0 : i32
        %dma_start3A_475 = tpu.memref_slice %arg2[%dma_start3A_473, %dma_start3A_474] : memref<40000x32xf32, #tpu.memory_space<hbm>> -> memref<40000x32xf32, #tpu.memory_space<hbm>>
        tpu.enqueue_indirect_dma source(%dma_start3A_475 : memref<40000x32xf32, #tpu.memory_space<hbm>>) target(%arg9 : memref<128x32xf32, #tpu.memory_space<vmem>>) offsets(%dma_start3A_472 : memref<128xi32, #tpu.memory_space<vmem>>) semaphore(%arg21 : memref<!tpu.dma_semaphore, #tpu.memory_space<semaphore_mem>>)
      } else {
      }
      %mul3A_315 = arith.constant 12 : i32
      %mul3A_316 = arith.muli %scan3A_238, %mul3A_315 : i32
      %add3A_317 = arith.constant 4 : i32
      %add3A_318 = arith.addi %mul3A_316, %add3A_317 : i32
      %dma_wait3A_319 = arith.constant 0 : i32
      %dma_wait3A_320 = arith.constant 0 : i32
      %dma_wait3A_321 = arith.constant 0 : i32
      %dma_wait3A_322 = tpu.memref_slice %arg5[%dma_wait3A_319, %dma_wait3A_320, %dma_wait3A_321] : memref<79x2x128xi32, #tpu.memory_space<vmem>> -> memref<1x1x128xi32, #tpu.memory_space<vmem>>
      %dma_wait3A_323 = tpu.memref_squeeze %dma_wait3A_322 : memref<1x1x128xi32, #tpu.memory_space<vmem>> -> memref<128xi32, #tpu.memory_space<vmem>>
      %dma_wait3A_324 = arith.constant 0 : i32
      %dma_wait3A_325 = arith.constant 0 : i32
      %dma_wait3A_326 = tpu.memref_slice %arg2[%dma_wait3A_324, %dma_wait3A_325] : memref<40000x32xf32, #tpu.memory_space<hbm>> -> memref<40000x32xf32, #tpu.memory_space<hbm>>
      tpu.wait_indirect_dma semaphore(%arg22 : memref<!tpu.dma_semaphore, #tpu.memory_space<semaphore_mem>>) src(%dma_wait3A_326 : memref<40000x32xf32, #tpu.memory_space<hbm>>) dst(%arg10 : memref<128x32xf32, #tpu.memory_space<vmem>>)
      %run_scoped3A_327 = arith.constant 1 : i32
      "tpu.region"() ({
        %run_scoped3A_467 = tpu.sem_alloc : memref<!tpu.dma_semaphore, #tpu.memory_space<semaphore_mem>>
        %dma_start3A_468 = arith.constant 0 : i32
        %dma_start3A_469 = tpu.memref_slice %arg5[%add3A_318, %run_scoped3A_327, %dma_start3A_468] : memref<79x2x128xi32, #tpu.memory_space<vmem>> -> memref<1x1x128xi32, #tpu.memory_space<vmem>>
        %dma_start3A_470 = tpu.memref_squeeze %dma_start3A_469 : memref<1x1x128xi32, #tpu.memory_space<vmem>> -> memref<128xi32, #tpu.memory_space<vmem>>
        %dma_start3A_471 = arith.constant 0 : i32
        %dma_start3A_472 = arith.constant 0 : i32
        %dma_start3A_473 = tpu.memref_slice %arg31[%dma_start3A_471, %dma_start3A_472] : memref<10240x32xf32, #tpu.memory_space<vmem_shared>> -> memref<10240x32xf32, #tpu.memory_space<vmem_shared>>
        tpu.enqueue_indirect_dma source(%arg10 : memref<128x32xf32, #tpu.memory_space<vmem>>) target(%dma_start3A_473 : memref<10240x32xf32, #tpu.memory_space<vmem_shared>>) offsets(%dma_start3A_470 : memref<128xi32, #tpu.memory_space<vmem>>) semaphore(%run_scoped3A_467 : memref<!tpu.dma_semaphore, #tpu.memory_space<semaphore_mem>>) {add = true}
        %dma_wait3A_474 = arith.constant 0 : i32
        %dma_wait3A_475 = tpu.memref_slice %arg5[%add3A_318, %run_scoped3A_327, %dma_wait3A_474] : memref<79x2x128xi32, #tpu.memory_space<vmem>> -> memref<1x1x128xi32, #tpu.memory_space<vmem>>
        %dma_wait3A_476 = tpu.memref_squeeze %dma_wait3A_475 : memref<1x1x128xi32, #tpu.memory_space<vmem>> -> memref<128xi32, #tpu.memory_space<vmem>>
        %dma_wait3A_477 = arith.constant 0 : i32
        %dma_wait3A_478 = arith.constant 0 : i32
        %dma_wait3A_479 = tpu.memref_slice %arg31[%dma_wait3A_477, %dma_wait3A_478] : memref<10240x32xf32, #tpu.memory_space<vmem_shared>> -> memref<10240x32xf32, #tpu.memory_space<vmem_shared>>
        tpu.wait_indirect_dma semaphore(%run_scoped3A_467 : memref<!tpu.dma_semaphore, #tpu.memory_space<semaphore_mem>>) src(%arg10 : memref<128x32xf32, #tpu.memory_space<vmem>>) dst(%dma_wait3A_479 : memref<10240x32xf32, #tpu.memory_space<vmem_shared>>)
        tpu.yield
      }) : () -> ()
      %add3A_328 = arith.constant 12 : i32
      %add3A_329 = arith.addi %add3A_318, %add3A_328 : i32
      %lt3A_330 = arith.cmpi slt, %add3A_329, %select_n3A : i32
      %convert_element_type3A_331 = arith.extui %lt3A_330 : i1 to i32
      %cond3A_332 = arith.constant 0 : i32
      %cond3A_333 = arith.cmpi ne, %convert_element_type3A_331, %cond3A_332 : i32
      scf.if %cond3A_333 {
        %add3A_467 = arith.constant 12 : i32
        %add3A_468 = arith.addi %add3A_318, %add3A_467 : i32
        %dma_start3A_469 = arith.constant 0 : i32
        %dma_start3A_470 = arith.constant 0 : i32
        %dma_start3A_471 = tpu.memref_slice %arg5[%add3A_468, %dma_start3A_469, %dma_start3A_470] : memref<79x2x128xi32, #tpu.memory_space<vmem>> -> memref<1x1x128xi32, #tpu.memory_space<vmem>>
        %dma_start3A_472 = tpu.memref_squeeze %dma_start3A_471 : memref<1x1x128xi32, #tpu.memory_space<vmem>> -> memref<128xi32, #tpu.memory_space<vmem>>
        %dma_start3A_473 = arith.constant 0 : i32
        %dma_start3A_474 = arith.constant 0 : i32
        %dma_start3A_475 = tpu.memref_slice %arg2[%dma_start3A_473, %dma_start3A_474] : memref<40000x32xf32, #tpu.memory_space<hbm>> -> memref<40000x32xf32, #tpu.memory_space<hbm>>
        tpu.enqueue_indirect_dma source(%dma_start3A_475 : memref<40000x32xf32, #tpu.memory_space<hbm>>) target(%arg10 : memref<128x32xf32, #tpu.memory_space<vmem>>) offsets(%dma_start3A_472 : memref<128xi32, #tpu.memory_space<vmem>>) semaphore(%arg22 : memref<!tpu.dma_semaphore, #tpu.memory_space<semaphore_mem>>)
      } else {
      }
      %mul3A_334 = arith.constant 12 : i32
      %mul3A_335 = arith.muli %scan3A_238, %mul3A_334 : i32
      %add3A_336 = arith.constant 5 : i32
      %add3A_337 = arith.addi %mul3A_335, %add3A_336 : i32
      %dma_wait3A_338 = arith.constant 0 : i32
      %dma_wait3A_339 = arith.constant 0 : i32
      %dma_wait3A_340 = arith.constant 0 : i32
      %dma_wait3A_341 = tpu.memref_slice %arg5[%dma_wait3A_338, %dma_wait3A_339, %dma_wait3A_340] : memref<79x2x128xi32, #tpu.memory_space<vmem>> -> memref<1x1x128xi32, #tpu.memory_space<vmem>>
      %dma_wait3A_342 = tpu.memref_squeeze %dma_wait3A_341 : memref<1x1x128xi32, #tpu.memory_space<vmem>> -> memref<128xi32, #tpu.memory_space<vmem>>
      %dma_wait3A_343 = arith.constant 0 : i32
      %dma_wait3A_344 = arith.constant 0 : i32
      %dma_wait3A_345 = tpu.memref_slice %arg2[%dma_wait3A_343, %dma_wait3A_344] : memref<40000x32xf32, #tpu.memory_space<hbm>> -> memref<40000x32xf32, #tpu.memory_space<hbm>>
      tpu.wait_indirect_dma semaphore(%arg23 : memref<!tpu.dma_semaphore, #tpu.memory_space<semaphore_mem>>) src(%dma_wait3A_345 : memref<40000x32xf32, #tpu.memory_space<hbm>>) dst(%arg11 : memref<128x32xf32, #tpu.memory_space<vmem>>)
      %run_scoped3A_346 = arith.constant 1 : i32
      "tpu.region"() ({
        %run_scoped3A_467 = tpu.sem_alloc : memref<!tpu.dma_semaphore, #tpu.memory_space<semaphore_mem>>
        %dma_start3A_468 = arith.constant 0 : i32
        %dma_start3A_469 = tpu.memref_slice %arg5[%add3A_337, %run_scoped3A_346, %dma_start3A_468] : memref<79x2x128xi32, #tpu.memory_space<vmem>> -> memref<1x1x128xi32, #tpu.memory_space<vmem>>
        %dma_start3A_470 = tpu.memref_squeeze %dma_start3A_469 : memref<1x1x128xi32, #tpu.memory_space<vmem>> -> memref<128xi32, #tpu.memory_space<vmem>>
        %dma_start3A_471 = arith.constant 0 : i32
        %dma_start3A_472 = arith.constant 0 : i32
        %dma_start3A_473 = tpu.memref_slice %arg31[%dma_start3A_471, %dma_start3A_472] : memref<10240x32xf32, #tpu.memory_space<vmem_shared>> -> memref<10240x32xf32, #tpu.memory_space<vmem_shared>>
        tpu.enqueue_indirect_dma source(%arg11 : memref<128x32xf32, #tpu.memory_space<vmem>>) target(%dma_start3A_473 : memref<10240x32xf32, #tpu.memory_space<vmem_shared>>) offsets(%dma_start3A_470 : memref<128xi32, #tpu.memory_space<vmem>>) semaphore(%run_scoped3A_467 : memref<!tpu.dma_semaphore, #tpu.memory_space<semaphore_mem>>) {add = true}
        %dma_wait3A_474 = arith.constant 0 : i32
        %dma_wait3A_475 = tpu.memref_slice %arg5[%add3A_337, %run_scoped3A_346, %dma_wait3A_474] : memref<79x2x128xi32, #tpu.memory_space<vmem>> -> memref<1x1x128xi32, #tpu.memory_space<vmem>>
        %dma_wait3A_476 = tpu.memref_squeeze %dma_wait3A_475 : memref<1x1x128xi32, #tpu.memory_space<vmem>> -> memref<128xi32, #tpu.memory_space<vmem>>
        %dma_wait3A_477 = arith.constant 0 : i32
        %dma_wait3A_478 = arith.constant 0 : i32
        %dma_wait3A_479 = tpu.memref_slice %arg31[%dma_wait3A_477, %dma_wait3A_478] : memref<10240x32xf32, #tpu.memory_space<vmem_shared>> -> memref<10240x32xf32, #tpu.memory_space<vmem_shared>>
        tpu.wait_indirect_dma semaphore(%run_scoped3A_467 : memref<!tpu.dma_semaphore, #tpu.memory_space<semaphore_mem>>) src(%arg11 : memref<128x32xf32, #tpu.memory_space<vmem>>) dst(%dma_wait3A_479 : memref<10240x32xf32, #tpu.memory_space<vmem_shared>>)
        tpu.yield
      }) : () -> ()
      %add3A_347 = arith.constant 12 : i32
      %add3A_348 = arith.addi %add3A_337, %add3A_347 : i32
      %lt3A_349 = arith.cmpi slt, %add3A_348, %select_n3A : i32
      %convert_element_type3A_350 = arith.extui %lt3A_349 : i1 to i32
      %cond3A_351 = arith.constant 0 : i32
      %cond3A_352 = arith.cmpi ne, %convert_element_type3A_350, %cond3A_351 : i32
      scf.if %cond3A_352 {
        %add3A_467 = arith.constant 12 : i32
        %add3A_468 = arith.addi %add3A_337, %add3A_467 : i32
        %dma_start3A_469 = arith.constant 0 : i32
        %dma_start3A_470 = arith.constant 0 : i32
        %dma_start3A_471 = tpu.memref_slice %arg5[%add3A_468, %dma_start3A_469, %dma_start3A_470] : memref<79x2x128xi32, #tpu.memory_space<vmem>> -> memref<1x1x128xi32, #tpu.memory_space<vmem>>
        %dma_start3A_472 = tpu.memref_squeeze %dma_start3A_471 : memref<1x1x128xi32, #tpu.memory_space<vmem>> -> memref<128xi32, #tpu.memory_space<vmem>>
        %dma_start3A_473 = arith.constant 0 : i32
        %dma_start3A_474 = arith.constant 0 : i32
        %dma_start3A_475 = tpu.memref_slice %arg2[%dma_start3A_473, %dma_start3A_474] : memref<40000x32xf32, #tpu.memory_space<hbm>> -> memref<40000x32xf32, #tpu.memory_space<hbm>>
        tpu.enqueue_indirect_dma source(%dma_start3A_475 : memref<40000x32xf32, #tpu.memory_space<hbm>>) target(%arg11 : memref<128x32xf32, #tpu.memory_space<vmem>>) offsets(%dma_start3A_472 : memref<128xi32, #tpu.memory_space<vmem>>) semaphore(%arg23 : memref<!tpu.dma_semaphore, #tpu.memory_space<semaphore_mem>>)
      } else {
      }
      %mul3A_353 = arith.constant 12 : i32
      %mul3A_354 = arith.muli %scan3A_238, %mul3A_353 : i32
      %add3A_355 = arith.constant 6 : i32
      %add3A_356 = arith.addi %mul3A_354, %add3A_355 : i32
      %dma_wait3A_357 = arith.constant 0 : i32
      %dma_wait3A_358 = arith.constant 0 : i32
      %dma_wait3A_359 = arith.constant 0 : i32
      %dma_wait3A_360 = tpu.memref_slice %arg5[%dma_wait3A_357, %dma_wait3A_358, %dma_wait3A_359] : memref<79x2x128xi32, #tpu.memory_space<vmem>> -> memref<1x1x128xi32, #tpu.memory_space<vmem>>
      %dma_wait3A_361 = tpu.memref_squeeze %dma_wait3A_360 : memref<1x1x128xi32, #tpu.memory_space<vmem>> -> memref<128xi32, #tpu.memory_space<vmem>>
      %dma_wait3A_362 = arith.constant 0 : i32
      %dma_wait3A_363 = arith.constant 0 : i32
      %dma_wait3A_364 = tpu.memref_slice %arg2[%dma_wait3A_362, %dma_wait3A_363] : memref<40000x32xf32, #tpu.memory_space<hbm>> -> memref<40000x32xf32, #tpu.memory_space<hbm>>
      tpu.wait_indirect_dma semaphore(%arg24 : memref<!tpu.dma_semaphore, #tpu.memory_space<semaphore_mem>>) src(%dma_wait3A_364 : memref<40000x32xf32, #tpu.memory_space<hbm>>) dst(%arg12 : memref<128x32xf32, #tpu.memory_space<vmem>>)
      %run_scoped3A_365 = arith.constant 1 : i32
      "tpu.region"() ({
        %run_scoped3A_467 = tpu.sem_alloc : memref<!tpu.dma_semaphore, #tpu.memory_space<semaphore_mem>>
        %dma_start3A_468 = arith.constant 0 : i32
        %dma_start3A_469 = tpu.memref_slice %arg5[%add3A_356, %run_scoped3A_365, %dma_start3A_468] : memref<79x2x128xi32, #tpu.memory_space<vmem>> -> memref<1x1x128xi32, #tpu.memory_space<vmem>>
        %dma_start3A_470 = tpu.memref_squeeze %dma_start3A_469 : memref<1x1x128xi32, #tpu.memory_space<vmem>> -> memref<128xi32, #tpu.memory_space<vmem>>
        %dma_start3A_471 = arith.constant 0 : i32
        %dma_start3A_472 = arith.constant 0 : i32
        %dma_start3A_473 = tpu.memref_slice %arg31[%dma_start3A_471, %dma_start3A_472] : memref<10240x32xf32, #tpu.memory_space<vmem_shared>> -> memref<10240x32xf32, #tpu.memory_space<vmem_shared>>
        tpu.enqueue_indirect_dma source(%arg12 : memref<128x32xf32, #tpu.memory_space<vmem>>) target(%dma_start3A_473 : memref<10240x32xf32, #tpu.memory_space<vmem_shared>>) offsets(%dma_start3A_470 : memref<128xi32, #tpu.memory_space<vmem>>) semaphore(%run_scoped3A_467 : memref<!tpu.dma_semaphore, #tpu.memory_space<semaphore_mem>>) {add = true}
        %dma_wait3A_474 = arith.constant 0 : i32
        %dma_wait3A_475 = tpu.memref_slice %arg5[%add3A_356, %run_scoped3A_365, %dma_wait3A_474] : memref<79x2x128xi32, #tpu.memory_space<vmem>> -> memref<1x1x128xi32, #tpu.memory_space<vmem>>
        %dma_wait3A_476 = tpu.memref_squeeze %dma_wait3A_475 : memref<1x1x128xi32, #tpu.memory_space<vmem>> -> memref<128xi32, #tpu.memory_space<vmem>>
        %dma_wait3A_477 = arith.constant 0 : i32
        %dma_wait3A_478 = arith.constant 0 : i32
        %dma_wait3A_479 = tpu.memref_slice %arg31[%dma_wait3A_477, %dma_wait3A_478] : memref<10240x32xf32, #tpu.memory_space<vmem_shared>> -> memref<10240x32xf32, #tpu.memory_space<vmem_shared>>
        tpu.wait_indirect_dma semaphore(%run_scoped3A_467 : memref<!tpu.dma_semaphore, #tpu.memory_space<semaphore_mem>>) src(%arg12 : memref<128x32xf32, #tpu.memory_space<vmem>>) dst(%dma_wait3A_479 : memref<10240x32xf32, #tpu.memory_space<vmem_shared>>)
        tpu.yield
      }) : () -> ()
      %add3A_366 = arith.constant 12 : i32
      %add3A_367 = arith.addi %add3A_356, %add3A_366 : i32
      %lt3A_368 = arith.cmpi slt, %add3A_367, %select_n3A : i32
      %convert_element_type3A_369 = arith.extui %lt3A_368 : i1 to i32
      %cond3A_370 = arith.constant 0 : i32
      %cond3A_371 = arith.cmpi ne, %convert_element_type3A_369, %cond3A_370 : i32
      scf.if %cond3A_371 {
        %add3A_467 = arith.constant 12 : i32
        %add3A_468 = arith.addi %add3A_356, %add3A_467 : i32
        %dma_start3A_469 = arith.constant 0 : i32
        %dma_start3A_470 = arith.constant 0 : i32
        %dma_start3A_471 = tpu.memref_slice %arg5[%add3A_468, %dma_start3A_469, %dma_start3A_470] : memref<79x2x128xi32, #tpu.memory_space<vmem>> -> memref<1x1x128xi32, #tpu.memory_space<vmem>>
        %dma_start3A_472 = tpu.memref_squeeze %dma_start3A_471 : memref<1x1x128xi32, #tpu.memory_space<vmem>> -> memref<128xi32, #tpu.memory_space<vmem>>
        %dma_start3A_473 = arith.constant 0 : i32
        %dma_start3A_474 = arith.constant 0 : i32
        %dma_start3A_475 = tpu.memref_slice %arg2[%dma_start3A_473, %dma_start3A_474] : memref<40000x32xf32, #tpu.memory_space<hbm>> -> memref<40000x32xf32, #tpu.memory_space<hbm>>
        tpu.enqueue_indirect_dma source(%dma_start3A_475 : memref<40000x32xf32, #tpu.memory_space<hbm>>) target(%arg12 : memref<128x32xf32, #tpu.memory_space<vmem>>) offsets(%dma_start3A_472 : memref<128xi32, #tpu.memory_space<vmem>>) semaphore(%arg24 : memref<!tpu.dma_semaphore, #tpu.memory_space<semaphore_mem>>)
      } else {
      }
      %mul3A_372 = arith.constant 12 : i32
      %mul3A_373 = arith.muli %scan3A_238, %mul3A_372 : i32
      %add3A_374 = arith.constant 7 : i32
      %add3A_375 = arith.addi %mul3A_373, %add3A_374 : i32
      %dma_wait3A_376 = arith.constant 0 : i32
      %dma_wait3A_377 = arith.constant 0 : i32
      %dma_wait3A_378 = arith.constant 0 : i32
      %dma_wait3A_379 = tpu.memref_slice %arg5[%dma_wait3A_376, %dma_wait3A_377, %dma_wait3A_378] : memref<79x2x128xi32, #tpu.memory_space<vmem>> -> memref<1x1x128xi32, #tpu.memory_space<vmem>>
      %dma_wait3A_380 = tpu.memref_squeeze %dma_wait3A_379 : memref<1x1x128xi32, #tpu.memory_space<vmem>> -> memref<128xi32, #tpu.memory_space<vmem>>
      %dma_wait3A_381 = arith.constant 0 : i32
      %dma_wait3A_382 = arith.constant 0 : i32
      %dma_wait3A_383 = tpu.memref_slice %arg2[%dma_wait3A_381, %dma_wait3A_382] : memref<40000x32xf32, #tpu.memory_space<hbm>> -> memref<40000x32xf32, #tpu.memory_space<hbm>>
      tpu.wait_indirect_dma semaphore(%arg25 : memref<!tpu.dma_semaphore, #tpu.memory_space<semaphore_mem>>) src(%dma_wait3A_383 : memref<40000x32xf32, #tpu.memory_space<hbm>>) dst(%arg13 : memref<128x32xf32, #tpu.memory_space<vmem>>)
      %run_scoped3A_384 = arith.constant 1 : i32
      "tpu.region"() ({
        %run_scoped3A_467 = tpu.sem_alloc : memref<!tpu.dma_semaphore, #tpu.memory_space<semaphore_mem>>
        %dma_start3A_468 = arith.constant 0 : i32
        %dma_start3A_469 = tpu.memref_slice %arg5[%add3A_375, %run_scoped3A_384, %dma_start3A_468] : memref<79x2x128xi32, #tpu.memory_space<vmem>> -> memref<1x1x128xi32, #tpu.memory_space<vmem>>
        %dma_start3A_470 = tpu.memref_squeeze %dma_start3A_469 : memref<1x1x128xi32, #tpu.memory_space<vmem>> -> memref<128xi32, #tpu.memory_space<vmem>>
        %dma_start3A_471 = arith.constant 0 : i32
        %dma_start3A_472 = arith.constant 0 : i32
        %dma_start3A_473 = tpu.memref_slice %arg31[%dma_start3A_471, %dma_start3A_472] : memref<10240x32xf32, #tpu.memory_space<vmem_shared>> -> memref<10240x32xf32, #tpu.memory_space<vmem_shared>>
        tpu.enqueue_indirect_dma source(%arg13 : memref<128x32xf32, #tpu.memory_space<vmem>>) target(%dma_start3A_473 : memref<10240x32xf32, #tpu.memory_space<vmem_shared>>) offsets(%dma_start3A_470 : memref<128xi32, #tpu.memory_space<vmem>>) semaphore(%run_scoped3A_467 : memref<!tpu.dma_semaphore, #tpu.memory_space<semaphore_mem>>) {add = true}
        %dma_wait3A_474 = arith.constant 0 : i32
        %dma_wait3A_475 = tpu.memref_slice %arg5[%add3A_375, %run_scoped3A_384, %dma_wait3A_474] : memref<79x2x128xi32, #tpu.memory_space<vmem>> -> memref<1x1x128xi32, #tpu.memory_space<vmem>>
        %dma_wait3A_476 = tpu.memref_squeeze %dma_wait3A_475 : memref<1x1x128xi32, #tpu.memory_space<vmem>> -> memref<128xi32, #tpu.memory_space<vmem>>
        %dma_wait3A_477 = arith.constant 0 : i32
        %dma_wait3A_478 = arith.constant 0 : i32
        %dma_wait3A_479 = tpu.memref_slice %arg31[%dma_wait3A_477, %dma_wait3A_478] : memref<10240x32xf32, #tpu.memory_space<vmem_shared>> -> memref<10240x32xf32, #tpu.memory_space<vmem_shared>>
        tpu.wait_indirect_dma semaphore(%run_scoped3A_467 : memref<!tpu.dma_semaphore, #tpu.memory_space<semaphore_mem>>) src(%arg13 : memref<128x32xf32, #tpu.memory_space<vmem>>) dst(%dma_wait3A_479 : memref<10240x32xf32, #tpu.memory_space<vmem_shared>>)
        tpu.yield
      }) : () -> ()
      %add3A_385 = arith.constant 12 : i32
      %add3A_386 = arith.addi %add3A_375, %add3A_385 : i32
      %lt3A_387 = arith.cmpi slt, %add3A_386, %select_n3A : i32
      %convert_element_type3A_388 = arith.extui %lt3A_387 : i1 to i32
      %cond3A_389 = arith.constant 0 : i32
      %cond3A_390 = arith.cmpi ne, %convert_element_type3A_388, %cond3A_389 : i32
      scf.if %cond3A_390 {
        %add3A_467 = arith.constant 12 : i32
        %add3A_468 = arith.addi %add3A_375, %add3A_467 : i32
        %dma_start3A_469 = arith.constant 0 : i32
        %dma_start3A_470 = arith.constant 0 : i32
        %dma_start3A_471 = tpu.memref_slice %arg5[%add3A_468, %dma_start3A_469, %dma_start3A_470] : memref<79x2x128xi32, #tpu.memory_space<vmem>> -> memref<1x1x128xi32, #tpu.memory_space<vmem>>
        %dma_start3A_472 = tpu.memref_squeeze %dma_start3A_471 : memref<1x1x128xi32, #tpu.memory_space<vmem>> -> memref<128xi32, #tpu.memory_space<vmem>>
        %dma_start3A_473 = arith.constant 0 : i32
        %dma_start3A_474 = arith.constant 0 : i32
        %dma_start3A_475 = tpu.memref_slice %arg2[%dma_start3A_473, %dma_start3A_474] : memref<40000x32xf32, #tpu.memory_space<hbm>> -> memref<40000x32xf32, #tpu.memory_space<hbm>>
        tpu.enqueue_indirect_dma source(%dma_start3A_475 : memref<40000x32xf32, #tpu.memory_space<hbm>>) target(%arg13 : memref<128x32xf32, #tpu.memory_space<vmem>>) offsets(%dma_start3A_472 : memref<128xi32, #tpu.memory_space<vmem>>) semaphore(%arg25 : memref<!tpu.dma_semaphore, #tpu.memory_space<semaphore_mem>>)
      } else {
      }
      %mul3A_391 = arith.constant 12 : i32
      %mul3A_392 = arith.muli %scan3A_238, %mul3A_391 : i32
      %add3A_393 = arith.constant 8 : i32
      %add3A_394 = arith.addi %mul3A_392, %add3A_393 : i32
      %dma_wait3A_395 = arith.constant 0 : i32
      %dma_wait3A_396 = arith.constant 0 : i32
      %dma_wait3A_397 = arith.constant 0 : i32
      %dma_wait3A_398 = tpu.memref_slice %arg5[%dma_wait3A_395, %dma_wait3A_396, %dma_wait3A_397] : memref<79x2x128xi32, #tpu.memory_space<vmem>> -> memref<1x1x128xi32, #tpu.memory_space<vmem>>
      %dma_wait3A_399 = tpu.memref_squeeze %dma_wait3A_398 : memref<1x1x128xi32, #tpu.memory_space<vmem>> -> memref<128xi32, #tpu.memory_space<vmem>>
      %dma_wait3A_400 = arith.constant 0 : i32
      %dma_wait3A_401 = arith.constant 0 : i32
      %dma_wait3A_402 = tpu.memref_slice %arg2[%dma_wait3A_400, %dma_wait3A_401] : memref<40000x32xf32, #tpu.memory_space<hbm>> -> memref<40000x32xf32, #tpu.memory_space<hbm>>
      tpu.wait_indirect_dma semaphore(%arg26 : memref<!tpu.dma_semaphore, #tpu.memory_space<semaphore_mem>>) src(%dma_wait3A_402 : memref<40000x32xf32, #tpu.memory_space<hbm>>) dst(%arg14 : memref<128x32xf32, #tpu.memory_space<vmem>>)
      %run_scoped3A_403 = arith.constant 1 : i32
      "tpu.region"() ({
        %run_scoped3A_467 = tpu.sem_alloc : memref<!tpu.dma_semaphore, #tpu.memory_space<semaphore_mem>>
        %dma_start3A_468 = arith.constant 0 : i32
        %dma_start3A_469 = tpu.memref_slice %arg5[%add3A_394, %run_scoped3A_403, %dma_start3A_468] : memref<79x2x128xi32, #tpu.memory_space<vmem>> -> memref<1x1x128xi32, #tpu.memory_space<vmem>>
        %dma_start3A_470 = tpu.memref_squeeze %dma_start3A_469 : memref<1x1x128xi32, #tpu.memory_space<vmem>> -> memref<128xi32, #tpu.memory_space<vmem>>
        %dma_start3A_471 = arith.constant 0 : i32
        %dma_start3A_472 = arith.constant 0 : i32
        %dma_start3A_473 = tpu.memref_slice %arg31[%dma_start3A_471, %dma_start3A_472] : memref<10240x32xf32, #tpu.memory_space<vmem_shared>> -> memref<10240x32xf32, #tpu.memory_space<vmem_shared>>
        tpu.enqueue_indirect_dma source(%arg14 : memref<128x32xf32, #tpu.memory_space<vmem>>) target(%dma_start3A_473 : memref<10240x32xf32, #tpu.memory_space<vmem_shared>>) offsets(%dma_start3A_470 : memref<128xi32, #tpu.memory_space<vmem>>) semaphore(%run_scoped3A_467 : memref<!tpu.dma_semaphore, #tpu.memory_space<semaphore_mem>>) {add = true}
        %dma_wait3A_474 = arith.constant 0 : i32
        %dma_wait3A_475 = tpu.memref_slice %arg5[%add3A_394, %run_scoped3A_403, %dma_wait3A_474] : memref<79x2x128xi32, #tpu.memory_space<vmem>> -> memref<1x1x128xi32, #tpu.memory_space<vmem>>
        %dma_wait3A_476 = tpu.memref_squeeze %dma_wait3A_475 : memref<1x1x128xi32, #tpu.memory_space<vmem>> -> memref<128xi32, #tpu.memory_space<vmem>>
        %dma_wait3A_477 = arith.constant 0 : i32
        %dma_wait3A_478 = arith.constant 0 : i32
        %dma_wait3A_479 = tpu.memref_slice %arg31[%dma_wait3A_477, %dma_wait3A_478] : memref<10240x32xf32, #tpu.memory_space<vmem_shared>> -> memref<10240x32xf32, #tpu.memory_space<vmem_shared>>
        tpu.wait_indirect_dma semaphore(%run_scoped3A_467 : memref<!tpu.dma_semaphore, #tpu.memory_space<semaphore_mem>>) src(%arg14 : memref<128x32xf32, #tpu.memory_space<vmem>>) dst(%dma_wait3A_479 : memref<10240x32xf32, #tpu.memory_space<vmem_shared>>)
        tpu.yield
      }) : () -> ()
      %add3A_404 = arith.constant 12 : i32
      %add3A_405 = arith.addi %add3A_394, %add3A_404 : i32
      %lt3A_406 = arith.cmpi slt, %add3A_405, %select_n3A : i32
      %convert_element_type3A_407 = arith.extui %lt3A_406 : i1 to i32
      %cond3A_408 = arith.constant 0 : i32
      %cond3A_409 = arith.cmpi ne, %convert_element_type3A_407, %cond3A_408 : i32
      scf.if %cond3A_409 {
        %add3A_467 = arith.constant 12 : i32
        %add3A_468 = arith.addi %add3A_394, %add3A_467 : i32
        %dma_start3A_469 = arith.constant 0 : i32
        %dma_start3A_470 = arith.constant 0 : i32
        %dma_start3A_471 = tpu.memref_slice %arg5[%add3A_468, %dma_start3A_469, %dma_start3A_470] : memref<79x2x128xi32, #tpu.memory_space<vmem>> -> memref<1x1x128xi32, #tpu.memory_space<vmem>>
        %dma_start3A_472 = tpu.memref_squeeze %dma_start3A_471 : memref<1x1x128xi32, #tpu.memory_space<vmem>> -> memref<128xi32, #tpu.memory_space<vmem>>
        %dma_start3A_473 = arith.constant 0 : i32
        %dma_start3A_474 = arith.constant 0 : i32
        %dma_start3A_475 = tpu.memref_slice %arg2[%dma_start3A_473, %dma_start3A_474] : memref<40000x32xf32, #tpu.memory_space<hbm>> -> memref<40000x32xf32, #tpu.memory_space<hbm>>
        tpu.enqueue_indirect_dma source(%dma_start3A_475 : memref<40000x32xf32, #tpu.memory_space<hbm>>) target(%arg14 : memref<128x32xf32, #tpu.memory_space<vmem>>) offsets(%dma_start3A_472 : memref<128xi32, #tpu.memory_space<vmem>>) semaphore(%arg26 : memref<!tpu.dma_semaphore, #tpu.memory_space<semaphore_mem>>)
      } else {
      }
      %mul3A_410 = arith.constant 12 : i32
      %mul3A_411 = arith.muli %scan3A_238, %mul3A_410 : i32
      %add3A_412 = arith.constant 9 : i32
      %add3A_413 = arith.addi %mul3A_411, %add3A_412 : i32
      %dma_wait3A_414 = arith.constant 0 : i32
      %dma_wait3A_415 = arith.constant 0 : i32
      %dma_wait3A_416 = arith.constant 0 : i32
      %dma_wait3A_417 = tpu.memref_slice %arg5[%dma_wait3A_414, %dma_wait3A_415, %dma_wait3A_416] : memref<79x2x128xi32, #tpu.memory_space<vmem>> -> memref<1x1x128xi32, #tpu.memory_space<vmem>>
      %dma_wait3A_418 = tpu.memref_squeeze %dma_wait3A_417 : memref<1x1x128xi32, #tpu.memory_space<vmem>> -> memref<128xi32, #tpu.memory_space<vmem>>
      %dma_wait3A_419 = arith.constant 0 : i32
      %dma_wait3A_420 = arith.constant 0 : i32
      %dma_wait3A_421 = tpu.memref_slice %arg2[%dma_wait3A_419, %dma_wait3A_420] : memref<40000x32xf32, #tpu.memory_space<hbm>> -> memref<40000x32xf32, #tpu.memory_space<hbm>>
      tpu.wait_indirect_dma semaphore(%arg27 : memref<!tpu.dma_semaphore, #tpu.memory_space<semaphore_mem>>) src(%dma_wait3A_421 : memref<40000x32xf32, #tpu.memory_space<hbm>>) dst(%arg15 : memref<128x32xf32, #tpu.memory_space<vmem>>)
      %run_scoped3A_422 = arith.constant 1 : i32
      "tpu.region"() ({
        %run_scoped3A_467 = tpu.sem_alloc : memref<!tpu.dma_semaphore, #tpu.memory_space<semaphore_mem>>
        %dma_start3A_468 = arith.constant 0 : i32
        %dma_start3A_469 = tpu.memref_slice %arg5[%add3A_413, %run_scoped3A_422, %dma_start3A_468] : memref<79x2x128xi32, #tpu.memory_space<vmem>> -> memref<1x1x128xi32, #tpu.memory_space<vmem>>
        %dma_start3A_470 = tpu.memref_squeeze %dma_start3A_469 : memref<1x1x128xi32, #tpu.memory_space<vmem>> -> memref<128xi32, #tpu.memory_space<vmem>>
        %dma_start3A_471 = arith.constant 0 : i32
        %dma_start3A_472 = arith.constant 0 : i32
        %dma_start3A_473 = tpu.memref_slice %arg31[%dma_start3A_471, %dma_start3A_472] : memref<10240x32xf32, #tpu.memory_space<vmem_shared>> -> memref<10240x32xf32, #tpu.memory_space<vmem_shared>>
        tpu.enqueue_indirect_dma source(%arg15 : memref<128x32xf32, #tpu.memory_space<vmem>>) target(%dma_start3A_473 : memref<10240x32xf32, #tpu.memory_space<vmem_shared>>) offsets(%dma_start3A_470 : memref<128xi32, #tpu.memory_space<vmem>>) semaphore(%run_scoped3A_467 : memref<!tpu.dma_semaphore, #tpu.memory_space<semaphore_mem>>) {add = true}
        %dma_wait3A_474 = arith.constant 0 : i32
        %dma_wait3A_475 = tpu.memref_slice %arg5[%add3A_413, %run_scoped3A_422, %dma_wait3A_474] : memref<79x2x128xi32, #tpu.memory_space<vmem>> -> memref<1x1x128xi32, #tpu.memory_space<vmem>>
        %dma_wait3A_476 = tpu.memref_squeeze %dma_wait3A_475 : memref<1x1x128xi32, #tpu.memory_space<vmem>> -> memref<128xi32, #tpu.memory_space<vmem>>
        %dma_wait3A_477 = arith.constant 0 : i32
        %dma_wait3A_478 = arith.constant 0 : i32
        %dma_wait3A_479 = tpu.memref_slice %arg31[%dma_wait3A_477, %dma_wait3A_478] : memref<10240x32xf32, #tpu.memory_space<vmem_shared>> -> memref<10240x32xf32, #tpu.memory_space<vmem_shared>>
        tpu.wait_indirect_dma semaphore(%run_scoped3A_467 : memref<!tpu.dma_semaphore, #tpu.memory_space<semaphore_mem>>) src(%arg15 : memref<128x32xf32, #tpu.memory_space<vmem>>) dst(%dma_wait3A_479 : memref<10240x32xf32, #tpu.memory_space<vmem_shared>>)
        tpu.yield
      }) : () -> ()
      %add3A_423 = arith.constant 12 : i32
      %add3A_424 = arith.addi %add3A_413, %add3A_423 : i32
      %lt3A_425 = arith.cmpi slt, %add3A_424, %select_n3A : i32
      %convert_element_type3A_426 = arith.extui %lt3A_425 : i1 to i32
      %cond3A_427 = arith.constant 0 : i32
      %cond3A_428 = arith.cmpi ne, %convert_element_type3A_426, %cond3A_427 : i32
      scf.if %cond3A_428 {
        %add3A_467 = arith.constant 12 : i32
        %add3A_468 = arith.addi %add3A_413, %add3A_467 : i32
        %dma_start3A_469 = arith.constant 0 : i32
        %dma_start3A_470 = arith.constant 0 : i32
        %dma_start3A_471 = tpu.memref_slice %arg5[%add3A_468, %dma_start3A_469, %dma_start3A_470] : memref<79x2x128xi32, #tpu.memory_space<vmem>> -> memref<1x1x128xi32, #tpu.memory_space<vmem>>
        %dma_start3A_472 = tpu.memref_squeeze %dma_start3A_471 : memref<1x1x128xi32, #tpu.memory_space<vmem>> -> memref<128xi32, #tpu.memory_space<vmem>>
        %dma_start3A_473 = arith.constant 0 : i32
        %dma_start3A_474 = arith.constant 0 : i32
        %dma_start3A_475 = tpu.memref_slice %arg2[%dma_start3A_473, %dma_start3A_474] : memref<40000x32xf32, #tpu.memory_space<hbm>> -> memref<40000x32xf32, #tpu.memory_space<hbm>>
        tpu.enqueue_indirect_dma source(%dma_start3A_475 : memref<40000x32xf32, #tpu.memory_space<hbm>>) target(%arg15 : memref<128x32xf32, #tpu.memory_space<vmem>>) offsets(%dma_start3A_472 : memref<128xi32, #tpu.memory_space<vmem>>) semaphore(%arg27 : memref<!tpu.dma_semaphore, #tpu.memory_space<semaphore_mem>>)
      } else {
      }
      %mul3A_429 = arith.constant 12 : i32
      %mul3A_430 = arith.muli %scan3A_238, %mul3A_429 : i32
      %add3A_431 = arith.constant 10 : i32
      %add3A_432 = arith.addi %mul3A_430, %add3A_431 : i32
      %dma_wait3A_433 = arith.constant 0 : i32
      %dma_wait3A_434 = arith.constant 0 : i32
      %dma_wait3A_435 = arith.constant 0 : i32
      %dma_wait3A_436 = tpu.memref_slice %arg5[%dma_wait3A_433, %dma_wait3A_434, %dma_wait3A_435] : memref<79x2x128xi32, #tpu.memory_space<vmem>> -> memref<1x1x128xi32, #tpu.memory_space<vmem>>
      %dma_wait3A_437 = tpu.memref_squeeze %dma_wait3A_436 : memref<1x1x128xi32, #tpu.memory_space<vmem>> -> memref<128xi32, #tpu.memory_space<vmem>>
      %dma_wait3A_438 = arith.constant 0 : i32
      %dma_wait3A_439 = arith.constant 0 : i32
      %dma_wait3A_440 = tpu.memref_slice %arg2[%dma_wait3A_438, %dma_wait3A_439] : memref<40000x32xf32, #tpu.memory_space<hbm>> -> memref<40000x32xf32, #tpu.memory_space<hbm>>
      tpu.wait_indirect_dma semaphore(%arg28 : memref<!tpu.dma_semaphore, #tpu.memory_space<semaphore_mem>>) src(%dma_wait3A_440 : memref<40000x32xf32, #tpu.memory_space<hbm>>) dst(%arg16 : memref<128x32xf32, #tpu.memory_space<vmem>>)
      %run_scoped3A_441 = arith.constant 1 : i32
      "tpu.region"() ({
        %run_scoped3A_467 = tpu.sem_alloc : memref<!tpu.dma_semaphore, #tpu.memory_space<semaphore_mem>>
        %dma_start3A_468 = arith.constant 0 : i32
        %dma_start3A_469 = tpu.memref_slice %arg5[%add3A_432, %run_scoped3A_441, %dma_start3A_468] : memref<79x2x128xi32, #tpu.memory_space<vmem>> -> memref<1x1x128xi32, #tpu.memory_space<vmem>>
        %dma_start3A_470 = tpu.memref_squeeze %dma_start3A_469 : memref<1x1x128xi32, #tpu.memory_space<vmem>> -> memref<128xi32, #tpu.memory_space<vmem>>
        %dma_start3A_471 = arith.constant 0 : i32
        %dma_start3A_472 = arith.constant 0 : i32
        %dma_start3A_473 = tpu.memref_slice %arg31[%dma_start3A_471, %dma_start3A_472] : memref<10240x32xf32, #tpu.memory_space<vmem_shared>> -> memref<10240x32xf32, #tpu.memory_space<vmem_shared>>
        tpu.enqueue_indirect_dma source(%arg16 : memref<128x32xf32, #tpu.memory_space<vmem>>) target(%dma_start3A_473 : memref<10240x32xf32, #tpu.memory_space<vmem_shared>>) offsets(%dma_start3A_470 : memref<128xi32, #tpu.memory_space<vmem>>) semaphore(%run_scoped3A_467 : memref<!tpu.dma_semaphore, #tpu.memory_space<semaphore_mem>>) {add = true}
        %dma_wait3A_474 = arith.constant 0 : i32
        %dma_wait3A_475 = tpu.memref_slice %arg5[%add3A_432, %run_scoped3A_441, %dma_wait3A_474] : memref<79x2x128xi32, #tpu.memory_space<vmem>> -> memref<1x1x128xi32, #tpu.memory_space<vmem>>
        %dma_wait3A_476 = tpu.memref_squeeze %dma_wait3A_475 : memref<1x1x128xi32, #tpu.memory_space<vmem>> -> memref<128xi32, #tpu.memory_space<vmem>>
        %dma_wait3A_477 = arith.constant 0 : i32
        %dma_wait3A_478 = arith.constant 0 : i32
        %dma_wait3A_479 = tpu.memref_slice %arg31[%dma_wait3A_477, %dma_wait3A_478] : memref<10240x32xf32, #tpu.memory_space<vmem_shared>> -> memref<10240x32xf32, #tpu.memory_space<vmem_shared>>
        tpu.wait_indirect_dma semaphore(%run_scoped3A_467 : memref<!tpu.dma_semaphore, #tpu.memory_space<semaphore_mem>>) src(%arg16 : memref<128x32xf32, #tpu.memory_space<vmem>>) dst(%dma_wait3A_479 : memref<10240x32xf32, #tpu.memory_space<vmem_shared>>)
        tpu.yield
      }) : () -> ()
      %add3A_442 = arith.constant 12 : i32
      %add3A_443 = arith.addi %add3A_432, %add3A_442 : i32
      %lt3A_444 = arith.cmpi slt, %add3A_443, %select_n3A : i32
      %convert_element_type3A_445 = arith.extui %lt3A_444 : i1 to i32
      %cond3A_446 = arith.constant 0 : i32
      %cond3A_447 = arith.cmpi ne, %convert_element_type3A_445, %cond3A_446 : i32
      scf.if %cond3A_447 {
        %add3A_467 = arith.constant 12 : i32
        %add3A_468 = arith.addi %add3A_432, %add3A_467 : i32
        %dma_start3A_469 = arith.constant 0 : i32
        %dma_start3A_470 = arith.constant 0 : i32
        %dma_start3A_471 = tpu.memref_slice %arg5[%add3A_468, %dma_start3A_469, %dma_start3A_470] : memref<79x2x128xi32, #tpu.memory_space<vmem>> -> memref<1x1x128xi32, #tpu.memory_space<vmem>>
        %dma_start3A_472 = tpu.memref_squeeze %dma_start3A_471 : memref<1x1x128xi32, #tpu.memory_space<vmem>> -> memref<128xi32, #tpu.memory_space<vmem>>
        %dma_start3A_473 = arith.constant 0 : i32
        %dma_start3A_474 = arith.constant 0 : i32
        %dma_start3A_475 = tpu.memref_slice %arg2[%dma_start3A_473, %dma_start3A_474] : memref<40000x32xf32, #tpu.memory_space<hbm>> -> memref<40000x32xf32, #tpu.memory_space<hbm>>
        tpu.enqueue_indirect_dma source(%dma_start3A_475 : memref<40000x32xf32, #tpu.memory_space<hbm>>) target(%arg16 : memref<128x32xf32, #tpu.memory_space<vmem>>) offsets(%dma_start3A_472 : memref<128xi32, #tpu.memory_space<vmem>>) semaphore(%arg28 : memref<!tpu.dma_semaphore, #tpu.memory_space<semaphore_mem>>)
      } else {
      }
      %mul3A_448 = arith.constant 12 : i32
      %mul3A_449 = arith.muli %scan3A_238, %mul3A_448 : i32
      %add3A_450 = arith.constant 11 : i32
      %add3A_451 = arith.addi %mul3A_449, %add3A_450 : i32
      %dma_wait3A_452 = arith.constant 0 : i32
      %dma_wait3A_453 = arith.constant 0 : i32
      %dma_wait3A_454 = arith.constant 0 : i32
      %dma_wait3A_455 = tpu.memref_slice %arg5[%dma_wait3A_452, %dma_wait3A_453, %dma_wait3A_454] : memref<79x2x128xi32, #tpu.memory_space<vmem>> -> memref<1x1x128xi32, #tpu.memory_space<vmem>>
      %dma_wait3A_456 = tpu.memref_squeeze %dma_wait3A_455 : memref<1x1x128xi32, #tpu.memory_space<vmem>> -> memref<128xi32, #tpu.memory_space<vmem>>
      %dma_wait3A_457 = arith.constant 0 : i32
      %dma_wait3A_458 = arith.constant 0 : i32
      %dma_wait3A_459 = tpu.memref_slice %arg2[%dma_wait3A_457, %dma_wait3A_458] : memref<40000x32xf32, #tpu.memory_space<hbm>> -> memref<40000x32xf32, #tpu.memory_space<hbm>>
      tpu.wait_indirect_dma semaphore(%arg29 : memref<!tpu.dma_semaphore, #tpu.memory_space<semaphore_mem>>) src(%dma_wait3A_459 : memref<40000x32xf32, #tpu.memory_space<hbm>>) dst(%arg17 : memref<128x32xf32, #tpu.memory_space<vmem>>)
      %run_scoped3A_460 = arith.constant 1 : i32
      "tpu.region"() ({
        %run_scoped3A_467 = tpu.sem_alloc : memref<!tpu.dma_semaphore, #tpu.memory_space<semaphore_mem>>
        %dma_start3A_468 = arith.constant 0 : i32
        %dma_start3A_469 = tpu.memref_slice %arg5[%add3A_451, %run_scoped3A_460, %dma_start3A_468] : memref<79x2x128xi32, #tpu.memory_space<vmem>> -> memref<1x1x128xi32, #tpu.memory_space<vmem>>
        %dma_start3A_470 = tpu.memref_squeeze %dma_start3A_469 : memref<1x1x128xi32, #tpu.memory_space<vmem>> -> memref<128xi32, #tpu.memory_space<vmem>>
        %dma_start3A_471 = arith.constant 0 : i32
        %dma_start3A_472 = arith.constant 0 : i32
        %dma_start3A_473 = tpu.memref_slice %arg31[%dma_start3A_471, %dma_start3A_472] : memref<10240x32xf32, #tpu.memory_space<vmem_shared>> -> memref<10240x32xf32, #tpu.memory_space<vmem_shared>>
        tpu.enqueue_indirect_dma source(%arg17 : memref<128x32xf32, #tpu.memory_space<vmem>>) target(%dma_start3A_473 : memref<10240x32xf32, #tpu.memory_space<vmem_shared>>) offsets(%dma_start3A_470 : memref<128xi32, #tpu.memory_space<vmem>>) semaphore(%run_scoped3A_467 : memref<!tpu.dma_semaphore, #tpu.memory_space<semaphore_mem>>) {add = true}
        %dma_wait3A_474 = arith.constant 0 : i32
        %dma_wait3A_475 = tpu.memref_slice %arg5[%add3A_451, %run_scoped3A_460, %dma_wait3A_474] : memref<79x2x128xi32, #tpu.memory_space<vmem>> -> memref<1x1x128xi32, #tpu.memory_space<vmem>>
        %dma_wait3A_476 = tpu.memref_squeeze %dma_wait3A_475 : memref<1x1x128xi32, #tpu.memory_space<vmem>> -> memref<128xi32, #tpu.memory_space<vmem>>
        %dma_wait3A_477 = arith.constant 0 : i32
        %dma_wait3A_478 = arith.constant 0 : i32
        %dma_wait3A_479 = tpu.memref_slice %arg31[%dma_wait3A_477, %dma_wait3A_478] : memref<10240x32xf32, #tpu.memory_space<vmem_shared>> -> memref<10240x32xf32, #tpu.memory_space<vmem_shared>>
        tpu.wait_indirect_dma semaphore(%run_scoped3A_467 : memref<!tpu.dma_semaphore, #tpu.memory_space<semaphore_mem>>) src(%arg17 : memref<128x32xf32, #tpu.memory_space<vmem>>) dst(%dma_wait3A_479 : memref<10240x32xf32, #tpu.memory_space<vmem_shared>>)
        tpu.yield
      }) : () -> ()
      %add3A_461 = arith.constant 12 : i32
      %add3A_462 = arith.addi %add3A_451, %add3A_461 : i32
      %lt3A_463 = arith.cmpi slt, %add3A_462, %select_n3A : i32
      %convert_element_type3A_464 = arith.extui %lt3A_463 : i1 to i32
      %cond3A_465 = arith.constant 0 : i32
      %cond3A_466 = arith.cmpi ne, %convert_element_type3A_464, %cond3A_465 : i32
      scf.if %cond3A_466 {
        %add3A_467 = arith.constant 12 : i32
        %add3A_468 = arith.addi %add3A_451, %add3A_467 : i32
        %dma_start3A_469 = arith.constant 0 : i32
        %dma_start3A_470 = arith.constant 0 : i32
        %dma_start3A_471 = tpu.memref_slice %arg5[%add3A_468, %dma_start3A_469, %dma_start3A_470] : memref<79x2x128xi32, #tpu.memory_space<vmem>> -> memref<1x1x128xi32, #tpu.memory_space<vmem>>
        %dma_start3A_472 = tpu.memref_squeeze %dma_start3A_471 : memref<1x1x128xi32, #tpu.memory_space<vmem>> -> memref<128xi32, #tpu.memory_space<vmem>>
        %dma_start3A_473 = arith.constant 0 : i32
        %dma_start3A_474 = arith.constant 0 : i32
        %dma_start3A_475 = tpu.memref_slice %arg2[%dma_start3A_473, %dma_start3A_474] : memref<40000x32xf32, #tpu.memory_space<hbm>> -> memref<40000x32xf32, #tpu.memory_space<hbm>>
        tpu.enqueue_indirect_dma source(%dma_start3A_475 : memref<40000x32xf32, #tpu.memory_space<hbm>>) target(%arg17 : memref<128x32xf32, #tpu.memory_space<vmem>>) offsets(%dma_start3A_472 : memref<128xi32, #tpu.memory_space<vmem>>) semaphore(%arg29 : memref<!tpu.dma_semaphore, #tpu.memory_space<semaphore_mem>>)
      } else {
      }
    }
    %scan3A_174 = arith.constant 6 : i32
    %dma_wait3A_175 = arith.constant 0 : i32
    %dma_wait3A_176 = arith.constant 0 : i32
    %dma_wait3A_177 = arith.constant 0 : i32
    %dma_wait3A_178 = tpu.memref_slice %arg5[%dma_wait3A_175, %dma_wait3A_176, %dma_wait3A_177] : memref<79x2x128xi32, #tpu.memory_space<vmem>> -> memref<1x1x128xi32, #tpu.memory_space<vmem>>
    %dma_wait3A_179 = tpu.memref_squeeze %dma_wait3A_178 : memref<1x1x128xi32, #tpu.memory_space<vmem>> -> memref<128xi32, #tpu.memory_space<vmem>>
    %dma_wait3A_180 = arith.constant 0 : i32
    %dma_wait3A_181 = arith.constant 0 : i32
    %dma_wait3A_182 = tpu.memref_slice %arg2[%dma_wait3A_180, %dma_wait3A_181] : memref<40000x32xf32, #tpu.memory_space<hbm>> -> memref<40000x32xf32, #tpu.memory_space<hbm>>
    tpu.wait_indirect_dma semaphore(%arg18 : memref<!tpu.dma_semaphore, #tpu.memory_space<semaphore_mem>>) src(%dma_wait3A_182 : memref<40000x32xf32, #tpu.memory_space<hbm>>) dst(%arg6 : memref<128x32xf32, #tpu.memory_space<vmem>>)
    %run_scoped3A = arith.constant 72 : i32
    %run_scoped3A_183 = arith.constant 1 : i32
    "tpu.region"() ({
      %run_scoped3A_238 = tpu.sem_alloc : memref<!tpu.dma_semaphore, #tpu.memory_space<semaphore_mem>>
      %dma_start3A_239 = arith.constant 0 : i32
      %dma_start3A_240 = tpu.memref_slice %arg5[%run_scoped3A, %run_scoped3A_183, %dma_start3A_239] : memref<79x2x128xi32, #tpu.memory_space<vmem>> -> memref<1x1x128xi32, #tpu.memory_space<vmem>>
      %dma_start3A_241 = tpu.memref_squeeze %dma_start3A_240 : memref<1x1x128xi32, #tpu.memory_space<vmem>> -> memref<128xi32, #tpu.memory_space<vmem>>
      %dma_start3A_242 = arith.constant 0 : i32
      %dma_start3A_243 = arith.constant 0 : i32
      %dma_start3A_244 = tpu.memref_slice %arg31[%dma_start3A_242, %dma_start3A_243] : memref<10240x32xf32, #tpu.memory_space<vmem_shared>> -> memref<10240x32xf32, #tpu.memory_space<vmem_shared>>
      tpu.enqueue_indirect_dma source(%arg6 : memref<128x32xf32, #tpu.memory_space<vmem>>) target(%dma_start3A_244 : memref<10240x32xf32, #tpu.memory_space<vmem_shared>>) offsets(%dma_start3A_241 : memref<128xi32, #tpu.memory_space<vmem>>) semaphore(%run_scoped3A_238 : memref<!tpu.dma_semaphore, #tpu.memory_space<semaphore_mem>>) {add = true}
      %dma_wait3A_245 = arith.constant 0 : i32
      %dma_wait3A_246 = tpu.memref_slice %arg5[%run_scoped3A, %run_scoped3A_183, %dma_wait3A_245] : memref<79x2x128xi32, #tpu.memory_space<vmem>> -> memref<1x1x128xi32, #tpu.memory_space<vmem>>
      %dma_wait3A_247 = tpu.memref_squeeze %dma_wait3A_246 : memref<1x1x128xi32, #tpu.memory_space<vmem>> -> memref<128xi32, #tpu.memory_space<vmem>>
      %dma_wait3A_248 = arith.constant 0 : i32
      %dma_wait3A_249 = arith.constant 0 : i32
      %dma_wait3A_250 = tpu.memref_slice %arg31[%dma_wait3A_248, %dma_wait3A_249] : memref<10240x32xf32, #tpu.memory_space<vmem_shared>> -> memref<10240x32xf32, #tpu.memory_space<vmem_shared>>
      tpu.wait_indirect_dma semaphore(%run_scoped3A_238 : memref<!tpu.dma_semaphore, #tpu.memory_space<semaphore_mem>>) src(%arg6 : memref<128x32xf32, #tpu.memory_space<vmem>>) dst(%dma_wait3A_250 : memref<10240x32xf32, #tpu.memory_space<vmem_shared>>)
      tpu.yield
    }) : () -> ()
    %dma_wait3A_184 = arith.constant 0 : i32
    %dma_wait3A_185 = arith.constant 0 : i32
    %dma_wait3A_186 = arith.constant 0 : i32
    %dma_wait3A_187 = tpu.memref_slice %arg5[%dma_wait3A_184, %dma_wait3A_185, %dma_wait3A_186] : memref<79x2x128xi32, #tpu.memory_space<vmem>> -> memref<1x1x128xi32, #tpu.memory_space<vmem>>
    %dma_wait3A_188 = tpu.memref_squeeze %dma_wait3A_187 : memref<1x1x128xi32, #tpu.memory_space<vmem>> -> memref<128xi32, #tpu.memory_space<vmem>>
    %dma_wait3A_189 = arith.constant 0 : i32
    %dma_wait3A_190 = arith.constant 0 : i32
    %dma_wait3A_191 = tpu.memref_slice %arg2[%dma_wait3A_189, %dma_wait3A_190] : memref<40000x32xf32, #tpu.memory_space<hbm>> -> memref<40000x32xf32, #tpu.memory_space<hbm>>
    tpu.wait_indirect_dma semaphore(%arg19 : memref<!tpu.dma_semaphore, #tpu.memory_space<semaphore_mem>>) src(%dma_wait3A_191 : memref<40000x32xf32, #tpu.memory_space<hbm>>) dst(%arg7 : memref<128x32xf32, #tpu.memory_space<vmem>>)
    %run_scoped3A_192 = arith.constant 73 : i32
    %run_scoped3A_193 = arith.constant 1 : i32
    "tpu.region"() ({
      %run_scoped3A_238 = tpu.sem_alloc : memref<!tpu.dma_semaphore, #tpu.memory_space<semaphore_mem>>
      %dma_start3A_239 = arith.constant 0 : i32
      %dma_start3A_240 = tpu.memref_slice %arg5[%run_scoped3A_192, %run_scoped3A_193, %dma_start3A_239] : memref<79x2x128xi32, #tpu.memory_space<vmem>> -> memref<1x1x128xi32, #tpu.memory_space<vmem>>
      %dma_start3A_241 = tpu.memref_squeeze %dma_start3A_240 : memref<1x1x128xi32, #tpu.memory_space<vmem>> -> memref<128xi32, #tpu.memory_space<vmem>>
      %dma_start3A_242 = arith.constant 0 : i32
      %dma_start3A_243 = arith.constant 0 : i32
      %dma_start3A_244 = tpu.memref_slice %arg31[%dma_start3A_242, %dma_start3A_243] : memref<10240x32xf32, #tpu.memory_space<vmem_shared>> -> memref<10240x32xf32, #tpu.memory_space<vmem_shared>>
      tpu.enqueue_indirect_dma source(%arg7 : memref<128x32xf32, #tpu.memory_space<vmem>>) target(%dma_start3A_244 : memref<10240x32xf32, #tpu.memory_space<vmem_shared>>) offsets(%dma_start3A_241 : memref<128xi32, #tpu.memory_space<vmem>>) semaphore(%run_scoped3A_238 : memref<!tpu.dma_semaphore, #tpu.memory_space<semaphore_mem>>) {add = true}
      %dma_wait3A_245 = arith.constant 0 : i32
      %dma_wait3A_246 = tpu.memref_slice %arg5[%run_scoped3A_192, %run_scoped3A_193, %dma_wait3A_245] : memref<79x2x128xi32, #tpu.memory_space<vmem>> -> memref<1x1x128xi32, #tpu.memory_space<vmem>>
      %dma_wait3A_247 = tpu.memref_squeeze %dma_wait3A_246 : memref<1x1x128xi32, #tpu.memory_space<vmem>> -> memref<128xi32, #tpu.memory_space<vmem>>
      %dma_wait3A_248 = arith.constant 0 : i32
      %dma_wait3A_249 = arith.constant 0 : i32
      %dma_wait3A_250 = tpu.memref_slice %arg31[%dma_wait3A_248, %dma_wait3A_249] : memref<10240x32xf32, #tpu.memory_space<vmem_shared>> -> memref<10240x32xf32, #tpu.memory_space<vmem_shared>>
      tpu.wait_indirect_dma semaphore(%run_scoped3A_238 : memref<!tpu.dma_semaphore, #tpu.memory_space<semaphore_mem>>) src(%arg7 : memref<128x32xf32, #tpu.memory_space<vmem>>) dst(%dma_wait3A_250 : memref<10240x32xf32, #tpu.memory_space<vmem_shared>>)
      tpu.yield
    }) : () -> ()
    %dma_wait3A_194 = arith.constant 0 : i32
    %dma_wait3A_195 = arith.constant 0 : i32
    %dma_wait3A_196 = arith.constant 0 : i32
    %dma_wait3A_197 = tpu.memref_slice %arg5[%dma_wait3A_194, %dma_wait3A_195, %dma_wait3A_196] : memref<79x2x128xi32, #tpu.memory_space<vmem>> -> memref<1x1x128xi32, #tpu.memory_space<vmem>>
    %dma_wait3A_198 = tpu.memref_squeeze %dma_wait3A_197 : memref<1x1x128xi32, #tpu.memory_space<vmem>> -> memref<128xi32, #tpu.memory_space<vmem>>
    %dma_wait3A_199 = arith.constant 0 : i32
    %dma_wait3A_200 = arith.constant 0 : i32
    %dma_wait3A_201 = tpu.memref_slice %arg2[%dma_wait3A_199, %dma_wait3A_200] : memref<40000x32xf32, #tpu.memory_space<hbm>> -> memref<40000x32xf32, #tpu.memory_space<hbm>>
    tpu.wait_indirect_dma semaphore(%arg20 : memref<!tpu.dma_semaphore, #tpu.memory_space<semaphore_mem>>) src(%dma_wait3A_201 : memref<40000x32xf32, #tpu.memory_space<hbm>>) dst(%arg8 : memref<128x32xf32, #tpu.memory_space<vmem>>)
    %run_scoped3A_202 = arith.constant 74 : i32
    %run_scoped3A_203 = arith.constant 1 : i32
    "tpu.region"() ({
      %run_scoped3A_238 = tpu.sem_alloc : memref<!tpu.dma_semaphore, #tpu.memory_space<semaphore_mem>>
      %dma_start3A_239 = arith.constant 0 : i32
      %dma_start3A_240 = tpu.memref_slice %arg5[%run_scoped3A_202, %run_scoped3A_203, %dma_start3A_239] : memref<79x2x128xi32, #tpu.memory_space<vmem>> -> memref<1x1x128xi32, #tpu.memory_space<vmem>>
      %dma_start3A_241 = tpu.memref_squeeze %dma_start3A_240 : memref<1x1x128xi32, #tpu.memory_space<vmem>> -> memref<128xi32, #tpu.memory_space<vmem>>
      %dma_start3A_242 = arith.constant 0 : i32
      %dma_start3A_243 = arith.constant 0 : i32
      %dma_start3A_244 = tpu.memref_slice %arg31[%dma_start3A_242, %dma_start3A_243] : memref<10240x32xf32, #tpu.memory_space<vmem_shared>> -> memref<10240x32xf32, #tpu.memory_space<vmem_shared>>
      tpu.enqueue_indirect_dma source(%arg8 : memref<128x32xf32, #tpu.memory_space<vmem>>) target(%dma_start3A_244 : memref<10240x32xf32, #tpu.memory_space<vmem_shared>>) offsets(%dma_start3A_241 : memref<128xi32, #tpu.memory_space<vmem>>) semaphore(%run_scoped3A_238 : memref<!tpu.dma_semaphore, #tpu.memory_space<semaphore_mem>>) {add = true}
      %dma_wait3A_245 = arith.constant 0 : i32
      %dma_wait3A_246 = tpu.memref_slice %arg5[%run_scoped3A_202, %run_scoped3A_203, %dma_wait3A_245] : memref<79x2x128xi32, #tpu.memory_space<vmem>> -> memref<1x1x128xi32, #tpu.memory_space<vmem>>
      %dma_wait3A_247 = tpu.memref_squeeze %dma_wait3A_246 : memref<1x1x128xi32, #tpu.memory_space<vmem>> -> memref<128xi32, #tpu.memory_space<vmem>>
      %dma_wait3A_248 = arith.constant 0 : i32
      %dma_wait3A_249 = arith.constant 0 : i32
      %dma_wait3A_250 = tpu.memref_slice %arg31[%dma_wait3A_248, %dma_wait3A_249] : memref<10240x32xf32, #tpu.memory_space<vmem_shared>> -> memref<10240x32xf32, #tpu.memory_space<vmem_shared>>
      tpu.wait_indirect_dma semaphore(%run_scoped3A_238 : memref<!tpu.dma_semaphore, #tpu.memory_space<semaphore_mem>>) src(%arg8 : memref<128x32xf32, #tpu.memory_space<vmem>>) dst(%dma_wait3A_250 : memref<10240x32xf32, #tpu.memory_space<vmem_shared>>)
      tpu.yield
    }) : () -> ()
    %dma_wait3A_204 = arith.constant 0 : i32
    %dma_wait3A_205 = arith.constant 0 : i32
    %dma_wait3A_206 = arith.constant 0 : i32
    %dma_wait3A_207 = tpu.memref_slice %arg5[%dma_wait3A_204, %dma_wait3A_205, %dma_wait3A_206] : memref<79x2x128xi32, #tpu.memory_space<vmem>> -> memref<1x1x128xi32, #tpu.memory_space<vmem>>
    %dma_wait3A_208 = tpu.memref_squeeze %dma_wait3A_207 : memref<1x1x128xi32, #tpu.memory_space<vmem>> -> memref<128xi32, #tpu.memory_space<vmem>>
    %dma_wait3A_209 = arith.constant 0 : i32
    %dma_wait3A_210 = arith.constant 0 : i32
    %dma_wait3A_211 = tpu.memref_slice %arg2[%dma_wait3A_209, %dma_wait3A_210] : memref<40000x32xf32, #tpu.memory_space<hbm>> -> memref<40000x32xf32, #tpu.memory_space<hbm>>
    tpu.wait_indirect_dma semaphore(%arg21 : memref<!tpu.dma_semaphore, #tpu.memory_space<semaphore_mem>>) src(%dma_wait3A_211 : memref<40000x32xf32, #tpu.memory_space<hbm>>) dst(%arg9 : memref<128x32xf32, #tpu.memory_space<vmem>>)
    %run_scoped3A_212 = arith.constant 75 : i32
    %run_scoped3A_213 = arith.constant 1 : i32
    "tpu.region"() ({
      %run_scoped3A_238 = tpu.sem_alloc : memref<!tpu.dma_semaphore, #tpu.memory_space<semaphore_mem>>
      %dma_start3A_239 = arith.constant 0 : i32
      %dma_start3A_240 = tpu.memref_slice %arg5[%run_scoped3A_212, %run_scoped3A_213, %dma_start3A_239] : memref<79x2x128xi32, #tpu.memory_space<vmem>> -> memref<1x1x128xi32, #tpu.memory_space<vmem>>
      %dma_start3A_241 = tpu.memref_squeeze %dma_start3A_240 : memref<1x1x128xi32, #tpu.memory_space<vmem>> -> memref<128xi32, #tpu.memory_space<vmem>>
      %dma_start3A_242 = arith.constant 0 : i32
      %dma_start3A_243 = arith.constant 0 : i32
      %dma_start3A_244 = tpu.memref_slice %arg31[%dma_start3A_242, %dma_start3A_243] : memref<10240x32xf32, #tpu.memory_space<vmem_shared>> -> memref<10240x32xf32, #tpu.memory_space<vmem_shared>>
      tpu.enqueue_indirect_dma source(%arg9 : memref<128x32xf32, #tpu.memory_space<vmem>>) target(%dma_start3A_244 : memref<10240x32xf32, #tpu.memory_space<vmem_shared>>) offsets(%dma_start3A_241 : memref<128xi32, #tpu.memory_space<vmem>>) semaphore(%run_scoped3A_238 : memref<!tpu.dma_semaphore, #tpu.memory_space<semaphore_mem>>) {add = true}
      %dma_wait3A_245 = arith.constant 0 : i32
      %dma_wait3A_246 = tpu.memref_slice %arg5[%run_scoped3A_212, %run_scoped3A_213, %dma_wait3A_245] : memref<79x2x128xi32, #tpu.memory_space<vmem>> -> memref<1x1x128xi32, #tpu.memory_space<vmem>>
      %dma_wait3A_247 = tpu.memref_squeeze %dma_wait3A_246 : memref<1x1x128xi32, #tpu.memory_space<vmem>> -> memref<128xi32, #tpu.memory_space<vmem>>
      %dma_wait3A_248 = arith.constant 0 : i32
      %dma_wait3A_249 = arith.constant 0 : i32
      %dma_wait3A_250 = tpu.memref_slice %arg31[%dma_wait3A_248, %dma_wait3A_249] : memref<10240x32xf32, #tpu.memory_space<vmem_shared>> -> memref<10240x32xf32, #tpu.memory_space<vmem_shared>>
      tpu.wait_indirect_dma semaphore(%run_scoped3A_238 : memref<!tpu.dma_semaphore, #tpu.memory_space<semaphore_mem>>) src(%arg9 : memref<128x32xf32, #tpu.memory_space<vmem>>) dst(%dma_wait3A_250 : memref<10240x32xf32, #tpu.memory_space<vmem_shared>>)
      tpu.yield
    }) : () -> ()
    %dma_wait3A_214 = arith.constant 0 : i32
    %dma_wait3A_215 = arith.constant 0 : i32
    %dma_wait3A_216 = arith.constant 0 : i32
    %dma_wait3A_217 = tpu.memref_slice %arg5[%dma_wait3A_214, %dma_wait3A_215, %dma_wait3A_216] : memref<79x2x128xi32, #tpu.memory_space<vmem>> -> memref<1x1x128xi32, #tpu.memory_space<vmem>>
    %dma_wait3A_218 = tpu.memref_squeeze %dma_wait3A_217 : memref<1x1x128xi32, #tpu.memory_space<vmem>> -> memref<128xi32, #tpu.memory_space<vmem>>
    %dma_wait3A_219 = arith.constant 0 : i32
    %dma_wait3A_220 = arith.constant 0 : i32
    %dma_wait3A_221 = tpu.memref_slice %arg2[%dma_wait3A_219, %dma_wait3A_220] : memref<40000x32xf32, #tpu.memory_space<hbm>> -> memref<40000x32xf32, #tpu.memory_space<hbm>>
    tpu.wait_indirect_dma semaphore(%arg22 : memref<!tpu.dma_semaphore, #tpu.memory_space<semaphore_mem>>) src(%dma_wait3A_221 : memref<40000x32xf32, #tpu.memory_space<hbm>>) dst(%arg10 : memref<128x32xf32, #tpu.memory_space<vmem>>)
    %run_scoped3A_222 = arith.constant 76 : i32
    %run_scoped3A_223 = arith.constant 1 : i32
    "tpu.region"() ({
      %run_scoped3A_238 = tpu.sem_alloc : memref<!tpu.dma_semaphore, #tpu.memory_space<semaphore_mem>>
      %dma_start3A_239 = arith.constant 0 : i32
      %dma_start3A_240 = tpu.memref_slice %arg5[%run_scoped3A_222, %run_scoped3A_223, %dma_start3A_239] : memref<79x2x128xi32, #tpu.memory_space<vmem>> -> memref<1x1x128xi32, #tpu.memory_space<vmem>>
      %dma_start3A_241 = tpu.memref_squeeze %dma_start3A_240 : memref<1x1x128xi32, #tpu.memory_space<vmem>> -> memref<128xi32, #tpu.memory_space<vmem>>
      %dma_start3A_242 = arith.constant 0 : i32
      %dma_start3A_243 = arith.constant 0 : i32
      %dma_start3A_244 = tpu.memref_slice %arg31[%dma_start3A_242, %dma_start3A_243] : memref<10240x32xf32, #tpu.memory_space<vmem_shared>> -> memref<10240x32xf32, #tpu.memory_space<vmem_shared>>
      tpu.enqueue_indirect_dma source(%arg10 : memref<128x32xf32, #tpu.memory_space<vmem>>) target(%dma_start3A_244 : memref<10240x32xf32, #tpu.memory_space<vmem_shared>>) offsets(%dma_start3A_241 : memref<128xi32, #tpu.memory_space<vmem>>) semaphore(%run_scoped3A_238 : memref<!tpu.dma_semaphore, #tpu.memory_space<semaphore_mem>>) {add = true}
      %dma_wait3A_245 = arith.constant 0 : i32
      %dma_wait3A_246 = tpu.memref_slice %arg5[%run_scoped3A_222, %run_scoped3A_223, %dma_wait3A_245] : memref<79x2x128xi32, #tpu.memory_space<vmem>> -> memref<1x1x128xi32, #tpu.memory_space<vmem>>
      %dma_wait3A_247 = tpu.memref_squeeze %dma_wait3A_246 : memref<1x1x128xi32, #tpu.memory_space<vmem>> -> memref<128xi32, #tpu.memory_space<vmem>>
      %dma_wait3A_248 = arith.constant 0 : i32
      %dma_wait3A_249 = arith.constant 0 : i32
      %dma_wait3A_250 = tpu.memref_slice %arg31[%dma_wait3A_248, %dma_wait3A_249] : memref<10240x32xf32, #tpu.memory_space<vmem_shared>> -> memref<10240x32xf32, #tpu.memory_space<vmem_shared>>
      tpu.wait_indirect_dma semaphore(%run_scoped3A_238 : memref<!tpu.dma_semaphore, #tpu.memory_space<semaphore_mem>>) src(%arg10 : memref<128x32xf32, #tpu.memory_space<vmem>>) dst(%dma_wait3A_250 : memref<10240x32xf32, #tpu.memory_space<vmem_shared>>)
      tpu.yield
    }) : () -> ()
    %dma_wait3A_224 = arith.constant 0 : i32
    %dma_wait3A_225 = arith.constant 0 : i32
    %dma_wait3A_226 = arith.constant 0 : i32
    %dma_wait3A_227 = tpu.memref_slice %arg5[%dma_wait3A_224, %dma_wait3A_225, %dma_wait3A_226] : memref<79x2x128xi32, #tpu.memory_space<vmem>> -> memref<1x1x128xi32, #tpu.memory_space<vmem>>
    %dma_wait3A_228 = tpu.memref_squeeze %dma_wait3A_227 : memref<1x1x128xi32, #tpu.memory_space<vmem>> -> memref<128xi32, #tpu.memory_space<vmem>>
    %dma_wait3A_229 = arith.constant 0 : i32
    %dma_wait3A_230 = arith.constant 0 : i32
    %dma_wait3A_231 = tpu.memref_slice %arg2[%dma_wait3A_229, %dma_wait3A_230] : memref<40000x32xf32, #tpu.memory_space<hbm>> -> memref<40000x32xf32, #tpu.memory_space<hbm>>
    tpu.wait_indirect_dma semaphore(%arg23 : memref<!tpu.dma_semaphore, #tpu.memory_space<semaphore_mem>>) src(%dma_wait3A_231 : memref<40000x32xf32, #tpu.memory_space<hbm>>) dst(%arg11 : memref<128x32xf32, #tpu.memory_space<vmem>>)
    %run_scoped3A_232 = arith.constant 77 : i32
    %run_scoped3A_233 = arith.constant 1 : i32
    "tpu.region"() ({
      %run_scoped3A_238 = tpu.sem_alloc : memref<!tpu.dma_semaphore, #tpu.memory_space<semaphore_mem>>
      %dma_start3A_239 = arith.constant 0 : i32
      %dma_start3A_240 = tpu.memref_slice %arg5[%run_scoped3A_232, %run_scoped3A_233, %dma_start3A_239] : memref<79x2x128xi32, #tpu.memory_space<vmem>> -> memref<1x1x128xi32, #tpu.memory_space<vmem>>
      %dma_start3A_241 = tpu.memref_squeeze %dma_start3A_240 : memref<1x1x128xi32, #tpu.memory_space<vmem>> -> memref<128xi32, #tpu.memory_space<vmem>>
      %dma_start3A_242 = arith.constant 0 : i32
      %dma_start3A_243 = arith.constant 0 : i32
      %dma_start3A_244 = tpu.memref_slice %arg31[%dma_start3A_242, %dma_start3A_243] : memref<10240x32xf32, #tpu.memory_space<vmem_shared>> -> memref<10240x32xf32, #tpu.memory_space<vmem_shared>>
      tpu.enqueue_indirect_dma source(%arg11 : memref<128x32xf32, #tpu.memory_space<vmem>>) target(%dma_start3A_244 : memref<10240x32xf32, #tpu.memory_space<vmem_shared>>) offsets(%dma_start3A_241 : memref<128xi32, #tpu.memory_space<vmem>>) semaphore(%run_scoped3A_238 : memref<!tpu.dma_semaphore, #tpu.memory_space<semaphore_mem>>) {add = true}
      %dma_wait3A_245 = arith.constant 0 : i32
      %dma_wait3A_246 = tpu.memref_slice %arg5[%run_scoped3A_232, %run_scoped3A_233, %dma_wait3A_245] : memref<79x2x128xi32, #tpu.memory_space<vmem>> -> memref<1x1x128xi32, #tpu.memory_space<vmem>>
      %dma_wait3A_247 = tpu.memref_squeeze %dma_wait3A_246 : memref<1x1x128xi32, #tpu.memory_space<vmem>> -> memref<128xi32, #tpu.memory_space<vmem>>
      %dma_wait3A_248 = arith.constant 0 : i32
      %dma_wait3A_249 = arith.constant 0 : i32
      %dma_wait3A_250 = tpu.memref_slice %arg31[%dma_wait3A_248, %dma_wait3A_249] : memref<10240x32xf32, #tpu.memory_space<vmem_shared>> -> memref<10240x32xf32, #tpu.memory_space<vmem_shared>>
      tpu.wait_indirect_dma semaphore(%run_scoped3A_238 : memref<!tpu.dma_semaphore, #tpu.memory_space<semaphore_mem>>) src(%arg11 : memref<128x32xf32, #tpu.memory_space<vmem>>) dst(%dma_wait3A_250 : memref<10240x32xf32, #tpu.memory_space<vmem_shared>>)
      tpu.yield
    }) : () -> ()
    %convert_element_type3A_234 = arith.extui %lt3A_5 : i1 to i32
    %cond3A_235 = arith.constant 0 : i32
    %cond3A_236 = arith.cmpi ne, %convert_element_type3A_234, %cond3A_235 : i32
    scf.if %cond3A_236 {
      %dma_wait3A_238 = arith.constant 0 : i32
      %dma_wait3A_239 = arith.constant 0 : i32
      %dma_wait3A_240 = arith.constant 0 : i32
      %dma_wait3A_241 = tpu.memref_slice %arg5[%dma_wait3A_238, %dma_wait3A_239, %dma_wait3A_240] : memref<79x2x128xi32, #tpu.memory_space<vmem>> -> memref<1x1x128xi32, #tpu.memory_space<vmem>>
      %dma_wait3A_242 = tpu.memref_squeeze %dma_wait3A_241 : memref<1x1x128xi32, #tpu.memory_space<vmem>> -> memref<128xi32, #tpu.memory_space<vmem>>
      %dma_wait3A_243 = arith.constant 0 : i32
      %dma_wait3A_244 = arith.constant 0 : i32
      %dma_wait3A_245 = tpu.memref_slice %arg2[%dma_wait3A_243, %dma_wait3A_244] : memref<40000x32xf32, #tpu.memory_space<hbm>> -> memref<40000x32xf32, #tpu.memory_space<hbm>>
      tpu.wait_indirect_dma semaphore(%arg24 : memref<!tpu.dma_semaphore, #tpu.memory_space<semaphore_mem>>) src(%dma_wait3A_245 : memref<40000x32xf32, #tpu.memory_space<hbm>>) dst(%arg12 : memref<128x32xf32, #tpu.memory_space<vmem>>)
      %run_scoped3A_246 = arith.constant 78 : i32
      %run_scoped3A_247 = arith.constant 1 : i32
      "tpu.region"() ({
        %run_scoped3A_248 = tpu.sem_alloc : memref<!tpu.dma_semaphore, #tpu.memory_space<semaphore_mem>>
        %dma_start3A_249 = arith.constant 0 : i32
        %dma_start3A_250 = tpu.memref_slice %arg5[%run_scoped3A_246, %run_scoped3A_247, %dma_start3A_249] : memref<79x2x128xi32, #tpu.memory_space<vmem>> -> memref<1x1x128xi32, #tpu.memory_space<vmem>>
        %dma_start3A_251 = tpu.memref_squeeze %dma_start3A_250 : memref<1x1x128xi32, #tpu.memory_space<vmem>> -> memref<128xi32, #tpu.memory_space<vmem>>
        %dma_start3A_252 = arith.constant 0 : i32
        %dma_start3A_253 = arith.constant 0 : i32
        %dma_start3A_254 = tpu.memref_slice %arg31[%dma_start3A_252, %dma_start3A_253] : memref<10240x32xf32, #tpu.memory_space<vmem_shared>> -> memref<10240x32xf32, #tpu.memory_space<vmem_shared>>
        tpu.enqueue_indirect_dma source(%arg12 : memref<128x32xf32, #tpu.memory_space<vmem>>) target(%dma_start3A_254 : memref<10240x32xf32, #tpu.memory_space<vmem_shared>>) offsets(%dma_start3A_251 : memref<128xi32, #tpu.memory_space<vmem>>) semaphore(%run_scoped3A_248 : memref<!tpu.dma_semaphore, #tpu.memory_space<semaphore_mem>>) {add = true}
        %dma_wait3A_255 = arith.constant 0 : i32
        %dma_wait3A_256 = tpu.memref_slice %arg5[%run_scoped3A_246, %run_scoped3A_247, %dma_wait3A_255] : memref<79x2x128xi32, #tpu.memory_space<vmem>> -> memref<1x1x128xi32, #tpu.memory_space<vmem>>
        %dma_wait3A_257 = tpu.memref_squeeze %dma_wait3A_256 : memref<1x1x128xi32, #tpu.memory_space<vmem>> -> memref<128xi32, #tpu.memory_space<vmem>>
        %dma_wait3A_258 = arith.constant 0 : i32
        %dma_wait3A_259 = arith.constant 0 : i32
        %dma_wait3A_260 = tpu.memref_slice %arg31[%dma_wait3A_258, %dma_wait3A_259] : memref<10240x32xf32, #tpu.memory_space<vmem_shared>> -> memref<10240x32xf32, #tpu.memory_space<vmem_shared>>
        tpu.wait_indirect_dma semaphore(%run_scoped3A_248 : memref<!tpu.dma_semaphore, #tpu.memory_space<semaphore_mem>>) src(%arg12 : memref<128x32xf32, #tpu.memory_space<vmem>>) dst(%dma_wait3A_260 : memref<10240x32xf32, #tpu.memory_space<vmem_shared>>)
        tpu.yield
      }) : () -> ()
    } else {
    }
    %barrier3A_237 = arith.constant 0 : index
    tpu.barrier barrier_id(%barrier3A_237)
    "tpu.region"() ({
      %run_scoped3A_238 = tpu.sem_alloc : memref<!tpu.dma_semaphore, #tpu.memory_space<semaphore_mem>>
      %dma_start3A_239 = arith.constant 0 : i32
      %dma_start3A_240 = tpu.memref_slice %arg4[%arg0, %mul3A_27, %dma_start3A_239] : memref<2x10240x128xf32, #tpu.memory_space<hbm>> -> memref<1x640x32xf32, #tpu.memory_space<hbm>>
      %dma_start3A_241 = tpu.memref_squeeze %dma_start3A_240 : memref<1x640x32xf32, #tpu.memory_space<hbm>> -> memref<640x32xf32, #tpu.memory_space<hbm>>
      %dma_start3A_242 = arith.constant 0 : i32
      %dma_start3A_243 = tpu.memref_slice %arg31[%mul3A_27, %dma_start3A_242] : memref<10240x32xf32, #tpu.memory_space<vmem_shared>> -> memref<640x32xf32, #tpu.memory_space<vmem_shared>>
      tpu.enqueue_dma source(%dma_start3A_243 : memref<640x32xf32, #tpu.memory_space<vmem_shared>>) target(%dma_start3A_241 : memref<640x32xf32, #tpu.memory_space<hbm>>) target_semaphore(%run_scoped3A_238 : memref<!tpu.dma_semaphore, #tpu.memory_space<semaphore_mem>>)
      %dma_wait3A_244 = arith.constant 0 : i32
      %dma_wait3A_245 = tpu.memref_slice %arg4[%arg0, %mul3A_27, %dma_wait3A_244] : memref<2x10240x128xf32, #tpu.memory_space<hbm>> -> memref<1x640x32xf32, #tpu.memory_space<hbm>>
      %dma_wait3A_246 = tpu.memref_squeeze %dma_wait3A_245 : memref<1x640x32xf32, #tpu.memory_space<hbm>> -> memref<640x32xf32, #tpu.memory_space<hbm>>
      %dma_wait3A_247 = arith.constant 0 : i32
      %dma_wait3A_248 = tpu.memref_slice %arg31[%mul3A_27, %dma_wait3A_247] : memref<10240x32xf32, #tpu.memory_space<vmem_shared>> -> memref<640x32xf32, #tpu.memory_space<vmem_shared>>
      tpu.wait_dma2 semaphore(%run_scoped3A_238 : memref<!tpu.dma_semaphore, #tpu.memory_space<semaphore_mem>>) src(%dma_wait3A_248 : memref<640x32xf32, #tpu.memory_space<vmem_shared>>) dst(%dma_wait3A_246 : memref<640x32xf32, #tpu.memory_space<hbm>>)
      tpu.yield
    }) : () -> ()
    return
  }
}

module attributes {stable_mosaic.version = 14 : i64} {
  func.func @body(%arg0: memref<2x10240x128xf32, #tpu.memory_space<vmem>>, %arg1: memref<10000x128xf32, #tpu.memory_space<vmem>>, %arg2: memref<1x32xf32, #tpu.memory_space<vmem>>, %arg3: memref<4x32xf32, #tpu.memory_space<vmem>>, %arg4: memref<4x1xf32, #tpu.memory_space<vmem>>, %arg5: memref<32x10000xf32, #tpu.memory_space<vmem>>, %arg6: memref<4x10000xf32, #tpu.memory_space<vmem>>) attributes {dimension_semantics = [], scalar_prefetch = 0 : i64, scratch_operands = 0 : i64, tpu.core_type = #tpu.core_type<tc>} {
    %get3A = arith.constant 0 : index
    %get3A_0 = arith.constant 0 : index
    %get3A_1 = arith.constant 0 : index
    %get3A_2 = vector.load %arg0[%get3A, %get3A_0, %get3A_1] : memref<2x10240x128xf32, #tpu.memory_space<vmem>>, vector<2x10240x128xf32>
    %slice3A = vector.extract_strided_slice %get3A_2 {offsets = [0, 0, 0], sizes = [1, 10000, 32], strides = [1, 1, 1]} : vector<2x10240x128xf32> to vector<1x10000x32xf32>
    %squeeze3A = vector.shape_cast %slice3A : vector<1x10000x32xf32> to vector<10000x32xf32>
    %slice3A_3 = vector.extract_strided_slice %get3A_2 {offsets = [1, 0, 0], sizes = [1, 10000, 32], strides = [1, 1, 1]} : vector<2x10240x128xf32> to vector<1x10000x32xf32>
    %squeeze3A_4 = vector.shape_cast %slice3A_3 : vector<1x10000x32xf32> to vector<10000x32xf32>
    %add3A = arith.addf %squeeze3A, %squeeze3A_4 : vector<10000x32xf32>
    %get3A_5 = arith.constant 0 : index
    %get3A_6 = arith.constant 0 : index
    %get3A_7 = vector.load %arg1[%get3A_5, %get3A_6] : memref<10000x128xf32, #tpu.memory_space<vmem>>, vector<10000x128xf32>
    %slice3A_8 = vector.extract_strided_slice %get3A_7 {offsets = [0, 32], sizes = [10000, 32], strides = [1, 1]} : vector<10000x128xf32> to vector<10000x32xf32>
    %slice3A_9 = vector.extract_strided_slice %get3A_7 {offsets = [0, 64], sizes = [10000, 1], strides = [1, 1]} : vector<10000x128xf32> to vector<10000x1xf32>
    %max3A = arith.constant 1.000000e+00 : f32
    %max3A_10 = vector.broadcast %max3A : f32 to vector<10000x1xf32>
    %max3A_11 = arith.maximumf %slice3A_9, %max3A_10 : vector<10000x1xf32>
    %div3A = vector.broadcast %max3A_11 : vector<10000x1xf32> to vector<10000x32xf32>
    %div3A_12 = arith.divf %add3A, %div3A : vector<10000x32xf32>
    %get3A_13 = arith.constant 0 : index
    %get3A_14 = arith.constant 0 : index
    %get3A_15 = vector.load %arg2[%get3A_13, %get3A_14] : memref<1x32xf32, #tpu.memory_space<vmem>>, vector<1x32xf32>
    %add3A_16 = vector.broadcast %get3A_15 : vector<1x32xf32> to vector<10000x32xf32>
    %add3A_17 = arith.addf %div3A_12, %add3A_16 : vector<10000x32xf32>
    %add3A_18 = arith.addf %add3A_17, %slice3A_8 : vector<10000x32xf32>
    %max3A_19 = arith.constant 0.000000e+00 : f32
    %max3A_20 = vector.broadcast %max3A_19 : f32 to vector<10000x32xf32>
    %max3A_21 = arith.maximumf %add3A_18, %max3A_20 : vector<10000x32xf32>
    %transpose3A = tpu.transpose %max3A_21, [1, 0] : vector<10000x32xf32> -> vector<32x10000xf32>
    %swap3A = arith.constant 0 : index
    %swap3A_22 = arith.constant 0 : index
    %swap3A_23 = vector.load %arg5[%swap3A, %swap3A_22] : memref<32x10000xf32, #tpu.memory_space<vmem>>, vector<32x10000xf32>
    tpu.vector_store %arg5[%swap3A, %swap3A_22], %transpose3A {strides = array<i32>} : memref<32x10000xf32, #tpu.memory_space<vmem>>, vector<32x10000xf32>,
    %get3A_24 = arith.constant 0 : index
    %get3A_25 = arith.constant 0 : index
    %get3A_26 = vector.load %arg3[%get3A_24, %get3A_25] : memref<4x32xf32, #tpu.memory_space<vmem>>, vector<4x32xf32>
    %dot_general3A = arith.constant dense<0.000000e+00> : vector<4x10000xf32>
    %dot_general3A_27 = tpu.matmul %get3A_26, %transpose3A, %dot_general3A {dimension_numbers = #tpu.dot_dimension_numbers<[1], [0], [0], [1], [0, 0, 1, 1], [], []>, transpose_lhs_hint = false} : vector<4x32xf32>, vector<32x10000xf32>, vector<4x10000xf32> -> vector<4x10000xf32>
    %get3A_28 = arith.constant 0 : index
    %get3A_29 = arith.constant 0 : index
    %get3A_30 = vector.load %arg4[%get3A_28, %get3A_29] : memref<4x1xf32, #tpu.memory_space<vmem>>, vector<4x1xf32>
    %add3A_31 = vector.broadcast %get3A_30 : vector<4x1xf32> to vector<4x10000xf32>
    %add3A_32 = arith.addf %dot_general3A_27, %add3A_31 : vector<4x10000xf32>
    %swap3A_33 = arith.constant 0 : index
    %swap3A_34 = arith.constant 0 : index
    %swap3A_35 = vector.load %arg6[%swap3A_33, %swap3A_34] : memref<4x10000xf32, #tpu.memory_space<vmem>>, vector<4x10000xf32>
    tpu.vector_store %arg6[%swap3A_33, %swap3A_34], %add3A_32 {strides = array<i32>} : memref<4x10000xf32, #tpu.memory_space<vmem>>, vector<4x10000xf32>,
    return
  }
}

module attributes {stable_mosaic.version = 14 : i64} {
  func.func @body(%arg0: memref<2x10240x128xf32, #tpu.memory_space<vmem>>, %arg1: memref<10000x128xf32, #tpu.memory_space<vmem>>, %arg2: memref<1x64xf32, #tpu.memory_space<vmem>>, %arg3: memref<32x64xf32, #tpu.memory_space<vmem>>, %arg4: memref<32x64xf32, #tpu.memory_space<vmem>>, %arg5: memref<10000x128xf32, #tpu.memory_space<vmem>>) attributes {dimension_semantics = [], scalar_prefetch = 0 : i64, scratch_operands = 0 : i64, tpu.core_type = #tpu.core_type<tc>} {
    %get3A = arith.constant 0 : index
    %get3A_0 = arith.constant 0 : index
    %get3A_1 = arith.constant 0 : index
    %get3A_2 = vector.load %arg0[%get3A, %get3A_0, %get3A_1] : memref<2x10240x128xf32, #tpu.memory_space<vmem>>, vector<2x10240x128xf32>
    %slice3A = vector.extract_strided_slice %get3A_2 {offsets = [0, 0, 0], sizes = [1, 10000, 64], strides = [1, 1, 1]} : vector<2x10240x128xf32> to vector<1x10000x64xf32>
    %squeeze3A = vector.shape_cast %slice3A : vector<1x10000x64xf32> to vector<10000x64xf32>
    %slice3A_3 = vector.extract_strided_slice %get3A_2 {offsets = [1, 0, 0], sizes = [1, 10000, 64], strides = [1, 1, 1]} : vector<2x10240x128xf32> to vector<1x10000x64xf32>
    %squeeze3A_4 = vector.shape_cast %slice3A_3 : vector<1x10000x64xf32> to vector<10000x64xf32>
    %add3A = arith.addf %squeeze3A, %squeeze3A_4 : vector<10000x64xf32>
    %slice3A_5 = vector.extract_strided_slice %get3A_2 {offsets = [0, 0, 64], sizes = [1, 10000, 1], strides = [1, 1, 1]} : vector<2x10240x128xf32> to vector<1x10000x1xf32>
    %squeeze3A_6 = vector.shape_cast %slice3A_5 : vector<1x10000x1xf32> to vector<10000x1xf32>
    %slice3A_7 = vector.extract_strided_slice %get3A_2 {offsets = [1, 0, 64], sizes = [1, 10000, 1], strides = [1, 1, 1]} : vector<2x10240x128xf32> to vector<1x10000x1xf32>
    %squeeze3A_8 = vector.shape_cast %slice3A_7 : vector<1x10000x1xf32> to vector<10000x1xf32>
    %add3A_9 = arith.addf %squeeze3A_6, %squeeze3A_8 : vector<10000x1xf32>
    %get3A_10 = arith.constant 0 : index
    %get3A_11 = arith.constant 0 : index
    %get3A_12 = vector.load %arg1[%get3A_10, %get3A_11] : memref<10000x128xf32, #tpu.memory_space<vmem>>, vector<10000x128xf32>
    %slice3A_13 = vector.extract_strided_slice %get3A_12 {offsets = [0, 64], sizes = [10000, 64], strides = [1, 1]} : vector<10000x128xf32> to vector<10000x64xf32>
    %max3A = arith.constant 1.000000e+00 : f32
    %max3A_14 = vector.broadcast %max3A : f32 to vector<10000x1xf32>
    %max3A_15 = arith.maximumf %add3A_9, %max3A_14 : vector<10000x1xf32>
    %div3A = vector.broadcast %max3A_15 : vector<10000x1xf32> to vector<10000x64xf32>
    %div3A_16 = arith.divf %add3A, %div3A : vector<10000x64xf32>
    %get3A_17 = arith.constant 0 : index
    %get3A_18 = arith.constant 0 : index
    %get3A_19 = vector.load %arg2[%get3A_17, %get3A_18] : memref<1x64xf32, #tpu.memory_space<vmem>>, vector<1x64xf32>
    %add3A_20 = vector.broadcast %get3A_19 : vector<1x64xf32> to vector<10000x64xf32>
    %add3A_21 = arith.addf %div3A_16, %add3A_20 : vector<10000x64xf32>
    %add3A_22 = arith.addf %add3A_21, %slice3A_13 : vector<10000x64xf32>
    %max3A_23 = arith.constant 0.000000e+00 : f32
    %max3A_24 = vector.broadcast %max3A_23 : f32 to vector<10000x64xf32>
    %max3A_25 = arith.maximumf %add3A_22, %max3A_24 : vector<10000x64xf32>
    %get3A_26 = arith.constant 0 : index
    %get3A_27 = arith.constant 0 : index
    %get3A_28 = vector.load %arg3[%get3A_26, %get3A_27] : memref<32x64xf32, #tpu.memory_space<vmem>>, vector<32x64xf32>
    %dot_general3A = arith.constant dense<0.000000e+00> : vector<10000x32xf32>
    %dot_general3A_29 = tpu.matmul %max3A_25, %get3A_28, %dot_general3A {dimension_numbers = #tpu.dot_dimension_numbers<[1], [1], [0], [0], [0, 0, 1, 0], [], []>, transpose_lhs_hint = false} : vector<10000x64xf32>, vector<32x64xf32>, vector<10000x32xf32> -> vector<10000x32xf32>
    %get3A_30 = arith.constant 0 : index
    %get3A_31 = arith.constant 0 : index
    %get3A_32 = vector.load %arg4[%get3A_30, %get3A_31] : memref<32x64xf32, #tpu.memory_space<vmem>>, vector<32x64xf32>
    %dot_general3A_33 = arith.constant dense<0.000000e+00> : vector<10000x32xf32>
    %dot_general3A_34 = tpu.matmul %max3A_25, %get3A_32, %dot_general3A_33 {dimension_numbers = #tpu.dot_dimension_numbers<[1], [1], [0], [0], [0, 0, 1, 0], [], []>, transpose_lhs_hint = false} : vector<10000x64xf32>, vector<32x64xf32>, vector<10000x32xf32> -> vector<10000x32xf32>
    %broadcast_in_dim3A = vector.shape_cast %add3A_9 : vector<10000x1xf32> to vector<10000x1xf32>
    %broadcast_in_dim3A_35 = vector.broadcast %broadcast_in_dim3A : vector<10000x1xf32> to vector<10000x32xf32>
    %concatenate3A = tpu.concatenate %dot_general3A_29, %dot_general3A_34, %broadcast_in_dim3A_35, %dot_general3A_29 in 1 : vector<10000x32xf32>, vector<10000x32xf32>, vector<10000x32xf32>, vector<10000x32xf32> -> vector<10000x128xf32>
    %swap3A = arith.constant 0 : index
    %swap3A_36 = arith.constant 0 : index
    %swap3A_37 = vector.load %arg5[%swap3A, %swap3A_36] : memref<10000x128xf32, #tpu.memory_space<vmem>>, vector<10000x128xf32>
    tpu.vector_store %arg5[%swap3A, %swap3A_36], %concatenate3A {strides = array<i32>} : memref<10000x128xf32, #tpu.memory_space<vmem>>, vector<10000x128xf32>,
    return
  }
}

module attributes {stable_mosaic.version = 14 : i64} {
  func.func @body(%arg0: i32, %arg1: memref<2000x128xf32, #tpu.memory_space<vmem>>, %arg2: memref<64x128xf32, #tpu.memory_space<vmem>>, %arg3: memref<64x128xf32, #tpu.memory_space<vmem>>, %arg4: memref<2000x128xf32, #tpu.memory_space<vmem>>) attributes {dimension_semantics = [#tpu.dimension_semantics<arbitrary>], iteration_bounds = array<i64: 5>, scalar_prefetch = 0 : i64, scratch_operands = 0 : i64, tpu.core_type = #tpu.core_type<tc>, window_params = [{transform_indices = @transform_0, window_bounds = array<i64: 2000, 128>}, {pipeline_mode = #tpu.pipeline_mode<synchronous>, transform_indices = @transform_1, window_bounds = array<i64: 64, 128>}, {pipeline_mode = #tpu.pipeline_mode<synchronous>, transform_indices = @transform_2, window_bounds = array<i64: 64, 128>}, {transform_indices = @transform_3, window_bounds = array<i64: 2000, 128>}]} {
    %get3A = arith.constant 0 : index
    %get3A_0 = arith.constant 0 : index
    %get3A_1 = vector.load %arg1[%get3A, %get3A_0] : memref<2000x128xf32, #tpu.memory_space<vmem>>, vector<2000x128xf32>
    %get3A_2 = arith.constant 0 : index
    %get3A_3 = arith.constant 0 : index
    %get3A_4 = vector.load %arg2[%get3A_2, %get3A_3] : memref<64x128xf32, #tpu.memory_space<vmem>>, vector<64x128xf32>
    %dot_general3A = arith.constant dense<0.000000e+00> : vector<2000x64xf32>
    %dot_general3A_5 = tpu.matmul %get3A_1, %get3A_4, %dot_general3A {dimension_numbers = #tpu.dot_dimension_numbers<[1], [1], [0], [0], [0, 0, 1, 0], [], []>, transpose_lhs_hint = false} : vector<2000x128xf32>, vector<64x128xf32>, vector<2000x64xf32> -> vector<2000x64xf32>
    %get3A_6 = arith.constant 0 : index
    %get3A_7 = arith.constant 0 : index
    %get3A_8 = vector.load %arg3[%get3A_6, %get3A_7] : memref<64x128xf32, #tpu.memory_space<vmem>>, vector<64x128xf32>
    %dot_general3A_9 = arith.constant dense<0.000000e+00> : vector<2000x64xf32>
    %dot_general3A_10 = tpu.matmul %get3A_1, %get3A_8, %dot_general3A_9 {dimension_numbers = #tpu.dot_dimension_numbers<[1], [1], [0], [0], [0, 0, 1, 0], [], []>, transpose_lhs_hint = false} : vector<2000x128xf32>, vector<64x128xf32>, vector<2000x64xf32> -> vector<2000x64xf32>
    %concatenate3A = tpu.concatenate %dot_general3A_5, %dot_general3A_10 in 1 : vector<2000x64xf32>, vector<2000x64xf32> -> vector<2000x128xf32>
    %swap3A = arith.constant 0 : index
    %swap3A_11 = arith.constant 0 : index
    %swap3A_12 = vector.load %arg4[%swap3A, %swap3A_11] : memref<2000x128xf32, #tpu.memory_space<vmem>>, vector<2000x128xf32>
    tpu.vector_store %arg4[%swap3A, %swap3A_11], %concatenate3A {strides = array<i32>} : memref<2000x128xf32, #tpu.memory_space<vmem>>, vector<2000x128xf32>,
    return
  }
  func.func @transform_0(%arg0: i32) -> (i32, i32) {
    %c0_i32 = arith.constant 0 : i32
    %c0_i32_0 = arith.constant 0 : i32
    return %arg0, %c0_i32 : i32, i32
  }
  func.func @transform_1(%arg0: i32) -> (i32, i32) {
    %c0_i32 = arith.constant 0 : i32
    %c0_i32_0 = arith.constant 0 : i32
    %c0_i32_1 = arith.constant 0 : i32
    return %c0_i32, %c0_i32_0 : i32, i32
  }
  func.func @transform_2(%arg0: i32) -> (i32, i32) {
    %c0_i32 = arith.constant 0 : i32
    %c0_i32_0 = arith.constant 0 : i32
    %c0_i32_1 = arith.constant 0 : i32
    return %c0_i32, %c0_i32_0 : i32, i32
  }
  func.func @transform_3(%arg0: i32) -> (i32, i32) {
    %c0_i32 = arith.constant 0 : i32
    %c0_i32_0 = arith.constant 0 : i32
    return %arg0, %c0_i32 : i32, i32
  }
}

</mosaic_0001>

<sc_bundles>
// kernel: kernel.10.cloned.1.call-start
scs
__scs_entry_jumppad:
0x0: {  	(pc) =	sbr.rel $0x88, $3  }
0x1: {  	(tag) =	ssettag $0x0;
	lr =	simm.s32 $0x1  }
0x2: {  	[smem:$0x3F97] =	sst lr;
	_ =	strace $0xD0000000  }
0x3: {  	_ = 	snop  }
0x4: {  	_ = 	snop  }
0x5: {  	_ = 	snop  }
0x6: {  	_ = 	snop  }
0x7: {  	_ = 	snop  }
__scs_overlays_trampoline_lowered:
0x8: {  	[smem:$0x3FA6] =	sst s0  }
0x9: {  	[smem:$0x3FA7] =	sst s1  }
0xa: {  	[smem:$0x3FA8] =	sst s2  }
0xb: {  	[smem:$0x3FA9] =	sst s3  }
0xc: {  	[smem:$0x3FAA] =	sst s4  }
0xd: {  	[smem:$0x3FAB] =	sst s5  }
0xe: {  	[smem:$0x3FAC] =	sst s6  }
0xf: {  	[smem:$0x3FAD] =	sst s7  }
0x10: {  	[smem:$0x3FAE] =	sst s8  }
0x11: {  	[smem:$0x3FAF] =	sst s9;
	s0 =	simm.s32 @!p0 $0x0  }
0x12: {  	s1 =	sld [smem:$0x3F95];
	s0 =	simm.s32 @p0 $0x1  }
0x13: {  	[smem:$0x3FB0] =	sst s0;
	s0 =	simm.s32 @!p1 $0x0  }
0x14: {  	s2 =	sld [smem:$0x3F94];
	s0 =	simm.s32 @p1 $0x1  }
0x15: {  	[smem:$0x3FB1] =	sst s0;
	s0 =	simm.s32 @!p2 $0x0  }
0x16: {  	s3 =	sld [smem:$0x3FDB];
	s0 =	simm.s32 @p2 $0x1  }
0x17: {  	s4 =	simm.s32 $0x1BF5;
	[smem:$0x3FB3] =	sst s0  }
0x18: {  	s0 =	sld [smem:$0x3F96];
	_ =	swait.ge [sflag:s4], $0x0  }
0x19: {  	s7 =	sld [smem:$0x3F97]  }
0x1a: {  	s8 =	sadd.s32 $0xFFFFE003, lr  }
0x1b: {  	s9 =	sadd.s32 $0xFFFFFEF7, lr;
	s5 =	simm.s32 $0xFFFFFFFF;
	p2 =	slt.u32 s8, $0xFFFFF086  }
0x1c: {  	p1 =	slt.u32 s9, $0xF7A;
	s5 =	simm.s32 @!p2 $0x0  }
0x1d: {  	s5 =	simm.s32 @p1 $0x1;
	p0 =	seq.s32 s7, s2  }
0x1e: {  	s7 =	smul.u32 @!p0 $0xF7A, s2;
	p2 =	seq.s32 @!p0 s5, $0x0  }
0x1f: {  	s9 =	smul.u32 $0xF7A, s1;
	s8 =	simm.s32 @!p0 $0x1BF5;
	p2 =	por !p2, p0  }
0x20: {  	[sflag:s8] =	ssyncset.s32 @!p0 $0xFFFFF086;
	s6 =	sadd.s32 @!p0 s3, s7;
	s7 =	simm.s32 @!p0 $0x108  }
0x21: {  	s3 =	sadd.s32 s3, s9;
	s6 =	sadd.s32 @!p0 $0x88, s6;
	s7 =	simm.s32 @p2 $0x1082  }
0x22: {  	[simem:s7], [sflag:s8] =	dma.local @!p0 [hbm:s6], $0xF7A  }
0x23: {  	s9 =	sor.u32 $0xD0000000, s2;
	s6 =	simm.s32 $0x108;
	_ =	swait.ge @!p0 [sflag:s8], $0x0  }
0x24: {  	s3 =	sadd.s32 $0x88, s3;
	s6 =	simm.s32 @!p1 $0x1082;
	[sflag:s4] =	ssyncset.s32 $0xFFFFF086  }
0x25: {  	[simem:s6], [sflag:s4] =	dma.local [hbm:s3], $0xF7A  }
0x26: {  	[smem:$0x3F97] =	sst s1;
	(tag) =	ssettag s2;
	_ =	strace s9  }
0x27: {  	s1 =	sld [smem:$0x3FA7]  }
0x28: {  	s2 =	sld [smem:$0x3FA8]  }
0x29: {  	s4 =	sld [smem:$0x3FAA]  }
0x2a: {  	p0 =	seq.s32 s5, $0x0;
	s5 =	sld [smem:$0x3FAB]  }
0x2b: {  	s6 =	sld [smem:$0x3FAC]  }
0x2c: {  	s7 =	sld [smem:$0x3FAD]  }
0x2d: {  	s3 =	simm.s32 $0x108;
	s8 =	sld [smem:$0x3FAE]  }
0x2e: {  	s3 =	simm.s32 @!p0 $0x1082;
	s9 =	sld [smem:$0x3FAF]  }
0x2f: {  	lr =	sadd.s32 s0, s3;
	s0 =	sld [smem:$0x3FA6]  }
0x30: {  	s3 =	sld [smem:$0x3FA9]  }
0x31: {  	[smem:$0x3FB2] =	sst s10  }
0x32: {  	s10 =	sld [smem:$0x3FB0];
	_ =	sdelay $0x3  }
0x33: {  	p0 =	seq.s32 s10, $0x1;
	s10 =	sld [smem:$0x3FB2];
	_ =	sdelay $0x3  }
0x34: {  	[smem:$0x3FB2] =	sst s10  }
0x35: {  	s10 =	sld [smem:$0x3FB1];
	_ =	sdelay $0x3  }
0x36: {  	p1 =	seq.s32 s10, $0x1;
	s10 =	sld [smem:$0x3FB2];
	_ =	sdelay $0x3  }
0x37: {  	[smem:$0x3FB2] =	sst s10  }
0x38: {  	s10 =	sld [smem:$0x3FB3]  }
0x39: {  	_ = 	snop;
	(pc) =	sbr.ind lr, $3  }
0x3a: {  	_ = 	snop  }
0x3b: {  	_ = 	snop  }
0x3c: {  	p2 =	seq.s32 s10, $0x1;
	s10 =	sld [smem:$0x3FB2]  }
0x3d: {  	_ =	shalt  }
0x3e: {  	_ =	shalt  }
0x3f: {  	_ =	shalt  }
0x40: {  	_ =	shalt  }
0x41: {  	_ =	shalt  }
0x42: {  	_ =	shalt  }
0x43: {  	_ =	shalt  }
0x44: {  	_ =	shalt  }
0x45: {  	_ =	shalt  }
0x46: {  	_ =	shalt  }
0x47: {  	_ =	shalt  }
0x48: {  	_ =	shalt  }
0x49: {  	_ =	shalt  }
0x4a: {  	_ =	shalt  }
0x4b: {  	_ =	shalt  }
0x4c: {  	_ =	shalt  }
0x4d: {  	_ =	shalt  }
0x4e: {  	_ =	shalt  }
0x4f: {  	_ =	shalt  }
0x50: {  	_ =	shalt  }
0x51: {  	_ =	shalt  }
0x52: {  	_ =	shalt  }
0x53: {  	_ =	shalt  }
0x54: {  	_ =	shalt  }
0x55: {  	_ =	shalt  }
0x56: {  	_ =	shalt  }
0x57: {  	_ =	shalt  }
0x58: {  	_ =	shalt  }
0x59: {  	_ =	shalt  }
0x5a: {  	_ =	shalt  }
0x5b: {  	_ =	shalt  }
0x5c: {  	_ =	shalt  }
0x5d: {  	_ =	shalt  }
0x5e: {  	_ =	shalt  }
0x5f: {  	_ =	shalt  }
0x60: {  	_ =	shalt  }
0x61: {  	_ =	shalt  }
0x62: {  	_ =	shalt  }
0x63: {  	_ =	shalt  }
0x64: {  	_ =	shalt  }
0x65: {  	_ =	shalt  }
0x66: {  	_ =	shalt  }
0x67: {  	_ =	shalt  }
0x68: {  	_ =	shalt  }
0x69: {  	_ =	shalt  }
0x6a: {  	_ =	shalt  }
0x6b: {  	_ =	shalt  }
0x6c: {  	_ =	shalt  }
0x6d: {  	_ =	shalt  }
0x6e: {  	_ =	shalt  }
0x6f: {  	_ =	shalt  }
0x70: {  	_ =	shalt  }
0x71: {  	_ =	shalt  }
0x72: {  	_ =	shalt  }
0x73: {  	_ =	shalt  }
0x74: {  	_ =	shalt  }
0x75: {  	_ =	shalt  }
0x76: {  	_ =	shalt  }
0x77: {  	_ =	shalt  }
0x78: {  	_ =	shalt  }
0x79: {  	_ =	shalt  }
0x7a: {  	_ =	shalt  }
0x7b: {  	_ =	shalt  }
0x7c: {  	_ =	shalt  }
0x7d: {  	_ =	shalt  }
0x7e: {  	_ =	shalt  }
0x7f: {  	_ =	shalt  }
0x80: {  	_ =	shalt  }
0x81: {  	_ =	shalt  }
0x82: {  	_ =	shalt  }
0x83: {  	_ =	shalt  }
0x84: {  	_ =	shalt  }
0x85: {  	_ =	shalt  }
0x86: {  	_ =	shalt  }
0x87: {  	_ =	shalt  }
.Lfunc_end0:
.L_simem_size_0:
called_computation.1_lowered:
.L_overlay_start_0:
0x88: {  	s2 =	sld [smem:$0x3FD9]  }
0x89: {  	s3 =	sld [smem:$0x3FFE];
	_ =	sdelay $0x1  }
0x8a: {  	s1 =	srdreg.scid  }
0x8b: {  	s0 =	sand.u32 $0x1, s1  }
0x8c: {  	s17 =	sshll.u32 s0, $0xA;
	s2 =	sadd.s32 s3, s2  }
0x8d: {  	s2 =	sadd.s32 s2, s17  }
0x8e: {  	[smem:$0x3FBE] =	sst s2  }
0x8f: {  	_ = 	snop  }
0x90: {  	s2 =	sld [smem:$0x3FC8];
	(tm) =	ssettm $0x1  }
0x91: {  	s18 =	sld [smem:$0x3FFB];
	_ =	sdelay $0x3  }
0x92: {  	_ =	strace s18  }
0x93: {  	s3 =	sld [smem:$0x3FFC];
	_ =	sdelay $0x3  }
0x94: {  	_ =	strace s3  }
0x95: {  	s3 =	sld [smem:$0x3FFD];
	_ =	sdelay $0x3  }
0x96: {  	_ =	strace s3  }
0x97: {  	_ =	strace $0x8FFFFFFF  }
0x98: {  	s19 =	sld [smem:$0x3FDB];
	_ =	sdelay $0x1  }
0x99: {  	s4 =	simm.s32 $_scs_section_size  }
0x9a: {  	s5 =	simm.s32 $_size__tile_overlayer_lowered;
	s6 =	simm.s32 $_tile_overlayer_lowered  }
0x9b: {  	s22 =	simm.s32 $0x1BFF;
	s21 =	sshll.u32 s6, $0x1;
	s3 =	sadd.s32 s4, s19  }
0x9c: {  	s7 =	simm.s32 $0x0;
	s20 =	sshll.u32 s5, $0x1;
	s5 =	sadd.s32 s21, s3  }
0x9d: {  	[timem:s7], [sflag:s22] =	dma.local [hbm:s5], s20  }
0x9e: {  	_ =	swait.ge [sflag:s22], s20  }
0x9f: {  	s4 =	ssub.s32 $0x0, s20;
	[sflag:s22] =	ssyncset.done $0x0  }
0xa0: {  	[sflag:s22] =	ssyncadd.s32 s4;
	_ =	sdelay $0x1  }
0xa1: {  	s23 =	simm.s32 $0x1B8B  }
0xa2: {  	_ =	swait.ge [sflag:s23], $0x1  }
0xa3: {  	[sflag:s23] =	ssyncset.done $0x0  }
0xa4: {  	s25 =	simm.s32 $0x1B8E;
	s24 =	sld [smem:$0x3FFE];
	[sflag:s23] =	ssyncadd.s32 $0xFFFFFFFF  }
0xa5: {  	s26 =	simm.s32 $execute0_lowered;
	[smem:$0x3FD2] =	sst s25  }
0xa6: {  	s5 =	sshll.u32 s26, $0x1;
	_ =	strace $0x80000049;
	[dreg:$0x1] =	wrdreg $0xFFFFFFFF  }
0xa7: {  	s28 =	simm.s32 $_size_execute0_lowered;
	s3 =	sadd.s32 s3, s5;
	[dreg:$0x0] =	wrdreg $0x0  }
0xa8: {  	s5 =	sshll.u32 s28, $0x1;
	[dreg:$0x2] =	wrdreg s3  }
0xa9: {  	[dreg:$0x3] =	wrdreg s5  }
0xaa: {  	[dreg:$0x4] =	wrdreg $0xC0  }
0xab: {  	_ =	task [dreg:s7], $0x5FFFF  }
0xac: {  	[dreg:$0x1] =	wrdreg $0xFFFFFFFF  }
0xad: {  	[dreg:$0x0] =	wrdreg $0x60  }
0xae: {  	[dreg:$0x2] =	wrdreg s24  }
0xaf: {  	[dreg:$0x3] =	wrdreg s2  }
0xb0: {  	[dreg:$0x4] =	wrdreg $0x117000  }
0xb1: {  	[dreg:$0x5] =	wrdreg $0x9  }
0xb2: {  	_ =	task.clear_ibuf [dreg:s7], $0x6FFFF;
	_ =	strace $0x90000049  }
0xb3: {  	s29 =	simm.s32 $0x9;
	_ =	strace $0x8000004B  }
0xb4: {  	_ =	swait.ge [sflag:s29], $0x1  }
0xb5: {  	[sflag:s29] =	ssyncadd.s32 $0xFFFFFFFF  }
0xb6: {  	_ =	strace $0x9000004B  }
0xb7: {  	_ =	sfence  }
0xb8: {  	s30 =	sld [smem:$0x0];
	_ =	sdelay $0x2  }
0xb9: {  	s31 =	sshll.u32 s1, $0xD;
	s1 =	sshrl.u32 s1, $0x2  }
0xba: {  	s3 =	sand.u32 $0x4000, s31;
	s1 =	sadd.s32 s1, s30  }
0xbb: {  	s0 =	sor.u32 s3, s0;
	s1 =	sshll.u32 s1, $0x11  }
0xbc: {  	s0 =	sor.u32 s1, s0  }
0xbd: {  	s0 =	sadd.s32 $0x8F2B, s0  }
0xbe: {  	[sflag:s0] =	ssyncadd.remote.s32 $0x1  }
0xbf: {  	_ =	sfence.sel $0xFFFF  }
0xc0: {  	[dreg:$0x0] =	wrdreg $0xFFFFFFFF;
	(pc) =	sbr.abs _section_cstart, $3  }
0xc1: {  	[dreg:$0x1] =	wrdreg $0xFFFFFFFF  }
0xc2: {  	_ =	task.clear_ibuf [dreg:s7], $0x2FFFF;
	_ =	strace $0x9FFFFFFF  }
0xc3: {  	(tm) =	ssettm $0x7FFFFFFF  }
tec
execute0_lowered:
.L_overlay_start_1:
0x0: {  	(tag) =	ssettag $0x1  }
0x1: {  	s0 =	rddreg [dreg:$0x0]  }
0x2: {  	s1 =	rddreg [dreg:$0x1]  }
0x3: {  	s2 =	rddreg [dreg:$0x2]  }
0x4: {  	s3 =	srdreg.scid;
	s9 =	stileid.u32;
	s4 =	simm.s32 $0x0  }
0x5: {  	s29 =	simm.s32 $0x6F00;
	s28 =	simm.s32 $0x8F00;
	s30 =	simm.s32 $0x9F00  }
0x6: {  	s31 =	simm.s32 $0xCF00;
	s10 =	simm.s32 $0x1;
	s11 =	simm.s32 $0x2  }
0x7: {  	s12 =	simm.s32 $0x3;
	s13 =	simm.s32 $0x4;
	s14 =	simm.s32 $0x5  }
0x8: {  	s15 =	simm.s32 $0x6;
	s3 =	sand.u32 $0x1, s3;
	s6 =	smul.u32 $0x14000, s9  }
0x9: {  	[smem:$0x7FF] =	sst s4;
	s7 =	sshll.u32 s9, $0x1;
	s4 =	sadd.s32 $0x2800, s0  }
0xa: {  	s5 =	smul.u32 $0x140000, s3;
	s7 =	sor.u32 s3, s7;
	s3 =	ssub.s32 $0x2, s3  }
0xb: {  	p0 =	slt.u32 s9, $0x2;
	_ =	strace $0x8000004A;
	s16 =	sshrl.u32 s3, $0x1  }
0xc: {  	s8 =	smul.u32 $0x4E, s7;
	s7 =	smin.u32 s7, $0x4;
	s3 =	ssub.s32 s3, s16  }
0xd: {  	s5 =	sadd.s32 s6, s5;
	s6 =	sshrl.u32 s6, $0x2;
	s26 =	smax.u32 s3, $0x1  }
0xe: {  	s7 =	sadd.s32 s7, s8;
	s8 =	sadd.s32 s6, s2;
	[dreg:$0x11] =	wrdreg s26  }
0xf: {  	s16 =	simm.s32 $0x7;
	s17 =	sadd.s32 $0x800, s8;
	[dreg:$0x5] =	wrdreg s8  }
0x10: {  	s5 =	sshrl.u32 s5, $0x3;
	s18 =	sadd.s32 $0x1000, s8;
	[dreg:$0x7] =	wrdreg s17  }
0x11: {  	s3 =	simm.s32 $0x7F00;
	s19 =	sadd.s32 $0x1800, s8;
	[dreg:$0x8] =	wrdreg s18  }
0x12: {  	s6 =	simm.s32 $0xB;
	s20 =	sadd.s32 $0x2000, s8;
	[dreg:$0x9] =	wrdreg s19  }
0x13: {  	s0 =	sadd.s32 s5, s0;
	s21 =	sadd.s32 $0x2800, s8;
	[dreg:$0xa] =	wrdreg s20  }
0x14: {  	s5 =	simm.s32 $0x4F;
	s22 =	sadd.s32 $0x3000, s8;
	[dreg:$0xb] =	wrdreg s21  }
0x15: {  	s7 =	sshll.u32 s7, $0x5;
	s23 =	sadd.s32 $0x3800, s8;
	[dreg:$0xc] =	wrdreg s22  }
0x16: {  	s24 =	sadd.s32 $0x4000, s8;
	s25 =	sadd.s32 $0x4800, s8;
	[dreg:$0xd] =	wrdreg s23  }
0x17: {  	s26 =	simm.s32 $0x5F00;
	s5 =	simm.s32 @!p0 $0x4E;
	[dreg:$0xe] =	wrdreg s24  }
0x18: {  	s1 =	sadd.s32 s1, s7;
	[dreg:$0xf] =	wrdreg s25;
	s0 =	sadd.s32 $0x29A00, s0  }
0x19: {  	p0 =	sgt.u32 s9, $0x1;
	s21 =	simm.s32 $0xE;
	s23 =	simm.s32 $0x80  }
0x1a: {  	s24 =	simm.s32 $0x4F00;
	s25 =	simm.s32 $0xAF00;
	s9 =	simm.s32 $0xBF00  }
0x1b: {  	s17 =	simm.s32 $0x8;
	s18 =	simm.s32 $0x9;
	[dreg:$0x4] =	wrdreg s1  }
0x1c: {  	s19 =	simm.s32 $0xA;
	s1 =	sadd.s32 $0x9C0, s1;
	[dreg:$0x10] =	wrdreg s0  }
0x1d: {  	v0 =	vimm.f32 $0.0e+00;
	s22 =	simm.s32 $0xC;
	[dreg:$0x6] =	wrdreg s1;
	s1 =	simm.s32 $0x0  }
.LBB2_1:
0x1e: {  	[dreg:$0x12] =	wrdreg s1  }
0x1f: {  	s0 =	simm.s32 $0x0;
	s20 =	rddreg [dreg:$0x4]  }
0x20: {  	[tilespmem:s0], [sflag:$0xD] =	stream.linear.gather [hbm4b:s20+s0], $0x4E00, $0x38;
	[tilespmem:$0x16700] =	vst v63  }
0x21: {  	s7 =	simm.s32 @!p0 $0x4E00;
	s1 =	rddreg [dreg:$0x6];
	s0 =	simm.s32 @!p0 $0x0  }
0x22: {  	[tilespmem:s7], [sflag:$0xD] =	stream.linear.gather @!p0 [hbm4b:s1+s0], $0x100, $0x38;
	[tilespmem:$0x16700] =	vst v63  }
0x23: {  	s0 =	simm.s32 $0x80;
	s7 =	simm.s32 $0x0  }
.LBB2_2:
0x24: {  	p1 =	sne.s32 s0, $0x1F80;
	[tilespmem:s7+$0x10F00] =	vst v0;
	s20 =	smov.u32 s0;
	s0 =	sadd.s32 $0x80, s0  }
.Ltmp0:
0x25: {  	[tilespmem:s7+$0x10F10] =	vst v0;
	(pc) =	sbr.rel @p1 .LBB2_2-.Ltmp0, $2  }
0x26: {  	_ =	sdelay $0x2  }
0x27: {  	s7 =	sshra.s32 s20, $0x2  }
0x28: {  	[tilespmem:s7+$0x10F00] =	vst v0  }
0x29: {  	[tilespmem:s7+$0x10F10] =	vst v0;
	s1 =	simm.s32 $0x10F00  }
0x2a: {  	[spmem:s8] =	stream.linear.scatter [tilespmem:s1], [sflag:$0xE], $0x800, $0x38;
	[tilespmem:$0x16700] =	vst v63  }
0x2b: {  	_ =	swait.ge [sflag:s21], $0x800  }
0x2c: {  	[sflag:s21] =	ssyncset.done $0x0  }
0x2d: {  	s0 =	rddreg [dreg:$0x7];
	[sflag:s21] =	ssyncadd.s32 $0xFFFFF800  }
0x2e: {  	[spmem:s0] =	stream.linear.scatter [tilespmem:s1], [sflag:$0xE], $0x800, $0x38;
	[tilespmem:$0x16700] =	vst v63  }
0x2f: {  	_ =	swait.ge [sflag:s21], $0x800  }
0x30: {  	[sflag:s21] =	ssyncset.done $0x0  }
0x31: {  	s7 =	rddreg [dreg:$0x8];
	[sflag:s21] =	ssyncadd.s32 $0xFFFFF800  }
0x32: {  	[spmem:s7] =	stream.linear.scatter [tilespmem:s1], [sflag:$0xE], $0x800, $0x38;
	[tilespmem:$0x16700] =	vst v63  }
0x33: {  	_ =	swait.ge [sflag:s21], $0x800  }
0x34: {  	[sflag:s21] =	ssyncset.done $0x0  }
0x35: {  	s8 =	rddreg [dreg:$0x9];
	[sflag:s21] =	ssyncadd.s32 $0xFFFFF800  }
0x36: {  	[spmem:s8] =	stream.linear.scatter [tilespmem:s1], [sflag:$0xE], $0x800, $0x38;
	[tilespmem:$0x16700] =	vst v63  }
0x37: {  	_ =	swait.ge [sflag:s21], $0x800  }
0x38: {  	[sflag:s21] =	ssyncset.done $0x0  }
0x39: {  	s20 =	rddreg [dreg:$0xa];
	[sflag:s21] =	ssyncadd.s32 $0xFFFFF800  }
0x3a: {  	[spmem:s20] =	stream.linear.scatter [tilespmem:s1], [sflag:$0xE], $0x800, $0x38;
	[tilespmem:$0x16700] =	vst v63  }
0x3b: {  	_ =	swait.ge [sflag:s21], $0x800  }
0x3c: {  	[sflag:s21] =	ssyncset.done $0x0  }
0x3d: {  	s7 =	rddreg [dreg:$0xb];
	[sflag:s21] =	ssyncadd.s32 $0xFFFFF800  }
0x3e: {  	[spmem:s7] =	stream.linear.scatter [tilespmem:s1], [sflag:$0xE], $0x800, $0x38;
	[tilespmem:$0x16700] =	vst v63  }
0x3f: {  	_ =	swait.ge [sflag:s21], $0x800  }
0x40: {  	[sflag:s21] =	ssyncset.done $0x0  }
0x41: {  	s8 =	rddreg [dreg:$0xc];
	[sflag:s21] =	ssyncadd.s32 $0xFFFFF800  }
0x42: {  	[spmem:s8] =	stream.linear.scatter [tilespmem:s1], [sflag:$0xE], $0x800, $0x38;
	[tilespmem:$0x16700] =	vst v63  }
0x43: {  	_ =	swait.ge [sflag:s21], $0x800  }
0x44: {  	[sflag:s21] =	ssyncset.done $0x0  }
0x45: {  	s20 =	rddreg [dreg:$0xd];
	[sflag:s21] =	ssyncadd.s32 $0xFFFFF800  }
0x46: {  	[spmem:s20] =	stream.linear.scatter [tilespmem:s1], [sflag:$0xE], $0x800, $0x38;
	[tilespmem:$0x16700] =	vst v63  }
0x47: {  	_ =	swait.ge [sflag:s21], $0x800  }
0x48: {  	[sflag:s21] =	ssyncset.done $0x0  }
0x49: {  	s7 =	rddreg [dreg:$0xe];
	[sflag:s21] =	ssyncadd.s32 $0xFFFFF800  }
0x4a: {  	[spmem:s7] =	stream.linear.scatter [tilespmem:s1], [sflag:$0xE], $0x800, $0x38;
	[tilespmem:$0x16700] =	vst v63  }
0x4b: {  	_ =	swait.ge [sflag:s21], $0x800  }
0x4c: {  	[sflag:s21] =	ssyncset.done $0x0  }
0x4d: {  	s8 =	rddreg [dreg:$0xf];
	[sflag:s21] =	ssyncadd.s32 $0xFFFFF800  }
0x4e: {  	[spmem:s8] =	stream.linear.scatter [tilespmem:s1], [sflag:$0xE], $0x800, $0x38;
	[tilespmem:$0x16700] =	vst v63  }
0x4f: {  	_ =	swait.ge [sflag:s21], $0x800  }
0x50: {  	[sflag:s21] =	ssyncset.done $0x0  }
0x51: {  	s20 =	simm.s32 $0xD;
	[sflag:s21] =	ssyncadd.s32 $0xFFFFF800  }
0x52: {  	_ =	swait.ge [sflag:s20], $0x4E00  }
0x53: {  	[sflag:s20] =	ssyncset.done $0x0  }
0x54: {  	s0 =	simm.s32 @!p0 $0xD;
	[sflag:s20] =	ssyncadd.s32 $0xFFFFB200  }
0x55: {  	_ =	swait.ge @!p0 [sflag:s0], $0x100  }
0x56: {  	[sflag:s0] =	ssyncset.done @!p0 $0x0  }
0x57: {  	[sflag:s0] =	ssyncadd.s32 @!p0 $0xFFFFFF00;
	s0 =	simm.s32 $0x40  }
0x58: {  	v3 =	vld [tilespmem:s0+$0xFFFFFFC0]  }
0x59: {  	p1 =	sne.s32 s5, $0x1;
	v5 =	vld [tilespmem:s0+$0xFFFFFFD0]  }
.Ltmp1:
0x5a: {  	v4 =	vld [tilespmem:s0+$0xFFFFFFE0];
	(pc) =	sbr.rel @!p1 .LBB2_5-.Ltmp1, $4  }
0x5b: {  	v2 =	vld [tilespmem:s0+$0x0]  }
0x5c: {  	v1 =	vld [tilespmem:s0+$0x10]  }
0x5d: {  	v6 =	vshll.u32 v3, $0x2;
	v3 =	vld [tilespmem:s0+$0x20]  }
0x5e: {  	s7 =	sadd.s32 $0xFFFFFFFF, s5;
	s20 =	simm.s32 $0x40;
	[tilespmem:s0+$0xFFFFFFC0] =	vst v6;
	v6 =	vshll.u32 v5, $0x2;
	v5 =	vld [tilespmem:s0+$0x30]  }
.LBB2_4:
0x5f: {  	p1 =	sne.s32 s7, $0x1;
	[tilespmem:s0+$0xFFFFFFD0] =	vst v6;
	v4 =	vshll.u32 v4, $0x2;
	v6 =	vld [tilespmem:s0+$0xFFFFFFF0];
	s20 =	sadd.s32 $0x100, s20  }
0x60: {  	v7 =	vld [tilespmem:s20+$0xFFFFFFC0];
	[tilespmem:s0+$0xFFFFFFE0] =	vst v4;
	v2 =	vshll.u32 v2, $0x2  }
0x61: {  	v8 =	vld [tilespmem:s20+$0xFFFFFFD0];
	[tilespmem:s0+$0x0] =	vst v2;
	v1 =	vshll.u32 v1, $0x2  }
.Ltmp2:
0x62: {  	v4 =	vld [tilespmem:s20+$0xFFFFFFE0];
	[tilespmem:s0+$0x10] =	vst v1;
	v1 =	vshll.u32 v3, $0x2;
	(pc) =	sbr.rel @p1 .LBB2_4-.Ltmp2, $4  }
0x63: {  	v2 =	vld [tilespmem:s20+$0x0];
	[tilespmem:s0+$0x20] =	vst v1;
	v3 =	vshll.u32 v5, $0x2  }
0x64: {  	v1 =	vld [tilespmem:s20+$0x10];
	v5 =	vshll.u32 v6, $0x2;
	[tilespmem:s0+$0x30] =	vst v3  }
0x65: {  	v6 =	vshll.u32 v7, $0x2;
	v3 =	vld [tilespmem:s20+$0x20];
	[tilespmem:s0+$0xFFFFFFF0] =	vst v5;
	s0 =	smov.u32 s20  }
0x66: {  	s7 =	sadd.s32 $0xFFFFFFFF, s7;
	[tilespmem:s20+$0xFFFFFFC0] =	vst v6;
	v6 =	vshll.u32 v8, $0x2;
	v5 =	vld [tilespmem:s20+$0x30]  }
.LBB2_5:
0x67: {  	[tilespmem:s0+$0xFFFFFFD0] =	vst v6;
	v4 =	vshll.u32 v4, $0x2;
	v63 =	vld [tilespmem:s0+$0xFFFFFFF0]  }
0x68: {  	[tilespmem:s0+$0xFFFFFFE0] =	vst v4;
	v2 =	vshll.u32 v2, $0x2  }
0x69: {  	[tilespmem:s0+$0x0] =	vst v2;
	v1 =	vshll.u32 v1, $0x2  }
0x6a: {  	[tilespmem:s0+$0x10] =	vst v1;
	v1 =	vshll.u32 v3, $0x2  }
0x6b: {  	[tilespmem:s0+$0x20] =	vst v1;
	v1 =	vshll.u32 v5, $0x2  }
0x6c: {  	v2 =	vshll.u32 v63, $0x2;
	[tilespmem:s0+$0x30] =	vst v1  }
0x6d: {  	[tilespmem:s0+$0xFFFFFFF0] =	vst v2  }
0x6e: {  	s8 =	simm.s32 $0x0;
	[bflag:$0x0] =	sbarrier.arrive $0xFFFF  }
0x6f: {  	[tilespmem:s24], [sflag:$0x1] =	stream.indirect.gather [hbm4b:s4+s23], $0x20, s8, s23, $0xb8;
	[tilespmem:$0x16700] =	vst v63  }
0x70: {  	s20 =	simm.s32 $0x100  }
0x71: {  	[tilespmem:s26], [sflag:$0x2] =	stream.indirect.gather [hbm4b:s4+s23], $0x20, s20, s23, $0xb8;
	[tilespmem:$0x16700] =	vst v63  }
0x72: {  	s1 =	simm.s32 $0x200  }
0x73: {  	[tilespmem:s29], [sflag:$0x3] =	stream.indirect.gather [hbm4b:s4+s23], $0x20, s1, s23, $0xb8;
	[tilespmem:$0x16700] =	vst v63  }
0x74: {  	s7 =	simm.s32 $0x300  }
0x75: {  	[tilespmem:s3], [sflag:$0x4] =	stream.indirect.gather [hbm4b:s4+s23], $0x20, s7, s23, $0xb8;
	[tilespmem:$0x16700] =	vst v63  }
0x76: {  	s8 =	simm.s32 $0x400  }
0x77: {  	[tilespmem:s28], [sflag:$0x5] =	stream.indirect.gather [hbm4b:s4+s23], $0x20, s8, s23, $0xb8;
	[tilespmem:$0x16700] =	vst v63  }
0x78: {  	s20 =	simm.s32 $0x500  }
0x79: {  	[tilespmem:s30], [sflag:$0x6] =	stream.indirect.gather [hbm4b:s4+s23], $0x20, s20, s23, $0xb8;
	[tilespmem:$0x16700] =	vst v63  }
0x7a: {  	s1 =	simm.s32 $0x600  }
0x7b: {  	[tilespmem:s25], [sflag:$0x7] =	stream.indirect.gather [hbm4b:s4+s23], $0x20, s1, s23, $0xb8;
	[tilespmem:$0x16700] =	vst v63  }
0x7c: {  	s7 =	simm.s32 $0x700  }
0x7d: {  	[tilespmem:s9], [sflag:$0x8] =	stream.indirect.gather [hbm4b:s4+s23], $0x20, s7, s23, $0xb8;
	[tilespmem:$0x16700] =	vst v63  }
0x7e: {  	s8 =	simm.s32 $0x800  }
0x7f: {  	[tilespmem:s31], [sflag:$0x9] =	stream.indirect.gather [hbm4b:s4+s23], $0x20, s8, s23, $0xb8;
	[tilespmem:$0x16700] =	vst v63  }
0x80: {  	s20 =	simm.s32 $0x900;
	s1 =	simm.s32 $0xDF00  }
0x81: {  	[tilespmem:s1], [sflag:$0xA] =	stream.indirect.gather [hbm4b:s4+s23], $0x20, s20, s23, $0xb8;
	[tilespmem:$0x16700] =	vst v63  }
0x82: {  	s7 =	simm.s32 $0xA00;
	s8 =	simm.s32 $0xEF00  }
0x83: {  	[tilespmem:s8], [sflag:$0xB] =	stream.indirect.gather [hbm4b:s4+s23], $0x20, s7, s23, $0xb8;
	[tilespmem:$0x16700] =	vst v63  }
0x84: {  	s20 =	simm.s32 $0xB00;
	s7 =	simm.s32 $0xFF00  }
0x85: {  	[tilespmem:s7], [sflag:$0xC] =	stream.indirect.gather [hbm4b:s4+s23], $0x20, s20, s23, $0xb8;
	[tilespmem:$0x16700] =	vst v63  }
0x86: {  	_ =	swait.ge [sflag:s10], $0x1000  }
0x87: {  	[sflag:s10] =	ssyncset.done $0x0  }
0x88: {  	s20 =	simm.s32 $0x80;
	[sflag:s10] =	ssyncadd.s32 $0xFFFFF000  }
0x89: {  	[spmem:s2] =	stream.indirect.scatter.add.f32 [tilespmem:s24], [sflag:$0xE], $0x20, s20, s23, $0xb8;
	[tilespmem:$0x16700] =	vst v63  }
0x8a: {  	_ =	swait.ge [sflag:s21], $0x1000  }
0x8b: {  	[sflag:s21] =	ssyncset.done $0x0  }
0x8c: {  	s7 =	simm.s32 $0xC00;
	[sflag:s21] =	ssyncadd.s32 $0xFFFFF000  }
0x8d: {  	[tilespmem:s24], [sflag:$0x1] =	stream.indirect.gather [hbm4b:s4+s23], $0x20, s7, s23, $0xb8;
	[tilespmem:$0x16700] =	vst v63  }
0x8e: {  	_ =	swait.ge [sflag:s11], $0x1000  }
0x8f: {  	[sflag:s11] =	ssyncset.done $0x0  }
0x90: {  	s20 =	simm.s32 $0x180;
	[sflag:s11] =	ssyncadd.s32 $0xFFFFF000  }
0x91: {  	[spmem:s2] =	stream.indirect.scatter.add.f32 [tilespmem:s26], [sflag:$0xE], $0x20, s20, s23, $0xb8;
	[tilespmem:$0x16700] =	vst v63  }
0x92: {  	_ =	swait.ge [sflag:s21], $0x1000  }
0x93: {  	[sflag:s21] =	ssyncset.done $0x0  }
0x94: {  	s24 =	simm.s32 $0xD00;
	[sflag:s21] =	ssyncadd.s32 $0xFFFFF000  }
0x95: {  	[tilespmem:s26], [sflag:$0x2] =	stream.indirect.gather [hbm4b:s4+s23], $0x20, s24, s23, $0xb8;
	[tilespmem:$0x16700] =	vst v63  }
0x96: {  	_ =	swait.ge [sflag:s12], $0x1000  }
0x97: {  	[sflag:s12] =	ssyncset.done $0x0  }
0x98: {  	s7 =	simm.s32 $0x280;
	[sflag:s12] =	ssyncadd.s32 $0xFFFFF000  }
0x99: {  	[spmem:s2] =	stream.indirect.scatter.add.f32 [tilespmem:s29], [sflag:$0xE], $0x20, s7, s23, $0xb8;
	[tilespmem:$0x16700] =	vst v63  }
0x9a: {  	_ =	swait.ge [sflag:s21], $0x1000  }
0x9b: {  	[sflag:s21] =	ssyncset.done $0x0  }
0x9c: {  	s20 =	simm.s32 $0xE00;
	[sflag:s21] =	ssyncadd.s32 $0xFFFFF000  }
0x9d: {  	[tilespmem:s29], [sflag:$0x3] =	stream.indirect.gather [hbm4b:s4+s23], $0x20, s20, s23, $0xb8;
	[tilespmem:$0x16700] =	vst v63  }
0x9e: {  	_ =	swait.ge [sflag:s13], $0x1000  }
0x9f: {  	[sflag:s13] =	ssyncset.done $0x0  }
0xa0: {  	s24 =	simm.s32 $0x380;
	[sflag:s13] =	ssyncadd.s32 $0xFFFFF000  }
0xa1: {  	[spmem:s2] =	stream.indirect.scatter.add.f32 [tilespmem:s3], [sflag:$0xE], $0x20, s24, s23, $0xb8;
	[tilespmem:$0x16700] =	vst v63  }
0xa2: {  	_ =	swait.ge [sflag:s21], $0x1000  }
0xa3: {  	[sflag:s21] =	ssyncset.done $0x0  }
0xa4: {  	s26 =	simm.s32 $0xF00;
	[sflag:s21] =	ssyncadd.s32 $0xFFFFF000  }
0xa5: {  	[tilespmem:s3], [sflag:$0x4] =	stream.indirect.gather [hbm4b:s4+s23], $0x20, s26, s23, $0xb8;
	[tilespmem:$0x16700] =	vst v63  }
0xa6: {  	_ =	swait.ge [sflag:s14], $0x1000  }
0xa7: {  	[sflag:s14] =	ssyncset.done $0x0  }
0xa8: {  	s7 =	simm.s32 $0x480;
	[sflag:s14] =	ssyncadd.s32 $0xFFFFF000  }
0xa9: {  	[spmem:s2] =	stream.indirect.scatter.add.f32 [tilespmem:s28], [sflag:$0xE], $0x20, s7, s23, $0xb8;
	[tilespmem:$0x16700] =	vst v63  }
0xaa: {  	_ =	swait.ge [sflag:s21], $0x1000  }
0xab: {  	[sflag:s21] =	ssyncset.done $0x0  }
0xac: {  	s20 =	simm.s32 $0x1000;
	[sflag:s21] =	ssyncadd.s32 $0xFFFFF000  }
0xad: {  	[tilespmem:s28], [sflag:$0x5] =	stream.indirect.gather [hbm4b:s4+s23], $0x20, s20, s23, $0xb8;
	[tilespmem:$0x16700] =	vst v63  }
0xae: {  	_ =	swait.ge [sflag:s15], $0x1000  }
0xaf: {  	[sflag:s15] =	ssyncset.done $0x0  }
0xb0: {  	s24 =	simm.s32 $0x580;
	[sflag:s15] =	ssyncadd.s32 $0xFFFFF000  }
0xb1: {  	[spmem:s2] =	stream.indirect.scatter.add.f32 [tilespmem:s30], [sflag:$0xE], $0x20, s24, s23, $0xb8;
	[tilespmem:$0x16700] =	vst v63  }
0xb2: {  	_ =	swait.ge [sflag:s21], $0x1000  }
0xb3: {  	[sflag:s21] =	ssyncset.done $0x0  }
0xb4: {  	s26 =	simm.s32 $0x1100;
	[sflag:s21] =	ssyncadd.s32 $0xFFFFF000  }
0xb5: {  	[tilespmem:s30], [sflag:$0x6] =	stream.indirect.gather [hbm4b:s4+s23], $0x20, s26, s23, $0xb8;
	[tilespmem:$0x16700] =	vst v63  }
0xb6: {  	_ =	swait.ge [sflag:s16], $0x1000  }
0xb7: {  	[sflag:s16] =	ssyncset.done $0x0  }
0xb8: {  	s3 =	simm.s32 $0x680;
	[sflag:s16] =	ssyncadd.s32 $0xFFFFF000  }
0xb9: {  	[spmem:s2] =	stream.indirect.scatter.add.f32 [tilespmem:s25], [sflag:$0xE], $0x20, s3, s23, $0xb8;
	[tilespmem:$0x16700] =	vst v63  }
0xba: {  	p1 =	sle.u32 s5, $0x12;
	_ =	swait.ge [sflag:s21], $0x1000  }
0xbb: {  	s0 =	simm.s32 @!p1 $0xAF00;
	[sflag:s21] =	ssyncset.done $0x0  }
0xbc: {  	s7 =	simm.s32 @!p1 $0x1200;
	s20 =	simm.s32 @!p1 $0x80;
	[sflag:s21] =	ssyncadd.s32 $0xFFFFF000  }
0xbd: {  	[tilespmem:s0], [sflag:$0x7] =	stream.indirect.gather @!p1 [hbm4b:s4+s20], $0x20, s7, s20, $0xb8;
	[tilespmem:$0x16700] =	vst v63  }
0xbe: {  	_ =	swait.ge [sflag:s17], $0x1000  }
0xbf: {  	[sflag:s17] =	ssyncset.done $0x0  }
0xc0: {  	s7 =	simm.s32 $0x780;
	[sflag:s17] =	ssyncadd.s32 $0xFFFFF000  }
0xc1: {  	[spmem:s2] =	stream.indirect.scatter.add.f32 [tilespmem:s9], [sflag:$0xE], $0x20, s7, s23, $0xb8;
	[tilespmem:$0x16700] =	vst v63  }
0xc2: {  	p1 =	sle.u32 s5, $0x13;
	_ =	swait.ge [sflag:s21], $0x1000  }
0xc3: {  	s0 =	simm.s32 @!p1 $0xBF00;
	[sflag:s21] =	ssyncset.done $0x0  }
0xc4: {  	s20 =	simm.s32 @!p1 $0x80;
	s7 =	simm.s32 @!p1 $0x1300;
	[sflag:s21] =	ssyncadd.s32 $0xFFFFF000  }
0xc5: {  	[tilespmem:s0], [sflag:$0x8] =	stream.indirect.gather @!p1 [hbm4b:s4+s20], $0x20, s7, s20, $0xb8;
	[tilespmem:$0x16700] =	vst v63  }
0xc6: {  	_ =	swait.ge [sflag:s18], $0x1000  }
0xc7: {  	[sflag:s18] =	ssyncset.done $0x0  }
0xc8: {  	s9 =	simm.s32 $0x880;
	[sflag:s18] =	ssyncadd.s32 $0xFFFFF000  }
0xc9: {  	[spmem:s2] =	stream.indirect.scatter.add.f32 [tilespmem:s31], [sflag:$0xE], $0x20, s9, s23, $0xb8;
	[tilespmem:$0x16700] =	vst v63  }
0xca: {  	p1 =	sle.u32 s5, $0x14;
	_ =	swait.ge [sflag:s21], $0x1000  }
0xcb: {  	s0 =	simm.s32 @!p1 $0xCF00;
	[sflag:s21] =	ssyncset.done $0x0  }
0xcc: {  	s7 =	simm.s32 @!p1 $0x1400;
	s20 =	simm.s32 @!p1 $0x80;
	[sflag:s21] =	ssyncadd.s32 $0xFFFFF000  }
0xcd: {  	[tilespmem:s0], [sflag:$0x9] =	stream.indirect.gather @!p1 [hbm4b:s4+s20], $0x20, s7, s20, $0xb8;
	[tilespmem:$0x16700] =	vst v63  }
0xce: {  	_ =	swait.ge [sflag:s19], $0x1000  }
0xcf: {  	[sflag:s19] =	ssyncset.done $0x0  }
0xd0: {  	s20 =	simm.s32 $0x980;
	[sflag:s19] =	ssyncadd.s32 $0xFFFFF000  }
0xd1: {  	[spmem:s2] =	stream.indirect.scatter.add.f32 [tilespmem:s1], [sflag:$0xE], $0x20, s20, s23, $0xb8;
	[tilespmem:$0x16700] =	vst v63  }
0xd2: {  	p1 =	sle.u32 s5, $0x15;
	_ =	swait.ge [sflag:s21], $0x1000  }
0xd3: {  	s0 =	simm.s32 @!p1 $0xDF00;
	[sflag:s21] =	ssyncset.done $0x0  }
0xd4: {  	s7 =	simm.s32 @!p1 $0x1500;
	s20 =	simm.s32 @!p1 $0x80;
	[sflag:s21] =	ssyncadd.s32 $0xFFFFF000  }
0xd5: {  	[tilespmem:s0], [sflag:$0xA] =	stream.indirect.gather @!p1 [hbm4b:s4+s20], $0x20, s7, s20, $0xb8;
	[tilespmem:$0x16700] =	vst v63  }
0xd6: {  	_ =	swait.ge [sflag:s6], $0x1000  }
0xd7: {  	[sflag:s6] =	ssyncset.done $0x0  }
0xd8: {  	p2 =	sle.u32 s5, $0x17;
	s24 =	simm.s32 $0xA80;
	[sflag:s6] =	ssyncadd.s32 $0xFFFFF000  }
0xd9: {  	[spmem:s2] =	stream.indirect.scatter.add.f32 [tilespmem:s8], [sflag:$0xE], $0x20, s24, s23, $0xb8;
	[tilespmem:$0x16700] =	vst v63  }
0xda: {  	s29 =	simm.s32 $0x5F00;
	p1 =	sle.u32 s5, $0x16;
	_ =	swait.ge [sflag:s21], $0x1000  }
0xdb: {  	s28 =	simm.s32 $0x8F00;
	s0 =	simm.s32 @!p1 $0xEF00;
	[sflag:s21] =	ssyncset.done $0x0  }
0xdc: {  	s7 =	simm.s32 @!p1 $0x1600;
	s20 =	simm.s32 @!p1 $0x80;
	[sflag:s21] =	ssyncadd.s32 $0xFFFFF000  }
0xdd: {  	[tilespmem:s0], [sflag:$0xB] =	stream.indirect.gather @!p1 [hbm4b:s4+s20], $0x20, s7, s20, $0xb8;
	[tilespmem:$0x16700] =	vst v63  }
0xde: {  	s26 =	simm.s32 $0xFF00;
	s30 =	simm.s32 @!p2 $0x1700;
	_ =	swait.ge [sflag:s22], $0x1000  }
0xdf: {  	s25 =	simm.s32 $0xB80;
	s3 =	simm.s32 $0x7F00;
	[sflag:s22] =	ssyncset.done $0x0  }
0xe0: {  	s9 =	simm.s32 $0xCF00;
	s31 =	simm.s32 $0x6F00;
	[sflag:s22] =	ssyncadd.s32 $0xFFFFF000  }
0xe1: {  	[spmem:s2] =	stream.indirect.scatter.add.f32 [tilespmem:s26], [sflag:$0xE], $0x20, s25, s23, $0xb8;
	[tilespmem:$0x16700] =	vst v63  }
0xe2: {  	s24 =	simm.s32 $0x9F00;
	s20 =	simm.s32 $0x3000;
	_ =	swait.ge [sflag:s21], $0x1000  }
0xe3: {  	s7 =	simm.s32 $0x23;
	s0 =	simm.s32 @!p2 $0xFF00;
	[sflag:s21] =	ssyncset.done $0x0  }
0xe4: {  	s26 =	simm.s32 $0x4F00;
	s25 =	simm.s32 @!p2 $0x80;
	[sflag:s21] =	ssyncadd.s32 $0xFFFFF000  }
.LBB2_6:
0xe5: {  	[tilespmem:s0], [sflag:$0xC] =	stream.indirect.gather @!p2 [hbm4b:s4+s25], $0x20, s30, s25, $0xb8;
	[tilespmem:$0x16700] =	vst v63  }
0xe6: {  	s0 =	smov.u32 s20;
	s20 =	sadd.s32 $0x3000, s20;
	_ =	swait.ge [sflag:s10], $0x1000  }
0xe7: {  	s30 =	sshra.s32 s0, $0x2;
	p1 =	sne.s32 s20, $0x12000;
	[sflag:s10] =	ssyncset.done $0x0  }
0xe8: {  	s25 =	sadd.s32 $0x80, s30;
	[sflag:s10] =	ssyncadd.s32 $0xFFFFF000  }
0xe9: {  	[spmem:s2] =	stream.indirect.scatter.add.f32 [tilespmem:s26], [sflag:$0xE], $0x20, s25, s23, $0xb8;
	[tilespmem:$0x16700] =	vst v63  }
0xea: {  	_ =	swait.ge [sflag:s21], $0x1000  }
0xeb: {  	[sflag:s21] =	ssyncset.done $0x0  }
0xec: {  	s25 =	sadd.s32 $0xC00, s30;
	[sflag:s21] =	ssyncadd.s32 $0xFFFFF000  }
0xed: {  	[tilespmem:s26], [sflag:$0x1] =	stream.indirect.gather [hbm4b:s4+s23], $0x20, s25, s23, $0xb8;
	[tilespmem:$0x16700] =	vst v63  }
0xee: {  	_ =	swait.ge [sflag:s11], $0x1000  }
0xef: {  	[sflag:s11] =	ssyncset.done $0x0  }
0xf0: {  	s25 =	sadd.s32 $0x180, s30;
	[sflag:s11] =	ssyncadd.s32 $0xFFFFF000  }
0xf1: {  	[spmem:s2] =	stream.indirect.scatter.add.f32 [tilespmem:s29], [sflag:$0xE], $0x20, s25, s23, $0xb8;
	[tilespmem:$0x16700] =	vst v63  }
0xf2: {  	_ =	swait.ge [sflag:s21], $0x1000  }
0xf3: {  	[sflag:s21] =	ssyncset.done $0x0  }
0xf4: {  	s25 =	sadd.s32 $0xD00, s30;
	[sflag:s21] =	ssyncadd.s32 $0xFFFFF000  }
0xf5: {  	[tilespmem:s29], [sflag:$0x2] =	stream.indirect.gather [hbm4b:s4+s23], $0x20, s25, s23, $0xb8;
	[tilespmem:$0x16700] =	vst v63  }
0xf6: {  	_ =	swait.ge [sflag:s12], $0x1000  }
0xf7: {  	[sflag:s12] =	ssyncset.done $0x0  }
0xf8: {  	s25 =	sadd.s32 $0x280, s30;
	[sflag:s12] =	ssyncadd.s32 $0xFFFFF000  }
0xf9: {  	[spmem:s2] =	stream.indirect.scatter.add.f32 [tilespmem:s31], [sflag:$0xE], $0x20, s25, s23, $0xb8;
	[tilespmem:$0x16700] =	vst v63  }
0xfa: {  	_ =	swait.ge [sflag:s21], $0x1000  }
0xfb: {  	[sflag:s21] =	ssyncset.done $0x0  }
0xfc: {  	s25 =	sadd.s32 $0xE00, s30;
	[sflag:s21] =	ssyncadd.s32 $0xFFFFF000  }
0xfd: {  	[tilespmem:s31], [sflag:$0x3] =	stream.indirect.gather [hbm4b:s4+s23], $0x20, s25, s23, $0xb8;
	[tilespmem:$0x16700] =	vst v63  }
0xfe: {  	_ =	swait.ge [sflag:s13], $0x1000  }
0xff: {  	[sflag:s13] =	ssyncset.done $0x0  }
0x100: {  	s25 =	sadd.s32 $0x380, s30;
	[sflag:s13] =	ssyncadd.s32 $0xFFFFF000  }
0x101: {  	[spmem:s2] =	stream.indirect.scatter.add.f32 [tilespmem:s3], [sflag:$0xE], $0x20, s25, s23, $0xb8;
	[tilespmem:$0x16700] =	vst v63  }
0x102: {  	_ =	swait.ge [sflag:s21], $0x1000  }
0x103: {  	[sflag:s21] =	ssyncset.done $0x0  }
0x104: {  	s25 =	sadd.s32 $0xF00, s30;
	[sflag:s21] =	ssyncadd.s32 $0xFFFFF000  }
0x105: {  	[tilespmem:s3], [sflag:$0x4] =	stream.indirect.gather [hbm4b:s4+s23], $0x20, s25, s23, $0xb8;
	[tilespmem:$0x16700] =	vst v63  }
0x106: {  	_ =	swait.ge [sflag:s14], $0x1000  }
0x107: {  	[sflag:s14] =	ssyncset.done $0x0  }
0x108: {  	s25 =	sadd.s32 $0x480, s30;
	[sflag:s14] =	ssyncadd.s32 $0xFFFFF000  }
0x109: {  	[spmem:s2] =	stream.indirect.scatter.add.f32 [tilespmem:s28], [sflag:$0xE], $0x20, s25, s23, $0xb8;
	[tilespmem:$0x16700] =	vst v63  }
0x10a: {  	_ =	swait.ge [sflag:s21], $0x1000  }
0x10b: {  	[sflag:s21] =	ssyncset.done $0x0  }
0x10c: {  	s25 =	sadd.s32 $0x1000, s30;
	[sflag:s21] =	ssyncadd.s32 $0xFFFFF000  }
0x10d: {  	[tilespmem:s28], [sflag:$0x5] =	stream.indirect.gather [hbm4b:s4+s23], $0x20, s25, s23, $0xb8;
	[tilespmem:$0x16700] =	vst v63  }
0x10e: {  	_ =	swait.ge [sflag:s15], $0x1000  }
0x10f: {  	[sflag:s15] =	ssyncset.done $0x0  }
0x110: {  	s25 =	sadd.s32 $0x580, s30;
	[sflag:s15] =	ssyncadd.s32 $0xFFFFF000  }
0x111: {  	[spmem:s2] =	stream.indirect.scatter.add.f32 [tilespmem:s24], [sflag:$0xE], $0x20, s25, s23, $0xb8;
	[tilespmem:$0x16700] =	vst v63  }
0x112: {  	_ =	swait.ge [sflag:s21], $0x1000  }
0x113: {  	[sflag:s21] =	ssyncset.done $0x0  }
0x114: {  	s25 =	sadd.s32 $0x1100, s30;
	[sflag:s21] =	ssyncadd.s32 $0xFFFFF000  }
0x115: {  	[tilespmem:s24], [sflag:$0x6] =	stream.indirect.gather [hbm4b:s4+s23], $0x20, s25, s23, $0xb8;
	[tilespmem:$0x16700] =	vst v63  }
0x116: {  	_ =	swait.ge [sflag:s16], $0x1000  }
0x117: {  	s1 =	sadd.s32 $0xFFFFFFFB, s7;
	[sflag:s16] =	ssyncset.done $0x0  }
0x118: {  	s8 =	simm.s32 $0xAF00;
	s25 =	sadd.s32 $0x680, s30;
	[sflag:s16] =	ssyncadd.s32 $0xFFFFF000  }
0x119: {  	[spmem:s2] =	stream.indirect.scatter.add.f32 [tilespmem:s8], [sflag:$0xE], $0x20, s25, s23, $0xb8;
	[tilespmem:$0x16700] =	vst v63  }
0x11a: {  	p2 =	sge.u32 s1, s5;
	_ =	swait.ge [sflag:s21], $0x1000  }
0x11b: {  	s1 =	sshra.s32 @!p2 s0, $0x2;
	s25 =	simm.s32 @!p2 $0xAF00;
	[sflag:s21] =	ssyncset.done $0x0  }
0x11c: {  	s1 =	sadd.s32 @!p2 $0x1200, s1;
	s8 =	simm.s32 @!p2 $0x80;
	[sflag:s21] =	ssyncadd.s32 $0xFFFFF000  }
0x11d: {  	[tilespmem:s25], [sflag:$0x7] =	stream.indirect.gather @!p2 [hbm4b:s4+s8], $0x20, s1, s8, $0xb8;
	[tilespmem:$0x16700] =	vst v63  }
0x11e: {  	_ =	swait.ge [sflag:s17], $0x1000  }
0x11f: {  	s1 =	sadd.s32 $0x780, s30;
	[sflag:s17] =	ssyncset.done $0x0  }
0x120: {  	s8 =	sadd.s32 $0xFFFFFFFC, s7;
	s25 =	simm.s32 $0xBF00;
	[sflag:s17] =	ssyncadd.s32 $0xFFFFF000  }
0x121: {  	[spmem:s2] =	stream.indirect.scatter.add.f32 [tilespmem:s25], [sflag:$0xE], $0x20, s1, s23, $0xb8;
	[tilespmem:$0x16700] =	vst v63  }
0x122: {  	p2 =	sge.u32 s8, s5;
	_ =	swait.ge [sflag:s21], $0x1000  }
0x123: {  	s8 =	simm.s32 @!p2 $0xBF00;
	s1 =	sshra.s32 @!p2 s0, $0x2;
	[sflag:s21] =	ssyncset.done $0x0  }
0x124: {  	s25 =	simm.s32 @!p2 $0x80;
	s1 =	sadd.s32 @!p2 $0x1300, s1;
	[sflag:s21] =	ssyncadd.s32 $0xFFFFF000  }
0x125: {  	[tilespmem:s8], [sflag:$0x8] =	stream.indirect.gather @!p2 [hbm4b:s4+s25], $0x20, s1, s25, $0xb8;
	[tilespmem:$0x16700] =	vst v63  }
0x126: {  	_ =	swait.ge [sflag:s18], $0x1000  }
0x127: {  	[sflag:s18] =	ssyncset.done $0x0  }
0x128: {  	s1 =	sadd.s32 $0x880, s30;
	s8 =	sadd.s32 $0xFFFFFFFD, s7;
	[sflag:s18] =	ssyncadd.s32 $0xFFFFF000  }
0x129: {  	[spmem:s2] =	stream.indirect.scatter.add.f32 [tilespmem:s9], [sflag:$0xE], $0x20, s1, s23, $0xb8;
	[tilespmem:$0x16700] =	vst v63  }
0x12a: {  	p2 =	sge.u32 s8, s5;
	_ =	swait.ge [sflag:s21], $0x1000  }
0x12b: {  	s8 =	simm.s32 @!p2 $0xCF00;
	s1 =	sshra.s32 @!p2 s0, $0x2;
	[sflag:s21] =	ssyncset.done $0x0  }
0x12c: {  	s25 =	simm.s32 @!p2 $0x80;
	s1 =	sadd.s32 @!p2 $0x1400, s1;
	[sflag:s21] =	ssyncadd.s32 $0xFFFFF000  }
0x12d: {  	[tilespmem:s8], [sflag:$0x9] =	stream.indirect.gather @!p2 [hbm4b:s4+s25], $0x20, s1, s25, $0xb8;
	[tilespmem:$0x16700] =	vst v63  }
0x12e: {  	_ =	swait.ge [sflag:s19], $0x1000  }
0x12f: {  	s1 =	sadd.s32 $0x980, s30;
	[sflag:s19] =	ssyncset.done $0x0  }
0x130: {  	s8 =	sadd.s32 $0xFFFFFFFE, s7;
	s25 =	simm.s32 $0xDF00;
	[sflag:s19] =	ssyncadd.s32 $0xFFFFF000  }
0x131: {  	[spmem:s2] =	stream.indirect.scatter.add.f32 [tilespmem:s25], [sflag:$0xE], $0x20, s1, s23, $0xb8;
	[tilespmem:$0x16700] =	vst v63  }
0x132: {  	p2 =	sge.u32 s8, s5;
	_ =	swait.ge [sflag:s21], $0x1000  }
0x133: {  	s8 =	simm.s32 @!p2 $0xDF00;
	s1 =	sshra.s32 @!p2 s0, $0x2;
	[sflag:s21] =	ssyncset.done $0x0  }
0x134: {  	s25 =	simm.s32 @!p2 $0x80;
	s1 =	sadd.s32 @!p2 $0x1500, s1;
	[sflag:s21] =	ssyncadd.s32 $0xFFFFF000  }
0x135: {  	[tilespmem:s8], [sflag:$0xA] =	stream.indirect.gather @!p2 [hbm4b:s4+s25], $0x20, s1, s25, $0xb8;
	[tilespmem:$0x16700] =	vst v63  }
0x136: {  	_ =	swait.ge [sflag:s6], $0x1000  }
0x137: {  	s1 =	sadd.s32 $0xA80, s30;
	[sflag:s6] =	ssyncset.done $0x0  }
0x138: {  	s8 =	sadd.s32 $0xFFFFFFFF, s7;
	s25 =	simm.s32 $0xEF00;
	[sflag:s6] =	ssyncadd.s32 $0xFFFFF000  }
0x139: {  	[spmem:s2] =	stream.indirect.scatter.add.f32 [tilespmem:s25], [sflag:$0xE], $0x20, s1, s23, $0xb8;
	[tilespmem:$0x16700] =	vst v63  }
0x13a: {  	p2 =	sge.u32 s8, s5;
	_ =	swait.ge [sflag:s21], $0x1000  }
0x13b: {  	s8 =	simm.s32 @!p2 $0xEF00;
	s1 =	sshra.s32 @!p2 s0, $0x2;
	[sflag:s21] =	ssyncset.done $0x0  }
0x13c: {  	s25 =	simm.s32 @!p2 $0x80;
	s1 =	sadd.s32 @!p2 $0x1600, s1;
	[sflag:s21] =	ssyncadd.s32 $0xFFFFF000  }
0x13d: {  	[tilespmem:s8], [sflag:$0xB] =	stream.indirect.gather @!p2 [hbm4b:s4+s25], $0x20, s1, s25, $0xb8;
	[tilespmem:$0x16700] =	vst v63  }
0x13e: {  	_ =	swait.ge [sflag:s22], $0x1000  }
0x13f: {  	s1 =	sadd.s32 $0xB80, s30;
	[sflag:s22] =	ssyncset.done $0x0  }
.Ltmp3:
0x140: {  	s8 =	simm.s32 $0xFF00;
	[sflag:s22] =	ssyncadd.s32 $0xFFFFF000;
	(pc) =	sbr.rel @p1 .LBB2_6-.Ltmp3, $4  }
0x141: {  	[spmem:s2] =	stream.indirect.scatter.add.f32 [tilespmem:s8], [sflag:$0xE], $0x20, s1, s23, $0xb8;
	[tilespmem:$0x16700] =	vst v63  }
0x142: {  	p2 =	sge.u32 s7, s5;
	s7 =	sadd.s32 $0xC, s7;
	_ =	swait.ge [sflag:s21], $0x1000  }
0x143: {  	s1 =	sshra.s32 @!p2 s0, $0x2;
	s0 =	simm.s32 @!p2 $0xFF00;
	[sflag:s21] =	ssyncset.done $0x0  }
0x144: {  	s25 =	simm.s32 @!p2 $0x80;
	s30 =	sadd.s32 @!p2 $0x1700, s1;
	[sflag:s21] =	ssyncadd.s32 $0xFFFFF000  }
0x145: {  	[tilespmem:s0], [sflag:$0xC] =	stream.indirect.gather @!p2 [hbm4b:s4+s25], $0x20, s30, s25, $0xb8;
	[tilespmem:$0x16700] =	vst v63  }
0x146: {  	_ =	swait.ge [sflag:s10], $0x1000  }
0x147: {  	[sflag:s10] =	ssyncset.done $0x0  }
0x148: {  	s20 =	simm.s32 $0x4880;
	[sflag:s10] =	ssyncadd.s32 $0xFFFFF000  }
0x149: {  	[spmem:s2] =	stream.indirect.scatter.add.f32 [tilespmem:s26], [sflag:$0xE], $0x20, s20, s23, $0xb8;
	[tilespmem:$0x16700] =	vst v63  }
0x14a: {  	_ =	swait.ge [sflag:s21], $0x1000  }
0x14b: {  	[sflag:s21] =	ssyncset.done $0x0  }
0x14c: {  	[sflag:s21] =	ssyncadd.s32 $0xFFFFF000  }
0x14d: {  	_ =	swait.ge [sflag:s11], $0x1000  }
0x14e: {  	[sflag:s11] =	ssyncset.done $0x0  }
0x14f: {  	s25 =	simm.s32 $0x4980;
	[sflag:s11] =	ssyncadd.s32 $0xFFFFF000  }
0x150: {  	[spmem:s2] =	stream.indirect.scatter.add.f32 [tilespmem:s29], [sflag:$0xE], $0x20, s25, s23, $0xb8;
	[tilespmem:$0x16700] =	vst v63  }
0x151: {  	_ =	swait.ge [sflag:s21], $0x1000  }
0x152: {  	[sflag:s21] =	ssyncset.done $0x0  }
0x153: {  	[sflag:s21] =	ssyncadd.s32 $0xFFFFF000  }
0x154: {  	_ =	swait.ge [sflag:s12], $0x1000  }
0x155: {  	[sflag:s12] =	ssyncset.done $0x0  }
0x156: {  	s26 =	simm.s32 $0x4A80;
	[sflag:s12] =	ssyncadd.s32 $0xFFFFF000  }
0x157: {  	[spmem:s2] =	stream.indirect.scatter.add.f32 [tilespmem:s31], [sflag:$0xE], $0x20, s26, s23, $0xb8;
	[tilespmem:$0x16700] =	vst v63  }
0x158: {  	_ =	swait.ge [sflag:s21], $0x1000  }
0x159: {  	[sflag:s21] =	ssyncset.done $0x0  }
0x15a: {  	[sflag:s21] =	ssyncadd.s32 $0xFFFFF000  }
0x15b: {  	_ =	swait.ge [sflag:s13], $0x1000  }
0x15c: {  	[sflag:s13] =	ssyncset.done $0x0  }
0x15d: {  	s1 =	simm.s32 $0x4B80;
	[sflag:s13] =	ssyncadd.s32 $0xFFFFF000  }
0x15e: {  	[spmem:s2] =	stream.indirect.scatter.add.f32 [tilespmem:s3], [sflag:$0xE], $0x20, s1, s23, $0xb8;
	[tilespmem:$0x16700] =	vst v63  }
0x15f: {  	_ =	swait.ge [sflag:s21], $0x1000  }
0x160: {  	[sflag:s21] =	ssyncset.done $0x0  }
0x161: {  	[sflag:s21] =	ssyncadd.s32 $0xFFFFF000  }
0x162: {  	_ =	swait.ge [sflag:s14], $0x1000  }
0x163: {  	[sflag:s14] =	ssyncset.done $0x0  }
0x164: {  	s3 =	simm.s32 $0x4C80;
	[sflag:s14] =	ssyncadd.s32 $0xFFFFF000  }
0x165: {  	[spmem:s2] =	stream.indirect.scatter.add.f32 [tilespmem:s28], [sflag:$0xE], $0x20, s3, s23, $0xb8;
	[tilespmem:$0x16700] =	vst v63  }
0x166: {  	_ =	swait.ge [sflag:s21], $0x1000  }
0x167: {  	[sflag:s21] =	ssyncset.done $0x0  }
0x168: {  	[sflag:s21] =	ssyncadd.s32 $0xFFFFF000  }
0x169: {  	_ =	swait.ge [sflag:s15], $0x1000  }
0x16a: {  	[sflag:s15] =	ssyncset.done $0x0  }
0x16b: {  	s7 =	simm.s32 $0x4D80;
	[sflag:s15] =	ssyncadd.s32 $0xFFFFF000  }
0x16c: {  	[spmem:s2] =	stream.indirect.scatter.add.f32 [tilespmem:s24], [sflag:$0xE], $0x20, s7, s23, $0xb8;
	[tilespmem:$0x16700] =	vst v63  }
0x16d: {  	_ =	swait.ge [sflag:s21], $0x1000  }
0x16e: {  	[sflag:s21] =	ssyncset.done $0x0  }
0x16f: {  	s0 =	simm.s32 @!p0 $0x7;
	[sflag:s21] =	ssyncadd.s32 $0xFFFFF000  }
0x170: {  	_ =	swait.ge @!p0 [sflag:s0], $0x1000  }
0x171: {  	s1 =	simm.s32 @!p0 $0x4E80;
	[sflag:s0] =	ssyncset.done @!p0 $0x0  }
0x172: {  	s7 =	simm.s32 @!p0 $0xAF00;
	[sflag:s0] =	ssyncadd.s32 @!p0 $0xFFFFF000;
	s0 =	simm.s32 @!p0 $0x80  }
0x173: {  	[spmem:s2] =	stream.indirect.scatter.add.f32 @!p0 [tilespmem:s7], [sflag:$0xE], $0x20, s1, s0, $0xb8;
	[tilespmem:$0x16700] =	vst v63  }
0x174: {  	s0 =	simm.s32 @!p0 $0xE  }
0x175: {  	_ =	swait.ge @!p0 [sflag:s0], $0x1000  }
0x176: {  	[sflag:s0] =	ssyncset.done @!p0 $0x0  }
0x177: {  	[sflag:s0] =	ssyncadd.s32 @!p0 $0xFFFFF000  }
0x178: {  	s8 =	stileid.u32;
	[bflag:$0x0] =	sbarrier.arrive $0xFFFF  }
0x179: {  	s24 =	simm.s32 $0x10;
	s0 =	sshll.u32 s8, $0x6;
	s8 =	rddreg [dreg:$0x5]  }
0x17a: {  	s0 =	sor.u32 $0x1C0E, s0;
	s20 =	rddreg [dreg:$0x10];
	s9 =	sshrl.u32 s8, $0x3  }
0x17b: {  	[hbm:s20@s24], [sflag:s0] =	dma.strided [spmem:s9@s13], $0xA00, s10, $0x4   }
0x17c: {  	_ =	swait.ge [sflag:s21], $0xA00  }
0x17d: {  	s25 =	rddreg [dreg:$0x12]  }
0x17e: {  	s26 =	rddreg [dreg:$0x11];
	s1 =	sadd.s32 $0x1, s25  }
0x17f: {  	p1 =	sne.s32 s1, s26  }
.Ltmp4:
0x180: {  	_ = 	snop;
	(pc) =	sbr.rel @p1 .LBB2_1-.Ltmp4, $4  }
0x181: {  	s30 =	simm.s32 $0x9F00;
	s29 =	simm.s32 $0x6F00  }
0x182: {  	s31 =	simm.s32 $0xCF00;
	s3 =	simm.s32 $0x7F00;
	s28 =	simm.s32 $0x8F00  }
0x183: {  	s9 =	simm.s32 $0xBF00;
	s24 =	simm.s32 $0x4F00;
	[sflag:s21] =	ssyncset.done $0x0  }
0x184: {  	[sflag:s21] =	ssyncadd.s32 $0xFFFFF600;
	s25 =	simm.s32 $0xAF00;
	s26 =	simm.s32 $0x5F00  }
0x185: {  	_ =	sfence.sel $0x180000  }
0x186: {  	[bflag:$0x0] =	sbarrier.arrive $0xFFFF  }
0x187: {  	_ =	strace $0x9000004A  }
0x188: {  	s0 =	stileid.u32;
	[bflag:$0x2] =	sbarrier.arrive $0xFFFF  }
0x189: {  	p0 =	sne.s32 s0, $0x0;
	s0 =	rddreg [dreg:$0x3]  }
0x18a: {  	s0 =	sadd.s32 @!p0 $0x100000, s0  }
0x18b: {  	[sflag:s0] =	ssyncadd.tile.s32 @!p0 $0x1;
	_ =	shalt  }
.Lfunc_end2:
_tile_overlayer_lowered:
.L_overlay_start_2:
0x18c: {  	(tag) =	ssettag $0x2  }
0x18d: {  	s0 =	rddreg [dreg:$0x0];
	s2 =	stileid.u32  }
0x18e: {  	s1 =	rddreg [dreg:$0x1];
	p0 =	sne.s32 s2, $0x0  }
0x18f: {  	s3 =	rddreg [dreg:$0x2];
	[bflag:$0x3] =	sbarrier.arrive $0xFFFF;
	s2 =	simm.s32 @!p0 $0x1C0E  }
0x190: {  	[timem:s3], [sflag:s2] =	dma.local @!p0 [hbm:s0], s1  }
0x191: {  	s0 =	simm.s32 @!p0 $0xE  }
0x192: {  	_ =	swait.ge @!p0 [sflag:s0], s1  }
0x193: {  	s1 =	ssub.s32 @!p0 $0x0, s1;
	[sflag:s0] =	ssyncset.done @!p0 $0x0  }
0x194: {  	[sflag:s0] =	ssyncadd.s32 @!p0 s1  }
0x195: {  	[bflag:$0x3] =	sbarrier.arrive $0xFFFF  }
0x196: {  	_ =	shalt  }

// kernel: kernel.7.cloned.1.call-start
scs
__scs_entry_jumppad:
0x0: {  	(pc) =	sbr.rel $0x88, $3  }
0x1: {  	(tag) =	ssettag $0x0;
	lr =	simm.s32 $0x1  }
0x2: {  	[smem:$0x3F97] =	sst lr;
	_ =	strace $0xD0000000  }
0x3: {  	_ = 	snop  }
0x4: {  	_ = 	snop  }
0x5: {  	_ = 	snop  }
0x6: {  	_ = 	snop  }
0x7: {  	_ = 	snop  }
__scs_overlays_trampoline_lowered:
0x8: {  	[smem:$0x3FA6] =	sst s0  }
0x9: {  	[smem:$0x3FA7] =	sst s1  }
0xa: {  	[smem:$0x3FA8] =	sst s2  }
0xb: {  	[smem:$0x3FA9] =	sst s3  }
0xc: {  	[smem:$0x3FAA] =	sst s4  }
0xd: {  	[smem:$0x3FAB] =	sst s5  }
0xe: {  	[smem:$0x3FAC] =	sst s6  }
0xf: {  	[smem:$0x3FAD] =	sst s7  }
0x10: {  	[smem:$0x3FAE] =	sst s8  }
0x11: {  	[smem:$0x3FAF] =	sst s9;
	s0 =	simm.s32 @!p0 $0x0  }
0x12: {  	s1 =	sld [smem:$0x3F95];
	s0 =	simm.s32 @p0 $0x1  }
0x13: {  	[smem:$0x3FB0] =	sst s0;
	s0 =	simm.s32 @!p1 $0x0  }
0x14: {  	s2 =	sld [smem:$0x3F94];
	s0 =	simm.s32 @p1 $0x1  }
0x15: {  	[smem:$0x3FB1] =	sst s0;
	s0 =	simm.s32 @!p2 $0x0  }
0x16: {  	s3 =	sld [smem:$0x3FDB];
	s0 =	simm.s32 @p2 $0x1  }
0x17: {  	s4 =	simm.s32 $0x1BF5;
	[smem:$0x3FB3] =	sst s0  }
0x18: {  	s0 =	sld [smem:$0x3F96];
	_ =	swait.ge [sflag:s4], $0x0  }
0x19: {  	s7 =	sld [smem:$0x3F97]  }
0x1a: {  	s8 =	sadd.s32 $0xFFFFE003, lr  }
0x1b: {  	s9 =	sadd.s32 $0xFFFFFEF7, lr;
	s5 =	simm.s32 $0xFFFFFFFF;
	p2 =	slt.u32 s8, $0xFFFFF086  }
0x1c: {  	p1 =	slt.u32 s9, $0xF7A;
	s5 =	simm.s32 @!p2 $0x0  }
0x1d: {  	s5 =	simm.s32 @p1 $0x1;
	p0 =	seq.s32 s7, s2  }
0x1e: {  	s7 =	smul.u32 @!p0 $0xF7A, s2;
	p2 =	seq.s32 @!p0 s5, $0x0  }
0x1f: {  	s9 =	smul.u32 $0xF7A, s1;
	s8 =	simm.s32 @!p0 $0x1BF5;
	p2 =	por !p2, p0  }
0x20: {  	[sflag:s8] =	ssyncset.s32 @!p0 $0xFFFFF086;
	s6 =	sadd.s32 @!p0 s3, s7;
	s7 =	simm.s32 @!p0 $0x108  }
0x21: {  	s3 =	sadd.s32 s3, s9;
	s6 =	sadd.s32 @!p0 $0x88, s6;
	s7 =	simm.s32 @p2 $0x1082  }
0x22: {  	[simem:s7], [sflag:s8] =	dma.local @!p0 [hbm:s6], $0xF7A  }
0x23: {  	s9 =	sor.u32 $0xD0000000, s2;
	s6 =	simm.s32 $0x108;
	_ =	swait.ge @!p0 [sflag:s8], $0x0  }
0x24: {  	s3 =	sadd.s32 $0x88, s3;
	s6 =	simm.s32 @!p1 $0x1082;
	[sflag:s4] =	ssyncset.s32 $0xFFFFF086  }
0x25: {  	[simem:s6], [sflag:s4] =	dma.local [hbm:s3], $0xF7A  }
0x26: {  	[smem:$0x3F97] =	sst s1;
	(tag) =	ssettag s2;
	_ =	strace s9  }
0x27: {  	s1 =	sld [smem:$0x3FA7]  }
0x28: {  	s2 =	sld [smem:$0x3FA8]  }
0x29: {  	s4 =	sld [smem:$0x3FAA]  }
0x2a: {  	p0 =	seq.s32 s5, $0x0;
	s5 =	sld [smem:$0x3FAB]  }
0x2b: {  	s6 =	sld [smem:$0x3FAC]  }
0x2c: {  	s7 =	sld [smem:$0x3FAD]  }
0x2d: {  	s3 =	simm.s32 $0x108;
	s8 =	sld [smem:$0x3FAE]  }
0x2e: {  	s3 =	simm.s32 @!p0 $0x1082;
	s9 =	sld [smem:$0x3FAF]  }
0x2f: {  	lr =	sadd.s32 s0, s3;
	s0 =	sld [smem:$0x3FA6]  }
0x30: {  	s3 =	sld [smem:$0x3FA9]  }
0x31: {  	[smem:$0x3FB2] =	sst s10  }
0x32: {  	s10 =	sld [smem:$0x3FB0];
	_ =	sdelay $0x3  }
0x33: {  	p0 =	seq.s32 s10, $0x1;
	s10 =	sld [smem:$0x3FB2];
	_ =	sdelay $0x3  }
0x34: {  	[smem:$0x3FB2] =	sst s10  }
0x35: {  	s10 =	sld [smem:$0x3FB1];
	_ =	sdelay $0x3  }
0x36: {  	p1 =	seq.s32 s10, $0x1;
	s10 =	sld [smem:$0x3FB2];
	_ =	sdelay $0x3  }
0x37: {  	[smem:$0x3FB2] =	sst s10  }
0x38: {  	s10 =	sld [smem:$0x3FB3]  }
0x39: {  	_ = 	snop;
	(pc) =	sbr.ind lr, $3  }
0x3a: {  	_ = 	snop  }
0x3b: {  	_ = 	snop  }
0x3c: {  	p2 =	seq.s32 s10, $0x1;
	s10 =	sld [smem:$0x3FB2]  }
0x3d: {  	_ =	shalt  }
0x3e: {  	_ =	shalt  }
0x3f: {  	_ =	shalt  }
0x40: {  	_ =	shalt  }
0x41: {  	_ =	shalt  }
0x42: {  	_ =	shalt  }
0x43: {  	_ =	shalt  }
0x44: {  	_ =	shalt  }
0x45: {  	_ =	shalt  }
0x46: {  	_ =	shalt  }
0x47: {  	_ =	shalt  }
0x48: {  	_ =	shalt  }
0x49: {  	_ =	shalt  }
0x4a: {  	_ =	shalt  }
0x4b: {  	_ =	shalt  }
0x4c: {  	_ =	shalt  }
0x4d: {  	_ =	shalt  }
0x4e: {  	_ =	shalt  }
0x4f: {  	_ =	shalt  }
0x50: {  	_ =	shalt  }
0x51: {  	_ =	shalt  }
0x52: {  	_ =	shalt  }
0x53: {  	_ =	shalt  }
0x54: {  	_ =	shalt  }
0x55: {  	_ =	shalt  }
0x56: {  	_ =	shalt  }
0x57: {  	_ =	shalt  }
0x58: {  	_ =	shalt  }
0x59: {  	_ =	shalt  }
0x5a: {  	_ =	shalt  }
0x5b: {  	_ =	shalt  }
0x5c: {  	_ =	shalt  }
0x5d: {  	_ =	shalt  }
0x5e: {  	_ =	shalt  }
0x5f: {  	_ =	shalt  }
0x60: {  	_ =	shalt  }
0x61: {  	_ =	shalt  }
0x62: {  	_ =	shalt  }
0x63: {  	_ =	shalt  }
0x64: {  	_ =	shalt  }
0x65: {  	_ =	shalt  }
0x66: {  	_ =	shalt  }
0x67: {  	_ =	shalt  }
0x68: {  	_ =	shalt  }
0x69: {  	_ =	shalt  }
0x6a: {  	_ =	shalt  }
0x6b: {  	_ =	shalt  }
0x6c: {  	_ =	shalt  }
0x6d: {  	_ =	shalt  }
0x6e: {  	_ =	shalt  }
0x6f: {  	_ =	shalt  }
0x70: {  	_ =	shalt  }
0x71: {  	_ =	shalt  }
0x72: {  	_ =	shalt  }
0x73: {  	_ =	shalt  }
0x74: {  	_ =	shalt  }
0x75: {  	_ =	shalt  }
0x76: {  	_ =	shalt  }
0x77: {  	_ =	shalt  }
0x78: {  	_ =	shalt  }
0x79: {  	_ =	shalt  }
0x7a: {  	_ =	shalt  }
0x7b: {  	_ =	shalt  }
0x7c: {  	_ =	shalt  }
0x7d: {  	_ =	shalt  }
0x7e: {  	_ =	shalt  }
0x7f: {  	_ =	shalt  }
0x80: {  	_ =	shalt  }
0x81: {  	_ =	shalt  }
0x82: {  	_ =	shalt  }
0x83: {  	_ =	shalt  }
0x84: {  	_ =	shalt  }
0x85: {  	_ =	shalt  }
0x86: {  	_ =	shalt  }
0x87: {  	_ =	shalt  }
.Lfunc_end0:
.L_simem_size_0:
called_computation_lowered:
.L_overlay_start_0:
0x88: {  	s2 =	sld [smem:$0x3FD9]  }
0x89: {  	s3 =	sld [smem:$0x3FFE];
	_ =	sdelay $0x1  }
0x8a: {  	s1 =	srdreg.scid  }
0x8b: {  	s0 =	sand.u32 $0x1, s1  }
0x8c: {  	s17 =	sshll.u32 s0, $0xA;
	s2 =	sadd.s32 s3, s2  }
0x8d: {  	s2 =	sadd.s32 s2, s17  }
0x8e: {  	[smem:$0x3FBE] =	sst s2  }
0x8f: {  	_ = 	snop  }
0x90: {  	s2 =	sld [smem:$0x3FC8];
	(tm) =	ssettm $0x1  }
0x91: {  	s18 =	sld [smem:$0x3FFB];
	_ =	sdelay $0x3  }
0x92: {  	_ =	strace s18  }
0x93: {  	s3 =	sld [smem:$0x3FFC];
	_ =	sdelay $0x3  }
0x94: {  	_ =	strace s3  }
0x95: {  	s3 =	sld [smem:$0x3FFD];
	_ =	sdelay $0x3  }
0x96: {  	_ =	strace s3  }
0x97: {  	_ =	strace $0x8FFFFFFF  }
0x98: {  	s19 =	sld [smem:$0x3FDB];
	_ =	sdelay $0x1  }
0x99: {  	s4 =	simm.s32 $_scs_section_size  }
0x9a: {  	s5 =	simm.s32 $_size__tile_overlayer_lowered;
	s6 =	simm.s32 $_tile_overlayer_lowered  }
0x9b: {  	s22 =	simm.s32 $0x1BFF;
	s21 =	sshll.u32 s6, $0x1;
	s3 =	sadd.s32 s4, s19  }
0x9c: {  	s7 =	simm.s32 $0x0;
	s20 =	sshll.u32 s5, $0x1;
	s5 =	sadd.s32 s21, s3  }
0x9d: {  	[timem:s7], [sflag:s22] =	dma.local [hbm:s5], s20  }
0x9e: {  	_ =	swait.ge [sflag:s22], s20  }
0x9f: {  	s4 =	ssub.s32 $0x0, s20;
	[sflag:s22] =	ssyncset.done $0x0  }
0xa0: {  	[sflag:s22] =	ssyncadd.s32 s4;
	_ =	sdelay $0x1  }
0xa1: {  	s23 =	simm.s32 $0x1B8B  }
0xa2: {  	_ =	swait.ge [sflag:s23], $0x1  }
0xa3: {  	[sflag:s23] =	ssyncset.done $0x0  }
0xa4: {  	s25 =	simm.s32 $0x1B8E;
	s24 =	sld [smem:$0x3FFE];
	[sflag:s23] =	ssyncadd.s32 $0xFFFFFFFF  }
0xa5: {  	s26 =	simm.s32 $execute0_lowered;
	[smem:$0x3FD2] =	sst s25  }
0xa6: {  	s5 =	sshll.u32 s26, $0x1;
	_ =	strace $0x80000046;
	[dreg:$0x1] =	wrdreg $0xFFFFFFFF  }
0xa7: {  	s28 =	simm.s32 $_size_execute0_lowered;
	s3 =	sadd.s32 s3, s5;
	[dreg:$0x0] =	wrdreg $0x0  }
0xa8: {  	s5 =	sshll.u32 s28, $0x1;
	[dreg:$0x2] =	wrdreg s3  }
0xa9: {  	[dreg:$0x3] =	wrdreg s5  }
0xaa: {  	[dreg:$0x4] =	wrdreg $0xC0  }
0xab: {  	_ =	task [dreg:s7], $0x5FFFF  }
0xac: {  	[dreg:$0x1] =	wrdreg $0xFFFFFFFF  }
0xad: {  	[dreg:$0x0] =	wrdreg $0x60  }
0xae: {  	[dreg:$0x2] =	wrdreg s24  }
0xaf: {  	[dreg:$0x3] =	wrdreg s2  }
0xb0: {  	[dreg:$0x4] =	wrdreg $0xFF000  }
0xb1: {  	[dreg:$0x5] =	wrdreg $0x1AB000  }
0xb2: {  	[dreg:$0x6] =	wrdreg $0x9  }
0xb3: {  	_ =	task.clear_ibuf [dreg:s7], $0x7FFFF;
	_ =	strace $0x90000046  }
0xb4: {  	s29 =	simm.s32 $0x9;
	_ =	strace $0x80000048  }
0xb5: {  	_ =	swait.ge [sflag:s29], $0x1  }
0xb6: {  	[sflag:s29] =	ssyncadd.s32 $0xFFFFFFFF  }
0xb7: {  	_ =	strace $0x90000048  }
0xb8: {  	_ =	sfence  }
0xb9: {  	s30 =	sld [smem:$0x0];
	_ =	sdelay $0x2  }
0xba: {  	s31 =	sshll.u32 s1, $0xD;
	s1 =	sshrl.u32 s1, $0x2  }
0xbb: {  	s3 =	sand.u32 $0x4000, s31;
	s1 =	sadd.s32 s1, s30  }
0xbc: {  	s0 =	sor.u32 s3, s0;
	s1 =	sshll.u32 s1, $0x11  }
0xbd: {  	s0 =	sor.u32 s1, s0  }
0xbe: {  	s0 =	sadd.s32 $0x8F2B, s0  }
0xbf: {  	[sflag:s0] =	ssyncadd.remote.s32 $0x1  }
0xc0: {  	_ =	sfence.sel $0xFFFF  }
0xc1: {  	[dreg:$0x0] =	wrdreg $0xFFFFFFFF;
	(pc) =	sbr.abs _section_cstart, $3  }
0xc2: {  	[dreg:$0x1] =	wrdreg $0xFFFFFFFF  }
0xc3: {  	_ =	task.clear_ibuf [dreg:s7], $0x2FFFF;
	_ =	strace $0x9FFFFFFF  }
0xc4: {  	(tm) =	ssettm $0x7FFFFFFF  }
0xc5: {  	_ =	shalt  }
tec
execute0_lowered:
.L_overlay_start_1:
0x0: {  	(tag) =	ssettag $0x1  }
0x1: {  	s0 =	rddreg [dreg:$0x0]  }
0x2: {  	s3 =	rddreg [dreg:$0x1]  }
0x3: {  	s1 =	rddreg [dreg:$0x2]  }
0x4: {  	s2 =	rddreg [dreg:$0x3];
	s12 =	stileid.u32  }
0x5: {  	s4 =	srdreg.scid;
	s7 =	smul.u32 $0x14000, s12  }
0x6: {  	s5 =	simm.s32 $0x0;
	s28 =	simm.s32 $0x0;
	s17 =	smul.u32 $0x28000, s12  }
0x7: {  	s4 =	sand.u32 $0x1, s4;
	[smem:$0x7FF] =	sst s5;
	s9 =	smul.u32 $0xA000, s12  }
0x8: {  	s8 =	sshll.u32 s12, $0x1;
	s5 =	sadd.s32 $0x2800, s0;
	s10 =	smul.u32 $0x280, s12  }
0x9: {  	p0 =	slt.u32 s12, $0x2;
	s6 =	smul.u32 $0x140000, s4;
	s15 =	sor.u32 s4, s8  }
0xa: {  	_ =	strace $0x80000047;
	s4 =	ssub.s32 $0x2, s4;
	s8 =	smul.u32 $0x4E, s15  }
0xb: {  	s16 =	sshrl.u32 s4, $0x1;
	s18 =	sshrl.u32 s17, $0x2;
	s19 =	sshrl.u32 s9, $0x2  }
0xc: {  	s20 =	sor.u32 $0x40, s10;
	s11 =	sadd.s32 $0x80, s10;
	s24 =	sadd.s32 $0xC0, s10  }
0xd: {  	s29 =	sadd.s32 $0x100, s10;
	s31 =	sadd.s32 $0x140, s10;
	s6 =	sadd.s32 s7, s6  }
0xe: {  	s7 =	smin.u32 s15, $0x4;
	s4 =	ssub.s32 s4, s16;
	s9 =	sadd.s32 s19, s2  }
0xf: {  	s21 =	sshll.u32 s20, $0x6;
	s22 =	sshll.u32 s11, $0x6;
	s23 =	sshll.u32 s11, $0x4  }
0x10: {  	s25 =	sshll.u32 s24, $0x6;
	s30 =	sshll.u32 s29, $0x6;
	s14 =	sshll.u32 s31, $0x6  }
0x11: {  	s15 =	sshll.u32 s31, $0x4;
	s16 =	sadd.s32 $0x180, s10;
	s19 =	sadd.s32 $0x1C0, s10  }
0x12: {  	s11 =	simm.s32 $0x6;
	s6 =	sshrl.u32 s6, $0x3;
	s7 =	sadd.s32 s7, s8  }
0x13: {  	s8 =	sadd.s32 s18, s1;
	s0 =	sadd.s32 s6, s0;
	s6 =	simm.s32 $0x4F  }
0x14: {  	s17 =	sshll.u32 s16, $0x6;
	s7 =	sshll.u32 s7, $0x5;
	s6 =	simm.s32 @!p0 $0x4E  }
0x15: {  	s13 =	sadd.s32 s3, s7;
	s3 =	sshll.u32 s20, $0x4;
	s7 =	sadd.s32 s21, s1  }
0x16: {  	s20 =	sshll.u32 s19, $0x6;
	s21 =	sadd.s32 $0x200, s10;
	[dreg:$0x6] =	wrdreg s7  }
0x17: {  	p0 =	sgt.u32 s12, $0x1;
	s3 =	sadd.s32 s3, s2;
	[dreg:$0x5] =	wrdreg s13  }
0x18: {  	s12 =	simm.s32 $0x80;
	s31 =	sadd.s32 $0x9C0, s13;
	[dreg:$0x7] =	wrdreg s3  }
0x19: {  	s7 =	sshll.u32 s24, $0x4;
	s3 =	sadd.s32 s22, s1;
	[dreg:$0x1b] =	wrdreg s31  }
0x1a: {  	s24 =	sadd.s32 $0x240, s10;
	s26 =	sadd.s32 s7, s2;
	[dreg:$0x8] =	wrdreg s3  }
0x1b: {  	s10 =	simm.s32 $0x1A700;
	s7 =	sadd.s32 s30, s1;
	[dreg:$0xb] =	wrdreg s26  }
0x1c: {  	s13 =	simm.s32 $0x4F00;
	s30 =	smax.u32 s4, $0x1;
	[dreg:$0xc] =	wrdreg s7  }
0x1d: {  	s22 =	sshll.u32 s21, $0x6;
	s3 =	sadd.s32 s23, s2;
	[dreg:$0x1a] =	wrdreg s30  }
0x1e: {  	s7 =	sshll.u32 s16, $0x4;
	[dreg:$0x9] =	wrdreg s3;
	s3 =	sadd.s32 s25, s1  }
0x1f: {  	s4 =	simm.s32 $0xEF00;
	s18 =	sadd.s32 s7, s2;
	[dreg:$0xa] =	wrdreg s3  }
0x20: {  	s23 =	sshll.u32 s21, $0x4;
	s7 =	sadd.s32 s20, s1;
	[dreg:$0x11] =	wrdreg s18  }
0x21: {  	s3 =	sshll.u32 s29, $0x4;
	[dreg:$0x12] =	wrdreg s7;
	s29 =	sadd.s32 $0x29A00, s0  }
0x22: {  	s16 =	simm.s32 $0xCF00;
	s0 =	sadd.s32 $0x29A08, s0;
	[dreg:$0x18] =	wrdreg s29  }
0x23: {  	s7 =	sshll.u32 s24, $0x4;
	s3 =	sadd.s32 s3, s2;
	[dreg:$0x19] =	wrdreg s0  }
0x24: {  	s21 =	simm.s32 $0x4;
	s26 =	sadd.s32 s7, s2;
	[dreg:$0xd] =	wrdreg s3  }
0x25: {  	s25 =	sshll.u32 s24, $0x6;
	s3 =	sadd.s32 s14, s1;
	[dreg:$0x17] =	wrdreg s26  }
0x26: {  	s20 =	simm.s32 $0x3;
	[dreg:$0xe] =	wrdreg s3;
	s3 =	sadd.s32 s15, s2  }
0x27: {  	s18 =	simm.s32 $0x19F00;
	[dreg:$0xf] =	wrdreg s3;
	s3 =	sadd.s32 s17, s1  }
0x28: {  	s7 =	simm.s32 $0x6F00;
	[dreg:$0x10] =	wrdreg s3;
	s3 =	sshll.u32 s19, $0x4  }
0x29: {  	s14 =	simm.s32 $0x8F00;
	s26 =	simm.s32 $0x10;
	s3 =	sadd.s32 s3, s2  }
0x2a: {  	s15 =	simm.s32 $0xAF00;
	[dreg:$0x13] =	wrdreg s3;
	s3 =	sadd.s32 s22, s1  }
0x2b: {  	s17 =	simm.s32 $0x1;
	[dreg:$0x14] =	wrdreg s3;
	s3 =	sadd.s32 s23, s2  }
0x2c: {  	s19 =	simm.s32 $0x2;
	[dreg:$0x15] =	wrdreg s3;
	s3 =	sadd.s32 s25, s1  }
0x2d: {  	v0 =	vimm.f32 $0.0e+00;
	v1 =	vimm.f32 $1.000000000e+00;
	s22 =	simm.s32 $0x5;
	[dreg:$0x16] =	wrdreg s3;
	s3 =	simm.s32 $0x7  }
.LBB2_1:
0x2e: {  	s0 =	simm.s32 $0x0;
	s23 =	rddreg [dreg:$0x5]  }
0x2f: {  	[tilespmem:s0], [sflag:$0x6] =	stream.linear.gather [hbm4b:s23+s0], $0x4E00, $0x38;
	[tilespmem:$0x1D300] =	vst v63  }
0x30: {  	s24 =	rddreg [dreg:$0x1b];
	s0 =	simm.s32 @!p0 $0x0;
	s23 =	simm.s32 @!p0 $0x4E00  }
0x31: {  	[tilespmem:s23], [sflag:$0x6] =	stream.linear.gather @!p0 [hbm4b:s24+s0], $0x100, $0x38;
	[tilespmem:$0x1D300] =	vst v63  }
0x32: {  	s29 =	simm.s32 $0x0;
	s0 =	simm.s32 $0xEF20  }
.LBB2_2:
0x33: {  	p1 =	sne.s32 s29, $0xFC0  }
.Ltmp0:
0x34: {  	[tilespmem:s0+$0xFFFFFFE0] =	vst v0;
	(pc) =	sbr.rel @p1 .LBB2_2-.Ltmp0, $4  }
0x35: {  	[tilespmem:s0+$0xFFFFFFF0] =	vst v0  }
0x36: {  	[tilespmem:s0+$0x0] =	vst v0  }
0x37: {  	[tilespmem:s0+$0x10] =	vst v0;
	s23 =	sshra.s32 s29, $0x2  }
0x38: {  	s0 =	sadd.s32 $0x40, s0;
	s29 =	sadd.s32 $0x40, s29;
	[tilespmem:s23+$0x1A700] =	vst v0  }
0x39: {  	s0 =	simm.s32 $0x40;
	s29 =	simm.s32 $0x0  }
.LBB2_4:
0x3a: {  	p1 =	sne.s32 s0, $0x1FC0;
	[tilespmem:s29+$0x19F00] =	vst v1;
	s23 =	smov.u32 s0;
	s0 =	sadd.s32 $0x40, s0  }
.Ltmp1:
0x3b: {  	(pc) =	sbr.rel @p1 .LBB2_4-.Ltmp1, $2  }
0x3c: {  	_ =	sdelay $0x2  }
0x3d: {  	s29 =	sshra.s32 s23, $0x2  }
0x3e: {  	[tilespmem:s29+$0x19F00] =	vst v1  }
0x3f: {  	[spmem:s8] =	stream.linear.scatter [tilespmem:s4], [sflag:$0x7], $0x1000, $0x38;
	[tilespmem:$0x1D300] =	vst v63  }
0x40: {  	_ =	swait.ge [sflag:s3], $0x1000  }
0x41: {  	[sflag:s3] =	ssyncset.done $0x0  }
0x42: {  	[sflag:s3] =	ssyncadd.s32 $0xFFFFF000  }
0x43: {  	[spmem:s9] =	stream.linear.scatter [tilespmem:s10], [sflag:$0x7], $0x400, $0x38;
	[tilespmem:$0x1D300] =	vst v63  }
0x44: {  	_ =	swait.ge [sflag:s3], $0x400  }
0x45: {  	[sflag:s3] =	ssyncset.done $0x0  }
0x46: {  	s0 =	rddreg [dreg:$0x6];
	[sflag:s3] =	ssyncadd.s32 $0xFFFFFC00  }
0x47: {  	[spmem:s0] =	stream.linear.scatter [tilespmem:s4], [sflag:$0x7], $0x1000, $0x38;
	[tilespmem:$0x1D300] =	vst v63  }
0x48: {  	_ =	swait.ge [sflag:s3], $0x1000  }
0x49: {  	[sflag:s3] =	ssyncset.done $0x0  }
0x4a: {  	s31 =	rddreg [dreg:$0x7];
	[sflag:s3] =	ssyncadd.s32 $0xFFFFF000  }
0x4b: {  	[spmem:s31] =	stream.linear.scatter [tilespmem:s10], [sflag:$0x7], $0x400, $0x38;
	[tilespmem:$0x1D300] =	vst v63  }
0x4c: {  	_ =	swait.ge [sflag:s3], $0x400  }
0x4d: {  	[sflag:s3] =	ssyncset.done $0x0  }
0x4e: {  	s23 =	rddreg [dreg:$0x8];
	[sflag:s3] =	ssyncadd.s32 $0xFFFFFC00  }
0x4f: {  	[spmem:s23] =	stream.linear.scatter [tilespmem:s4], [sflag:$0x7], $0x1000, $0x38;
	[tilespmem:$0x1D300] =	vst v63  }
0x50: {  	_ =	swait.ge [sflag:s3], $0x1000  }
0x51: {  	[sflag:s3] =	ssyncset.done $0x0  }
0x52: {  	s24 =	rddreg [dreg:$0x9];
	[sflag:s3] =	ssyncadd.s32 $0xFFFFF000  }
0x53: {  	[spmem:s24] =	stream.linear.scatter [tilespmem:s10], [sflag:$0x7], $0x400, $0x38;
	[tilespmem:$0x1D300] =	vst v63  }
0x54: {  	_ =	swait.ge [sflag:s3], $0x400  }
0x55: {  	[sflag:s3] =	ssyncset.done $0x0  }
0x56: {  	s25 =	rddreg [dreg:$0xa];
	[sflag:s3] =	ssyncadd.s32 $0xFFFFFC00  }
0x57: {  	[spmem:s25] =	stream.linear.scatter [tilespmem:s4], [sflag:$0x7], $0x1000, $0x38;
	[tilespmem:$0x1D300] =	vst v63  }
0x58: {  	_ =	swait.ge [sflag:s3], $0x1000  }
0x59: {  	[sflag:s3] =	ssyncset.done $0x0  }
0x5a: {  	s31 =	rddreg [dreg:$0xb];
	[sflag:s3] =	ssyncadd.s32 $0xFFFFF000  }
0x5b: {  	[spmem:s31] =	stream.linear.scatter [tilespmem:s10], [sflag:$0x7], $0x400, $0x38;
	[tilespmem:$0x1D300] =	vst v63  }
0x5c: {  	_ =	swait.ge [sflag:s3], $0x400  }
0x5d: {  	[sflag:s3] =	ssyncset.done $0x0  }
0x5e: {  	s23 =	rddreg [dreg:$0xc];
	[sflag:s3] =	ssyncadd.s32 $0xFFFFFC00  }
0x5f: {  	[spmem:s23] =	stream.linear.scatter [tilespmem:s4], [sflag:$0x7], $0x1000, $0x38;
	[tilespmem:$0x1D300] =	vst v63  }
0x60: {  	_ =	swait.ge [sflag:s3], $0x1000  }
0x61: {  	[sflag:s3] =	ssyncset.done $0x0  }
0x62: {  	s24 =	rddreg [dreg:$0xd];
	[sflag:s3] =	ssyncadd.s32 $0xFFFFF000  }
0x63: {  	[spmem:s24] =	stream.linear.scatter [tilespmem:s10], [sflag:$0x7], $0x400, $0x38;
	[tilespmem:$0x1D300] =	vst v63  }
0x64: {  	_ =	swait.ge [sflag:s3], $0x400  }
0x65: {  	[sflag:s3] =	ssyncset.done $0x0  }
0x66: {  	s25 =	rddreg [dreg:$0xe];
	[sflag:s3] =	ssyncadd.s32 $0xFFFFFC00  }
0x67: {  	[spmem:s25] =	stream.linear.scatter [tilespmem:s4], [sflag:$0x7], $0x1000, $0x38;
	[tilespmem:$0x1D300] =	vst v63  }
0x68: {  	_ =	swait.ge [sflag:s3], $0x1000  }
0x69: {  	[sflag:s3] =	ssyncset.done $0x0  }
0x6a: {  	s31 =	rddreg [dreg:$0xf];
	[sflag:s3] =	ssyncadd.s32 $0xFFFFF000  }
0x6b: {  	[spmem:s31] =	stream.linear.scatter [tilespmem:s10], [sflag:$0x7], $0x400, $0x38;
	[tilespmem:$0x1D300] =	vst v63  }
0x6c: {  	_ =	swait.ge [sflag:s3], $0x400  }
0x6d: {  	[sflag:s3] =	ssyncset.done $0x0  }
0x6e: {  	s23 =	rddreg [dreg:$0x10];
	[sflag:s3] =	ssyncadd.s32 $0xFFFFFC00  }
0x6f: {  	[spmem:s23] =	stream.linear.scatter [tilespmem:s4], [sflag:$0x7], $0x1000, $0x38;
	[tilespmem:$0x1D300] =	vst v63  }
0x70: {  	_ =	swait.ge [sflag:s3], $0x1000  }
0x71: {  	[sflag:s3] =	ssyncset.done $0x0  }
0x72: {  	s24 =	rddreg [dreg:$0x11];
	[sflag:s3] =	ssyncadd.s32 $0xFFFFF000  }
0x73: {  	[spmem:s24] =	stream.linear.scatter [tilespmem:s10], [sflag:$0x7], $0x400, $0x38;
	[tilespmem:$0x1D300] =	vst v63  }
0x74: {  	_ =	swait.ge [sflag:s3], $0x400  }
0x75: {  	[sflag:s3] =	ssyncset.done $0x0  }
0x76: {  	s25 =	rddreg [dreg:$0x12];
	[sflag:s3] =	ssyncadd.s32 $0xFFFFFC00  }
0x77: {  	[spmem:s25] =	stream.linear.scatter [tilespmem:s4], [sflag:$0x7], $0x1000, $0x38;
	[tilespmem:$0x1D300] =	vst v63  }
0x78: {  	_ =	swait.ge [sflag:s3], $0x1000  }
0x79: {  	[sflag:s3] =	ssyncset.done $0x0  }
0x7a: {  	s31 =	rddreg [dreg:$0x13];
	[sflag:s3] =	ssyncadd.s32 $0xFFFFF000  }
0x7b: {  	[spmem:s31] =	stream.linear.scatter [tilespmem:s10], [sflag:$0x7], $0x400, $0x38;
	[tilespmem:$0x1D300] =	vst v63  }
0x7c: {  	_ =	swait.ge [sflag:s3], $0x400  }
0x7d: {  	[sflag:s3] =	ssyncset.done $0x0  }
0x7e: {  	s23 =	rddreg [dreg:$0x14];
	[sflag:s3] =	ssyncadd.s32 $0xFFFFFC00  }
0x7f: {  	[spmem:s23] =	stream.linear.scatter [tilespmem:s4], [sflag:$0x7], $0x1000, $0x38;
	[tilespmem:$0x1D300] =	vst v63  }
0x80: {  	_ =	swait.ge [sflag:s3], $0x1000  }
0x81: {  	[sflag:s3] =	ssyncset.done $0x0  }
0x82: {  	s24 =	rddreg [dreg:$0x15];
	[sflag:s3] =	ssyncadd.s32 $0xFFFFF000  }
0x83: {  	[spmem:s24] =	stream.linear.scatter [tilespmem:s10], [sflag:$0x7], $0x400, $0x38;
	[tilespmem:$0x1D300] =	vst v63  }
0x84: {  	_ =	swait.ge [sflag:s3], $0x400  }
0x85: {  	[sflag:s3] =	ssyncset.done $0x0  }
0x86: {  	s25 =	rddreg [dreg:$0x16];
	[sflag:s3] =	ssyncadd.s32 $0xFFFFFC00  }
0x87: {  	[spmem:s25] =	stream.linear.scatter [tilespmem:s4], [sflag:$0x7], $0x1000, $0x38;
	[tilespmem:$0x1D300] =	vst v63  }
0x88: {  	_ =	swait.ge [sflag:s3], $0x1000  }
0x89: {  	[sflag:s3] =	ssyncset.done $0x0  }
0x8a: {  	s31 =	rddreg [dreg:$0x17];
	[sflag:s3] =	ssyncadd.s32 $0xFFFFF000  }
0x8b: {  	[spmem:s31] =	stream.linear.scatter [tilespmem:s10], [sflag:$0x7], $0x400, $0x38;
	[tilespmem:$0x1D300] =	vst v63  }
0x8c: {  	_ =	swait.ge [sflag:s3], $0x400  }
0x8d: {  	[sflag:s3] =	ssyncset.done $0x0  }
0x8e: {  	[sflag:s3] =	ssyncadd.s32 $0xFFFFFC00  }
0x8f: {  	_ =	swait.ge [sflag:s11], $0x4E00  }
0x90: {  	[sflag:s11] =	ssyncset.done $0x0  }
0x91: {  	s0 =	simm.s32 @!p0 $0x6;
	[sflag:s11] =	ssyncadd.s32 $0xFFFFB200  }
0x92: {  	_ =	swait.ge @!p0 [sflag:s0], $0x100  }
0x93: {  	[sflag:s0] =	ssyncset.done @!p0 $0x0  }
0x94: {  	[sflag:s0] =	ssyncadd.s32 @!p0 $0xFFFFFF00;
	s0 =	simm.s32 $0x40  }
0x95: {  	v4 =	vld [tilespmem:s0+$0xFFFFFFC0]  }
0x96: {  	p1 =	sne.s32 s6, $0x1;
	v6 =	vld [tilespmem:s0+$0xFFFFFFD0]  }
.Ltmp2:
0x97: {  	v5 =	vld [tilespmem:s0+$0xFFFFFFE0];
	(pc) =	sbr.rel @!p1 .LBB2_7-.Ltmp2, $4  }
0x98: {  	v3 =	vld [tilespmem:s0+$0x0]  }
0x99: {  	v2 =	vld [tilespmem:s0+$0x10]  }
0x9a: {  	v7 =	vshll.u32 v4, $0x1;
	v4 =	vld [tilespmem:s0+$0x20]  }
0x9b: {  	s29 =	sadd.s32 $0xFFFFFFFF, s6;
	s30 =	simm.s32 $0x40;
	[tilespmem:s0+$0xFFFFFFC0] =	vst v7;
	v7 =	vshll.u32 v6, $0x1;
	v6 =	vld [tilespmem:s0+$0x30]  }
.LBB2_6:
0x9c: {  	p1 =	sne.s32 s29, $0x1;
	[tilespmem:s0+$0xFFFFFFD0] =	vst v7;
	v5 =	vshll.u32 v5, $0x1;
	v7 =	vld [tilespmem:s0+$0xFFFFFFF0];
	s30 =	sadd.s32 $0x100, s30  }
0x9d: {  	v8 =	vld [tilespmem:s30+$0xFFFFFFC0];
	[tilespmem:s0+$0xFFFFFFE0] =	vst v5;
	v3 =	vshll.u32 v3, $0x1  }
0x9e: {  	v9 =	vld [tilespmem:s30+$0xFFFFFFD0];
	[tilespmem:s0+$0x0] =	vst v3;
	v2 =	vshll.u32 v2, $0x1  }
.Ltmp3:
0x9f: {  	v5 =	vld [tilespmem:s30+$0xFFFFFFE0];
	[tilespmem:s0+$0x10] =	vst v2;
	v2 =	vshll.u32 v4, $0x1;
	(pc) =	sbr.rel @p1 .LBB2_6-.Ltmp3, $4  }
0xa0: {  	v3 =	vld [tilespmem:s30+$0x0];
	[tilespmem:s0+$0x20] =	vst v2;
	v4 =	vshll.u32 v6, $0x1  }
0xa1: {  	v2 =	vld [tilespmem:s30+$0x10];
	v6 =	vshll.u32 v7, $0x1;
	[tilespmem:s0+$0x30] =	vst v4  }
0xa2: {  	v7 =	vshll.u32 v8, $0x1;
	v4 =	vld [tilespmem:s30+$0x20];
	[tilespmem:s0+$0xFFFFFFF0] =	vst v6;
	s0 =	smov.u32 s30  }
0xa3: {  	s29 =	sadd.s32 $0xFFFFFFFF, s29;
	[tilespmem:s30+$0xFFFFFFC0] =	vst v7;
	v7 =	vshll.u32 v9, $0x1;
	v6 =	vld [tilespmem:s30+$0x30]  }
.LBB2_7:
0xa4: {  	[tilespmem:s0+$0xFFFFFFD0] =	vst v7;
	v5 =	vshll.u32 v5, $0x1;
	v63 =	vld [tilespmem:s0+$0xFFFFFFF0]  }
0xa5: {  	[tilespmem:s0+$0xFFFFFFE0] =	vst v5;
	v3 =	vshll.u32 v3, $0x1  }
0xa6: {  	[tilespmem:s0+$0x0] =	vst v3;
	v2 =	vshll.u32 v2, $0x1  }
0xa7: {  	[tilespmem:s0+$0x10] =	vst v2;
	v2 =	vshll.u32 v4, $0x1  }
0xa8: {  	[tilespmem:s0+$0x20] =	vst v2;
	v2 =	vshll.u32 v6, $0x1  }
0xa9: {  	v3 =	vshll.u32 v63, $0x1;
	[tilespmem:s0+$0x30] =	vst v2  }
0xaa: {  	[tilespmem:s0+$0xFFFFFFF0] =	vst v3  }
0xab: {  	s25 =	simm.s32 $0x0;
	[bflag:$0x0] =	sbarrier.arrive $0xFFFF  }
0xac: {  	[tilespmem:s13], [sflag:$0x1] =	stream.indirect.gather [hbm4b:s5+s12], $0x40, s25, s12, $0xb8;
	[tilespmem:$0x1D300] =	vst v63  }
0xad: {  	s23 =	simm.s32 $0x100  }
0xae: {  	[tilespmem:s7], [sflag:$0x2] =	stream.indirect.gather [hbm4b:s5+s12], $0x40, s23, s12, $0xb8;
	[tilespmem:$0x1D300] =	vst v63  }
0xaf: {  	s24 =	simm.s32 $0x200  }
0xb0: {  	[tilespmem:s14], [sflag:$0x3] =	stream.indirect.gather [hbm4b:s5+s12], $0x40, s24, s12, $0xb8;
	[tilespmem:$0x1D300] =	vst v63  }
0xb1: {  	s25 =	simm.s32 $0x300  }
0xb2: {  	[tilespmem:s15], [sflag:$0x4] =	stream.indirect.gather [hbm4b:s5+s12], $0x40, s25, s12, $0xb8;
	[tilespmem:$0x1D300] =	vst v63  }
0xb3: {  	s23 =	simm.s32 $0x400  }
0xb4: {  	[tilespmem:s16], [sflag:$0x5] =	stream.indirect.gather [hbm4b:s5+s12], $0x40, s23, s12, $0xb8;
	[tilespmem:$0x1D300] =	vst v63  }
0xb5: {  	_ =	swait.ge [sflag:s17], $0x2000  }
0xb6: {  	[sflag:s17] =	ssyncset.done $0x0  }
0xb7: {  	s24 =	simm.s32 $0x80;
	[sflag:s17] =	ssyncadd.s32 $0xFFFFE000  }
0xb8: {  	[spmem:s1] =	stream.indirect.scatter.add.f32 [tilespmem:s13], [sflag:$0x7], $0x40, s24, s12, $0xb8;
	[tilespmem:$0x1D300] =	vst v63  }
0xb9: {  	_ =	swait.ge [sflag:s3], $0x2000  }
0xba: {  	[sflag:s3] =	ssyncset.done $0x0  }
0xbb: {  	[sflag:s3] =	ssyncadd.s32 $0xFFFFE000  }
0xbc: {  	[spmem:s2] =	stream.indirect.scatter.add.f32 [tilespmem:s18], [sflag:$0x7], $0x10, s24, s12, $0xb8;
	[tilespmem:$0x1D300] =	vst v63  }
0xbd: {  	_ =	swait.ge [sflag:s3], $0x800  }
0xbe: {  	[sflag:s3] =	ssyncset.done $0x0  }
0xbf: {  	s25 =	simm.s32 $0x500;
	[sflag:s3] =	ssyncadd.s32 $0xFFFFF800  }
0xc0: {  	[tilespmem:s13], [sflag:$0x1] =	stream.indirect.gather [hbm4b:s5+s12], $0x40, s25, s12, $0xb8;
	[tilespmem:$0x1D300] =	vst v63  }
0xc1: {  	_ =	swait.ge [sflag:s19], $0x2000  }
0xc2: {  	[sflag:s19] =	ssyncset.done $0x0  }
0xc3: {  	s23 =	simm.s32 $0x180;
	[sflag:s19] =	ssyncadd.s32 $0xFFFFE000  }
0xc4: {  	[spmem:s1] =	stream.indirect.scatter.add.f32 [tilespmem:s7], [sflag:$0x7], $0x40, s23, s12, $0xb8;
	[tilespmem:$0x1D300] =	vst v63  }
0xc5: {  	_ =	swait.ge [sflag:s3], $0x2000  }
0xc6: {  	[sflag:s3] =	ssyncset.done $0x0  }
0xc7: {  	[sflag:s3] =	ssyncadd.s32 $0xFFFFE000  }
0xc8: {  	[spmem:s2] =	stream.indirect.scatter.add.f32 [tilespmem:s18], [sflag:$0x7], $0x10, s23, s12, $0xb8;
	[tilespmem:$0x1D300] =	vst v63  }
0xc9: {  	_ =	swait.ge [sflag:s3], $0x800  }
0xca: {  	[sflag:s3] =	ssyncset.done $0x0  }
0xcb: {  	s24 =	simm.s32 $0x600;
	[sflag:s3] =	ssyncadd.s32 $0xFFFFF800  }
0xcc: {  	[tilespmem:s7], [sflag:$0x2] =	stream.indirect.gather [hbm4b:s5+s12], $0x40, s24, s12, $0xb8;
	[tilespmem:$0x1D300] =	vst v63  }
0xcd: {  	_ =	swait.ge [sflag:s20], $0x2000  }
0xce: {  	[sflag:s20] =	ssyncset.done $0x0  }
0xcf: {  	s25 =	simm.s32 $0x280;
	[sflag:s20] =	ssyncadd.s32 $0xFFFFE000  }
0xd0: {  	[spmem:s1] =	stream.indirect.scatter.add.f32 [tilespmem:s14], [sflag:$0x7], $0x40, s25, s12, $0xb8;
	[tilespmem:$0x1D300] =	vst v63  }
0xd1: {  	_ =	swait.ge [sflag:s3], $0x2000  }
0xd2: {  	[sflag:s3] =	ssyncset.done $0x0  }
0xd3: {  	[sflag:s3] =	ssyncadd.s32 $0xFFFFE000  }
0xd4: {  	[spmem:s2] =	stream.indirect.scatter.add.f32 [tilespmem:s18], [sflag:$0x7], $0x10, s25, s12, $0xb8;
	[tilespmem:$0x1D300] =	vst v63  }
0xd5: {  	_ =	swait.ge [sflag:s3], $0x800  }
0xd6: {  	[sflag:s3] =	ssyncset.done $0x0  }
0xd7: {  	s23 =	simm.s32 $0x700;
	[sflag:s3] =	ssyncadd.s32 $0xFFFFF800  }
0xd8: {  	[tilespmem:s14], [sflag:$0x3] =	stream.indirect.gather [hbm4b:s5+s12], $0x40, s23, s12, $0xb8;
	[tilespmem:$0x1D300] =	vst v63  }
0xd9: {  	_ =	swait.ge [sflag:s21], $0x2000  }
0xda: {  	[sflag:s21] =	ssyncset.done $0x0  }
0xdb: {  	s24 =	simm.s32 $0x380;
	[sflag:s21] =	ssyncadd.s32 $0xFFFFE000  }
0xdc: {  	[spmem:s1] =	stream.indirect.scatter.add.f32 [tilespmem:s15], [sflag:$0x7], $0x40, s24, s12, $0xb8;
	[tilespmem:$0x1D300] =	vst v63  }
0xdd: {  	_ =	swait.ge [sflag:s3], $0x2000  }
0xde: {  	[sflag:s3] =	ssyncset.done $0x0  }
0xdf: {  	[sflag:s3] =	ssyncadd.s32 $0xFFFFE000  }
0xe0: {  	[spmem:s2] =	stream.indirect.scatter.add.f32 [tilespmem:s18], [sflag:$0x7], $0x10, s24, s12, $0xb8;
	[tilespmem:$0x1D300] =	vst v63  }
0xe1: {  	p1 =	sle.u32 s6, $0x8;
	_ =	swait.ge [sflag:s3], $0x800  }
0xe2: {  	s29 =	simm.s32 @!p1 $0x80;
	[sflag:s3] =	ssyncset.done $0x0  }
0xe3: {  	s0 =	simm.s32 @!p1 $0xAF00;
	s23 =	simm.s32 @!p1 $0x800;
	[sflag:s3] =	ssyncadd.s32 $0xFFFFF800  }
0xe4: {  	[tilespmem:s0], [sflag:$0x4] =	stream.indirect.gather @!p1 [hbm4b:s5+s29], $0x40, s23, s29, $0xb8;
	[tilespmem:$0x1D300] =	vst v63  }
0xe5: {  	_ =	swait.ge [sflag:s22], $0x2000  }
0xe6: {  	[sflag:s22] =	ssyncset.done $0x0  }
0xe7: {  	s25 =	simm.s32 $0x480;
	[sflag:s22] =	ssyncadd.s32 $0xFFFFE000  }
0xe8: {  	[spmem:s1] =	stream.indirect.scatter.add.f32 [tilespmem:s16], [sflag:$0x7], $0x40, s25, s12, $0xb8;
	[tilespmem:$0x1D300] =	vst v63  }
0xe9: {  	_ =	swait.ge [sflag:s3], $0x2000  }
0xea: {  	[sflag:s3] =	ssyncset.done $0x0  }
0xeb: {  	[sflag:s3] =	ssyncadd.s32 $0xFFFFE000  }
0xec: {  	[spmem:s2] =	stream.indirect.scatter.add.f32 [tilespmem:s18], [sflag:$0x7], $0x10, s25, s12, $0xb8;
	[tilespmem:$0x1D300] =	vst v63  }
0xed: {  	p2 =	sle.u32 s6, $0x9;
	s30 =	simm.s32 $0xE;
	_ =	swait.ge [sflag:s3], $0x800  }
0xee: {  	s31 =	simm.s32 @!p2 $0x900;
	s29 =	simm.s32 $0x1400;
	[sflag:s3] =	ssyncset.done $0x0  }
0xef: {  	s0 =	simm.s32 @!p2 $0xCF00;
	s23 =	simm.s32 @!p2 $0x80;
	[sflag:s3] =	ssyncadd.s32 $0xFFFFF800  }
.LBB2_8:
0xf0: {  	[tilespmem:s0], [sflag:$0x5] =	stream.indirect.gather @!p2 [hbm4b:s5+s23], $0x40, s31, s23, $0xb8;
	[tilespmem:$0x1D300] =	vst v63  }
0xf1: {  	s31 =	smov.u32 s29;
	s29 =	sadd.s32 $0x1400, s29;
	_ =	swait.ge [sflag:s17], $0x2000  }
0xf2: {  	s0 =	sshra.s32 s31, $0x2;
	p1 =	sne.s32 s29, $0x12C00;
	[sflag:s17] =	ssyncset.done $0x0  }
0xf3: {  	s23 =	sadd.s32 $0x80, s0;
	[sflag:s17] =	ssyncadd.s32 $0xFFFFE000  }
0xf4: {  	[spmem:s1] =	stream.indirect.scatter.add.f32 [tilespmem:s13], [sflag:$0x7], $0x40, s23, s12, $0xb8;
	[tilespmem:$0x1D300] =	vst v63  }
0xf5: {  	_ =	swait.ge [sflag:s3], $0x2000  }
0xf6: {  	[sflag:s3] =	ssyncset.done $0x0  }
0xf7: {  	[sflag:s3] =	ssyncadd.s32 $0xFFFFE000  }
0xf8: {  	[spmem:s2] =	stream.indirect.scatter.add.f32 [tilespmem:s18], [sflag:$0x7], $0x10, s23, s12, $0xb8;
	[tilespmem:$0x1D300] =	vst v63  }
0xf9: {  	_ =	swait.ge [sflag:s3], $0x800  }
0xfa: {  	[sflag:s3] =	ssyncset.done $0x0  }
0xfb: {  	s23 =	sadd.s32 $0x500, s0;
	[sflag:s3] =	ssyncadd.s32 $0xFFFFF800  }
0xfc: {  	[tilespmem:s13], [sflag:$0x1] =	stream.indirect.gather [hbm4b:s5+s12], $0x40, s23, s12, $0xb8;
	[tilespmem:$0x1D300] =	vst v63  }
0xfd: {  	_ =	swait.ge [sflag:s19], $0x2000  }
0xfe: {  	[sflag:s19] =	ssyncset.done $0x0  }
0xff: {  	s23 =	sadd.s32 $0x180, s0;
	[sflag:s19] =	ssyncadd.s32 $0xFFFFE000  }
0x100: {  	[spmem:s1] =	stream.indirect.scatter.add.f32 [tilespmem:s7], [sflag:$0x7], $0x40, s23, s12, $0xb8;
	[tilespmem:$0x1D300] =	vst v63  }
0x101: {  	_ =	swait.ge [sflag:s3], $0x2000  }
0x102: {  	[sflag:s3] =	ssyncset.done $0x0  }
0x103: {  	[sflag:s3] =	ssyncadd.s32 $0xFFFFE000  }
0x104: {  	[spmem:s2] =	stream.indirect.scatter.add.f32 [tilespmem:s18], [sflag:$0x7], $0x10, s23, s12, $0xb8;
	[tilespmem:$0x1D300] =	vst v63  }
0x105: {  	_ =	swait.ge [sflag:s3], $0x800  }
0x106: {  	[sflag:s3] =	ssyncset.done $0x0  }
0x107: {  	s23 =	sadd.s32 $0x600, s0;
	[sflag:s3] =	ssyncadd.s32 $0xFFFFF800  }
0x108: {  	[tilespmem:s7], [sflag:$0x2] =	stream.indirect.gather [hbm4b:s5+s12], $0x40, s23, s12, $0xb8;
	[tilespmem:$0x1D300] =	vst v63  }
0x109: {  	_ =	swait.ge [sflag:s20], $0x2000  }
0x10a: {  	[sflag:s20] =	ssyncset.done $0x0  }
0x10b: {  	s23 =	sadd.s32 $0x280, s0;
	[sflag:s20] =	ssyncadd.s32 $0xFFFFE000  }
0x10c: {  	[spmem:s1] =	stream.indirect.scatter.add.f32 [tilespmem:s14], [sflag:$0x7], $0x40, s23, s12, $0xb8;
	[tilespmem:$0x1D300] =	vst v63  }
0x10d: {  	_ =	swait.ge [sflag:s3], $0x2000  }
0x10e: {  	[sflag:s3] =	ssyncset.done $0x0  }
0x10f: {  	[sflag:s3] =	ssyncadd.s32 $0xFFFFE000  }
0x110: {  	[spmem:s2] =	stream.indirect.scatter.add.f32 [tilespmem:s18], [sflag:$0x7], $0x10, s23, s12, $0xb8;
	[tilespmem:$0x1D300] =	vst v63  }
0x111: {  	_ =	swait.ge [sflag:s3], $0x800  }
0x112: {  	[sflag:s3] =	ssyncset.done $0x0  }
0x113: {  	s23 =	sadd.s32 $0x700, s0;
	[sflag:s3] =	ssyncadd.s32 $0xFFFFF800  }
0x114: {  	[tilespmem:s14], [sflag:$0x3] =	stream.indirect.gather [hbm4b:s5+s12], $0x40, s23, s12, $0xb8;
	[tilespmem:$0x1D300] =	vst v63  }
0x115: {  	_ =	swait.ge [sflag:s21], $0x2000  }
0x116: {  	[sflag:s21] =	ssyncset.done $0x0  }
0x117: {  	s23 =	sadd.s32 $0x380, s0;
	[sflag:s21] =	ssyncadd.s32 $0xFFFFE000  }
0x118: {  	[spmem:s1] =	stream.indirect.scatter.add.f32 [tilespmem:s15], [sflag:$0x7], $0x40, s23, s12, $0xb8;
	[tilespmem:$0x1D300] =	vst v63  }
0x119: {  	_ =	swait.ge [sflag:s3], $0x2000  }
0x11a: {  	[sflag:s3] =	ssyncset.done $0x0  }
0x11b: {  	s24 =	sadd.s32 $0xFFFFFFFF, s30;
	[sflag:s3] =	ssyncadd.s32 $0xFFFFE000  }
0x11c: {  	[spmem:s2] =	stream.indirect.scatter.add.f32 [tilespmem:s18], [sflag:$0x7], $0x10, s23, s12, $0xb8;
	[tilespmem:$0x1D300] =	vst v63  }
0x11d: {  	p2 =	sge.u32 s24, s6;
	_ =	swait.ge [sflag:s3], $0x800  }
0x11e: {  	s24 =	simm.s32 @!p2 $0xAF00;
	s23 =	sshra.s32 @!p2 s31, $0x2;
	[sflag:s3] =	ssyncset.done $0x0  }
0x11f: {  	s25 =	simm.s32 @!p2 $0x80;
	s23 =	sadd.s32 @!p2 $0x800, s23;
	[sflag:s3] =	ssyncadd.s32 $0xFFFFF800  }
0x120: {  	[tilespmem:s24], [sflag:$0x4] =	stream.indirect.gather @!p2 [hbm4b:s5+s25], $0x40, s23, s25, $0xb8;
	[tilespmem:$0x1D300] =	vst v63  }
0x121: {  	_ =	swait.ge [sflag:s22], $0x2000  }
0x122: {  	[sflag:s22] =	ssyncset.done $0x0  }
0x123: {  	s0 =	sadd.s32 $0x480, s0;
	[sflag:s22] =	ssyncadd.s32 $0xFFFFE000  }
0x124: {  	[spmem:s1] =	stream.indirect.scatter.add.f32 [tilespmem:s16], [sflag:$0x7], $0x40, s0, s12, $0xb8;
	[tilespmem:$0x1D300] =	vst v63  }
0x125: {  	_ =	swait.ge [sflag:s3], $0x2000  }
0x126: {  	[sflag:s3] =	ssyncset.done $0x0  }
.Ltmp4:
0x127: {  	[sflag:s3] =	ssyncadd.s32 $0xFFFFE000;
	(pc) =	sbr.rel @p1 .LBB2_8-.Ltmp4, $4  }
0x128: {  	[spmem:s2] =	stream.indirect.scatter.add.f32 [tilespmem:s18], [sflag:$0x7], $0x10, s0, s12, $0xb8;
	[tilespmem:$0x1D300] =	vst v63  }
0x129: {  	p2 =	sge.u32 s30, s6;
	s30 =	sadd.s32 $0x5, s30;
	_ =	swait.ge [sflag:s3], $0x800  }
0x12a: {  	s23 =	sshra.s32 @!p2 s31, $0x2;
	s0 =	simm.s32 @!p2 $0xCF00;
	[sflag:s3] =	ssyncset.done $0x0  }
0x12b: {  	s31 =	sadd.s32 @!p2 $0x900, s23;
	s23 =	simm.s32 @!p2 $0x80;
	[sflag:s3] =	ssyncadd.s32 $0xFFFFF800  }
0x12c: {  	[tilespmem:s0], [sflag:$0x5] =	stream.indirect.gather @!p2 [hbm4b:s5+s23], $0x40, s31, s23, $0xb8;
	[tilespmem:$0x1D300] =	vst v63  }
0x12d: {  	_ =	swait.ge [sflag:s17], $0x2000  }
0x12e: {  	[sflag:s17] =	ssyncset.done $0x0  }
0x12f: {  	s31 =	simm.s32 $0x4B80;
	[sflag:s17] =	ssyncadd.s32 $0xFFFFE000  }
0x130: {  	[spmem:s1] =	stream.indirect.scatter.add.f32 [tilespmem:s13], [sflag:$0x7], $0x40, s31, s12, $0xb8;
	[tilespmem:$0x1D300] =	vst v63  }
0x131: {  	_ =	swait.ge [sflag:s3], $0x2000  }
0x132: {  	[sflag:s3] =	ssyncset.done $0x0  }
0x133: {  	[sflag:s3] =	ssyncadd.s32 $0xFFFFE000  }
0x134: {  	[spmem:s2] =	stream.indirect.scatter.add.f32 [tilespmem:s18], [sflag:$0x7], $0x10, s31, s12, $0xb8;
	[tilespmem:$0x1D300] =	vst v63  }
0x135: {  	_ =	swait.ge [sflag:s3], $0x800  }
0x136: {  	[sflag:s3] =	ssyncset.done $0x0  }
0x137: {  	[sflag:s3] =	ssyncadd.s32 $0xFFFFF800  }
0x138: {  	_ =	swait.ge [sflag:s19], $0x2000  }
0x139: {  	[sflag:s19] =	ssyncset.done $0x0  }
0x13a: {  	s23 =	simm.s32 $0x4C80;
	[sflag:s19] =	ssyncadd.s32 $0xFFFFE000  }
0x13b: {  	[spmem:s1] =	stream.indirect.scatter.add.f32 [tilespmem:s7], [sflag:$0x7], $0x40, s23, s12, $0xb8;
	[tilespmem:$0x1D300] =	vst v63  }
0x13c: {  	_ =	swait.ge [sflag:s3], $0x2000  }
0x13d: {  	[sflag:s3] =	ssyncset.done $0x0  }
0x13e: {  	[sflag:s3] =	ssyncadd.s32 $0xFFFFE000  }
0x13f: {  	[spmem:s2] =	stream.indirect.scatter.add.f32 [tilespmem:s18], [sflag:$0x7], $0x10, s23, s12, $0xb8;
	[tilespmem:$0x1D300] =	vst v63  }
0x140: {  	_ =	swait.ge [sflag:s3], $0x800  }
0x141: {  	[sflag:s3] =	ssyncset.done $0x0  }
0x142: {  	[sflag:s3] =	ssyncadd.s32 $0xFFFFF800  }
0x143: {  	_ =	swait.ge [sflag:s20], $0x2000  }
0x144: {  	[sflag:s20] =	ssyncset.done $0x0  }
0x145: {  	s24 =	simm.s32 $0x4D80;
	[sflag:s20] =	ssyncadd.s32 $0xFFFFE000  }
0x146: {  	[spmem:s1] =	stream.indirect.scatter.add.f32 [tilespmem:s14], [sflag:$0x7], $0x40, s24, s12, $0xb8;
	[tilespmem:$0x1D300] =	vst v63  }
0x147: {  	_ =	swait.ge [sflag:s3], $0x2000  }
0x148: {  	[sflag:s3] =	ssyncset.done $0x0  }
0x149: {  	[sflag:s3] =	ssyncadd.s32 $0xFFFFE000  }
0x14a: {  	[spmem:s2] =	stream.indirect.scatter.add.f32 [tilespmem:s18], [sflag:$0x7], $0x10, s24, s12, $0xb8;
	[tilespmem:$0x1D300] =	vst v63  }
0x14b: {  	_ =	swait.ge [sflag:s3], $0x800  }
0x14c: {  	[sflag:s3] =	ssyncset.done $0x0  }
0x14d: {  	s0 =	simm.s32 @!p0 $0x4;
	[sflag:s3] =	ssyncadd.s32 $0xFFFFF800  }
0x14e: {  	_ =	swait.ge @!p0 [sflag:s0], $0x2000  }
0x14f: {  	s23 =	simm.s32 @!p0 $0x4E80;
	[sflag:s0] =	ssyncset.done @!p0 $0x0  }
0x150: {  	s24 =	simm.s32 @!p0 $0xAF00;
	[sflag:s0] =	ssyncadd.s32 @!p0 $0xFFFFE000;
	s0 =	simm.s32 @!p0 $0x80  }
0x151: {  	[spmem:s1] =	stream.indirect.scatter.add.f32 @!p0 [tilespmem:s24], [sflag:$0x7], $0x40, s23, s0, $0xb8;
	[tilespmem:$0x1D300] =	vst v63  }
0x152: {  	s24 =	simm.s32 @!p0 $0x7  }
0x153: {  	_ =	swait.ge @!p0 [sflag:s24], $0x2000  }
0x154: {  	[sflag:s24] =	ssyncset.done @!p0 $0x0  }
0x155: {  	s25 =	simm.s32 @!p0 $0x19F00;
	[sflag:s24] =	ssyncadd.s32 @!p0 $0xFFFFE000  }
0x156: {  	[spmem:s2] =	stream.indirect.scatter.add.f32 @!p0 [tilespmem:s25], [sflag:$0x7], $0x10, s23, s0, $0xb8;
	[tilespmem:$0x1D300] =	vst v63  }
0x157: {  	_ =	swait.ge @!p0 [sflag:s24], $0x800  }
0x158: {  	[sflag:s24] =	ssyncset.done @!p0 $0x0  }
0x159: {  	s25 =	stileid.u32;
	[sflag:s24] =	ssyncadd.s32 @!p0 $0xFFFFF800  }
0x15a: {  	s29 =	sshrl.u32 s8, $0x3;
	s0 =	sshll.u32 s25, $0x6;
	[bflag:$0x0] =	sbarrier.arrive $0xFFFF  }
0x15b: {  	s31 =	simm.s32 $0x8;
	s0 =	sor.u32 $0x1C07, s0;
	s30 =	rddreg [dreg:$0x18]  }
0x15c: {  	[hbm:s30@s26], [sflag:s0] =	dma.strided [spmem:s29@s31], $0x1400, s17, $0x8   }
0x15d: {  	_ =	swait.ge [sflag:s3], $0x1400  }
0x15e: {  	[sflag:s3] =	ssyncset.done $0x0  }
0x15f: {  	s29 =	sshrl.u32 s9, $0x3;
	s30 =	rddreg [dreg:$0x19];
	[sflag:s3] =	ssyncadd.s32 $0xFFFFEC00  }
0x160: {  	[hbm:s30@s26], [sflag:s0] =	dma.strided [spmem:s29@s19], $0x500, s17, $0x2   }
0x161: {  	_ =	swait.ge [sflag:s3], $0x500  }
0x162: {  	s28 =	sadd.s32 $0x1, s28;
	s31 =	rddreg [dreg:$0x1a]  }
0x163: {  	p1 =	sne.s32 s28, s31  }
.Ltmp5:
0x164: {  	_ = 	snop;
	(pc) =	sbr.rel @p1 .LBB2_1-.Ltmp5, $3  }
0x165: {  	_ =	sdelay $0x1  }
0x166: {  	[sflag:s3] =	ssyncset.done $0x0  }
0x167: {  	[sflag:s3] =	ssyncadd.s32 $0xFFFFFB00  }
0x168: {  	_ =	sfence.sel $0x180000  }
0x169: {  	[bflag:$0x0] =	sbarrier.arrive $0xFFFF  }
0x16a: {  	_ =	strace $0x90000047  }
0x16b: {  	s0 =	stileid.u32;
	[bflag:$0x2] =	sbarrier.arrive $0xFFFF  }
0x16c: {  	p0 =	sne.s32 s0, $0x0;
	s0 =	rddreg [dreg:$0x4]  }
0x16d: {  	s0 =	sadd.s32 @!p0 $0x100000, s0  }
0x16e: {  	[sflag:s0] =	ssyncadd.tile.s32 @!p0 $0x1;
	_ =	shalt  }
.Lfunc_end2:
_tile_overlayer_lowered:
.L_overlay_start_2:
0x16f: {  	(tag) =	ssettag $0x2  }
0x170: {  	s0 =	rddreg [dreg:$0x0];
	s2 =	stileid.u32  }
0x171: {  	s1 =	rddreg [dreg:$0x1];
	p0 =	sne.s32 s2, $0x0  }
0x172: {  	s3 =	rddreg [dreg:$0x2];
	[bflag:$0x3] =	sbarrier.arrive $0xFFFF;
	s2 =	simm.s32 @!p0 $0x1C07  }
0x173: {  	[timem:s3], [sflag:s2] =	dma.local @!p0 [hbm:s0], s1  }
0x174: {  	s0 =	simm.s32 @!p0 $0x7  }
0x175: {  	_ =	swait.ge @!p0 [sflag:s0], s1  }
0x176: {  	s1 =	ssub.s32 @!p0 $0x0, s1;
	[sflag:s0] =	ssyncset.done @!p0 $0x0  }
0x177: {  	[sflag:s0] =	ssyncadd.s32 @!p0 s1  }
0x178: {  	[bflag:$0x3] =	sbarrier.arrive $0xFFFF  }
0x179: {  	_ =	shalt  }

</sc_bundles>
